<compile_context>
chip_gen: v7x
topology: tpu7x:2x2x1
jax: 0.10.2.dev20260603
libtpu: 0.0.44.dev20260713+nightly
codegen_flags: <defaults>
</compile_context>

<pallas_src>
import functools

import jax
import jax.numpy as jnp
from jax import lax
from jax.experimental import pallas as pl
from jax.experimental.pallas import tpu as pltpu
from jax.experimental.pallas import tpu_sc as plsc

B = 4
N = 16384
BN = B * N
C = 96
LVLS = ((224, 224), (112, 112), (56, 56))
NC, NS, L = 2, 16, 16
NW = NC * NS
PW = BN // NW
P = 32
NCHUNK = PW // P
NG = P // L
DL = 3 * C
CP = 128
DOUT = 256


def _sc_interp(f0, f1, f2, xs, ys):
    mesh = plsc.VectorSubcoreMesh(core_axis_name="c", subcore_axis_name="s")

    scratch = (
        [pltpu.VMEM((PW,), jnp.float32)] * 2
        + [pltpu.VMEM((P,), jnp.int32)] * 24
        + [pltpu.VMEM((P,), jnp.float32)] * 24
        + [pltpu.VMEM((P, CP), jnp.float32)] * 24
        + [pltpu.VMEM((P, DL), jnp.float32)]
        + [pltpu.SemaphoreType.DMA] * 2
    )

    @functools.partial(
        pl.kernel,
        out_type=jax.ShapeDtypeStruct((BN, DL), jnp.float32),
        mesh=mesh,
        scratch_types=scratch,
        compiler_params=pltpu.CompilerParams(needs_layout_passes=False),
    )
    def k(f0_h, f1_h, f2_h, xs_h, ys_h, lat_h, *s):
        xs_v, ys_v = s[0], s[1]
        idx_v = [[s[2 + 12 * t + i] for i in range(12)] for t in range(2)]
        w_v = [[s[26 + 12 * t + i] for i in range(12)] for t in range(2)]
        rows_v = [[s[50 + 12 * t + i] for i in range(12)] for t in range(2)]
        lat_v = s[74]
        sems = (s[75], s[76])
        feats = (f0_h, f1_h, f2_h)

        wid = lax.axis_index("s") * NC + lax.axis_index("c")
        base = wid * PW
        b = wid // (N // PW)
        pltpu.sync_copy(xs_h.at[pl.ds(base, PW)], xs_v)
        pltpu.sync_copy(ys_h.at[pl.ds(base, PW)], ys_v)

        def idx_comp(ci, t):
            off = ci * P
            for l, (H, W) in enumerate(LVLS):
                boff = b * (H * W)
                for g in range(NG):
                    sl = pl.ds(off + g * L, L)
                    gsl = pl.ds(g * L, L)
                    x = xs_v[sl] * float(W - 1)
                    y = ys_v[sl] * float(H - 1)
                    xi = jnp.minimum(x.astype(jnp.int32), W - 2)
                    yi = jnp.minimum(y.astype(jnp.int32), H - 2)
                    wx = x - xi.astype(jnp.float32)
                    wy = y - yi.astype(jnp.float32)
                    r00 = yi * W + xi + boff
                    idx_v[t][4 * l][gsl] = r00
                    idx_v[t][4 * l + 1][gsl] = r00 + 1
                    idx_v[t][4 * l + 2][gsl] = r00 + W
                    idx_v[t][4 * l + 3][gsl] = r00 + W + 1
                    w_v[t][4 * l][gsl] = (1.0 - wx) * (1.0 - wy)
                    w_v[t][4 * l + 1][gsl] = wx * (1.0 - wy)
                    w_v[t][4 * l + 2][gsl] = (1.0 - wx) * wy
                    w_v[t][4 * l + 3][gsl] = wx * wy

        def fire(t):
            for l in range(3):
                for cnr in range(4):
                    pltpu.async_copy(feats[l].at[idx_v[t][4 * l + cnr]],
                                     rows_v[t][4 * l + cnr], sems[t])

        def drain(t):
            for l in range(3):
                for cnr in range(4):
                    pltpu.make_async_copy(feats[l].at[idx_v[t][4 * l + cnr]],
                                          rows_v[t][4 * l + cnr],
                                          sems[t]).wait()

        def combine_store(ci, t):
            for l in range(3):
                col0 = l * C
                r00v, r01v, r10v, r11v = rows_v[t][4 * l:4 * l + 4]
                w00v, w01v, w10v, w11v = w_v[t][4 * l:4 * l + 4]

                @plsc.parallel_loop(0, P, 1, unroll=8)
                def pt_body(p, r00v=r00v, r01v=r01v, r10v=r10v,
                            r11v=r11v, w00v=w00v, w01v=w01v, w10v=w10v,
                            w11v=w11v, col0=col0):
                    pv = jnp.full((L,), p, jnp.int32)
                    w00 = plsc.load_gather(w00v, [pv])
                    w01 = plsc.load_gather(w01v, [pv])
                    w10 = plsc.load_gather(w10v, [pv])
                    w11 = plsc.load_gather(w11v, [pv])
                    for kk in range(C // L):
                        csl = pl.ds(kk * L, L)
                        acc = (w00 * r00v[p, csl] + w01 * r01v[p, csl]
                               + w10 * r10v[p, csl] + w11 * r11v[p, csl])
                        lat_v[p, pl.ds(col0 + kk * L, L)] = acc
            pltpu.sync_copy(lat_v, lat_h.at[pl.ds(base + ci * P, P), :])

        idx_comp(0, 0)
        fire(0)

        def pair_body(ci2, carry):
            e = 2 * ci2
            idx_comp(e + 1, 1)
            fire(1)
            drain(0)
            combine_store(e, 0)

            @pl.when(e + 2 < NCHUNK)
            def _():
                idx_comp(e + 2, 0)
                fire(0)
            drain(1)
            combine_store(e + 1, 1)
            return carry

        lax.fori_loop(0, NCHUNK // 2, pair_body, 0)

    return k(f0, f1, f2, xs, ys)


def _tc_pad(f, bh):
    _, H, W, _ = f.shape
    br = bh * W

    def body(x_ref, o_ref):
        o_ref[:, :C] = x_ref[...].reshape(br, C)
        o_ref[:, C:] = jnp.zeros((br, CP - C), jnp.float32)

    return pl.pallas_call(
        body,
        grid=(B, H // bh),
        in_specs=[pl.BlockSpec((1, bh, W, C), lambda i, j: (i, j, 0, 0))],
        out_specs=pl.BlockSpec((br, CP), lambda i, j: (i * (H // bh) + j, 0)),
        out_shape=jax.ShapeDtypeStruct((B * H * W, CP), jnp.float32),
    )(f)


def _tc_mix(lat, pf, w, wp, bias):
    BM = 2048

    def body(lat_ref, p_ref, w_ref, wp_ref, b_ref, o_ref):
        acc = jnp.dot(lat_ref[...], w_ref[...],
                      preferred_element_type=jnp.float32)
        acc += p_ref[:, 0:1] * wp_ref[0:1, :]
        acc += p_ref[:, 1:2] * wp_ref[1:2, :]
        o_ref[...] = jnp.maximum(acc + b_ref[...], 0.0)

    return pl.pallas_call(
        body,
        grid=(BN // BM,),
        in_specs=[
            pl.BlockSpec((BM, DL), lambda i: (i, 0)),
            pl.BlockSpec((BM, 2), lambda i: (i, 0)),
            pl.BlockSpec((DL, DOUT), lambda i: (0, 0)),
            pl.BlockSpec((2, DOUT), lambda i: (0, 0)),
            pl.BlockSpec((1, DOUT), lambda i: (0, 0)),
        ],
        out_specs=pl.BlockSpec((BM, DOUT), lambda i: (i, 0)),
        out_shape=jax.ShapeDtypeStruct((BN, DOUT), jnp.float32),
    )(lat, pf, w, wp, bias.reshape(1, DOUT))


def kernel(feat0, feat1, feat2, pos, W_mix, b_mix):
    f0 = _tc_pad(feat0, 32)
    f1 = _tc_pad(feat1, 16)
    f2 = _tc_pad(feat2, 8)
    pf = pos.reshape(BN, 2)
    lat = _sc_interp(f0, f1, f2, pf[:, 0], pf[:, 1])
    return _tc_mix(lat, pf, W_mix[2:], W_mix[:2], b_mix)

# --- scband reference (transcript-rebuilt; emitter-appended) ---
"""Pipeline reference for scband-cinterpolate-extractor-50852412785189 (READ-ONLY COPY).

The authoritative reference and input builder live on the scoring server;
editing this copy changes nothing except your own understanding.
"""

import jax, jax.numpy as jnp
import numpy as np


def extract_interpolated(data, pos):
    # data: [B, H, W, C], pos: [B, N, 2] normalized in [0, 1] (x, y)
    B, H, W, C = data.shape
    x = pos[..., 0] * (W - 1)
    y = pos[..., 1] * (H - 1)
    x0 = jnp.clip(jnp.floor(x), 0, W - 2).astype(jnp.int32)
    y0 = jnp.clip(jnp.floor(y), 0, H - 2).astype(jnp.int32)
    x1 = x0 + 1
    y1 = y0 + 1
    wx = (x - x0.astype(x.dtype))[..., None]
    wy = (y - y0.astype(y.dtype))[..., None]
    bidx = jnp.arange(B)[:, None]
    v00 = data[bidx, y0, x0]  # [B, N, C] gather
    v01 = data[bidx, y0, x1]
    v10 = data[bidx, y1, x0]
    v11 = data[bidx, y1, x1]
    return (v00 * (1.0 - wx) * (1.0 - wy)
            + v01 * wx * (1.0 - wy)
            + v10 * (1.0 - wx) * wy
            + v11 * wx * wy)


def setup_inputs(seed: int = 0) -> dict:
    key = jax.random.key(seed)
    k0, k1, k2, k3, k4 = jax.random.split(key, 5)
    feat0 = jax.random.normal(k0, (4, 224, 224, 96), dtype=jnp.float32)
    feat1 = jax.random.normal(k1, (4, 112, 112, 96), dtype=jnp.float32)
    feat2 = jax.random.normal(k2, (4, 56, 56, 96), dtype=jnp.float32)
    pos = jax.random.uniform(k3, (4, 16384, 2), dtype=jnp.float32)
    D_total = 2 + 96 * 3
    W_mix = jax.random.normal(k4, (D_total, 256), dtype=jnp.float32) * 0.02
    b_mix = jnp.zeros((256,), dtype=jnp.float32)
    return {"feat0": feat0, "feat1": feat1, "feat2": feat2, "pos": pos,
            "W_mix": W_mix, "b_mix": b_mix}


def reference(feat0, feat1, feat2, pos, W_mix, b_mix):
    B, N, P = pos.shape
    BN = B * N
    latent = [jnp.reshape(pos, (BN, P))]  # withPosition=True
    for data in (feat0, feat1, feat2):
        vectors = extract_interpolated(data, pos)  # [B, N, C]
        C = vectors.shape[-1]
        latent.append(jnp.reshape(vectors, (BN, C)))
    latent = jnp.concatenate(latent, axis=-1)  # [BN, 2 + 3*96]
    res = jax.nn.relu(latent @ W_mix + b_mix)  # local mixer: Dense(256, relu)
    return res

if __name__ == "__main__":
    import jax
    _d = setup_inputs()
    print(jax.jit(kernel)(*tuple(_d.values())))

</pallas_src>

<mosaic_0001>
#map = affine_map<(d0, d1) -> (0, 0)>
#map1 = affine_map<(d0, d1) -> (0)>
module attributes {stable_mosaic.version = 14 : i64} {
  func.func @k(%arg0: i32, %arg1: i32, %arg2: memref<200704x128xf32, #tpu.memory_space<hbm>>, %arg3: memref<50176x128xf32, #tpu.memory_space<hbm>>, %arg4: memref<12544x128xf32, #tpu.memory_space<hbm>>, %arg5: memref<65536xf32, #tpu.memory_space<hbm>>, %arg6: memref<65536xf32, #tpu.memory_space<hbm>>, %arg7: memref<65536x288xf32, #tpu.memory_space<hbm>>, %arg8: memref<2048xf32, #tpu.memory_space<vmem>>, %arg9: memref<2048xf32, #tpu.memory_space<vmem>>, %arg10: memref<32xi32, #tpu.memory_space<vmem>>, %arg11: memref<32xi32, #tpu.memory_space<vmem>>, %arg12: memref<32xi32, #tpu.memory_space<vmem>>, %arg13: memref<32xi32, #tpu.memory_space<vmem>>, %arg14: memref<32xi32, #tpu.memory_space<vmem>>, %arg15: memref<32xi32, #tpu.memory_space<vmem>>, %arg16: memref<32xi32, #tpu.memory_space<vmem>>, %arg17: memref<32xi32, #tpu.memory_space<vmem>>, %arg18: memref<32xi32, #tpu.memory_space<vmem>>, %arg19: memref<32xi32, #tpu.memory_space<vmem>>, %arg20: memref<32xi32, #tpu.memory_space<vmem>>, %arg21: memref<32xi32, #tpu.memory_space<vmem>>, %arg22: memref<32xi32, #tpu.memory_space<vmem>>, %arg23: memref<32xi32, #tpu.memory_space<vmem>>, %arg24: memref<32xi32, #tpu.memory_space<vmem>>, %arg25: memref<32xi32, #tpu.memory_space<vmem>>, %arg26: memref<32xi32, #tpu.memory_space<vmem>>, %arg27: memref<32xi32, #tpu.memory_space<vmem>>, %arg28: memref<32xi32, #tpu.memory_space<vmem>>, %arg29: memref<32xi32, #tpu.memory_space<vmem>>, %arg30: memref<32xi32, #tpu.memory_space<vmem>>, %arg31: memref<32xi32, #tpu.memory_space<vmem>>, %arg32: memref<32xi32, #tpu.memory_space<vmem>>, %arg33: memref<32xi32, #tpu.memory_space<vmem>>, %arg34: memref<32xf32, #tpu.memory_space<vmem>>, %arg35: memref<32xf32, #tpu.memory_space<vmem>>, %arg36: memref<32xf32, #tpu.memory_space<vmem>>, %arg37: memref<32xf32, #tpu.memory_space<vmem>>, %arg38: memref<32xf32, #tpu.memory_space<vmem>>, %arg39: memref<32xf32, #tpu.memory_space<vmem>>, %arg40: memref<32xf32, #tpu.memory_space<vmem>>, %arg41: memref<32xf32, #tpu.memory_space<vmem>>, %arg42: memref<32xf32, #tpu.memory_space<vmem>>, %arg43: memref<32xf32, #tpu.memory_space<vmem>>, %arg44: memref<32xf32, #tpu.memory_space<vmem>>, %arg45: memref<32xf32, #tpu.memory_space<vmem>>, %arg46: memref<32xf32, #tpu.memory_space<vmem>>, %arg47: memref<32xf32, #tpu.memory_space<vmem>>, %arg48: memref<32xf32, #tpu.memory_space<vmem>>, %arg49: memref<32xf32, #tpu.memory_space<vmem>>, %arg50: memref<32xf32, #tpu.memory_space<vmem>>, %arg51: memref<32xf32, #tpu.memory_space<vmem>>, %arg52: memref<32xf32, #tpu.memory_space<vmem>>, %arg53: memref<32xf32, #tpu.memory_space<vmem>>, %arg54: memref<32xf32, #tpu.memory_space<vmem>>, %arg55: memref<32xf32, #tpu.memory_space<vmem>>, %arg56: memref<32xf32, #tpu.memory_space<vmem>>, %arg57: memref<32xf32, #tpu.memory_space<vmem>>, %arg58: memref<32x128xf32, #tpu.memory_space<vmem>>, %arg59: memref<32x128xf32, #tpu.memory_space<vmem>>, %arg60: memref<32x128xf32, #tpu.memory_space<vmem>>, %arg61: memref<32x128xf32, #tpu.memory_space<vmem>>, %arg62: memref<32x128xf32, #tpu.memory_space<vmem>>, %arg63: memref<32x128xf32, #tpu.memory_space<vmem>>, %arg64: memref<32x128xf32, #tpu.memory_space<vmem>>, %arg65: memref<32x128xf32, #tpu.memory_space<vmem>>, %arg66: memref<32x128xf32, #tpu.memory_space<vmem>>, %arg67: memref<32x128xf32, #tpu.memory_space<vmem>>, %arg68: memref<32x128xf32, #tpu.memory_space<vmem>>, %arg69: memref<32x128xf32, #tpu.memory_space<vmem>>, %arg70: memref<32x128xf32, #tpu.memory_space<vmem>>, %arg71: memref<32x128xf32, #tpu.memory_space<vmem>>, %arg72: memref<32x128xf32, #tpu.memory_space<vmem>>, %arg73: memref<32x128xf32, #tpu.memory_space<vmem>>, %arg74: memref<32x128xf32, #tpu.memory_space<vmem>>, %arg75: memref<32x128xf32, #tpu.memory_space<vmem>>, %arg76: memref<32x128xf32, #tpu.memory_space<vmem>>, %arg77: memref<32x128xf32, #tpu.memory_space<vmem>>, %arg78: memref<32x128xf32, #tpu.memory_space<vmem>>, %arg79: memref<32x128xf32, #tpu.memory_space<vmem>>, %arg80: memref<32x128xf32, #tpu.memory_space<vmem>>, %arg81: memref<32x128xf32, #tpu.memory_space<vmem>>, %arg82: memref<32x288xf32, #tpu.memory_space<vmem>>, %arg83: memref<!tpu.dma_semaphore, #tpu.memory_space<semaphore_mem>>, %arg84: memref<!tpu.dma_semaphore, #tpu.memory_space<semaphore_mem>>) attributes {dimension_semantics = [#tpu.dimension_semantics<core_parallel>, #tpu.dimension_semantics<subcore_parallel>], iteration_bounds = array<i64: 2, 16>, scalar_prefetch = 0 : i64, scratch_operands = 77 : i64, tpu.core_type = #tpu.core_type<sc_vector_subcore>, window_params = [{transform_indices = #map}, {transform_indices = #map}, {transform_indices = #map}, {transform_indices = #map1}, {transform_indices = #map1}, {transform_indices = #map}]} {
    %mul3A = arith.constant 2 : i32
    %mul3A_0 = arith.muli %arg1, %mul3A : i32
    %add3A = arith.addi %mul3A_0, %arg0 : i32
    %mul3A_1 = arith.constant 2048 : i32
    %mul3A_2 = arith.muli %add3A, %mul3A_1 : i32
    %jit3A = arith.constant 8 : i32
    %div3A = arith.divsi %add3A, %jit3A : i32
    %sign3A = arith.constant 0 : i32
    %sign3A_3 = arith.cmpi sgt, %add3A, %sign3A : i32
    %sign3A_4 = arith.extui %sign3A_3 : i1 to i32
    %sign3A_5 = arith.constant 0 : i32
    %sign3A_6 = arith.cmpi slt, %add3A, %sign3A_5 : i32
    %sign3A_7 = arith.extui %sign3A_6 : i1 to i32
    %sign3A_8 = arith.subi %sign3A_4, %sign3A_7 : i32
    %sign3A_9 = arith.constant 0 : i32
    %sign3A_10 = arith.cmpi sgt, %jit3A, %sign3A_9 : i32
    %sign3A_11 = arith.extui %sign3A_10 : i1 to i32
    %sign3A_12 = arith.constant 0 : i32
    %sign3A_13 = arith.cmpi slt, %jit3A, %sign3A_12 : i32
    %sign3A_14 = arith.extui %sign3A_13 : i1 to i32
    %sign3A_15 = arith.subi %sign3A_11, %sign3A_14 : i32
    %ne3A = arith.cmpi ne, %sign3A_8, %sign3A_15 : i32
    %rem3A = arith.remsi %add3A, %jit3A : i32
    %ne3A_16 = arith.constant 0 : i32
    %ne3A_17 = arith.cmpi ne, %rem3A, %ne3A_16 : i32
    %and3A = arith.andi %ne3A, %ne3A_17 : i1
    %sub3A = arith.constant 1 : i32
    %sub3A_18 = arith.subi %div3A, %sub3A : i32
    %select_n3A = arith.select %and3A, %sub3A_18, %div3A : i32
    "tpu.region"() ({
      %run_scoped3A = tpu.sem_alloc : memref<!tpu.dma_semaphore, #tpu.memory_space<semaphore_mem>>
      %dma_start3A_493 = tpu.memref_slice %arg5[%mul3A_2] : memref<65536xf32, #tpu.memory_space<hbm>> -> memref<2048xf32, #tpu.memory_space<hbm>>
      %dma_start3A_494 = tpu.memref_slice %arg5[%mul3A_2] : memref<65536xf32, #tpu.memory_space<hbm>> -> memref<2048xf32, #tpu.memory_space<hbm>>
      tpu.enqueue_dma source(%dma_start3A_494 : memref<2048xf32, #tpu.memory_space<hbm>>) target(%arg8 : memref<2048xf32, #tpu.memory_space<vmem>>) target_semaphore(%run_scoped3A : memref<!tpu.dma_semaphore, #tpu.memory_space<semaphore_mem>>)
      %dma_wait3A = tpu.memref_slice %arg5[%mul3A_2] : memref<65536xf32, #tpu.memory_space<hbm>> -> memref<2048xf32, #tpu.memory_space<hbm>>
      %dma_wait3A_495 = tpu.memref_slice %arg5[%mul3A_2] : memref<65536xf32, #tpu.memory_space<hbm>> -> memref<2048xf32, #tpu.memory_space<hbm>>
      tpu.wait_dma2 semaphore(%run_scoped3A : memref<!tpu.dma_semaphore, #tpu.memory_space<semaphore_mem>>) src(%dma_wait3A_495 : memref<2048xf32, #tpu.memory_space<hbm>>) dst(%arg8 : memref<2048xf32, #tpu.memory_space<vmem>>)
      tpu.yield
    }) : () -> ()
    "tpu.region"() ({
      %run_scoped3A = tpu.sem_alloc : memref<!tpu.dma_semaphore, #tpu.memory_space<semaphore_mem>>
      %dma_start3A_493 = tpu.memref_slice %arg6[%mul3A_2] : memref<65536xf32, #tpu.memory_space<hbm>> -> memref<2048xf32, #tpu.memory_space<hbm>>
      %dma_start3A_494 = tpu.memref_slice %arg6[%mul3A_2] : memref<65536xf32, #tpu.memory_space<hbm>> -> memref<2048xf32, #tpu.memory_space<hbm>>
      tpu.enqueue_dma source(%dma_start3A_494 : memref<2048xf32, #tpu.memory_space<hbm>>) target(%arg9 : memref<2048xf32, #tpu.memory_space<vmem>>) target_semaphore(%run_scoped3A : memref<!tpu.dma_semaphore, #tpu.memory_space<semaphore_mem>>)
      %dma_wait3A = tpu.memref_slice %arg6[%mul3A_2] : memref<65536xf32, #tpu.memory_space<hbm>> -> memref<2048xf32, #tpu.memory_space<hbm>>
      %dma_wait3A_495 = tpu.memref_slice %arg6[%mul3A_2] : memref<65536xf32, #tpu.memory_space<hbm>> -> memref<2048xf32, #tpu.memory_space<hbm>>
      tpu.wait_dma2 semaphore(%run_scoped3A : memref<!tpu.dma_semaphore, #tpu.memory_space<semaphore_mem>>) src(%dma_wait3A_495 : memref<2048xf32, #tpu.memory_space<hbm>>) dst(%arg9 : memref<2048xf32, #tpu.memory_space<vmem>>)
      tpu.yield
    }) : () -> ()
    %mul3A_19 = arith.constant 50176 : i32
    %mul3A_20 = arith.muli %select_n3A, %mul3A_19 : i32
    %get3A = arith.constant 0 : index
    %get3A_21 = tpu.vector_load %arg8[%get3A] {strides = array<i32>} : memref<2048xf32, #tpu.memory_space<vmem>>, vector<16xf32>,
    %mul3A_22 = arith.constant 2.230000e+02 : f32
    %mul3A_23 = vector.broadcast %mul3A_22 : f32 to vector<16xf32>
    %mul3A_24 = arith.mulf %get3A_21, %mul3A_23 : vector<16xf32>
    %get3A_25 = arith.constant 0 : index
    %get3A_26 = tpu.vector_load %arg9[%get3A_25] {strides = array<i32>} : memref<2048xf32, #tpu.memory_space<vmem>>, vector<16xf32>,
    %mul3A_27 = arith.constant 2.230000e+02 : f32
    %mul3A_28 = vector.broadcast %mul3A_27 : f32 to vector<16xf32>
    %mul3A_29 = arith.mulf %get3A_26, %mul3A_28 : vector<16xf32>
    %convert_element_type3A = arith.fptosi %mul3A_24 : vector<16xf32> to vector<16xi32>
    %min3A = arith.constant 222 : i32
    %min3A_30 = vector.broadcast %min3A : i32 to vector<16xi32>
    %min3A_31 = arith.minsi %convert_element_type3A, %min3A_30 : vector<16xi32>
    %convert_element_type3A_32 = arith.fptosi %mul3A_29 : vector<16xf32> to vector<16xi32>
    %min3A_33 = arith.constant 222 : i32
    %min3A_34 = vector.broadcast %min3A_33 : i32 to vector<16xi32>
    %min3A_35 = arith.minsi %convert_element_type3A_32, %min3A_34 : vector<16xi32>
    %convert_element_type3A_36 = arith.sitofp %min3A_31 : vector<16xi32> to vector<16xf32>
    %sub3A_37 = arith.subf %mul3A_24, %convert_element_type3A_36 : vector<16xf32>
    %convert_element_type3A_38 = arith.sitofp %min3A_35 : vector<16xi32> to vector<16xf32>
    %sub3A_39 = arith.subf %mul3A_29, %convert_element_type3A_38 : vector<16xf32>
    %mul3A_40 = arith.constant 224 : i32
    %mul3A_41 = vector.broadcast %mul3A_40 : i32 to vector<16xi32>
    %mul3A_42 = arith.muli %min3A_35, %mul3A_41 : vector<16xi32>
    %add3A_43 = arith.addi %mul3A_42, %min3A_31 : vector<16xi32>
    %add3A_44 = vector.broadcast %mul3A_20 : i32 to vector<16xi32>
    %add3A_45 = arith.addi %add3A_43, %add3A_44 : vector<16xi32>
    %swap3A = arith.constant 0 : index
    %swap3A_46 = tpu.vector_load %arg10[%swap3A] {strides = array<i32>} : memref<32xi32, #tpu.memory_space<vmem>>, vector<16xi32>,
    tpu.vector_store %arg10[%swap3A], %add3A_45 {strides = array<i32>} : memref<32xi32, #tpu.memory_space<vmem>>, vector<16xi32>,
    %add3A_47 = arith.constant 1 : i32
    %add3A_48 = vector.broadcast %add3A_47 : i32 to vector<16xi32>
    %add3A_49 = arith.addi %add3A_45, %add3A_48 : vector<16xi32>
    %swap3A_50 = arith.constant 0 : index
    %swap3A_51 = tpu.vector_load %arg11[%swap3A_50] {strides = array<i32>} : memref<32xi32, #tpu.memory_space<vmem>>, vector<16xi32>,
    tpu.vector_store %arg11[%swap3A_50], %add3A_49 {strides = array<i32>} : memref<32xi32, #tpu.memory_space<vmem>>, vector<16xi32>,
    %add3A_52 = arith.constant 224 : i32
    %add3A_53 = vector.broadcast %add3A_52 : i32 to vector<16xi32>
    %add3A_54 = arith.addi %add3A_45, %add3A_53 : vector<16xi32>
    %swap3A_55 = arith.constant 0 : index
    %swap3A_56 = tpu.vector_load %arg12[%swap3A_55] {strides = array<i32>} : memref<32xi32, #tpu.memory_space<vmem>>, vector<16xi32>,
    tpu.vector_store %arg12[%swap3A_55], %add3A_54 {strides = array<i32>} : memref<32xi32, #tpu.memory_space<vmem>>, vector<16xi32>,
    %add3A_57 = arith.constant 224 : i32
    %add3A_58 = vector.broadcast %add3A_57 : i32 to vector<16xi32>
    %add3A_59 = arith.addi %add3A_45, %add3A_58 : vector<16xi32>
    %add3A_60 = arith.constant 1 : i32
    %add3A_61 = vector.broadcast %add3A_60 : i32 to vector<16xi32>
    %add3A_62 = arith.addi %add3A_59, %add3A_61 : vector<16xi32>
    %swap3A_63 = arith.constant 0 : index
    %swap3A_64 = tpu.vector_load %arg13[%swap3A_63] {strides = array<i32>} : memref<32xi32, #tpu.memory_space<vmem>>, vector<16xi32>,
    tpu.vector_store %arg13[%swap3A_63], %add3A_62 {strides = array<i32>} : memref<32xi32, #tpu.memory_space<vmem>>, vector<16xi32>,
    %sub3A_65 = arith.constant 1.000000e+00 : f32
    %sub3A_66 = vector.broadcast %sub3A_65 : f32 to vector<16xf32>
    %sub3A_67 = arith.subf %sub3A_66, %sub3A_37 : vector<16xf32>
    %sub3A_68 = arith.constant 1.000000e+00 : f32
    %sub3A_69 = vector.broadcast %sub3A_68 : f32 to vector<16xf32>
    %sub3A_70 = arith.subf %sub3A_69, %sub3A_39 : vector<16xf32>
    %mul3A_71 = arith.mulf %sub3A_67, %sub3A_70 : vector<16xf32>
    %swap3A_72 = arith.constant 0 : index
    %swap3A_73 = tpu.vector_load %arg34[%swap3A_72] {strides = array<i32>} : memref<32xf32, #tpu.memory_space<vmem>>, vector<16xf32>,
    tpu.vector_store %arg34[%swap3A_72], %mul3A_71 {strides = array<i32>} : memref<32xf32, #tpu.memory_space<vmem>>, vector<16xf32>,
    %sub3A_74 = arith.constant 1.000000e+00 : f32
    %sub3A_75 = vector.broadcast %sub3A_74 : f32 to vector<16xf32>
    %sub3A_76 = arith.subf %sub3A_75, %sub3A_39 : vector<16xf32>
    %mul3A_77 = arith.mulf %sub3A_37, %sub3A_76 : vector<16xf32>
    %swap3A_78 = arith.constant 0 : index
    %swap3A_79 = tpu.vector_load %arg35[%swap3A_78] {strides = array<i32>} : memref<32xf32, #tpu.memory_space<vmem>>, vector<16xf32>,
    tpu.vector_store %arg35[%swap3A_78], %mul3A_77 {strides = array<i32>} : memref<32xf32, #tpu.memory_space<vmem>>, vector<16xf32>,
    %sub3A_80 = arith.constant 1.000000e+00 : f32
    %sub3A_81 = vector.broadcast %sub3A_80 : f32 to vector<16xf32>
    %sub3A_82 = arith.subf %sub3A_81, %sub3A_37 : vector<16xf32>
    %mul3A_83 = arith.mulf %sub3A_82, %sub3A_39 : vector<16xf32>
    %swap3A_84 = arith.constant 0 : index
    %swap3A_85 = tpu.vector_load %arg36[%swap3A_84] {strides = array<i32>} : memref<32xf32, #tpu.memory_space<vmem>>, vector<16xf32>,
    tpu.vector_store %arg36[%swap3A_84], %mul3A_83 {strides = array<i32>} : memref<32xf32, #tpu.memory_space<vmem>>, vector<16xf32>,
    %mul3A_86 = arith.mulf %sub3A_37, %sub3A_39 : vector<16xf32>
    %swap3A_87 = arith.constant 0 : index
    %swap3A_88 = tpu.vector_load %arg37[%swap3A_87] {strides = array<i32>} : memref<32xf32, #tpu.memory_space<vmem>>, vector<16xf32>,
    tpu.vector_store %arg37[%swap3A_87], %mul3A_86 {strides = array<i32>} : memref<32xf32, #tpu.memory_space<vmem>>, vector<16xf32>,
    %get3A_89 = arith.constant 16 : index
    %get3A_90 = tpu.vector_load %arg8[%get3A_89] {strides = array<i32>} : memref<2048xf32, #tpu.memory_space<vmem>>, vector<16xf32>,
    %mul3A_91 = arith.constant 2.230000e+02 : f32
    %mul3A_92 = vector.broadcast %mul3A_91 : f32 to vector<16xf32>
    %mul3A_93 = arith.mulf %get3A_90, %mul3A_92 : vector<16xf32>
    %get3A_94 = arith.constant 16 : index
    %get3A_95 = tpu.vector_load %arg9[%get3A_94] {strides = array<i32>} : memref<2048xf32, #tpu.memory_space<vmem>>, vector<16xf32>,
    %mul3A_96 = arith.constant 2.230000e+02 : f32
    %mul3A_97 = vector.broadcast %mul3A_96 : f32 to vector<16xf32>
    %mul3A_98 = arith.mulf %get3A_95, %mul3A_97 : vector<16xf32>
    %convert_element_type3A_99 = arith.fptosi %mul3A_93 : vector<16xf32> to vector<16xi32>
    %min3A_100 = arith.constant 222 : i32
    %min3A_101 = vector.broadcast %min3A_100 : i32 to vector<16xi32>
    %min3A_102 = arith.minsi %convert_element_type3A_99, %min3A_101 : vector<16xi32>
    %convert_element_type3A_103 = arith.fptosi %mul3A_98 : vector<16xf32> to vector<16xi32>
    %min3A_104 = arith.constant 222 : i32
    %min3A_105 = vector.broadcast %min3A_104 : i32 to vector<16xi32>
    %min3A_106 = arith.minsi %convert_element_type3A_103, %min3A_105 : vector<16xi32>
    %convert_element_type3A_107 = arith.sitofp %min3A_102 : vector<16xi32> to vector<16xf32>
    %sub3A_108 = arith.subf %mul3A_93, %convert_element_type3A_107 : vector<16xf32>
    %convert_element_type3A_109 = arith.sitofp %min3A_106 : vector<16xi32> to vector<16xf32>
    %sub3A_110 = arith.subf %mul3A_98, %convert_element_type3A_109 : vector<16xf32>
    %mul3A_111 = arith.constant 224 : i32
    %mul3A_112 = vector.broadcast %mul3A_111 : i32 to vector<16xi32>
    %mul3A_113 = arith.muli %min3A_106, %mul3A_112 : vector<16xi32>
    %add3A_114 = arith.addi %mul3A_113, %min3A_102 : vector<16xi32>
    %add3A_115 = vector.broadcast %mul3A_20 : i32 to vector<16xi32>
    %add3A_116 = arith.addi %add3A_114, %add3A_115 : vector<16xi32>
    %swap3A_117 = arith.constant 16 : index
    %swap3A_118 = tpu.vector_load %arg10[%swap3A_117] {strides = array<i32>} : memref<32xi32, #tpu.memory_space<vmem>>, vector<16xi32>,
    tpu.vector_store %arg10[%swap3A_117], %add3A_116 {strides = array<i32>} : memref<32xi32, #tpu.memory_space<vmem>>, vector<16xi32>,
    %add3A_119 = arith.constant 1 : i32
    %add3A_120 = vector.broadcast %add3A_119 : i32 to vector<16xi32>
    %add3A_121 = arith.addi %add3A_116, %add3A_120 : vector<16xi32>
    %swap3A_122 = arith.constant 16 : index
    %swap3A_123 = tpu.vector_load %arg11[%swap3A_122] {strides = array<i32>} : memref<32xi32, #tpu.memory_space<vmem>>, vector<16xi32>,
    tpu.vector_store %arg11[%swap3A_122], %add3A_121 {strides = array<i32>} : memref<32xi32, #tpu.memory_space<vmem>>, vector<16xi32>,
    %add3A_124 = arith.constant 224 : i32
    %add3A_125 = vector.broadcast %add3A_124 : i32 to vector<16xi32>
    %add3A_126 = arith.addi %add3A_116, %add3A_125 : vector<16xi32>
    %swap3A_127 = arith.constant 16 : index
    %swap3A_128 = tpu.vector_load %arg12[%swap3A_127] {strides = array<i32>} : memref<32xi32, #tpu.memory_space<vmem>>, vector<16xi32>,
    tpu.vector_store %arg12[%swap3A_127], %add3A_126 {strides = array<i32>} : memref<32xi32, #tpu.memory_space<vmem>>, vector<16xi32>,
    %add3A_129 = arith.constant 224 : i32
    %add3A_130 = vector.broadcast %add3A_129 : i32 to vector<16xi32>
    %add3A_131 = arith.addi %add3A_116, %add3A_130 : vector<16xi32>
    %add3A_132 = arith.constant 1 : i32
    %add3A_133 = vector.broadcast %add3A_132 : i32 to vector<16xi32>
    %add3A_134 = arith.addi %add3A_131, %add3A_133 : vector<16xi32>
    %swap3A_135 = arith.constant 16 : index
    %swap3A_136 = tpu.vector_load %arg13[%swap3A_135] {strides = array<i32>} : memref<32xi32, #tpu.memory_space<vmem>>, vector<16xi32>,
    tpu.vector_store %arg13[%swap3A_135], %add3A_134 {strides = array<i32>} : memref<32xi32, #tpu.memory_space<vmem>>, vector<16xi32>,
    %sub3A_137 = arith.constant 1.000000e+00 : f32
    %sub3A_138 = vector.broadcast %sub3A_137 : f32 to vector<16xf32>
    %sub3A_139 = arith.subf %sub3A_138, %sub3A_108 : vector<16xf32>
    %sub3A_140 = arith.constant 1.000000e+00 : f32
    %sub3A_141 = vector.broadcast %sub3A_140 : f32 to vector<16xf32>
    %sub3A_142 = arith.subf %sub3A_141, %sub3A_110 : vector<16xf32>
    %mul3A_143 = arith.mulf %sub3A_139, %sub3A_142 : vector<16xf32>
    %swap3A_144 = arith.constant 16 : index
    %swap3A_145 = tpu.vector_load %arg34[%swap3A_144] {strides = array<i32>} : memref<32xf32, #tpu.memory_space<vmem>>, vector<16xf32>,
    tpu.vector_store %arg34[%swap3A_144], %mul3A_143 {strides = array<i32>} : memref<32xf32, #tpu.memory_space<vmem>>, vector<16xf32>,
    %sub3A_146 = arith.constant 1.000000e+00 : f32
    %sub3A_147 = vector.broadcast %sub3A_146 : f32 to vector<16xf32>
    %sub3A_148 = arith.subf %sub3A_147, %sub3A_110 : vector<16xf32>
    %mul3A_149 = arith.mulf %sub3A_108, %sub3A_148 : vector<16xf32>
    %swap3A_150 = arith.constant 16 : index
    %swap3A_151 = tpu.vector_load %arg35[%swap3A_150] {strides = array<i32>} : memref<32xf32, #tpu.memory_space<vmem>>, vector<16xf32>,
    tpu.vector_store %arg35[%swap3A_150], %mul3A_149 {strides = array<i32>} : memref<32xf32, #tpu.memory_space<vmem>>, vector<16xf32>,
    %sub3A_152 = arith.constant 1.000000e+00 : f32
    %sub3A_153 = vector.broadcast %sub3A_152 : f32 to vector<16xf32>
    %sub3A_154 = arith.subf %sub3A_153, %sub3A_108 : vector<16xf32>
    %mul3A_155 = arith.mulf %sub3A_154, %sub3A_110 : vector<16xf32>
    %swap3A_156 = arith.constant 16 : index
    %swap3A_157 = tpu.vector_load %arg36[%swap3A_156] {strides = array<i32>} : memref<32xf32, #tpu.memory_space<vmem>>, vector<16xf32>,
    tpu.vector_store %arg36[%swap3A_156], %mul3A_155 {strides = array<i32>} : memref<32xf32, #tpu.memory_space<vmem>>, vector<16xf32>,
    %mul3A_158 = arith.mulf %sub3A_108, %sub3A_110 : vector<16xf32>
    %swap3A_159 = arith.constant 16 : index
    %swap3A_160 = tpu.vector_load %arg37[%swap3A_159] {strides = array<i32>} : memref<32xf32, #tpu.memory_space<vmem>>, vector<16xf32>,
    tpu.vector_store %arg37[%swap3A_159], %mul3A_158 {strides = array<i32>} : memref<32xf32, #tpu.memory_space<vmem>>, vector<16xf32>,
    %mul3A_161 = arith.constant 12544 : i32
    %mul3A_162 = arith.muli %select_n3A, %mul3A_161 : i32
    %get3A_163 = arith.constant 0 : index
    %get3A_164 = tpu.vector_load %arg8[%get3A_163] {strides = array<i32>} : memref<2048xf32, #tpu.memory_space<vmem>>, vector<16xf32>,
    %mul3A_165 = arith.constant 1.110000e+02 : f32
    %mul3A_166 = vector.broadcast %mul3A_165 : f32 to vector<16xf32>
    %mul3A_167 = arith.mulf %get3A_164, %mul3A_166 : vector<16xf32>
    %get3A_168 = arith.constant 0 : index
    %get3A_169 = tpu.vector_load %arg9[%get3A_168] {strides = array<i32>} : memref<2048xf32, #tpu.memory_space<vmem>>, vector<16xf32>,
    %mul3A_170 = arith.constant 1.110000e+02 : f32
    %mul3A_171 = vector.broadcast %mul3A_170 : f32 to vector<16xf32>
    %mul3A_172 = arith.mulf %get3A_169, %mul3A_171 : vector<16xf32>
    %convert_element_type3A_173 = arith.fptosi %mul3A_167 : vector<16xf32> to vector<16xi32>
    %min3A_174 = arith.constant 110 : i32
    %min3A_175 = vector.broadcast %min3A_174 : i32 to vector<16xi32>
    %min3A_176 = arith.minsi %convert_element_type3A_173, %min3A_175 : vector<16xi32>
    %convert_element_type3A_177 = arith.fptosi %mul3A_172 : vector<16xf32> to vector<16xi32>
    %min3A_178 = arith.constant 110 : i32
    %min3A_179 = vector.broadcast %min3A_178 : i32 to vector<16xi32>
    %min3A_180 = arith.minsi %convert_element_type3A_177, %min3A_179 : vector<16xi32>
    %convert_element_type3A_181 = arith.sitofp %min3A_176 : vector<16xi32> to vector<16xf32>
    %sub3A_182 = arith.subf %mul3A_167, %convert_element_type3A_181 : vector<16xf32>
    %convert_element_type3A_183 = arith.sitofp %min3A_180 : vector<16xi32> to vector<16xf32>
    %sub3A_184 = arith.subf %mul3A_172, %convert_element_type3A_183 : vector<16xf32>
    %mul3A_185 = arith.constant 112 : i32
    %mul3A_186 = vector.broadcast %mul3A_185 : i32 to vector<16xi32>
    %mul3A_187 = arith.muli %min3A_180, %mul3A_186 : vector<16xi32>
    %add3A_188 = arith.addi %mul3A_187, %min3A_176 : vector<16xi32>
    %add3A_189 = vector.broadcast %mul3A_162 : i32 to vector<16xi32>
    %add3A_190 = arith.addi %add3A_188, %add3A_189 : vector<16xi32>
    %swap3A_191 = arith.constant 0 : index
    %swap3A_192 = tpu.vector_load %arg14[%swap3A_191] {strides = array<i32>} : memref<32xi32, #tpu.memory_space<vmem>>, vector<16xi32>,
    tpu.vector_store %arg14[%swap3A_191], %add3A_190 {strides = array<i32>} : memref<32xi32, #tpu.memory_space<vmem>>, vector<16xi32>,
    %add3A_193 = arith.constant 1 : i32
    %add3A_194 = vector.broadcast %add3A_193 : i32 to vector<16xi32>
    %add3A_195 = arith.addi %add3A_190, %add3A_194 : vector<16xi32>
    %swap3A_196 = arith.constant 0 : index
    %swap3A_197 = tpu.vector_load %arg15[%swap3A_196] {strides = array<i32>} : memref<32xi32, #tpu.memory_space<vmem>>, vector<16xi32>,
    tpu.vector_store %arg15[%swap3A_196], %add3A_195 {strides = array<i32>} : memref<32xi32, #tpu.memory_space<vmem>>, vector<16xi32>,
    %add3A_198 = arith.constant 112 : i32
    %add3A_199 = vector.broadcast %add3A_198 : i32 to vector<16xi32>
    %add3A_200 = arith.addi %add3A_190, %add3A_199 : vector<16xi32>
    %swap3A_201 = arith.constant 0 : index
    %swap3A_202 = tpu.vector_load %arg16[%swap3A_201] {strides = array<i32>} : memref<32xi32, #tpu.memory_space<vmem>>, vector<16xi32>,
    tpu.vector_store %arg16[%swap3A_201], %add3A_200 {strides = array<i32>} : memref<32xi32, #tpu.memory_space<vmem>>, vector<16xi32>,
    %add3A_203 = arith.constant 112 : i32
    %add3A_204 = vector.broadcast %add3A_203 : i32 to vector<16xi32>
    %add3A_205 = arith.addi %add3A_190, %add3A_204 : vector<16xi32>
    %add3A_206 = arith.constant 1 : i32
    %add3A_207 = vector.broadcast %add3A_206 : i32 to vector<16xi32>
    %add3A_208 = arith.addi %add3A_205, %add3A_207 : vector<16xi32>
    %swap3A_209 = arith.constant 0 : index
    %swap3A_210 = tpu.vector_load %arg17[%swap3A_209] {strides = array<i32>} : memref<32xi32, #tpu.memory_space<vmem>>, vector<16xi32>,
    tpu.vector_store %arg17[%swap3A_209], %add3A_208 {strides = array<i32>} : memref<32xi32, #tpu.memory_space<vmem>>, vector<16xi32>,
    %sub3A_211 = arith.constant 1.000000e+00 : f32
    %sub3A_212 = vector.broadcast %sub3A_211 : f32 to vector<16xf32>
    %sub3A_213 = arith.subf %sub3A_212, %sub3A_182 : vector<16xf32>
    %sub3A_214 = arith.constant 1.000000e+00 : f32
    %sub3A_215 = vector.broadcast %sub3A_214 : f32 to vector<16xf32>
    %sub3A_216 = arith.subf %sub3A_215, %sub3A_184 : vector<16xf32>
    %mul3A_217 = arith.mulf %sub3A_213, %sub3A_216 : vector<16xf32>
    %swap3A_218 = arith.constant 0 : index
    %swap3A_219 = tpu.vector_load %arg38[%swap3A_218] {strides = array<i32>} : memref<32xf32, #tpu.memory_space<vmem>>, vector<16xf32>,
    tpu.vector_store %arg38[%swap3A_218], %mul3A_217 {strides = array<i32>} : memref<32xf32, #tpu.memory_space<vmem>>, vector<16xf32>,
    %sub3A_220 = arith.constant 1.000000e+00 : f32
    %sub3A_221 = vector.broadcast %sub3A_220 : f32 to vector<16xf32>
    %sub3A_222 = arith.subf %sub3A_221, %sub3A_184 : vector<16xf32>
    %mul3A_223 = arith.mulf %sub3A_182, %sub3A_222 : vector<16xf32>
    %swap3A_224 = arith.constant 0 : index
    %swap3A_225 = tpu.vector_load %arg39[%swap3A_224] {strides = array<i32>} : memref<32xf32, #tpu.memory_space<vmem>>, vector<16xf32>,
    tpu.vector_store %arg39[%swap3A_224], %mul3A_223 {strides = array<i32>} : memref<32xf32, #tpu.memory_space<vmem>>, vector<16xf32>,
    %sub3A_226 = arith.constant 1.000000e+00 : f32
    %sub3A_227 = vector.broadcast %sub3A_226 : f32 to vector<16xf32>
    %sub3A_228 = arith.subf %sub3A_227, %sub3A_182 : vector<16xf32>
    %mul3A_229 = arith.mulf %sub3A_228, %sub3A_184 : vector<16xf32>
    %swap3A_230 = arith.constant 0 : index
    %swap3A_231 = tpu.vector_load %arg40[%swap3A_230] {strides = array<i32>} : memref<32xf32, #tpu.memory_space<vmem>>, vector<16xf32>,
    tpu.vector_store %arg40[%swap3A_230], %mul3A_229 {strides = array<i32>} : memref<32xf32, #tpu.memory_space<vmem>>, vector<16xf32>,
    %mul3A_232 = arith.mulf %sub3A_182, %sub3A_184 : vector<16xf32>
    %swap3A_233 = arith.constant 0 : index
    %swap3A_234 = tpu.vector_load %arg41[%swap3A_233] {strides = array<i32>} : memref<32xf32, #tpu.memory_space<vmem>>, vector<16xf32>,
    tpu.vector_store %arg41[%swap3A_233], %mul3A_232 {strides = array<i32>} : memref<32xf32, #tpu.memory_space<vmem>>, vector<16xf32>,
    %get3A_235 = arith.constant 16 : index
    %get3A_236 = tpu.vector_load %arg8[%get3A_235] {strides = array<i32>} : memref<2048xf32, #tpu.memory_space<vmem>>, vector<16xf32>,
    %mul3A_237 = arith.constant 1.110000e+02 : f32
    %mul3A_238 = vector.broadcast %mul3A_237 : f32 to vector<16xf32>
    %mul3A_239 = arith.mulf %get3A_236, %mul3A_238 : vector<16xf32>
    %get3A_240 = arith.constant 16 : index
    %get3A_241 = tpu.vector_load %arg9[%get3A_240] {strides = array<i32>} : memref<2048xf32, #tpu.memory_space<vmem>>, vector<16xf32>,
    %mul3A_242 = arith.constant 1.110000e+02 : f32
    %mul3A_243 = vector.broadcast %mul3A_242 : f32 to vector<16xf32>
    %mul3A_244 = arith.mulf %get3A_241, %mul3A_243 : vector<16xf32>
    %convert_element_type3A_245 = arith.fptosi %mul3A_239 : vector<16xf32> to vector<16xi32>
    %min3A_246 = arith.constant 110 : i32
    %min3A_247 = vector.broadcast %min3A_246 : i32 to vector<16xi32>
    %min3A_248 = arith.minsi %convert_element_type3A_245, %min3A_247 : vector<16xi32>
    %convert_element_type3A_249 = arith.fptosi %mul3A_244 : vector<16xf32> to vector<16xi32>
    %min3A_250 = arith.constant 110 : i32
    %min3A_251 = vector.broadcast %min3A_250 : i32 to vector<16xi32>
    %min3A_252 = arith.minsi %convert_element_type3A_249, %min3A_251 : vector<16xi32>
    %convert_element_type3A_253 = arith.sitofp %min3A_248 : vector<16xi32> to vector<16xf32>
    %sub3A_254 = arith.subf %mul3A_239, %convert_element_type3A_253 : vector<16xf32>
    %convert_element_type3A_255 = arith.sitofp %min3A_252 : vector<16xi32> to vector<16xf32>
    %sub3A_256 = arith.subf %mul3A_244, %convert_element_type3A_255 : vector<16xf32>
    %mul3A_257 = arith.constant 112 : i32
    %mul3A_258 = vector.broadcast %mul3A_257 : i32 to vector<16xi32>
    %mul3A_259 = arith.muli %min3A_252, %mul3A_258 : vector<16xi32>
    %add3A_260 = arith.addi %mul3A_259, %min3A_248 : vector<16xi32>
    %add3A_261 = vector.broadcast %mul3A_162 : i32 to vector<16xi32>
    %add3A_262 = arith.addi %add3A_260, %add3A_261 : vector<16xi32>
    %swap3A_263 = arith.constant 16 : index
    %swap3A_264 = tpu.vector_load %arg14[%swap3A_263] {strides = array<i32>} : memref<32xi32, #tpu.memory_space<vmem>>, vector<16xi32>,
    tpu.vector_store %arg14[%swap3A_263], %add3A_262 {strides = array<i32>} : memref<32xi32, #tpu.memory_space<vmem>>, vector<16xi32>,
    %add3A_265 = arith.constant 1 : i32
    %add3A_266 = vector.broadcast %add3A_265 : i32 to vector<16xi32>
    %add3A_267 = arith.addi %add3A_262, %add3A_266 : vector<16xi32>
    %swap3A_268 = arith.constant 16 : index
    %swap3A_269 = tpu.vector_load %arg15[%swap3A_268] {strides = array<i32>} : memref<32xi32, #tpu.memory_space<vmem>>, vector<16xi32>,
    tpu.vector_store %arg15[%swap3A_268], %add3A_267 {strides = array<i32>} : memref<32xi32, #tpu.memory_space<vmem>>, vector<16xi32>,
    %add3A_270 = arith.constant 112 : i32
    %add3A_271 = vector.broadcast %add3A_270 : i32 to vector<16xi32>
    %add3A_272 = arith.addi %add3A_262, %add3A_271 : vector<16xi32>
    %swap3A_273 = arith.constant 16 : index
    %swap3A_274 = tpu.vector_load %arg16[%swap3A_273] {strides = array<i32>} : memref<32xi32, #tpu.memory_space<vmem>>, vector<16xi32>,
    tpu.vector_store %arg16[%swap3A_273], %add3A_272 {strides = array<i32>} : memref<32xi32, #tpu.memory_space<vmem>>, vector<16xi32>,
    %add3A_275 = arith.constant 112 : i32
    %add3A_276 = vector.broadcast %add3A_275 : i32 to vector<16xi32>
    %add3A_277 = arith.addi %add3A_262, %add3A_276 : vector<16xi32>
    %add3A_278 = arith.constant 1 : i32
    %add3A_279 = vector.broadcast %add3A_278 : i32 to vector<16xi32>
    %add3A_280 = arith.addi %add3A_277, %add3A_279 : vector<16xi32>
    %swap3A_281 = arith.constant 16 : index
    %swap3A_282 = tpu.vector_load %arg17[%swap3A_281] {strides = array<i32>} : memref<32xi32, #tpu.memory_space<vmem>>, vector<16xi32>,
    tpu.vector_store %arg17[%swap3A_281], %add3A_280 {strides = array<i32>} : memref<32xi32, #tpu.memory_space<vmem>>, vector<16xi32>,
    %sub3A_283 = arith.constant 1.000000e+00 : f32
    %sub3A_284 = vector.broadcast %sub3A_283 : f32 to vector<16xf32>
    %sub3A_285 = arith.subf %sub3A_284, %sub3A_254 : vector<16xf32>
    %sub3A_286 = arith.constant 1.000000e+00 : f32
    %sub3A_287 = vector.broadcast %sub3A_286 : f32 to vector<16xf32>
    %sub3A_288 = arith.subf %sub3A_287, %sub3A_256 : vector<16xf32>
    %mul3A_289 = arith.mulf %sub3A_285, %sub3A_288 : vector<16xf32>
    %swap3A_290 = arith.constant 16 : index
    %swap3A_291 = tpu.vector_load %arg38[%swap3A_290] {strides = array<i32>} : memref<32xf32, #tpu.memory_space<vmem>>, vector<16xf32>,
    tpu.vector_store %arg38[%swap3A_290], %mul3A_289 {strides = array<i32>} : memref<32xf32, #tpu.memory_space<vmem>>, vector<16xf32>,
    %sub3A_292 = arith.constant 1.000000e+00 : f32
    %sub3A_293 = vector.broadcast %sub3A_292 : f32 to vector<16xf32>
    %sub3A_294 = arith.subf %sub3A_293, %sub3A_256 : vector<16xf32>
    %mul3A_295 = arith.mulf %sub3A_254, %sub3A_294 : vector<16xf32>
    %swap3A_296 = arith.constant 16 : index
    %swap3A_297 = tpu.vector_load %arg39[%swap3A_296] {strides = array<i32>} : memref<32xf32, #tpu.memory_space<vmem>>, vector<16xf32>,
    tpu.vector_store %arg39[%swap3A_296], %mul3A_295 {strides = array<i32>} : memref<32xf32, #tpu.memory_space<vmem>>, vector<16xf32>,
    %sub3A_298 = arith.constant 1.000000e+00 : f32
    %sub3A_299 = vector.broadcast %sub3A_298 : f32 to vector<16xf32>
    %sub3A_300 = arith.subf %sub3A_299, %sub3A_254 : vector<16xf32>
    %mul3A_301 = arith.mulf %sub3A_300, %sub3A_256 : vector<16xf32>
    %swap3A_302 = arith.constant 16 : index
    %swap3A_303 = tpu.vector_load %arg40[%swap3A_302] {strides = array<i32>} : memref<32xf32, #tpu.memory_space<vmem>>, vector<16xf32>,
    tpu.vector_store %arg40[%swap3A_302], %mul3A_301 {strides = array<i32>} : memref<32xf32, #tpu.memory_space<vmem>>, vector<16xf32>,
    %mul3A_304 = arith.mulf %sub3A_254, %sub3A_256 : vector<16xf32>
    %swap3A_305 = arith.constant 16 : index
    %swap3A_306 = tpu.vector_load %arg41[%swap3A_305] {strides = array<i32>} : memref<32xf32, #tpu.memory_space<vmem>>, vector<16xf32>,
    tpu.vector_store %arg41[%swap3A_305], %mul3A_304 {strides = array<i32>} : memref<32xf32, #tpu.memory_space<vmem>>, vector<16xf32>,
    %mul3A_307 = arith.constant 3136 : i32
    %mul3A_308 = arith.muli %select_n3A, %mul3A_307 : i32
    %get3A_309 = arith.constant 0 : index
    %get3A_310 = tpu.vector_load %arg8[%get3A_309] {strides = array<i32>} : memref<2048xf32, #tpu.memory_space<vmem>>, vector<16xf32>,
    %mul3A_311 = arith.constant 5.500000e+01 : f32
    %mul3A_312 = vector.broadcast %mul3A_311 : f32 to vector<16xf32>
    %mul3A_313 = arith.mulf %get3A_310, %mul3A_312 : vector<16xf32>
    %get3A_314 = arith.constant 0 : index
    %get3A_315 = tpu.vector_load %arg9[%get3A_314] {strides = array<i32>} : memref<2048xf32, #tpu.memory_space<vmem>>, vector<16xf32>,
    %mul3A_316 = arith.constant 5.500000e+01 : f32
    %mul3A_317 = vector.broadcast %mul3A_316 : f32 to vector<16xf32>
    %mul3A_318 = arith.mulf %get3A_315, %mul3A_317 : vector<16xf32>
    %convert_element_type3A_319 = arith.fptosi %mul3A_313 : vector<16xf32> to vector<16xi32>
    %min3A_320 = arith.constant 54 : i32
    %min3A_321 = vector.broadcast %min3A_320 : i32 to vector<16xi32>
    %min3A_322 = arith.minsi %convert_element_type3A_319, %min3A_321 : vector<16xi32>
    %convert_element_type3A_323 = arith.fptosi %mul3A_318 : vector<16xf32> to vector<16xi32>
    %min3A_324 = arith.constant 54 : i32
    %min3A_325 = vector.broadcast %min3A_324 : i32 to vector<16xi32>
    %min3A_326 = arith.minsi %convert_element_type3A_323, %min3A_325 : vector<16xi32>
    %convert_element_type3A_327 = arith.sitofp %min3A_322 : vector<16xi32> to vector<16xf32>
    %sub3A_328 = arith.subf %mul3A_313, %convert_element_type3A_327 : vector<16xf32>
    %convert_element_type3A_329 = arith.sitofp %min3A_326 : vector<16xi32> to vector<16xf32>
    %sub3A_330 = arith.subf %mul3A_318, %convert_element_type3A_329 : vector<16xf32>
    %mul3A_331 = arith.constant 56 : i32
    %mul3A_332 = vector.broadcast %mul3A_331 : i32 to vector<16xi32>
    %mul3A_333 = arith.muli %min3A_326, %mul3A_332 : vector<16xi32>
    %add3A_334 = arith.addi %mul3A_333, %min3A_322 : vector<16xi32>
    %add3A_335 = vector.broadcast %mul3A_308 : i32 to vector<16xi32>
    %add3A_336 = arith.addi %add3A_334, %add3A_335 : vector<16xi32>
    %swap3A_337 = arith.constant 0 : index
    %swap3A_338 = tpu.vector_load %arg18[%swap3A_337] {strides = array<i32>} : memref<32xi32, #tpu.memory_space<vmem>>, vector<16xi32>,
    tpu.vector_store %arg18[%swap3A_337], %add3A_336 {strides = array<i32>} : memref<32xi32, #tpu.memory_space<vmem>>, vector<16xi32>,
    %add3A_339 = arith.constant 1 : i32
    %add3A_340 = vector.broadcast %add3A_339 : i32 to vector<16xi32>
    %add3A_341 = arith.addi %add3A_336, %add3A_340 : vector<16xi32>
    %swap3A_342 = arith.constant 0 : index
    %swap3A_343 = tpu.vector_load %arg19[%swap3A_342] {strides = array<i32>} : memref<32xi32, #tpu.memory_space<vmem>>, vector<16xi32>,
    tpu.vector_store %arg19[%swap3A_342], %add3A_341 {strides = array<i32>} : memref<32xi32, #tpu.memory_space<vmem>>, vector<16xi32>,
    %add3A_344 = arith.constant 56 : i32
    %add3A_345 = vector.broadcast %add3A_344 : i32 to vector<16xi32>
    %add3A_346 = arith.addi %add3A_336, %add3A_345 : vector<16xi32>
    %swap3A_347 = arith.constant 0 : index
    %swap3A_348 = tpu.vector_load %arg20[%swap3A_347] {strides = array<i32>} : memref<32xi32, #tpu.memory_space<vmem>>, vector<16xi32>,
    tpu.vector_store %arg20[%swap3A_347], %add3A_346 {strides = array<i32>} : memref<32xi32, #tpu.memory_space<vmem>>, vector<16xi32>,
    %add3A_349 = arith.constant 56 : i32
    %add3A_350 = vector.broadcast %add3A_349 : i32 to vector<16xi32>
    %add3A_351 = arith.addi %add3A_336, %add3A_350 : vector<16xi32>
    %add3A_352 = arith.constant 1 : i32
    %add3A_353 = vector.broadcast %add3A_352 : i32 to vector<16xi32>
    %add3A_354 = arith.addi %add3A_351, %add3A_353 : vector<16xi32>
    %swap3A_355 = arith.constant 0 : index
    %swap3A_356 = tpu.vector_load %arg21[%swap3A_355] {strides = array<i32>} : memref<32xi32, #tpu.memory_space<vmem>>, vector<16xi32>,
    tpu.vector_store %arg21[%swap3A_355], %add3A_354 {strides = array<i32>} : memref<32xi32, #tpu.memory_space<vmem>>, vector<16xi32>,
    %sub3A_357 = arith.constant 1.000000e+00 : f32
    %sub3A_358 = vector.broadcast %sub3A_357 : f32 to vector<16xf32>
    %sub3A_359 = arith.subf %sub3A_358, %sub3A_328 : vector<16xf32>
    %sub3A_360 = arith.constant 1.000000e+00 : f32
    %sub3A_361 = vector.broadcast %sub3A_360 : f32 to vector<16xf32>
    %sub3A_362 = arith.subf %sub3A_361, %sub3A_330 : vector<16xf32>
    %mul3A_363 = arith.mulf %sub3A_359, %sub3A_362 : vector<16xf32>
    %swap3A_364 = arith.constant 0 : index
    %swap3A_365 = tpu.vector_load %arg42[%swap3A_364] {strides = array<i32>} : memref<32xf32, #tpu.memory_space<vmem>>, vector<16xf32>,
    tpu.vector_store %arg42[%swap3A_364], %mul3A_363 {strides = array<i32>} : memref<32xf32, #tpu.memory_space<vmem>>, vector<16xf32>,
    %sub3A_366 = arith.constant 1.000000e+00 : f32
    %sub3A_367 = vector.broadcast %sub3A_366 : f32 to vector<16xf32>
    %sub3A_368 = arith.subf %sub3A_367, %sub3A_330 : vector<16xf32>
    %mul3A_369 = arith.mulf %sub3A_328, %sub3A_368 : vector<16xf32>
    %swap3A_370 = arith.constant 0 : index
    %swap3A_371 = tpu.vector_load %arg43[%swap3A_370] {strides = array<i32>} : memref<32xf32, #tpu.memory_space<vmem>>, vector<16xf32>,
    tpu.vector_store %arg43[%swap3A_370], %mul3A_369 {strides = array<i32>} : memref<32xf32, #tpu.memory_space<vmem>>, vector<16xf32>,
    %sub3A_372 = arith.constant 1.000000e+00 : f32
    %sub3A_373 = vector.broadcast %sub3A_372 : f32 to vector<16xf32>
    %sub3A_374 = arith.subf %sub3A_373, %sub3A_328 : vector<16xf32>
    %mul3A_375 = arith.mulf %sub3A_374, %sub3A_330 : vector<16xf32>
    %swap3A_376 = arith.constant 0 : index
    %swap3A_377 = tpu.vector_load %arg44[%swap3A_376] {strides = array<i32>} : memref<32xf32, #tpu.memory_space<vmem>>, vector<16xf32>,
    tpu.vector_store %arg44[%swap3A_376], %mul3A_375 {strides = array<i32>} : memref<32xf32, #tpu.memory_space<vmem>>, vector<16xf32>,
    %mul3A_378 = arith.mulf %sub3A_328, %sub3A_330 : vector<16xf32>
    %swap3A_379 = arith.constant 0 : index
    %swap3A_380 = tpu.vector_load %arg45[%swap3A_379] {strides = array<i32>} : memref<32xf32, #tpu.memory_space<vmem>>, vector<16xf32>,
    tpu.vector_store %arg45[%swap3A_379], %mul3A_378 {strides = array<i32>} : memref<32xf32, #tpu.memory_space<vmem>>, vector<16xf32>,
    %get3A_381 = arith.constant 16 : index
    %get3A_382 = tpu.vector_load %arg8[%get3A_381] {strides = array<i32>} : memref<2048xf32, #tpu.memory_space<vmem>>, vector<16xf32>,
    %mul3A_383 = arith.constant 5.500000e+01 : f32
    %mul3A_384 = vector.broadcast %mul3A_383 : f32 to vector<16xf32>
    %mul3A_385 = arith.mulf %get3A_382, %mul3A_384 : vector<16xf32>
    %get3A_386 = arith.constant 16 : index
    %get3A_387 = tpu.vector_load %arg9[%get3A_386] {strides = array<i32>} : memref<2048xf32, #tpu.memory_space<vmem>>, vector<16xf32>,
    %mul3A_388 = arith.constant 5.500000e+01 : f32
    %mul3A_389 = vector.broadcast %mul3A_388 : f32 to vector<16xf32>
    %mul3A_390 = arith.mulf %get3A_387, %mul3A_389 : vector<16xf32>
    %convert_element_type3A_391 = arith.fptosi %mul3A_385 : vector<16xf32> to vector<16xi32>
    %min3A_392 = arith.constant 54 : i32
    %min3A_393 = vector.broadcast %min3A_392 : i32 to vector<16xi32>
    %min3A_394 = arith.minsi %convert_element_type3A_391, %min3A_393 : vector<16xi32>
    %convert_element_type3A_395 = arith.fptosi %mul3A_390 : vector<16xf32> to vector<16xi32>
    %min3A_396 = arith.constant 54 : i32
    %min3A_397 = vector.broadcast %min3A_396 : i32 to vector<16xi32>
    %min3A_398 = arith.minsi %convert_element_type3A_395, %min3A_397 : vector<16xi32>
    %convert_element_type3A_399 = arith.sitofp %min3A_394 : vector<16xi32> to vector<16xf32>
    %sub3A_400 = arith.subf %mul3A_385, %convert_element_type3A_399 : vector<16xf32>
    %convert_element_type3A_401 = arith.sitofp %min3A_398 : vector<16xi32> to vector<16xf32>
    %sub3A_402 = arith.subf %mul3A_390, %convert_element_type3A_401 : vector<16xf32>
    %mul3A_403 = arith.constant 56 : i32
    %mul3A_404 = vector.broadcast %mul3A_403 : i32 to vector<16xi32>
    %mul3A_405 = arith.muli %min3A_398, %mul3A_404 : vector<16xi32>
    %add3A_406 = arith.addi %mul3A_405, %min3A_394 : vector<16xi32>
    %add3A_407 = vector.broadcast %mul3A_308 : i32 to vector<16xi32>
    %add3A_408 = arith.addi %add3A_406, %add3A_407 : vector<16xi32>
    %swap3A_409 = arith.constant 16 : index
    %swap3A_410 = tpu.vector_load %arg18[%swap3A_409] {strides = array<i32>} : memref<32xi32, #tpu.memory_space<vmem>>, vector<16xi32>,
    tpu.vector_store %arg18[%swap3A_409], %add3A_408 {strides = array<i32>} : memref<32xi32, #tpu.memory_space<vmem>>, vector<16xi32>,
    %add3A_411 = arith.constant 1 : i32
    %add3A_412 = vector.broadcast %add3A_411 : i32 to vector<16xi32>
    %add3A_413 = arith.addi %add3A_408, %add3A_412 : vector<16xi32>
    %swap3A_414 = arith.constant 16 : index
    %swap3A_415 = tpu.vector_load %arg19[%swap3A_414] {strides = array<i32>} : memref<32xi32, #tpu.memory_space<vmem>>, vector<16xi32>,
    tpu.vector_store %arg19[%swap3A_414], %add3A_413 {strides = array<i32>} : memref<32xi32, #tpu.memory_space<vmem>>, vector<16xi32>,
    %add3A_416 = arith.constant 56 : i32
    %add3A_417 = vector.broadcast %add3A_416 : i32 to vector<16xi32>
    %add3A_418 = arith.addi %add3A_408, %add3A_417 : vector<16xi32>
    %swap3A_419 = arith.constant 16 : index
    %swap3A_420 = tpu.vector_load %arg20[%swap3A_419] {strides = array<i32>} : memref<32xi32, #tpu.memory_space<vmem>>, vector<16xi32>,
    tpu.vector_store %arg20[%swap3A_419], %add3A_418 {strides = array<i32>} : memref<32xi32, #tpu.memory_space<vmem>>, vector<16xi32>,
    %add3A_421 = arith.constant 56 : i32
    %add3A_422 = vector.broadcast %add3A_421 : i32 to vector<16xi32>
    %add3A_423 = arith.addi %add3A_408, %add3A_422 : vector<16xi32>
    %add3A_424 = arith.constant 1 : i32
    %add3A_425 = vector.broadcast %add3A_424 : i32 to vector<16xi32>
    %add3A_426 = arith.addi %add3A_423, %add3A_425 : vector<16xi32>
    %swap3A_427 = arith.constant 16 : index
    %swap3A_428 = tpu.vector_load %arg21[%swap3A_427] {strides = array<i32>} : memref<32xi32, #tpu.memory_space<vmem>>, vector<16xi32>,
    tpu.vector_store %arg21[%swap3A_427], %add3A_426 {strides = array<i32>} : memref<32xi32, #tpu.memory_space<vmem>>, vector<16xi32>,
    %sub3A_429 = arith.constant 1.000000e+00 : f32
    %sub3A_430 = vector.broadcast %sub3A_429 : f32 to vector<16xf32>
    %sub3A_431 = arith.subf %sub3A_430, %sub3A_400 : vector<16xf32>
    %sub3A_432 = arith.constant 1.000000e+00 : f32
    %sub3A_433 = vector.broadcast %sub3A_432 : f32 to vector<16xf32>
    %sub3A_434 = arith.subf %sub3A_433, %sub3A_402 : vector<16xf32>
    %mul3A_435 = arith.mulf %sub3A_431, %sub3A_434 : vector<16xf32>
    %swap3A_436 = arith.constant 16 : index
    %swap3A_437 = tpu.vector_load %arg42[%swap3A_436] {strides = array<i32>} : memref<32xf32, #tpu.memory_space<vmem>>, vector<16xf32>,
    tpu.vector_store %arg42[%swap3A_436], %mul3A_435 {strides = array<i32>} : memref<32xf32, #tpu.memory_space<vmem>>, vector<16xf32>,
    %sub3A_438 = arith.constant 1.000000e+00 : f32
    %sub3A_439 = vector.broadcast %sub3A_438 : f32 to vector<16xf32>
    %sub3A_440 = arith.subf %sub3A_439, %sub3A_402 : vector<16xf32>
    %mul3A_441 = arith.mulf %sub3A_400, %sub3A_440 : vector<16xf32>
    %swap3A_442 = arith.constant 16 : index
    %swap3A_443 = tpu.vector_load %arg43[%swap3A_442] {strides = array<i32>} : memref<32xf32, #tpu.memory_space<vmem>>, vector<16xf32>,
    tpu.vector_store %arg43[%swap3A_442], %mul3A_441 {strides = array<i32>} : memref<32xf32, #tpu.memory_space<vmem>>, vector<16xf32>,
    %sub3A_444 = arith.constant 1.000000e+00 : f32
    %sub3A_445 = vector.broadcast %sub3A_444 : f32 to vector<16xf32>
    %sub3A_446 = arith.subf %sub3A_445, %sub3A_400 : vector<16xf32>
    %mul3A_447 = arith.mulf %sub3A_446, %sub3A_402 : vector<16xf32>
    %swap3A_448 = arith.constant 16 : index
    %swap3A_449 = tpu.vector_load %arg44[%swap3A_448] {strides = array<i32>} : memref<32xf32, #tpu.memory_space<vmem>>, vector<16xf32>,
    tpu.vector_store %arg44[%swap3A_448], %mul3A_447 {strides = array<i32>} : memref<32xf32, #tpu.memory_space<vmem>>, vector<16xf32>,
    %mul3A_450 = arith.mulf %sub3A_400, %sub3A_402 : vector<16xf32>
    %swap3A_451 = arith.constant 16 : index
    %swap3A_452 = tpu.vector_load %arg45[%swap3A_451] {strides = array<i32>} : memref<32xf32, #tpu.memory_space<vmem>>, vector<16xf32>,
    tpu.vector_store %arg45[%swap3A_451], %mul3A_450 {strides = array<i32>} : memref<32xf32, #tpu.memory_space<vmem>>, vector<16xf32>,
    %dma_start3A = arith.constant 0 : i32
    %dma_start3A_453 = arith.constant 0 : i32
    %dma_start3A_454 = tpu.memref_slice %arg2[%dma_start3A, %dma_start3A_453] : memref<200704x128xf32, #tpu.memory_space<hbm>> -> memref<200704x128xf32, #tpu.memory_space<hbm>>
    tpu.enqueue_indirect_dma source(%dma_start3A_454 : memref<200704x128xf32, #tpu.memory_space<hbm>>) target(%arg58 : memref<32x128xf32, #tpu.memory_space<vmem>>) offsets(%arg10 : memref<32xi32, #tpu.memory_space<vmem>>) semaphore(%arg83 : memref<!tpu.dma_semaphore, #tpu.memory_space<semaphore_mem>>)
    %dma_start3A_455 = arith.constant 0 : i32
    %dma_start3A_456 = arith.constant 0 : i32
    %dma_start3A_457 = tpu.memref_slice %arg2[%dma_start3A_455, %dma_start3A_456] : memref<200704x128xf32, #tpu.memory_space<hbm>> -> memref<200704x128xf32, #tpu.memory_space<hbm>>
    tpu.enqueue_indirect_dma source(%dma_start3A_457 : memref<200704x128xf32, #tpu.memory_space<hbm>>) target(%arg59 : memref<32x128xf32, #tpu.memory_space<vmem>>) offsets(%arg11 : memref<32xi32, #tpu.memory_space<vmem>>) semaphore(%arg83 : memref<!tpu.dma_semaphore, #tpu.memory_space<semaphore_mem>>)
    %dma_start3A_458 = arith.constant 0 : i32
    %dma_start3A_459 = arith.constant 0 : i32
    %dma_start3A_460 = tpu.memref_slice %arg2[%dma_start3A_458, %dma_start3A_459] : memref<200704x128xf32, #tpu.memory_space<hbm>> -> memref<200704x128xf32, #tpu.memory_space<hbm>>
    tpu.enqueue_indirect_dma source(%dma_start3A_460 : memref<200704x128xf32, #tpu.memory_space<hbm>>) target(%arg60 : memref<32x128xf32, #tpu.memory_space<vmem>>) offsets(%arg12 : memref<32xi32, #tpu.memory_space<vmem>>) semaphore(%arg83 : memref<!tpu.dma_semaphore, #tpu.memory_space<semaphore_mem>>)
    %dma_start3A_461 = arith.constant 0 : i32
    %dma_start3A_462 = arith.constant 0 : i32
    %dma_start3A_463 = tpu.memref_slice %arg2[%dma_start3A_461, %dma_start3A_462] : memref<200704x128xf32, #tpu.memory_space<hbm>> -> memref<200704x128xf32, #tpu.memory_space<hbm>>
    tpu.enqueue_indirect_dma source(%dma_start3A_463 : memref<200704x128xf32, #tpu.memory_space<hbm>>) target(%arg61 : memref<32x128xf32, #tpu.memory_space<vmem>>) offsets(%arg13 : memref<32xi32, #tpu.memory_space<vmem>>) semaphore(%arg83 : memref<!tpu.dma_semaphore, #tpu.memory_space<semaphore_mem>>)
    %dma_start3A_464 = arith.constant 0 : i32
    %dma_start3A_465 = arith.constant 0 : i32
    %dma_start3A_466 = tpu.memref_slice %arg3[%dma_start3A_464, %dma_start3A_465] : memref<50176x128xf32, #tpu.memory_space<hbm>> -> memref<50176x128xf32, #tpu.memory_space<hbm>>
    tpu.enqueue_indirect_dma source(%dma_start3A_466 : memref<50176x128xf32, #tpu.memory_space<hbm>>) target(%arg62 : memref<32x128xf32, #tpu.memory_space<vmem>>) offsets(%arg14 : memref<32xi32, #tpu.memory_space<vmem>>) semaphore(%arg83 : memref<!tpu.dma_semaphore, #tpu.memory_space<semaphore_mem>>)
    %dma_start3A_467 = arith.constant 0 : i32
    %dma_start3A_468 = arith.constant 0 : i32
    %dma_start3A_469 = tpu.memref_slice %arg3[%dma_start3A_467, %dma_start3A_468] : memref<50176x128xf32, #tpu.memory_space<hbm>> -> memref<50176x128xf32, #tpu.memory_space<hbm>>
    tpu.enqueue_indirect_dma source(%dma_start3A_469 : memref<50176x128xf32, #tpu.memory_space<hbm>>) target(%arg63 : memref<32x128xf32, #tpu.memory_space<vmem>>) offsets(%arg15 : memref<32xi32, #tpu.memory_space<vmem>>) semaphore(%arg83 : memref<!tpu.dma_semaphore, #tpu.memory_space<semaphore_mem>>)
    %dma_start3A_470 = arith.constant 0 : i32
    %dma_start3A_471 = arith.constant 0 : i32
    %dma_start3A_472 = tpu.memref_slice %arg3[%dma_start3A_470, %dma_start3A_471] : memref<50176x128xf32, #tpu.memory_space<hbm>> -> memref<50176x128xf32, #tpu.memory_space<hbm>>
    tpu.enqueue_indirect_dma source(%dma_start3A_472 : memref<50176x128xf32, #tpu.memory_space<hbm>>) target(%arg64 : memref<32x128xf32, #tpu.memory_space<vmem>>) offsets(%arg16 : memref<32xi32, #tpu.memory_space<vmem>>) semaphore(%arg83 : memref<!tpu.dma_semaphore, #tpu.memory_space<semaphore_mem>>)
    %dma_start3A_473 = arith.constant 0 : i32
    %dma_start3A_474 = arith.constant 0 : i32
    %dma_start3A_475 = tpu.memref_slice %arg3[%dma_start3A_473, %dma_start3A_474] : memref<50176x128xf32, #tpu.memory_space<hbm>> -> memref<50176x128xf32, #tpu.memory_space<hbm>>
    tpu.enqueue_indirect_dma source(%dma_start3A_475 : memref<50176x128xf32, #tpu.memory_space<hbm>>) target(%arg65 : memref<32x128xf32, #tpu.memory_space<vmem>>) offsets(%arg17 : memref<32xi32, #tpu.memory_space<vmem>>) semaphore(%arg83 : memref<!tpu.dma_semaphore, #tpu.memory_space<semaphore_mem>>)
    %dma_start3A_476 = arith.constant 0 : i32
    %dma_start3A_477 = arith.constant 0 : i32
    %dma_start3A_478 = tpu.memref_slice %arg4[%dma_start3A_476, %dma_start3A_477] : memref<12544x128xf32, #tpu.memory_space<hbm>> -> memref<12544x128xf32, #tpu.memory_space<hbm>>
    tpu.enqueue_indirect_dma source(%dma_start3A_478 : memref<12544x128xf32, #tpu.memory_space<hbm>>) target(%arg66 : memref<32x128xf32, #tpu.memory_space<vmem>>) offsets(%arg18 : memref<32xi32, #tpu.memory_space<vmem>>) semaphore(%arg83 : memref<!tpu.dma_semaphore, #tpu.memory_space<semaphore_mem>>)
    %dma_start3A_479 = arith.constant 0 : i32
    %dma_start3A_480 = arith.constant 0 : i32
    %dma_start3A_481 = tpu.memref_slice %arg4[%dma_start3A_479, %dma_start3A_480] : memref<12544x128xf32, #tpu.memory_space<hbm>> -> memref<12544x128xf32, #tpu.memory_space<hbm>>
    tpu.enqueue_indirect_dma source(%dma_start3A_481 : memref<12544x128xf32, #tpu.memory_space<hbm>>) target(%arg67 : memref<32x128xf32, #tpu.memory_space<vmem>>) offsets(%arg19 : memref<32xi32, #tpu.memory_space<vmem>>) semaphore(%arg83 : memref<!tpu.dma_semaphore, #tpu.memory_space<semaphore_mem>>)
    %dma_start3A_482 = arith.constant 0 : i32
    %dma_start3A_483 = arith.constant 0 : i32
    %dma_start3A_484 = tpu.memref_slice %arg4[%dma_start3A_482, %dma_start3A_483] : memref<12544x128xf32, #tpu.memory_space<hbm>> -> memref<12544x128xf32, #tpu.memory_space<hbm>>
    tpu.enqueue_indirect_dma source(%dma_start3A_484 : memref<12544x128xf32, #tpu.memory_space<hbm>>) target(%arg68 : memref<32x128xf32, #tpu.memory_space<vmem>>) offsets(%arg20 : memref<32xi32, #tpu.memory_space<vmem>>) semaphore(%arg83 : memref<!tpu.dma_semaphore, #tpu.memory_space<semaphore_mem>>)
    %dma_start3A_485 = arith.constant 0 : i32
    %dma_start3A_486 = arith.constant 0 : i32
    %dma_start3A_487 = tpu.memref_slice %arg4[%dma_start3A_485, %dma_start3A_486] : memref<12544x128xf32, #tpu.memory_space<hbm>> -> memref<12544x128xf32, #tpu.memory_space<hbm>>
    tpu.enqueue_indirect_dma source(%dma_start3A_487 : memref<12544x128xf32, #tpu.memory_space<hbm>>) target(%arg69 : memref<32x128xf32, #tpu.memory_space<vmem>>) offsets(%arg21 : memref<32xi32, #tpu.memory_space<vmem>>) semaphore(%arg83 : memref<!tpu.dma_semaphore, #tpu.memory_space<semaphore_mem>>)
    %scan3A = arith.constant 0 : i32
    %scan3A_488 = arith.constant 0 : i32
    %scan3A_489 = arith.constant 32 : i32
    %scan3A_490 = arith.addi %scan3A_488, %scan3A_489 : i32
    %scan3A_491 = arith.constant 1 : i32
    scf.for %scan3A_493 = %scan3A_488 to %scan3A_490 step %scan3A_491  : i32 {
      %mul3A_494 = arith.constant 2 : i32
      %mul3A_495 = arith.muli %mul3A_494, %scan3A_493 : i32
      %add3A_496 = arith.constant 1 : i32
      %add3A_497 = arith.addi %mul3A_495, %add3A_496 : i32
      %mul3A_498 = arith.constant 32 : i32
      %mul3A_499 = arith.muli %add3A_497, %mul3A_498 : i32
      %mul3A_500 = arith.constant 50176 : i32
      %mul3A_501 = arith.muli %select_n3A, %mul3A_500 : i32
      %add3A_502 = arith.constant 0 : i32
      %add3A_503 = arith.addi %mul3A_499, %add3A_502 : i32
      %get3A_504 = arith.index_cast %add3A_503 : i32 to index
      %get3A_505 = tpu.vector_load %arg8[%get3A_504] {strides = array<i32>} : memref<2048xf32, #tpu.memory_space<vmem>>, vector<16xf32>,
      %mul3A_506 = arith.constant 2.230000e+02 : f32
      %mul3A_507 = vector.broadcast %mul3A_506 : f32 to vector<16xf32>
      %mul3A_508 = arith.mulf %get3A_505, %mul3A_507 : vector<16xf32>
      %get3A_509 = arith.index_cast %add3A_503 : i32 to index
      %get3A_510 = tpu.vector_load %arg9[%get3A_509] {strides = array<i32>} : memref<2048xf32, #tpu.memory_space<vmem>>, vector<16xf32>,
      %mul3A_511 = arith.constant 2.230000e+02 : f32
      %mul3A_512 = vector.broadcast %mul3A_511 : f32 to vector<16xf32>
      %mul3A_513 = arith.mulf %get3A_510, %mul3A_512 : vector<16xf32>
      %convert_element_type3A_514 = arith.fptosi %mul3A_508 : vector<16xf32> to vector<16xi32>
      %min3A_515 = arith.constant 222 : i32
      %min3A_516 = vector.broadcast %min3A_515 : i32 to vector<16xi32>
      %min3A_517 = arith.minsi %convert_element_type3A_514, %min3A_516 : vector<16xi32>
      %convert_element_type3A_518 = arith.fptosi %mul3A_513 : vector<16xf32> to vector<16xi32>
      %min3A_519 = arith.constant 222 : i32
      %min3A_520 = vector.broadcast %min3A_519 : i32 to vector<16xi32>
      %min3A_521 = arith.minsi %convert_element_type3A_518, %min3A_520 : vector<16xi32>
      %convert_element_type3A_522 = arith.sitofp %min3A_517 : vector<16xi32> to vector<16xf32>
      %sub3A_523 = arith.subf %mul3A_508, %convert_element_type3A_522 : vector<16xf32>
      %convert_element_type3A_524 = arith.sitofp %min3A_521 : vector<16xi32> to vector<16xf32>
      %sub3A_525 = arith.subf %mul3A_513, %convert_element_type3A_524 : vector<16xf32>
      %mul3A_526 = arith.constant 224 : i32
      %mul3A_527 = vector.broadcast %mul3A_526 : i32 to vector<16xi32>
      %mul3A_528 = arith.muli %min3A_521, %mul3A_527 : vector<16xi32>
      %add3A_529 = arith.addi %mul3A_528, %min3A_517 : vector<16xi32>
      %add3A_530 = vector.broadcast %mul3A_501 : i32 to vector<16xi32>
      %add3A_531 = arith.addi %add3A_529, %add3A_530 : vector<16xi32>
      %swap3A_532 = arith.constant 0 : index
      %swap3A_533 = tpu.vector_load %arg22[%swap3A_532] {strides = array<i32>} : memref<32xi32, #tpu.memory_space<vmem>>, vector<16xi32>,
      tpu.vector_store %arg22[%swap3A_532], %add3A_531 {strides = array<i32>} : memref<32xi32, #tpu.memory_space<vmem>>, vector<16xi32>,
      %add3A_534 = arith.constant 1 : i32
      %add3A_535 = vector.broadcast %add3A_534 : i32 to vector<16xi32>
      %add3A_536 = arith.addi %add3A_531, %add3A_535 : vector<16xi32>
      %swap3A_537 = arith.constant 0 : index
      %swap3A_538 = tpu.vector_load %arg23[%swap3A_537] {strides = array<i32>} : memref<32xi32, #tpu.memory_space<vmem>>, vector<16xi32>,
      tpu.vector_store %arg23[%swap3A_537], %add3A_536 {strides = array<i32>} : memref<32xi32, #tpu.memory_space<vmem>>, vector<16xi32>,
      %add3A_539 = arith.constant 224 : i32
      %add3A_540 = vector.broadcast %add3A_539 : i32 to vector<16xi32>
      %add3A_541 = arith.addi %add3A_531, %add3A_540 : vector<16xi32>
      %swap3A_542 = arith.constant 0 : index
      %swap3A_543 = tpu.vector_load %arg24[%swap3A_542] {strides = array<i32>} : memref<32xi32, #tpu.memory_space<vmem>>, vector<16xi32>,
      tpu.vector_store %arg24[%swap3A_542], %add3A_541 {strides = array<i32>} : memref<32xi32, #tpu.memory_space<vmem>>, vector<16xi32>,
      %add3A_544 = arith.constant 224 : i32
      %add3A_545 = vector.broadcast %add3A_544 : i32 to vector<16xi32>
      %add3A_546 = arith.addi %add3A_531, %add3A_545 : vector<16xi32>
      %add3A_547 = arith.constant 1 : i32
      %add3A_548 = vector.broadcast %add3A_547 : i32 to vector<16xi32>
      %add3A_549 = arith.addi %add3A_546, %add3A_548 : vector<16xi32>
      %swap3A_550 = arith.constant 0 : index
      %swap3A_551 = tpu.vector_load %arg25[%swap3A_550] {strides = array<i32>} : memref<32xi32, #tpu.memory_space<vmem>>, vector<16xi32>,
      tpu.vector_store %arg25[%swap3A_550], %add3A_549 {strides = array<i32>} : memref<32xi32, #tpu.memory_space<vmem>>, vector<16xi32>,
      %sub3A_552 = arith.constant 1.000000e+00 : f32
      %sub3A_553 = vector.broadcast %sub3A_552 : f32 to vector<16xf32>
      %sub3A_554 = arith.subf %sub3A_553, %sub3A_523 : vector<16xf32>
      %sub3A_555 = arith.constant 1.000000e+00 : f32
      %sub3A_556 = vector.broadcast %sub3A_555 : f32 to vector<16xf32>
      %sub3A_557 = arith.subf %sub3A_556, %sub3A_525 : vector<16xf32>
      %mul3A_558 = arith.mulf %sub3A_554, %sub3A_557 : vector<16xf32>
      %swap3A_559 = arith.constant 0 : index
      %swap3A_560 = tpu.vector_load %arg46[%swap3A_559] {strides = array<i32>} : memref<32xf32, #tpu.memory_space<vmem>>, vector<16xf32>,
      tpu.vector_store %arg46[%swap3A_559], %mul3A_558 {strides = array<i32>} : memref<32xf32, #tpu.memory_space<vmem>>, vector<16xf32>,
      %sub3A_561 = arith.constant 1.000000e+00 : f32
      %sub3A_562 = vector.broadcast %sub3A_561 : f32 to vector<16xf32>
      %sub3A_563 = arith.subf %sub3A_562, %sub3A_525 : vector<16xf32>
      %mul3A_564 = arith.mulf %sub3A_523, %sub3A_563 : vector<16xf32>
      %swap3A_565 = arith.constant 0 : index
      %swap3A_566 = tpu.vector_load %arg47[%swap3A_565] {strides = array<i32>} : memref<32xf32, #tpu.memory_space<vmem>>, vector<16xf32>,
      tpu.vector_store %arg47[%swap3A_565], %mul3A_564 {strides = array<i32>} : memref<32xf32, #tpu.memory_space<vmem>>, vector<16xf32>,
      %sub3A_567 = arith.constant 1.000000e+00 : f32
      %sub3A_568 = vector.broadcast %sub3A_567 : f32 to vector<16xf32>
      %sub3A_569 = arith.subf %sub3A_568, %sub3A_523 : vector<16xf32>
      %mul3A_570 = arith.mulf %sub3A_569, %sub3A_525 : vector<16xf32>
      %swap3A_571 = arith.constant 0 : index
      %swap3A_572 = tpu.vector_load %arg48[%swap3A_571] {strides = array<i32>} : memref<32xf32, #tpu.memory_space<vmem>>, vector<16xf32>,
      tpu.vector_store %arg48[%swap3A_571], %mul3A_570 {strides = array<i32>} : memref<32xf32, #tpu.memory_space<vmem>>, vector<16xf32>,
      %mul3A_573 = arith.mulf %sub3A_523, %sub3A_525 : vector<16xf32>
      %swap3A_574 = arith.constant 0 : index
      %swap3A_575 = tpu.vector_load %arg49[%swap3A_574] {strides = array<i32>} : memref<32xf32, #tpu.memory_space<vmem>>, vector<16xf32>,
      tpu.vector_store %arg49[%swap3A_574], %mul3A_573 {strides = array<i32>} : memref<32xf32, #tpu.memory_space<vmem>>, vector<16xf32>,
      %add3A_576 = arith.constant 16 : i32
      %add3A_577 = arith.addi %mul3A_499, %add3A_576 : i32
      %get3A_578 = arith.index_cast %add3A_577 : i32 to index
      %get3A_579 = tpu.vector_load %arg8[%get3A_578] {strides = array<i32>} : memref<2048xf32, #tpu.memory_space<vmem>>, vector<16xf32>,
      %mul3A_580 = arith.constant 2.230000e+02 : f32
      %mul3A_581 = vector.broadcast %mul3A_580 : f32 to vector<16xf32>
      %mul3A_582 = arith.mulf %get3A_579, %mul3A_581 : vector<16xf32>
      %get3A_583 = arith.index_cast %add3A_577 : i32 to index
      %get3A_584 = tpu.vector_load %arg9[%get3A_583] {strides = array<i32>} : memref<2048xf32, #tpu.memory_space<vmem>>, vector<16xf32>,
      %mul3A_585 = arith.constant 2.230000e+02 : f32
      %mul3A_586 = vector.broadcast %mul3A_585 : f32 to vector<16xf32>
      %mul3A_587 = arith.mulf %get3A_584, %mul3A_586 : vector<16xf32>
      %convert_element_type3A_588 = arith.fptosi %mul3A_582 : vector<16xf32> to vector<16xi32>
      %min3A_589 = arith.constant 222 : i32
      %min3A_590 = vector.broadcast %min3A_589 : i32 to vector<16xi32>
      %min3A_591 = arith.minsi %convert_element_type3A_588, %min3A_590 : vector<16xi32>
      %convert_element_type3A_592 = arith.fptosi %mul3A_587 : vector<16xf32> to vector<16xi32>
      %min3A_593 = arith.constant 222 : i32
      %min3A_594 = vector.broadcast %min3A_593 : i32 to vector<16xi32>
      %min3A_595 = arith.minsi %convert_element_type3A_592, %min3A_594 : vector<16xi32>
      %convert_element_type3A_596 = arith.sitofp %min3A_591 : vector<16xi32> to vector<16xf32>
      %sub3A_597 = arith.subf %mul3A_582, %convert_element_type3A_596 : vector<16xf32>
      %convert_element_type3A_598 = arith.sitofp %min3A_595 : vector<16xi32> to vector<16xf32>
      %sub3A_599 = arith.subf %mul3A_587, %convert_element_type3A_598 : vector<16xf32>
      %mul3A_600 = arith.constant 224 : i32
      %mul3A_601 = vector.broadcast %mul3A_600 : i32 to vector<16xi32>
      %mul3A_602 = arith.muli %min3A_595, %mul3A_601 : vector<16xi32>
      %add3A_603 = arith.addi %mul3A_602, %min3A_591 : vector<16xi32>
      %add3A_604 = vector.broadcast %mul3A_501 : i32 to vector<16xi32>
      %add3A_605 = arith.addi %add3A_603, %add3A_604 : vector<16xi32>
      %swap3A_606 = arith.constant 16 : index
      %swap3A_607 = tpu.vector_load %arg22[%swap3A_606] {strides = array<i32>} : memref<32xi32, #tpu.memory_space<vmem>>, vector<16xi32>,
      tpu.vector_store %arg22[%swap3A_606], %add3A_605 {strides = array<i32>} : memref<32xi32, #tpu.memory_space<vmem>>, vector<16xi32>,
      %add3A_608 = arith.constant 1 : i32
      %add3A_609 = vector.broadcast %add3A_608 : i32 to vector<16xi32>
      %add3A_610 = arith.addi %add3A_605, %add3A_609 : vector<16xi32>
      %swap3A_611 = arith.constant 16 : index
      %swap3A_612 = tpu.vector_load %arg23[%swap3A_611] {strides = array<i32>} : memref<32xi32, #tpu.memory_space<vmem>>, vector<16xi32>,
      tpu.vector_store %arg23[%swap3A_611], %add3A_610 {strides = array<i32>} : memref<32xi32, #tpu.memory_space<vmem>>, vector<16xi32>,
      %add3A_613 = arith.constant 224 : i32
      %add3A_614 = vector.broadcast %add3A_613 : i32 to vector<16xi32>
      %add3A_615 = arith.addi %add3A_605, %add3A_614 : vector<16xi32>
      %swap3A_616 = arith.constant 16 : index
      %swap3A_617 = tpu.vector_load %arg24[%swap3A_616] {strides = array<i32>} : memref<32xi32, #tpu.memory_space<vmem>>, vector<16xi32>,
      tpu.vector_store %arg24[%swap3A_616], %add3A_615 {strides = array<i32>} : memref<32xi32, #tpu.memory_space<vmem>>, vector<16xi32>,
      %add3A_618 = arith.constant 224 : i32
      %add3A_619 = vector.broadcast %add3A_618 : i32 to vector<16xi32>
      %add3A_620 = arith.addi %add3A_605, %add3A_619 : vector<16xi32>
      %add3A_621 = arith.constant 1 : i32
      %add3A_622 = vector.broadcast %add3A_621 : i32 to vector<16xi32>
      %add3A_623 = arith.addi %add3A_620, %add3A_622 : vector<16xi32>
      %swap3A_624 = arith.constant 16 : index
      %swap3A_625 = tpu.vector_load %arg25[%swap3A_624] {strides = array<i32>} : memref<32xi32, #tpu.memory_space<vmem>>, vector<16xi32>,
      tpu.vector_store %arg25[%swap3A_624], %add3A_623 {strides = array<i32>} : memref<32xi32, #tpu.memory_space<vmem>>, vector<16xi32>,
      %sub3A_626 = arith.constant 1.000000e+00 : f32
      %sub3A_627 = vector.broadcast %sub3A_626 : f32 to vector<16xf32>
      %sub3A_628 = arith.subf %sub3A_627, %sub3A_597 : vector<16xf32>
      %sub3A_629 = arith.constant 1.000000e+00 : f32
      %sub3A_630 = vector.broadcast %sub3A_629 : f32 to vector<16xf32>
      %sub3A_631 = arith.subf %sub3A_630, %sub3A_599 : vector<16xf32>
      %mul3A_632 = arith.mulf %sub3A_628, %sub3A_631 : vector<16xf32>
      %swap3A_633 = arith.constant 16 : index
      %swap3A_634 = tpu.vector_load %arg46[%swap3A_633] {strides = array<i32>} : memref<32xf32, #tpu.memory_space<vmem>>, vector<16xf32>,
      tpu.vector_store %arg46[%swap3A_633], %mul3A_632 {strides = array<i32>} : memref<32xf32, #tpu.memory_space<vmem>>, vector<16xf32>,
      %sub3A_635 = arith.constant 1.000000e+00 : f32
      %sub3A_636 = vector.broadcast %sub3A_635 : f32 to vector<16xf32>
      %sub3A_637 = arith.subf %sub3A_636, %sub3A_599 : vector<16xf32>
      %mul3A_638 = arith.mulf %sub3A_597, %sub3A_637 : vector<16xf32>
      %swap3A_639 = arith.constant 16 : index
      %swap3A_640 = tpu.vector_load %arg47[%swap3A_639] {strides = array<i32>} : memref<32xf32, #tpu.memory_space<vmem>>, vector<16xf32>,
      tpu.vector_store %arg47[%swap3A_639], %mul3A_638 {strides = array<i32>} : memref<32xf32, #tpu.memory_space<vmem>>, vector<16xf32>,
      %sub3A_641 = arith.constant 1.000000e+00 : f32
      %sub3A_642 = vector.broadcast %sub3A_641 : f32 to vector<16xf32>
      %sub3A_643 = arith.subf %sub3A_642, %sub3A_597 : vector<16xf32>
      %mul3A_644 = arith.mulf %sub3A_643, %sub3A_599 : vector<16xf32>
      %swap3A_645 = arith.constant 16 : index
      %swap3A_646 = tpu.vector_load %arg48[%swap3A_645] {strides = array<i32>} : memref<32xf32, #tpu.memory_space<vmem>>, vector<16xf32>,
      tpu.vector_store %arg48[%swap3A_645], %mul3A_644 {strides = array<i32>} : memref<32xf32, #tpu.memory_space<vmem>>, vector<16xf32>,
      %mul3A_647 = arith.mulf %sub3A_597, %sub3A_599 : vector<16xf32>
      %swap3A_648 = arith.constant 16 : index
      %swap3A_649 = tpu.vector_load %arg49[%swap3A_648] {strides = array<i32>} : memref<32xf32, #tpu.memory_space<vmem>>, vector<16xf32>,
      tpu.vector_store %arg49[%swap3A_648], %mul3A_647 {strides = array<i32>} : memref<32xf32, #tpu.memory_space<vmem>>, vector<16xf32>,
      %mul3A_650 = arith.constant 12544 : i32
      %mul3A_651 = arith.muli %select_n3A, %mul3A_650 : i32
      %add3A_652 = arith.constant 0 : i32
      %add3A_653 = arith.addi %mul3A_499, %add3A_652 : i32
      %get3A_654 = arith.index_cast %add3A_653 : i32 to index
      %get3A_655 = tpu.vector_load %arg8[%get3A_654] {strides = array<i32>} : memref<2048xf32, #tpu.memory_space<vmem>>, vector<16xf32>,
      %mul3A_656 = arith.constant 1.110000e+02 : f32
      %mul3A_657 = vector.broadcast %mul3A_656 : f32 to vector<16xf32>
      %mul3A_658 = arith.mulf %get3A_655, %mul3A_657 : vector<16xf32>
      %get3A_659 = arith.index_cast %add3A_653 : i32 to index
      %get3A_660 = tpu.vector_load %arg9[%get3A_659] {strides = array<i32>} : memref<2048xf32, #tpu.memory_space<vmem>>, vector<16xf32>,
      %mul3A_661 = arith.constant 1.110000e+02 : f32
      %mul3A_662 = vector.broadcast %mul3A_661 : f32 to vector<16xf32>
      %mul3A_663 = arith.mulf %get3A_660, %mul3A_662 : vector<16xf32>
      %convert_element_type3A_664 = arith.fptosi %mul3A_658 : vector<16xf32> to vector<16xi32>
      %min3A_665 = arith.constant 110 : i32
      %min3A_666 = vector.broadcast %min3A_665 : i32 to vector<16xi32>
      %min3A_667 = arith.minsi %convert_element_type3A_664, %min3A_666 : vector<16xi32>
      %convert_element_type3A_668 = arith.fptosi %mul3A_663 : vector<16xf32> to vector<16xi32>
      %min3A_669 = arith.constant 110 : i32
      %min3A_670 = vector.broadcast %min3A_669 : i32 to vector<16xi32>
      %min3A_671 = arith.minsi %convert_element_type3A_668, %min3A_670 : vector<16xi32>
      %convert_element_type3A_672 = arith.sitofp %min3A_667 : vector<16xi32> to vector<16xf32>
      %sub3A_673 = arith.subf %mul3A_658, %convert_element_type3A_672 : vector<16xf32>
      %convert_element_type3A_674 = arith.sitofp %min3A_671 : vector<16xi32> to vector<16xf32>
      %sub3A_675 = arith.subf %mul3A_663, %convert_element_type3A_674 : vector<16xf32>
      %mul3A_676 = arith.constant 112 : i32
      %mul3A_677 = vector.broadcast %mul3A_676 : i32 to vector<16xi32>
      %mul3A_678 = arith.muli %min3A_671, %mul3A_677 : vector<16xi32>
      %add3A_679 = arith.addi %mul3A_678, %min3A_667 : vector<16xi32>
      %add3A_680 = vector.broadcast %mul3A_651 : i32 to vector<16xi32>
      %add3A_681 = arith.addi %add3A_679, %add3A_680 : vector<16xi32>
      %swap3A_682 = arith.constant 0 : index
      %swap3A_683 = tpu.vector_load %arg26[%swap3A_682] {strides = array<i32>} : memref<32xi32, #tpu.memory_space<vmem>>, vector<16xi32>,
      tpu.vector_store %arg26[%swap3A_682], %add3A_681 {strides = array<i32>} : memref<32xi32, #tpu.memory_space<vmem>>, vector<16xi32>,
      %add3A_684 = arith.constant 1 : i32
      %add3A_685 = vector.broadcast %add3A_684 : i32 to vector<16xi32>
      %add3A_686 = arith.addi %add3A_681, %add3A_685 : vector<16xi32>
      %swap3A_687 = arith.constant 0 : index
      %swap3A_688 = tpu.vector_load %arg27[%swap3A_687] {strides = array<i32>} : memref<32xi32, #tpu.memory_space<vmem>>, vector<16xi32>,
      tpu.vector_store %arg27[%swap3A_687], %add3A_686 {strides = array<i32>} : memref<32xi32, #tpu.memory_space<vmem>>, vector<16xi32>,
      %add3A_689 = arith.constant 112 : i32
      %add3A_690 = vector.broadcast %add3A_689 : i32 to vector<16xi32>
      %add3A_691 = arith.addi %add3A_681, %add3A_690 : vector<16xi32>
      %swap3A_692 = arith.constant 0 : index
      %swap3A_693 = tpu.vector_load %arg28[%swap3A_692] {strides = array<i32>} : memref<32xi32, #tpu.memory_space<vmem>>, vector<16xi32>,
      tpu.vector_store %arg28[%swap3A_692], %add3A_691 {strides = array<i32>} : memref<32xi32, #tpu.memory_space<vmem>>, vector<16xi32>,
      %add3A_694 = arith.constant 112 : i32
      %add3A_695 = vector.broadcast %add3A_694 : i32 to vector<16xi32>
      %add3A_696 = arith.addi %add3A_681, %add3A_695 : vector<16xi32>
      %add3A_697 = arith.constant 1 : i32
      %add3A_698 = vector.broadcast %add3A_697 : i32 to vector<16xi32>
      %add3A_699 = arith.addi %add3A_696, %add3A_698 : vector<16xi32>
      %swap3A_700 = arith.constant 0 : index
      %swap3A_701 = tpu.vector_load %arg29[%swap3A_700] {strides = array<i32>} : memref<32xi32, #tpu.memory_space<vmem>>, vector<16xi32>,
      tpu.vector_store %arg29[%swap3A_700], %add3A_699 {strides = array<i32>} : memref<32xi32, #tpu.memory_space<vmem>>, vector<16xi32>,
      %sub3A_702 = arith.constant 1.000000e+00 : f32
      %sub3A_703 = vector.broadcast %sub3A_702 : f32 to vector<16xf32>
      %sub3A_704 = arith.subf %sub3A_703, %sub3A_673 : vector<16xf32>
      %sub3A_705 = arith.constant 1.000000e+00 : f32
      %sub3A_706 = vector.broadcast %sub3A_705 : f32 to vector<16xf32>
      %sub3A_707 = arith.subf %sub3A_706, %sub3A_675 : vector<16xf32>
      %mul3A_708 = arith.mulf %sub3A_704, %sub3A_707 : vector<16xf32>
      %swap3A_709 = arith.constant 0 : index
      %swap3A_710 = tpu.vector_load %arg50[%swap3A_709] {strides = array<i32>} : memref<32xf32, #tpu.memory_space<vmem>>, vector<16xf32>,
      tpu.vector_store %arg50[%swap3A_709], %mul3A_708 {strides = array<i32>} : memref<32xf32, #tpu.memory_space<vmem>>, vector<16xf32>,
      %sub3A_711 = arith.constant 1.000000e+00 : f32
      %sub3A_712 = vector.broadcast %sub3A_711 : f32 to vector<16xf32>
      %sub3A_713 = arith.subf %sub3A_712, %sub3A_675 : vector<16xf32>
      %mul3A_714 = arith.mulf %sub3A_673, %sub3A_713 : vector<16xf32>
      %swap3A_715 = arith.constant 0 : index
      %swap3A_716 = tpu.vector_load %arg51[%swap3A_715] {strides = array<i32>} : memref<32xf32, #tpu.memory_space<vmem>>, vector<16xf32>,
      tpu.vector_store %arg51[%swap3A_715], %mul3A_714 {strides = array<i32>} : memref<32xf32, #tpu.memory_space<vmem>>, vector<16xf32>,
      %sub3A_717 = arith.constant 1.000000e+00 : f32
      %sub3A_718 = vector.broadcast %sub3A_717 : f32 to vector<16xf32>
      %sub3A_719 = arith.subf %sub3A_718, %sub3A_673 : vector<16xf32>
      %mul3A_720 = arith.mulf %sub3A_719, %sub3A_675 : vector<16xf32>
      %swap3A_721 = arith.constant 0 : index
      %swap3A_722 = tpu.vector_load %arg52[%swap3A_721] {strides = array<i32>} : memref<32xf32, #tpu.memory_space<vmem>>, vector<16xf32>,
      tpu.vector_store %arg52[%swap3A_721], %mul3A_720 {strides = array<i32>} : memref<32xf32, #tpu.memory_space<vmem>>, vector<16xf32>,
      %mul3A_723 = arith.mulf %sub3A_673, %sub3A_675 : vector<16xf32>
      %swap3A_724 = arith.constant 0 : index
      %swap3A_725 = tpu.vector_load %arg53[%swap3A_724] {strides = array<i32>} : memref<32xf32, #tpu.memory_space<vmem>>, vector<16xf32>,
      tpu.vector_store %arg53[%swap3A_724], %mul3A_723 {strides = array<i32>} : memref<32xf32, #tpu.memory_space<vmem>>, vector<16xf32>,
      %add3A_726 = arith.constant 16 : i32
      %add3A_727 = arith.addi %mul3A_499, %add3A_726 : i32
      %get3A_728 = arith.index_cast %add3A_727 : i32 to index
      %get3A_729 = tpu.vector_load %arg8[%get3A_728] {strides = array<i32>} : memref<2048xf32, #tpu.memory_space<vmem>>, vector<16xf32>,
      %mul3A_730 = arith.constant 1.110000e+02 : f32
      %mul3A_731 = vector.broadcast %mul3A_730 : f32 to vector<16xf32>
      %mul3A_732 = arith.mulf %get3A_729, %mul3A_731 : vector<16xf32>
      %get3A_733 = arith.index_cast %add3A_727 : i32 to index
      %get3A_734 = tpu.vector_load %arg9[%get3A_733] {strides = array<i32>} : memref<2048xf32, #tpu.memory_space<vmem>>, vector<16xf32>,
      %mul3A_735 = arith.constant 1.110000e+02 : f32
      %mul3A_736 = vector.broadcast %mul3A_735 : f32 to vector<16xf32>
      %mul3A_737 = arith.mulf %get3A_734, %mul3A_736 : vector<16xf32>
      %convert_element_type3A_738 = arith.fptosi %mul3A_732 : vector<16xf32> to vector<16xi32>
      %min3A_739 = arith.constant 110 : i32
      %min3A_740 = vector.broadcast %min3A_739 : i32 to vector<16xi32>
      %min3A_741 = arith.minsi %convert_element_type3A_738, %min3A_740 : vector<16xi32>
      %convert_element_type3A_742 = arith.fptosi %mul3A_737 : vector<16xf32> to vector<16xi32>
      %min3A_743 = arith.constant 110 : i32
      %min3A_744 = vector.broadcast %min3A_743 : i32 to vector<16xi32>
      %min3A_745 = arith.minsi %convert_element_type3A_742, %min3A_744 : vector<16xi32>
      %convert_element_type3A_746 = arith.sitofp %min3A_741 : vector<16xi32> to vector<16xf32>
      %sub3A_747 = arith.subf %mul3A_732, %convert_element_type3A_746 : vector<16xf32>
      %convert_element_type3A_748 = arith.sitofp %min3A_745 : vector<16xi32> to vector<16xf32>
      %sub3A_749 = arith.subf %mul3A_737, %convert_element_type3A_748 : vector<16xf32>
      %mul3A_750 = arith.constant 112 : i32
      %mul3A_751 = vector.broadcast %mul3A_750 : i32 to vector<16xi32>
      %mul3A_752 = arith.muli %min3A_745, %mul3A_751 : vector<16xi32>
      %add3A_753 = arith.addi %mul3A_752, %min3A_741 : vector<16xi32>
      %add3A_754 = vector.broadcast %mul3A_651 : i32 to vector<16xi32>
      %add3A_755 = arith.addi %add3A_753, %add3A_754 : vector<16xi32>
      %swap3A_756 = arith.constant 16 : index
      %swap3A_757 = tpu.vector_load %arg26[%swap3A_756] {strides = array<i32>} : memref<32xi32, #tpu.memory_space<vmem>>, vector<16xi32>,
      tpu.vector_store %arg26[%swap3A_756], %add3A_755 {strides = array<i32>} : memref<32xi32, #tpu.memory_space<vmem>>, vector<16xi32>,
      %add3A_758 = arith.constant 1 : i32
      %add3A_759 = vector.broadcast %add3A_758 : i32 to vector<16xi32>
      %add3A_760 = arith.addi %add3A_755, %add3A_759 : vector<16xi32>
      %swap3A_761 = arith.constant 16 : index
      %swap3A_762 = tpu.vector_load %arg27[%swap3A_761] {strides = array<i32>} : memref<32xi32, #tpu.memory_space<vmem>>, vector<16xi32>,
      tpu.vector_store %arg27[%swap3A_761], %add3A_760 {strides = array<i32>} : memref<32xi32, #tpu.memory_space<vmem>>, vector<16xi32>,
      %add3A_763 = arith.constant 112 : i32
      %add3A_764 = vector.broadcast %add3A_763 : i32 to vector<16xi32>
      %add3A_765 = arith.addi %add3A_755, %add3A_764 : vector<16xi32>
      %swap3A_766 = arith.constant 16 : index
      %swap3A_767 = tpu.vector_load %arg28[%swap3A_766] {strides = array<i32>} : memref<32xi32, #tpu.memory_space<vmem>>, vector<16xi32>,
      tpu.vector_store %arg28[%swap3A_766], %add3A_765 {strides = array<i32>} : memref<32xi32, #tpu.memory_space<vmem>>, vector<16xi32>,
      %add3A_768 = arith.constant 112 : i32
      %add3A_769 = vector.broadcast %add3A_768 : i32 to vector<16xi32>
      %add3A_770 = arith.addi %add3A_755, %add3A_769 : vector<16xi32>
      %add3A_771 = arith.constant 1 : i32
      %add3A_772 = vector.broadcast %add3A_771 : i32 to vector<16xi32>
      %add3A_773 = arith.addi %add3A_770, %add3A_772 : vector<16xi32>
      %swap3A_774 = arith.constant 16 : index
      %swap3A_775 = tpu.vector_load %arg29[%swap3A_774] {strides = array<i32>} : memref<32xi32, #tpu.memory_space<vmem>>, vector<16xi32>,
      tpu.vector_store %arg29[%swap3A_774], %add3A_773 {strides = array<i32>} : memref<32xi32, #tpu.memory_space<vmem>>, vector<16xi32>,
      %sub3A_776 = arith.constant 1.000000e+00 : f32
      %sub3A_777 = vector.broadcast %sub3A_776 : f32 to vector<16xf32>
      %sub3A_778 = arith.subf %sub3A_777, %sub3A_747 : vector<16xf32>
      %sub3A_779 = arith.constant 1.000000e+00 : f32
      %sub3A_780 = vector.broadcast %sub3A_779 : f32 to vector<16xf32>
      %sub3A_781 = arith.subf %sub3A_780, %sub3A_749 : vector<16xf32>
      %mul3A_782 = arith.mulf %sub3A_778, %sub3A_781 : vector<16xf32>
      %swap3A_783 = arith.constant 16 : index
      %swap3A_784 = tpu.vector_load %arg50[%swap3A_783] {strides = array<i32>} : memref<32xf32, #tpu.memory_space<vmem>>, vector<16xf32>,
      tpu.vector_store %arg50[%swap3A_783], %mul3A_782 {strides = array<i32>} : memref<32xf32, #tpu.memory_space<vmem>>, vector<16xf32>,
      %sub3A_785 = arith.constant 1.000000e+00 : f32
      %sub3A_786 = vector.broadcast %sub3A_785 : f32 to vector<16xf32>
      %sub3A_787 = arith.subf %sub3A_786, %sub3A_749 : vector<16xf32>
      %mul3A_788 = arith.mulf %sub3A_747, %sub3A_787 : vector<16xf32>
      %swap3A_789 = arith.constant 16 : index
      %swap3A_790 = tpu.vector_load %arg51[%swap3A_789] {strides = array<i32>} : memref<32xf32, #tpu.memory_space<vmem>>, vector<16xf32>,
      tpu.vector_store %arg51[%swap3A_789], %mul3A_788 {strides = array<i32>} : memref<32xf32, #tpu.memory_space<vmem>>, vector<16xf32>,
      %sub3A_791 = arith.constant 1.000000e+00 : f32
      %sub3A_792 = vector.broadcast %sub3A_791 : f32 to vector<16xf32>
      %sub3A_793 = arith.subf %sub3A_792, %sub3A_747 : vector<16xf32>
      %mul3A_794 = arith.mulf %sub3A_793, %sub3A_749 : vector<16xf32>
      %swap3A_795 = arith.constant 16 : index
      %swap3A_796 = tpu.vector_load %arg52[%swap3A_795] {strides = array<i32>} : memref<32xf32, #tpu.memory_space<vmem>>, vector<16xf32>,
      tpu.vector_store %arg52[%swap3A_795], %mul3A_794 {strides = array<i32>} : memref<32xf32, #tpu.memory_space<vmem>>, vector<16xf32>,
      %mul3A_797 = arith.mulf %sub3A_747, %sub3A_749 : vector<16xf32>
      %swap3A_798 = arith.constant 16 : index
      %swap3A_799 = tpu.vector_load %arg53[%swap3A_798] {strides = array<i32>} : memref<32xf32, #tpu.memory_space<vmem>>, vector<16xf32>,
      tpu.vector_store %arg53[%swap3A_798], %mul3A_797 {strides = array<i32>} : memref<32xf32, #tpu.memory_space<vmem>>, vector<16xf32>,
      %mul3A_800 = arith.constant 3136 : i32
      %mul3A_801 = arith.muli %select_n3A, %mul3A_800 : i32
      %add3A_802 = arith.constant 0 : i32
      %add3A_803 = arith.addi %mul3A_499, %add3A_802 : i32
      %get3A_804 = arith.index_cast %add3A_803 : i32 to index
      %get3A_805 = tpu.vector_load %arg8[%get3A_804] {strides = array<i32>} : memref<2048xf32, #tpu.memory_space<vmem>>, vector<16xf32>,
      %mul3A_806 = arith.constant 5.500000e+01 : f32
      %mul3A_807 = vector.broadcast %mul3A_806 : f32 to vector<16xf32>
      %mul3A_808 = arith.mulf %get3A_805, %mul3A_807 : vector<16xf32>
      %get3A_809 = arith.index_cast %add3A_803 : i32 to index
      %get3A_810 = tpu.vector_load %arg9[%get3A_809] {strides = array<i32>} : memref<2048xf32, #tpu.memory_space<vmem>>, vector<16xf32>,
      %mul3A_811 = arith.constant 5.500000e+01 : f32
      %mul3A_812 = vector.broadcast %mul3A_811 : f32 to vector<16xf32>
      %mul3A_813 = arith.mulf %get3A_810, %mul3A_812 : vector<16xf32>
      %convert_element_type3A_814 = arith.fptosi %mul3A_808 : vector<16xf32> to vector<16xi32>
      %min3A_815 = arith.constant 54 : i32
      %min3A_816 = vector.broadcast %min3A_815 : i32 to vector<16xi32>
      %min3A_817 = arith.minsi %convert_element_type3A_814, %min3A_816 : vector<16xi32>
      %convert_element_type3A_818 = arith.fptosi %mul3A_813 : vector<16xf32> to vector<16xi32>
      %min3A_819 = arith.constant 54 : i32
      %min3A_820 = vector.broadcast %min3A_819 : i32 to vector<16xi32>
      %min3A_821 = arith.minsi %convert_element_type3A_818, %min3A_820 : vector<16xi32>
      %convert_element_type3A_822 = arith.sitofp %min3A_817 : vector<16xi32> to vector<16xf32>
      %sub3A_823 = arith.subf %mul3A_808, %convert_element_type3A_822 : vector<16xf32>
      %convert_element_type3A_824 = arith.sitofp %min3A_821 : vector<16xi32> to vector<16xf32>
      %sub3A_825 = arith.subf %mul3A_813, %convert_element_type3A_824 : vector<16xf32>
      %mul3A_826 = arith.constant 56 : i32
      %mul3A_827 = vector.broadcast %mul3A_826 : i32 to vector<16xi32>
      %mul3A_828 = arith.muli %min3A_821, %mul3A_827 : vector<16xi32>
      %add3A_829 = arith.addi %mul3A_828, %min3A_817 : vector<16xi32>
      %add3A_830 = vector.broadcast %mul3A_801 : i32 to vector<16xi32>
      %add3A_831 = arith.addi %add3A_829, %add3A_830 : vector<16xi32>
      %swap3A_832 = arith.constant 0 : index
      %swap3A_833 = tpu.vector_load %arg30[%swap3A_832] {strides = array<i32>} : memref<32xi32, #tpu.memory_space<vmem>>, vector<16xi32>,
      tpu.vector_store %arg30[%swap3A_832], %add3A_831 {strides = array<i32>} : memref<32xi32, #tpu.memory_space<vmem>>, vector<16xi32>,
      %add3A_834 = arith.constant 1 : i32
      %add3A_835 = vector.broadcast %add3A_834 : i32 to vector<16xi32>
      %add3A_836 = arith.addi %add3A_831, %add3A_835 : vector<16xi32>
      %swap3A_837 = arith.constant 0 : index
      %swap3A_838 = tpu.vector_load %arg31[%swap3A_837] {strides = array<i32>} : memref<32xi32, #tpu.memory_space<vmem>>, vector<16xi32>,
      tpu.vector_store %arg31[%swap3A_837], %add3A_836 {strides = array<i32>} : memref<32xi32, #tpu.memory_space<vmem>>, vector<16xi32>,
      %add3A_839 = arith.constant 56 : i32
      %add3A_840 = vector.broadcast %add3A_839 : i32 to vector<16xi32>
      %add3A_841 = arith.addi %add3A_831, %add3A_840 : vector<16xi32>
      %swap3A_842 = arith.constant 0 : index
      %swap3A_843 = tpu.vector_load %arg32[%swap3A_842] {strides = array<i32>} : memref<32xi32, #tpu.memory_space<vmem>>, vector<16xi32>,
      tpu.vector_store %arg32[%swap3A_842], %add3A_841 {strides = array<i32>} : memref<32xi32, #tpu.memory_space<vmem>>, vector<16xi32>,
      %add3A_844 = arith.constant 56 : i32
      %add3A_845 = vector.broadcast %add3A_844 : i32 to vector<16xi32>
      %add3A_846 = arith.addi %add3A_831, %add3A_845 : vector<16xi32>
      %add3A_847 = arith.constant 1 : i32
      %add3A_848 = vector.broadcast %add3A_847 : i32 to vector<16xi32>
      %add3A_849 = arith.addi %add3A_846, %add3A_848 : vector<16xi32>
      %swap3A_850 = arith.constant 0 : index
      %swap3A_851 = tpu.vector_load %arg33[%swap3A_850] {strides = array<i32>} : memref<32xi32, #tpu.memory_space<vmem>>, vector<16xi32>,
      tpu.vector_store %arg33[%swap3A_850], %add3A_849 {strides = array<i32>} : memref<32xi32, #tpu.memory_space<vmem>>, vector<16xi32>,
      %sub3A_852 = arith.constant 1.000000e+00 : f32
      %sub3A_853 = vector.broadcast %sub3A_852 : f32 to vector<16xf32>
      %sub3A_854 = arith.subf %sub3A_853, %sub3A_823 : vector<16xf32>
      %sub3A_855 = arith.constant 1.000000e+00 : f32
      %sub3A_856 = vector.broadcast %sub3A_855 : f32 to vector<16xf32>
      %sub3A_857 = arith.subf %sub3A_856, %sub3A_825 : vector<16xf32>
      %mul3A_858 = arith.mulf %sub3A_854, %sub3A_857 : vector<16xf32>
      %swap3A_859 = arith.constant 0 : index
      %swap3A_860 = tpu.vector_load %arg54[%swap3A_859] {strides = array<i32>} : memref<32xf32, #tpu.memory_space<vmem>>, vector<16xf32>,
      tpu.vector_store %arg54[%swap3A_859], %mul3A_858 {strides = array<i32>} : memref<32xf32, #tpu.memory_space<vmem>>, vector<16xf32>,
      %sub3A_861 = arith.constant 1.000000e+00 : f32
      %sub3A_862 = vector.broadcast %sub3A_861 : f32 to vector<16xf32>
      %sub3A_863 = arith.subf %sub3A_862, %sub3A_825 : vector<16xf32>
      %mul3A_864 = arith.mulf %sub3A_823, %sub3A_863 : vector<16xf32>
      %swap3A_865 = arith.constant 0 : index
      %swap3A_866 = tpu.vector_load %arg55[%swap3A_865] {strides = array<i32>} : memref<32xf32, #tpu.memory_space<vmem>>, vector<16xf32>,
      tpu.vector_store %arg55[%swap3A_865], %mul3A_864 {strides = array<i32>} : memref<32xf32, #tpu.memory_space<vmem>>, vector<16xf32>,
      %sub3A_867 = arith.constant 1.000000e+00 : f32
      %sub3A_868 = vector.broadcast %sub3A_867 : f32 to vector<16xf32>
      %sub3A_869 = arith.subf %sub3A_868, %sub3A_823 : vector<16xf32>
      %mul3A_870 = arith.mulf %sub3A_869, %sub3A_825 : vector<16xf32>
      %swap3A_871 = arith.constant 0 : index
      %swap3A_872 = tpu.vector_load %arg56[%swap3A_871] {strides = array<i32>} : memref<32xf32, #tpu.memory_space<vmem>>, vector<16xf32>,
      tpu.vector_store %arg56[%swap3A_871], %mul3A_870 {strides = array<i32>} : memref<32xf32, #tpu.memory_space<vmem>>, vector<16xf32>,
      %mul3A_873 = arith.mulf %sub3A_823, %sub3A_825 : vector<16xf32>
      %swap3A_874 = arith.constant 0 : index
      %swap3A_875 = tpu.vector_load %arg57[%swap3A_874] {strides = array<i32>} : memref<32xf32, #tpu.memory_space<vmem>>, vector<16xf32>,
      tpu.vector_store %arg57[%swap3A_874], %mul3A_873 {strides = array<i32>} : memref<32xf32, #tpu.memory_space<vmem>>, vector<16xf32>,
      %add3A_876 = arith.constant 16 : i32
      %add3A_877 = arith.addi %mul3A_499, %add3A_876 : i32
      %get3A_878 = arith.index_cast %add3A_877 : i32 to index
      %get3A_879 = tpu.vector_load %arg8[%get3A_878] {strides = array<i32>} : memref<2048xf32, #tpu.memory_space<vmem>>, vector<16xf32>,
      %mul3A_880 = arith.constant 5.500000e+01 : f32
      %mul3A_881 = vector.broadcast %mul3A_880 : f32 to vector<16xf32>
      %mul3A_882 = arith.mulf %get3A_879, %mul3A_881 : vector<16xf32>
      %get3A_883 = arith.index_cast %add3A_877 : i32 to index
      %get3A_884 = tpu.vector_load %arg9[%get3A_883] {strides = array<i32>} : memref<2048xf32, #tpu.memory_space<vmem>>, vector<16xf32>,
      %mul3A_885 = arith.constant 5.500000e+01 : f32
      %mul3A_886 = vector.broadcast %mul3A_885 : f32 to vector<16xf32>
      %mul3A_887 = arith.mulf %get3A_884, %mul3A_886 : vector<16xf32>
      %convert_element_type3A_888 = arith.fptosi %mul3A_882 : vector<16xf32> to vector<16xi32>
      %min3A_889 = arith.constant 54 : i32
      %min3A_890 = vector.broadcast %min3A_889 : i32 to vector<16xi32>
      %min3A_891 = arith.minsi %convert_element_type3A_888, %min3A_890 : vector<16xi32>
      %convert_element_type3A_892 = arith.fptosi %mul3A_887 : vector<16xf32> to vector<16xi32>
      %min3A_893 = arith.constant 54 : i32
      %min3A_894 = vector.broadcast %min3A_893 : i32 to vector<16xi32>
      %min3A_895 = arith.minsi %convert_element_type3A_892, %min3A_894 : vector<16xi32>
      %convert_element_type3A_896 = arith.sitofp %min3A_891 : vector<16xi32> to vector<16xf32>
      %sub3A_897 = arith.subf %mul3A_882, %convert_element_type3A_896 : vector<16xf32>
      %convert_element_type3A_898 = arith.sitofp %min3A_895 : vector<16xi32> to vector<16xf32>
      %sub3A_899 = arith.subf %mul3A_887, %convert_element_type3A_898 : vector<16xf32>
      %mul3A_900 = arith.constant 56 : i32
      %mul3A_901 = vector.broadcast %mul3A_900 : i32 to vector<16xi32>
      %mul3A_902 = arith.muli %min3A_895, %mul3A_901 : vector<16xi32>
      %add3A_903 = arith.addi %mul3A_902, %min3A_891 : vector<16xi32>
      %add3A_904 = vector.broadcast %mul3A_801 : i32 to vector<16xi32>
      %add3A_905 = arith.addi %add3A_903, %add3A_904 : vector<16xi32>
      %swap3A_906 = arith.constant 16 : index
      %swap3A_907 = tpu.vector_load %arg30[%swap3A_906] {strides = array<i32>} : memref<32xi32, #tpu.memory_space<vmem>>, vector<16xi32>,
      tpu.vector_store %arg30[%swap3A_906], %add3A_905 {strides = array<i32>} : memref<32xi32, #tpu.memory_space<vmem>>, vector<16xi32>,
      %add3A_908 = arith.constant 1 : i32
      %add3A_909 = vector.broadcast %add3A_908 : i32 to vector<16xi32>
      %add3A_910 = arith.addi %add3A_905, %add3A_909 : vector<16xi32>
      %swap3A_911 = arith.constant 16 : index
      %swap3A_912 = tpu.vector_load %arg31[%swap3A_911] {strides = array<i32>} : memref<32xi32, #tpu.memory_space<vmem>>, vector<16xi32>,
      tpu.vector_store %arg31[%swap3A_911], %add3A_910 {strides = array<i32>} : memref<32xi32, #tpu.memory_space<vmem>>, vector<16xi32>,
      %add3A_913 = arith.constant 56 : i32
      %add3A_914 = vector.broadcast %add3A_913 : i32 to vector<16xi32>
      %add3A_915 = arith.addi %add3A_905, %add3A_914 : vector<16xi32>
      %swap3A_916 = arith.constant 16 : index
      %swap3A_917 = tpu.vector_load %arg32[%swap3A_916] {strides = array<i32>} : memref<32xi32, #tpu.memory_space<vmem>>, vector<16xi32>,
      tpu.vector_store %arg32[%swap3A_916], %add3A_915 {strides = array<i32>} : memref<32xi32, #tpu.memory_space<vmem>>, vector<16xi32>,
      %add3A_918 = arith.constant 56 : i32
      %add3A_919 = vector.broadcast %add3A_918 : i32 to vector<16xi32>
      %add3A_920 = arith.addi %add3A_905, %add3A_919 : vector<16xi32>
      %add3A_921 = arith.constant 1 : i32
      %add3A_922 = vector.broadcast %add3A_921 : i32 to vector<16xi32>
      %add3A_923 = arith.addi %add3A_920, %add3A_922 : vector<16xi32>
      %swap3A_924 = arith.constant 16 : index
      %swap3A_925 = tpu.vector_load %arg33[%swap3A_924] {strides = array<i32>} : memref<32xi32, #tpu.memory_space<vmem>>, vector<16xi32>,
      tpu.vector_store %arg33[%swap3A_924], %add3A_923 {strides = array<i32>} : memref<32xi32, #tpu.memory_space<vmem>>, vector<16xi32>,
      %sub3A_926 = arith.constant 1.000000e+00 : f32
      %sub3A_927 = vector.broadcast %sub3A_926 : f32 to vector<16xf32>
      %sub3A_928 = arith.subf %sub3A_927, %sub3A_897 : vector<16xf32>
      %sub3A_929 = arith.constant 1.000000e+00 : f32
      %sub3A_930 = vector.broadcast %sub3A_929 : f32 to vector<16xf32>
      %sub3A_931 = arith.subf %sub3A_930, %sub3A_899 : vector<16xf32>
      %mul3A_932 = arith.mulf %sub3A_928, %sub3A_931 : vector<16xf32>
      %swap3A_933 = arith.constant 16 : index
      %swap3A_934 = tpu.vector_load %arg54[%swap3A_933] {strides = array<i32>} : memref<32xf32, #tpu.memory_space<vmem>>, vector<16xf32>,
      tpu.vector_store %arg54[%swap3A_933], %mul3A_932 {strides = array<i32>} : memref<32xf32, #tpu.memory_space<vmem>>, vector<16xf32>,
      %sub3A_935 = arith.constant 1.000000e+00 : f32
      %sub3A_936 = vector.broadcast %sub3A_935 : f32 to vector<16xf32>
      %sub3A_937 = arith.subf %sub3A_936, %sub3A_899 : vector<16xf32>
      %mul3A_938 = arith.mulf %sub3A_897, %sub3A_937 : vector<16xf32>
      %swap3A_939 = arith.constant 16 : index
      %swap3A_940 = tpu.vector_load %arg55[%swap3A_939] {strides = array<i32>} : memref<32xf32, #tpu.memory_space<vmem>>, vector<16xf32>,
      tpu.vector_store %arg55[%swap3A_939], %mul3A_938 {strides = array<i32>} : memref<32xf32, #tpu.memory_space<vmem>>, vector<16xf32>,
      %sub3A_941 = arith.constant 1.000000e+00 : f32
      %sub3A_942 = vector.broadcast %sub3A_941 : f32 to vector<16xf32>
      %sub3A_943 = arith.subf %sub3A_942, %sub3A_897 : vector<16xf32>
      %mul3A_944 = arith.mulf %sub3A_943, %sub3A_899 : vector<16xf32>
      %swap3A_945 = arith.constant 16 : index
      %swap3A_946 = tpu.vector_load %arg56[%swap3A_945] {strides = array<i32>} : memref<32xf32, #tpu.memory_space<vmem>>, vector<16xf32>,
      tpu.vector_store %arg56[%swap3A_945], %mul3A_944 {strides = array<i32>} : memref<32xf32, #tpu.memory_space<vmem>>, vector<16xf32>,
      %mul3A_947 = arith.mulf %sub3A_897, %sub3A_899 : vector<16xf32>
      %swap3A_948 = arith.constant 16 : index
      %swap3A_949 = tpu.vector_load %arg57[%swap3A_948] {strides = array<i32>} : memref<32xf32, #tpu.memory_space<vmem>>, vector<16xf32>,
      tpu.vector_store %arg57[%swap3A_948], %mul3A_947 {strides = array<i32>} : memref<32xf32, #tpu.memory_space<vmem>>, vector<16xf32>,
      %dma_start3A_950 = arith.constant 0 : i32
      %dma_start3A_951 = arith.constant 0 : i32
      %dma_start3A_952 = tpu.memref_slice %arg2[%dma_start3A_950, %dma_start3A_951] : memref<200704x128xf32, #tpu.memory_space<hbm>> -> memref<200704x128xf32, #tpu.memory_space<hbm>>
      tpu.enqueue_indirect_dma source(%dma_start3A_952 : memref<200704x128xf32, #tpu.memory_space<hbm>>) target(%arg70 : memref<32x128xf32, #tpu.memory_space<vmem>>) offsets(%arg22 : memref<32xi32, #tpu.memory_space<vmem>>) semaphore(%arg84 : memref<!tpu.dma_semaphore, #tpu.memory_space<semaphore_mem>>)
      %dma_start3A_953 = arith.constant 0 : i32
      %dma_start3A_954 = arith.constant 0 : i32
      %dma_start3A_955 = tpu.memref_slice %arg2[%dma_start3A_953, %dma_start3A_954] : memref<200704x128xf32, #tpu.memory_space<hbm>> -> memref<200704x128xf32, #tpu.memory_space<hbm>>
      tpu.enqueue_indirect_dma source(%dma_start3A_955 : memref<200704x128xf32, #tpu.memory_space<hbm>>) target(%arg71 : memref<32x128xf32, #tpu.memory_space<vmem>>) offsets(%arg23 : memref<32xi32, #tpu.memory_space<vmem>>) semaphore(%arg84 : memref<!tpu.dma_semaphore, #tpu.memory_space<semaphore_mem>>)
      %dma_start3A_956 = arith.constant 0 : i32
      %dma_start3A_957 = arith.constant 0 : i32
      %dma_start3A_958 = tpu.memref_slice %arg2[%dma_start3A_956, %dma_start3A_957] : memref<200704x128xf32, #tpu.memory_space<hbm>> -> memref<200704x128xf32, #tpu.memory_space<hbm>>
      tpu.enqueue_indirect_dma source(%dma_start3A_958 : memref<200704x128xf32, #tpu.memory_space<hbm>>) target(%arg72 : memref<32x128xf32, #tpu.memory_space<vmem>>) offsets(%arg24 : memref<32xi32, #tpu.memory_space<vmem>>) semaphore(%arg84 : memref<!tpu.dma_semaphore, #tpu.memory_space<semaphore_mem>>)
      %dma_start3A_959 = arith.constant 0 : i32
      %dma_start3A_960 = arith.constant 0 : i32
      %dma_start3A_961 = tpu.memref_slice %arg2[%dma_start3A_959, %dma_start3A_960] : memref<200704x128xf32, #tpu.memory_space<hbm>> -> memref<200704x128xf32, #tpu.memory_space<hbm>>
      tpu.enqueue_indirect_dma source(%dma_start3A_961 : memref<200704x128xf32, #tpu.memory_space<hbm>>) target(%arg73 : memref<32x128xf32, #tpu.memory_space<vmem>>) offsets(%arg25 : memref<32xi32, #tpu.memory_space<vmem>>) semaphore(%arg84 : memref<!tpu.dma_semaphore, #tpu.memory_space<semaphore_mem>>)
      %dma_start3A_962 = arith.constant 0 : i32
      %dma_start3A_963 = arith.constant 0 : i32
      %dma_start3A_964 = tpu.memref_slice %arg3[%dma_start3A_962, %dma_start3A_963] : memref<50176x128xf32, #tpu.memory_space<hbm>> -> memref<50176x128xf32, #tpu.memory_space<hbm>>
      tpu.enqueue_indirect_dma source(%dma_start3A_964 : memref<50176x128xf32, #tpu.memory_space<hbm>>) target(%arg74 : memref<32x128xf32, #tpu.memory_space<vmem>>) offsets(%arg26 : memref<32xi32, #tpu.memory_space<vmem>>) semaphore(%arg84 : memref<!tpu.dma_semaphore, #tpu.memory_space<semaphore_mem>>)
      %dma_start3A_965 = arith.constant 0 : i32
      %dma_start3A_966 = arith.constant 0 : i32
      %dma_start3A_967 = tpu.memref_slice %arg3[%dma_start3A_965, %dma_start3A_966] : memref<50176x128xf32, #tpu.memory_space<hbm>> -> memref<50176x128xf32, #tpu.memory_space<hbm>>
      tpu.enqueue_indirect_dma source(%dma_start3A_967 : memref<50176x128xf32, #tpu.memory_space<hbm>>) target(%arg75 : memref<32x128xf32, #tpu.memory_space<vmem>>) offsets(%arg27 : memref<32xi32, #tpu.memory_space<vmem>>) semaphore(%arg84 : memref<!tpu.dma_semaphore, #tpu.memory_space<semaphore_mem>>)
      %dma_start3A_968 = arith.constant 0 : i32
      %dma_start3A_969 = arith.constant 0 : i32
      %dma_start3A_970 = tpu.memref_slice %arg3[%dma_start3A_968, %dma_start3A_969] : memref<50176x128xf32, #tpu.memory_space<hbm>> -> memref<50176x128xf32, #tpu.memory_space<hbm>>
      tpu.enqueue_indirect_dma source(%dma_start3A_970 : memref<50176x128xf32, #tpu.memory_space<hbm>>) target(%arg76 : memref<32x128xf32, #tpu.memory_space<vmem>>) offsets(%arg28 : memref<32xi32, #tpu.memory_space<vmem>>) semaphore(%arg84 : memref<!tpu.dma_semaphore, #tpu.memory_space<semaphore_mem>>)
      %dma_start3A_971 = arith.constant 0 : i32
      %dma_start3A_972 = arith.constant 0 : i32
      %dma_start3A_973 = tpu.memref_slice %arg3[%dma_start3A_971, %dma_start3A_972] : memref<50176x128xf32, #tpu.memory_space<hbm>> -> memref<50176x128xf32, #tpu.memory_space<hbm>>
      tpu.enqueue_indirect_dma source(%dma_start3A_973 : memref<50176x128xf32, #tpu.memory_space<hbm>>) target(%arg77 : memref<32x128xf32, #tpu.memory_space<vmem>>) offsets(%arg29 : memref<32xi32, #tpu.memory_space<vmem>>) semaphore(%arg84 : memref<!tpu.dma_semaphore, #tpu.memory_space<semaphore_mem>>)
      %dma_start3A_974 = arith.constant 0 : i32
      %dma_start3A_975 = arith.constant 0 : i32
      %dma_start3A_976 = tpu.memref_slice %arg4[%dma_start3A_974, %dma_start3A_975] : memref<12544x128xf32, #tpu.memory_space<hbm>> -> memref<12544x128xf32, #tpu.memory_space<hbm>>
      tpu.enqueue_indirect_dma source(%dma_start3A_976 : memref<12544x128xf32, #tpu.memory_space<hbm>>) target(%arg78 : memref<32x128xf32, #tpu.memory_space<vmem>>) offsets(%arg30 : memref<32xi32, #tpu.memory_space<vmem>>) semaphore(%arg84 : memref<!tpu.dma_semaphore, #tpu.memory_space<semaphore_mem>>)
      %dma_start3A_977 = arith.constant 0 : i32
      %dma_start3A_978 = arith.constant 0 : i32
      %dma_start3A_979 = tpu.memref_slice %arg4[%dma_start3A_977, %dma_start3A_978] : memref<12544x128xf32, #tpu.memory_space<hbm>> -> memref<12544x128xf32, #tpu.memory_space<hbm>>
      tpu.enqueue_indirect_dma source(%dma_start3A_979 : memref<12544x128xf32, #tpu.memory_space<hbm>>) target(%arg79 : memref<32x128xf32, #tpu.memory_space<vmem>>) offsets(%arg31 : memref<32xi32, #tpu.memory_space<vmem>>) semaphore(%arg84 : memref<!tpu.dma_semaphore, #tpu.memory_space<semaphore_mem>>)
      %dma_start3A_980 = arith.constant 0 : i32
      %dma_start3A_981 = arith.constant 0 : i32
      %dma_start3A_982 = tpu.memref_slice %arg4[%dma_start3A_980, %dma_start3A_981] : memref<12544x128xf32, #tpu.memory_space<hbm>> -> memref<12544x128xf32, #tpu.memory_space<hbm>>
      tpu.enqueue_indirect_dma source(%dma_start3A_982 : memref<12544x128xf32, #tpu.memory_space<hbm>>) target(%arg80 : memref<32x128xf32, #tpu.memory_space<vmem>>) offsets(%arg32 : memref<32xi32, #tpu.memory_space<vmem>>) semaphore(%arg84 : memref<!tpu.dma_semaphore, #tpu.memory_space<semaphore_mem>>)
      %dma_start3A_983 = arith.constant 0 : i32
      %dma_start3A_984 = arith.constant 0 : i32
      %dma_start3A_985 = tpu.memref_slice %arg4[%dma_start3A_983, %dma_start3A_984] : memref<12544x128xf32, #tpu.memory_space<hbm>> -> memref<12544x128xf32, #tpu.memory_space<hbm>>
      tpu.enqueue_indirect_dma source(%dma_start3A_985 : memref<12544x128xf32, #tpu.memory_space<hbm>>) target(%arg81 : memref<32x128xf32, #tpu.memory_space<vmem>>) offsets(%arg33 : memref<32xi32, #tpu.memory_space<vmem>>) semaphore(%arg84 : memref<!tpu.dma_semaphore, #tpu.memory_space<semaphore_mem>>)
      %dma_wait3A = arith.constant 0 : i32
      %dma_wait3A_986 = arith.constant 0 : i32
      %dma_wait3A_987 = tpu.memref_slice %arg2[%dma_wait3A, %dma_wait3A_986] : memref<200704x128xf32, #tpu.memory_space<hbm>> -> memref<200704x128xf32, #tpu.memory_space<hbm>>
      tpu.wait_indirect_dma semaphore(%arg83 : memref<!tpu.dma_semaphore, #tpu.memory_space<semaphore_mem>>) src(%dma_wait3A_987 : memref<200704x128xf32, #tpu.memory_space<hbm>>) dst(%arg58 : memref<32x128xf32, #tpu.memory_space<vmem>>)
      %dma_wait3A_988 = arith.constant 0 : i32
      %dma_wait3A_989 = arith.constant 0 : i32
      %dma_wait3A_990 = tpu.memref_slice %arg2[%dma_wait3A_988, %dma_wait3A_989] : memref<200704x128xf32, #tpu.memory_space<hbm>> -> memref<200704x128xf32, #tpu.memory_space<hbm>>
      tpu.wait_indirect_dma semaphore(%arg83 : memref<!tpu.dma_semaphore, #tpu.memory_space<semaphore_mem>>) src(%dma_wait3A_990 : memref<200704x128xf32, #tpu.memory_space<hbm>>) dst(%arg59 : memref<32x128xf32, #tpu.memory_space<vmem>>)
      %dma_wait3A_991 = arith.constant 0 : i32
      %dma_wait3A_992 = arith.constant 0 : i32
      %dma_wait3A_993 = tpu.memref_slice %arg2[%dma_wait3A_991, %dma_wait3A_992] : memref<200704x128xf32, #tpu.memory_space<hbm>> -> memref<200704x128xf32, #tpu.memory_space<hbm>>
      tpu.wait_indirect_dma semaphore(%arg83 : memref<!tpu.dma_semaphore, #tpu.memory_space<semaphore_mem>>) src(%dma_wait3A_993 : memref<200704x128xf32, #tpu.memory_space<hbm>>) dst(%arg60 : memref<32x128xf32, #tpu.memory_space<vmem>>)
      %dma_wait3A_994 = arith.constant 0 : i32
      %dma_wait3A_995 = arith.constant 0 : i32
      %dma_wait3A_996 = tpu.memref_slice %arg2[%dma_wait3A_994, %dma_wait3A_995] : memref<200704x128xf32, #tpu.memory_space<hbm>> -> memref<200704x128xf32, #tpu.memory_space<hbm>>
      tpu.wait_indirect_dma semaphore(%arg83 : memref<!tpu.dma_semaphore, #tpu.memory_space<semaphore_mem>>) src(%dma_wait3A_996 : memref<200704x128xf32, #tpu.memory_space<hbm>>) dst(%arg61 : memref<32x128xf32, #tpu.memory_space<vmem>>)
      %dma_wait3A_997 = arith.constant 0 : i32
      %dma_wait3A_998 = arith.constant 0 : i32
      %dma_wait3A_999 = tpu.memref_slice %arg3[%dma_wait3A_997, %dma_wait3A_998] : memref<50176x128xf32, #tpu.memory_space<hbm>> -> memref<50176x128xf32, #tpu.memory_space<hbm>>
      tpu.wait_indirect_dma semaphore(%arg83 : memref<!tpu.dma_semaphore, #tpu.memory_space<semaphore_mem>>) src(%dma_wait3A_999 : memref<50176x128xf32, #tpu.memory_space<hbm>>) dst(%arg62 : memref<32x128xf32, #tpu.memory_space<vmem>>)
      %dma_wait3A_1000 = arith.constant 0 : i32
      %dma_wait3A_1001 = arith.constant 0 : i32
      %dma_wait3A_1002 = tpu.memref_slice %arg3[%dma_wait3A_1000, %dma_wait3A_1001] : memref<50176x128xf32, #tpu.memory_space<hbm>> -> memref<50176x128xf32, #tpu.memory_space<hbm>>
      tpu.wait_indirect_dma semaphore(%arg83 : memref<!tpu.dma_semaphore, #tpu.memory_space<semaphore_mem>>) src(%dma_wait3A_1002 : memref<50176x128xf32, #tpu.memory_space<hbm>>) dst(%arg63 : memref<32x128xf32, #tpu.memory_space<vmem>>)
      %dma_wait3A_1003 = arith.constant 0 : i32
      %dma_wait3A_1004 = arith.constant 0 : i32
      %dma_wait3A_1005 = tpu.memref_slice %arg3[%dma_wait3A_1003, %dma_wait3A_1004] : memref<50176x128xf32, #tpu.memory_space<hbm>> -> memref<50176x128xf32, #tpu.memory_space<hbm>>
      tpu.wait_indirect_dma semaphore(%arg83 : memref<!tpu.dma_semaphore, #tpu.memory_space<semaphore_mem>>) src(%dma_wait3A_1005 : memref<50176x128xf32, #tpu.memory_space<hbm>>) dst(%arg64 : memref<32x128xf32, #tpu.memory_space<vmem>>)
      %dma_wait3A_1006 = arith.constant 0 : i32
      %dma_wait3A_1007 = arith.constant 0 : i32
      %dma_wait3A_1008 = tpu.memref_slice %arg3[%dma_wait3A_1006, %dma_wait3A_1007] : memref<50176x128xf32, #tpu.memory_space<hbm>> -> memref<50176x128xf32, #tpu.memory_space<hbm>>
      tpu.wait_indirect_dma semaphore(%arg83 : memref<!tpu.dma_semaphore, #tpu.memory_space<semaphore_mem>>) src(%dma_wait3A_1008 : memref<50176x128xf32, #tpu.memory_space<hbm>>) dst(%arg65 : memref<32x128xf32, #tpu.memory_space<vmem>>)
      %dma_wait3A_1009 = arith.constant 0 : i32
      %dma_wait3A_1010 = arith.constant 0 : i32
      %dma_wait3A_1011 = tpu.memref_slice %arg4[%dma_wait3A_1009, %dma_wait3A_1010] : memref<12544x128xf32, #tpu.memory_space<hbm>> -> memref<12544x128xf32, #tpu.memory_space<hbm>>
      tpu.wait_indirect_dma semaphore(%arg83 : memref<!tpu.dma_semaphore, #tpu.memory_space<semaphore_mem>>) src(%dma_wait3A_1011 : memref<12544x128xf32, #tpu.memory_space<hbm>>) dst(%arg66 : memref<32x128xf32, #tpu.memory_space<vmem>>)
      %dma_wait3A_1012 = arith.constant 0 : i32
      %dma_wait3A_1013 = arith.constant 0 : i32
      %dma_wait3A_1014 = tpu.memref_slice %arg4[%dma_wait3A_1012, %dma_wait3A_1013] : memref<12544x128xf32, #tpu.memory_space<hbm>> -> memref<12544x128xf32, #tpu.memory_space<hbm>>
      tpu.wait_indirect_dma semaphore(%arg83 : memref<!tpu.dma_semaphore, #tpu.memory_space<semaphore_mem>>) src(%dma_wait3A_1014 : memref<12544x128xf32, #tpu.memory_space<hbm>>) dst(%arg67 : memref<32x128xf32, #tpu.memory_space<vmem>>)
      %dma_wait3A_1015 = arith.constant 0 : i32
      %dma_wait3A_1016 = arith.constant 0 : i32
      %dma_wait3A_1017 = tpu.memref_slice %arg4[%dma_wait3A_1015, %dma_wait3A_1016] : memref<12544x128xf32, #tpu.memory_space<hbm>> -> memref<12544x128xf32, #tpu.memory_space<hbm>>
      tpu.wait_indirect_dma semaphore(%arg83 : memref<!tpu.dma_semaphore, #tpu.memory_space<semaphore_mem>>) src(%dma_wait3A_1017 : memref<12544x128xf32, #tpu.memory_space<hbm>>) dst(%arg68 : memref<32x128xf32, #tpu.memory_space<vmem>>)
      %dma_wait3A_1018 = arith.constant 0 : i32
      %dma_wait3A_1019 = arith.constant 0 : i32
      %dma_wait3A_1020 = tpu.memref_slice %arg4[%dma_wait3A_1018, %dma_wait3A_1019] : memref<12544x128xf32, #tpu.memory_space<hbm>> -> memref<12544x128xf32, #tpu.memory_space<hbm>>
      tpu.wait_indirect_dma semaphore(%arg83 : memref<!tpu.dma_semaphore, #tpu.memory_space<semaphore_mem>>) src(%dma_wait3A_1020 : memref<12544x128xf32, #tpu.memory_space<hbm>>) dst(%arg69 : memref<32x128xf32, #tpu.memory_space<vmem>>)
      %parallel_loop3A = arith.constant 0 : i32
      %parallel_loop3A_1021 = arith.constant 32 : i32
      %parallel_loop3A_1022 = arith.constant 1 : i32
      scf.for %parallel_loop3A_1087 = %parallel_loop3A to %parallel_loop3A_1021 step %parallel_loop3A_1022  : i32 {
        %parallel_loop3A_1088 = vector.broadcast %parallel_loop3A_1087 : i32 to vector<16xi32>
        %parallel_loop3A_1089 = tpu.vector_load_idx %arg34[%parallel_loop3A_1088] : memref<32xf32, #tpu.memory_space<vmem>>[vector<16xi32>], vector<16xf32>,
        %parallel_loop3A_1090 = tpu.vector_load_idx %arg35[%parallel_loop3A_1088] : memref<32xf32, #tpu.memory_space<vmem>>[vector<16xi32>], vector<16xf32>,
        %parallel_loop3A_1091 = tpu.vector_load_idx %arg36[%parallel_loop3A_1088] : memref<32xf32, #tpu.memory_space<vmem>>[vector<16xi32>], vector<16xf32>,
        %parallel_loop3A_1092 = tpu.vector_load_idx %arg37[%parallel_loop3A_1088] : memref<32xf32, #tpu.memory_space<vmem>>[vector<16xi32>], vector<16xf32>,
        %parallel_loop3A_1093 = arith.index_cast %parallel_loop3A_1087 : i32 to index
        %parallel_loop3A_1094 = arith.constant 0 : index
        %parallel_loop3A_1095 = tpu.vector_load %arg58[%parallel_loop3A_1093, %parallel_loop3A_1094] {strides = array<i32>} : memref<32x128xf32, #tpu.memory_space<vmem>>, vector<16xf32>,
        %parallel_loop3A_1096 = arith.mulf %parallel_loop3A_1089, %parallel_loop3A_1095 : vector<16xf32>
        %parallel_loop3A_1097 = arith.index_cast %parallel_loop3A_1087 : i32 to index
        %parallel_loop3A_1098 = arith.constant 0 : index
        %parallel_loop3A_1099 = tpu.vector_load %arg59[%parallel_loop3A_1097, %parallel_loop3A_1098] {strides = array<i32>} : memref<32x128xf32, #tpu.memory_space<vmem>>, vector<16xf32>,
        %parallel_loop3A_1100 = arith.mulf %parallel_loop3A_1090, %parallel_loop3A_1099 : vector<16xf32>
        %parallel_loop3A_1101 = arith.addf %parallel_loop3A_1096, %parallel_loop3A_1100 : vector<16xf32>
        %parallel_loop3A_1102 = arith.index_cast %parallel_loop3A_1087 : i32 to index
        %parallel_loop3A_1103 = arith.constant 0 : index
        %parallel_loop3A_1104 = tpu.vector_load %arg60[%parallel_loop3A_1102, %parallel_loop3A_1103] {strides = array<i32>} : memref<32x128xf32, #tpu.memory_space<vmem>>, vector<16xf32>,
        %parallel_loop3A_1105 = arith.mulf %parallel_loop3A_1091, %parallel_loop3A_1104 : vector<16xf32>
        %parallel_loop3A_1106 = arith.addf %parallel_loop3A_1101, %parallel_loop3A_1105 : vector<16xf32>
        %parallel_loop3A_1107 = arith.index_cast %parallel_loop3A_1087 : i32 to index
        %parallel_loop3A_1108 = arith.constant 0 : index
        %parallel_loop3A_1109 = tpu.vector_load %arg61[%parallel_loop3A_1107, %parallel_loop3A_1108] {strides = array<i32>} : memref<32x128xf32, #tpu.memory_space<vmem>>, vector<16xf32>,
        %parallel_loop3A_1110 = arith.mulf %parallel_loop3A_1092, %parallel_loop3A_1109 : vector<16xf32>
        %parallel_loop3A_1111 = arith.addf %parallel_loop3A_1106, %parallel_loop3A_1110 : vector<16xf32>
        %parallel_loop3A_1112 = arith.index_cast %parallel_loop3A_1087 : i32 to index
        %parallel_loop3A_1113 = arith.constant 0 : index
        %parallel_loop3A_1114 = tpu.vector_load %arg82[%parallel_loop3A_1112, %parallel_loop3A_1113] {strides = array<i32>} : memref<32x288xf32, #tpu.memory_space<vmem>>, vector<16xf32>,
        tpu.vector_store %arg82[%parallel_loop3A_1112, %parallel_loop3A_1113], %parallel_loop3A_1111 {strides = array<i32>} : memref<32x288xf32, #tpu.memory_space<vmem>>, vector<16xf32>,
        %parallel_loop3A_1115 = arith.index_cast %parallel_loop3A_1087 : i32 to index
        %parallel_loop3A_1116 = arith.constant 16 : index
        %parallel_loop3A_1117 = tpu.vector_load %arg58[%parallel_loop3A_1115, %parallel_loop3A_1116] {strides = array<i32>} : memref<32x128xf32, #tpu.memory_space<vmem>>, vector<16xf32>,
        %parallel_loop3A_1118 = arith.mulf %parallel_loop3A_1089, %parallel_loop3A_1117 : vector<16xf32>
        %parallel_loop3A_1119 = arith.index_cast %parallel_loop3A_1087 : i32 to index
        %parallel_loop3A_1120 = arith.constant 16 : index
        %parallel_loop3A_1121 = tpu.vector_load %arg59[%parallel_loop3A_1119, %parallel_loop3A_1120] {strides = array<i32>} : memref<32x128xf32, #tpu.memory_space<vmem>>, vector<16xf32>,
        %parallel_loop3A_1122 = arith.mulf %parallel_loop3A_1090, %parallel_loop3A_1121 : vector<16xf32>
        %parallel_loop3A_1123 = arith.addf %parallel_loop3A_1118, %parallel_loop3A_1122 : vector<16xf32>
        %parallel_loop3A_1124 = arith.index_cast %parallel_loop3A_1087 : i32 to index
        %parallel_loop3A_1125 = arith.constant 16 : index
        %parallel_loop3A_1126 = tpu.vector_load %arg60[%parallel_loop3A_1124, %parallel_loop3A_1125] {strides = array<i32>} : memref<32x128xf32, #tpu.memory_space<vmem>>, vector<16xf32>,
        %parallel_loop3A_1127 = arith.mulf %parallel_loop3A_1091, %parallel_loop3A_1126 : vector<16xf32>
        %parallel_loop3A_1128 = arith.addf %parallel_loop3A_1123, %parallel_loop3A_1127 : vector<16xf32>
        %parallel_loop3A_1129 = arith.index_cast %parallel_loop3A_1087 : i32 to index
        %parallel_loop3A_1130 = arith.constant 16 : index
        %parallel_loop3A_1131 = tpu.vector_load %arg61[%parallel_loop3A_1129, %parallel_loop3A_1130] {strides = array<i32>} : memref<32x128xf32, #tpu.memory_space<vmem>>, vector<16xf32>,
        %parallel_loop3A_1132 = arith.mulf %parallel_loop3A_1092, %parallel_loop3A_1131 : vector<16xf32>
        %parallel_loop3A_1133 = arith.addf %parallel_loop3A_1128, %parallel_loop3A_1132 : vector<16xf32>
        %parallel_loop3A_1134 = arith.index_cast %parallel_loop3A_1087 : i32 to index
        %parallel_loop3A_1135 = arith.constant 16 : index
        %parallel_loop3A_1136 = tpu.vector_load %arg82[%parallel_loop3A_1134, %parallel_loop3A_1135] {strides = array<i32>} : memref<32x288xf32, #tpu.memory_space<vmem>>, vector<16xf32>,
        tpu.vector_store %arg82[%parallel_loop3A_1134, %parallel_loop3A_1135], %parallel_loop3A_1133 {strides = array<i32>} : memref<32x288xf32, #tpu.memory_space<vmem>>, vector<16xf32>,
        %parallel_loop3A_1137 = arith.index_cast %parallel_loop3A_1087 : i32 to index
        %parallel_loop3A_1138 = arith.constant 32 : index
        %parallel_loop3A_1139 = tpu.vector_load %arg58[%parallel_loop3A_1137, %parallel_loop3A_1138] {strides = array<i32>} : memref<32x128xf32, #tpu.memory_space<vmem>>, vector<16xf32>,
        %parallel_loop3A_1140 = arith.mulf %parallel_loop3A_1089, %parallel_loop3A_1139 : vector<16xf32>
        %parallel_loop3A_1141 = arith.index_cast %parallel_loop3A_1087 : i32 to index
        %parallel_loop3A_1142 = arith.constant 32 : index
        %parallel_loop3A_1143 = tpu.vector_load %arg59[%parallel_loop3A_1141, %parallel_loop3A_1142] {strides = array<i32>} : memref<32x128xf32, #tpu.memory_space<vmem>>, vector<16xf32>,
        %parallel_loop3A_1144 = arith.mulf %parallel_loop3A_1090, %parallel_loop3A_1143 : vector<16xf32>
        %parallel_loop3A_1145 = arith.addf %parallel_loop3A_1140, %parallel_loop3A_1144 : vector<16xf32>
        %parallel_loop3A_1146 = arith.index_cast %parallel_loop3A_1087 : i32 to index
        %parallel_loop3A_1147 = arith.constant 32 : index
        %parallel_loop3A_1148 = tpu.vector_load %arg60[%parallel_loop3A_1146, %parallel_loop3A_1147] {strides = array<i32>} : memref<32x128xf32, #tpu.memory_space<vmem>>, vector<16xf32>,
        %parallel_loop3A_1149 = arith.mulf %parallel_loop3A_1091, %parallel_loop3A_1148 : vector<16xf32>
        %parallel_loop3A_1150 = arith.addf %parallel_loop3A_1145, %parallel_loop3A_1149 : vector<16xf32>
        %parallel_loop3A_1151 = arith.index_cast %parallel_loop3A_1087 : i32 to index
        %parallel_loop3A_1152 = arith.constant 32 : index
        %parallel_loop3A_1153 = tpu.vector_load %arg61[%parallel_loop3A_1151, %parallel_loop3A_1152] {strides = array<i32>} : memref<32x128xf32, #tpu.memory_space<vmem>>, vector<16xf32>,
        %parallel_loop3A_1154 = arith.mulf %parallel_loop3A_1092, %parallel_loop3A_1153 : vector<16xf32>
        %parallel_loop3A_1155 = arith.addf %parallel_loop3A_1150, %parallel_loop3A_1154 : vector<16xf32>
        %parallel_loop3A_1156 = arith.index_cast %parallel_loop3A_1087 : i32 to index
        %parallel_loop3A_1157 = arith.constant 32 : index
        %parallel_loop3A_1158 = tpu.vector_load %arg82[%parallel_loop3A_1156, %parallel_loop3A_1157] {strides = array<i32>} : memref<32x288xf32, #tpu.memory_space<vmem>>, vector<16xf32>,
        tpu.vector_store %arg82[%parallel_loop3A_1156, %parallel_loop3A_1157], %parallel_loop3A_1155 {strides = array<i32>} : memref<32x288xf32, #tpu.memory_space<vmem>>, vector<16xf32>,
        %parallel_loop3A_1159 = arith.index_cast %parallel_loop3A_1087 : i32 to index
        %parallel_loop3A_1160 = arith.constant 48 : index
        %parallel_loop3A_1161 = tpu.vector_load %arg58[%parallel_loop3A_1159, %parallel_loop3A_1160] {strides = array<i32>} : memref<32x128xf32, #tpu.memory_space<vmem>>, vector<16xf32>,
        %parallel_loop3A_1162 = arith.mulf %parallel_loop3A_1089, %parallel_loop3A_1161 : vector<16xf32>
        %parallel_loop3A_1163 = arith.index_cast %parallel_loop3A_1087 : i32 to index
        %parallel_loop3A_1164 = arith.constant 48 : index
        %parallel_loop3A_1165 = tpu.vector_load %arg59[%parallel_loop3A_1163, %parallel_loop3A_1164] {strides = array<i32>} : memref<32x128xf32, #tpu.memory_space<vmem>>, vector<16xf32>,
        %parallel_loop3A_1166 = arith.mulf %parallel_loop3A_1090, %parallel_loop3A_1165 : vector<16xf32>
        %parallel_loop3A_1167 = arith.addf %parallel_loop3A_1162, %parallel_loop3A_1166 : vector<16xf32>
        %parallel_loop3A_1168 = arith.index_cast %parallel_loop3A_1087 : i32 to index
        %parallel_loop3A_1169 = arith.constant 48 : index
        %parallel_loop3A_1170 = tpu.vector_load %arg60[%parallel_loop3A_1168, %parallel_loop3A_1169] {strides = array<i32>} : memref<32x128xf32, #tpu.memory_space<vmem>>, vector<16xf32>,
        %parallel_loop3A_1171 = arith.mulf %parallel_loop3A_1091, %parallel_loop3A_1170 : vector<16xf32>
        %parallel_loop3A_1172 = arith.addf %parallel_loop3A_1167, %parallel_loop3A_1171 : vector<16xf32>
        %parallel_loop3A_1173 = arith.index_cast %parallel_loop3A_1087 : i32 to index
        %parallel_loop3A_1174 = arith.constant 48 : index
        %parallel_loop3A_1175 = tpu.vector_load %arg61[%parallel_loop3A_1173, %parallel_loop3A_1174] {strides = array<i32>} : memref<32x128xf32, #tpu.memory_space<vmem>>, vector<16xf32>,
        %parallel_loop3A_1176 = arith.mulf %parallel_loop3A_1092, %parallel_loop3A_1175 : vector<16xf32>
        %parallel_loop3A_1177 = arith.addf %parallel_loop3A_1172, %parallel_loop3A_1176 : vector<16xf32>
        %parallel_loop3A_1178 = arith.index_cast %parallel_loop3A_1087 : i32 to index
        %parallel_loop3A_1179 = arith.constant 48 : index
        %parallel_loop3A_1180 = tpu.vector_load %arg82[%parallel_loop3A_1178, %parallel_loop3A_1179] {strides = array<i32>} : memref<32x288xf32, #tpu.memory_space<vmem>>, vector<16xf32>,
        tpu.vector_store %arg82[%parallel_loop3A_1178, %parallel_loop3A_1179], %parallel_loop3A_1177 {strides = array<i32>} : memref<32x288xf32, #tpu.memory_space<vmem>>, vector<16xf32>,
        %parallel_loop3A_1181 = arith.index_cast %parallel_loop3A_1087 : i32 to index
        %parallel_loop3A_1182 = arith.constant 64 : index
        %parallel_loop3A_1183 = tpu.vector_load %arg58[%parallel_loop3A_1181, %parallel_loop3A_1182] {strides = array<i32>} : memref<32x128xf32, #tpu.memory_space<vmem>>, vector<16xf32>,
        %parallel_loop3A_1184 = arith.mulf %parallel_loop3A_1089, %parallel_loop3A_1183 : vector<16xf32>
        %parallel_loop3A_1185 = arith.index_cast %parallel_loop3A_1087 : i32 to index
        %parallel_loop3A_1186 = arith.constant 64 : index
        %parallel_loop3A_1187 = tpu.vector_load %arg59[%parallel_loop3A_1185, %parallel_loop3A_1186] {strides = array<i32>} : memref<32x128xf32, #tpu.memory_space<vmem>>, vector<16xf32>,
        %parallel_loop3A_1188 = arith.mulf %parallel_loop3A_1090, %parallel_loop3A_1187 : vector<16xf32>
        %parallel_loop3A_1189 = arith.addf %parallel_loop3A_1184, %parallel_loop3A_1188 : vector<16xf32>
        %parallel_loop3A_1190 = arith.index_cast %parallel_loop3A_1087 : i32 to index
        %parallel_loop3A_1191 = arith.constant 64 : index
        %parallel_loop3A_1192 = tpu.vector_load %arg60[%parallel_loop3A_1190, %parallel_loop3A_1191] {strides = array<i32>} : memref<32x128xf32, #tpu.memory_space<vmem>>, vector<16xf32>,
        %parallel_loop3A_1193 = arith.mulf %parallel_loop3A_1091, %parallel_loop3A_1192 : vector<16xf32>
        %parallel_loop3A_1194 = arith.addf %parallel_loop3A_1189, %parallel_loop3A_1193 : vector<16xf32>
        %parallel_loop3A_1195 = arith.index_cast %parallel_loop3A_1087 : i32 to index
        %parallel_loop3A_1196 = arith.constant 64 : index
        %parallel_loop3A_1197 = tpu.vector_load %arg61[%parallel_loop3A_1195, %parallel_loop3A_1196] {strides = array<i32>} : memref<32x128xf32, #tpu.memory_space<vmem>>, vector<16xf32>,
        %parallel_loop3A_1198 = arith.mulf %parallel_loop3A_1092, %parallel_loop3A_1197 : vector<16xf32>
        %parallel_loop3A_1199 = arith.addf %parallel_loop3A_1194, %parallel_loop3A_1198 : vector<16xf32>
        %parallel_loop3A_1200 = arith.index_cast %parallel_loop3A_1087 : i32 to index
        %parallel_loop3A_1201 = arith.constant 64 : index
        %parallel_loop3A_1202 = tpu.vector_load %arg82[%parallel_loop3A_1200, %parallel_loop3A_1201] {strides = array<i32>} : memref<32x288xf32, #tpu.memory_space<vmem>>, vector<16xf32>,
        tpu.vector_store %arg82[%parallel_loop3A_1200, %parallel_loop3A_1201], %parallel_loop3A_1199 {strides = array<i32>} : memref<32x288xf32, #tpu.memory_space<vmem>>, vector<16xf32>,
        %parallel_loop3A_1203 = arith.index_cast %parallel_loop3A_1087 : i32 to index
        %parallel_loop3A_1204 = arith.constant 80 : index
        %parallel_loop3A_1205 = tpu.vector_load %arg58[%parallel_loop3A_1203, %parallel_loop3A_1204] {strides = array<i32>} : memref<32x128xf32, #tpu.memory_space<vmem>>, vector<16xf32>,
        %parallel_loop3A_1206 = arith.mulf %parallel_loop3A_1089, %parallel_loop3A_1205 : vector<16xf32>
        %parallel_loop3A_1207 = arith.index_cast %parallel_loop3A_1087 : i32 to index
        %parallel_loop3A_1208 = arith.constant 80 : index
        %parallel_loop3A_1209 = tpu.vector_load %arg59[%parallel_loop3A_1207, %parallel_loop3A_1208] {strides = array<i32>} : memref<32x128xf32, #tpu.memory_space<vmem>>, vector<16xf32>,
        %parallel_loop3A_1210 = arith.mulf %parallel_loop3A_1090, %parallel_loop3A_1209 : vector<16xf32>
        %parallel_loop3A_1211 = arith.addf %parallel_loop3A_1206, %parallel_loop3A_1210 : vector<16xf32>
        %parallel_loop3A_1212 = arith.index_cast %parallel_loop3A_1087 : i32 to index
        %parallel_loop3A_1213 = arith.constant 80 : index
        %parallel_loop3A_1214 = tpu.vector_load %arg60[%parallel_loop3A_1212, %parallel_loop3A_1213] {strides = array<i32>} : memref<32x128xf32, #tpu.memory_space<vmem>>, vector<16xf32>,
        %parallel_loop3A_1215 = arith.mulf %parallel_loop3A_1091, %parallel_loop3A_1214 : vector<16xf32>
        %parallel_loop3A_1216 = arith.addf %parallel_loop3A_1211, %parallel_loop3A_1215 : vector<16xf32>
        %parallel_loop3A_1217 = arith.index_cast %parallel_loop3A_1087 : i32 to index
        %parallel_loop3A_1218 = arith.constant 80 : index
        %parallel_loop3A_1219 = tpu.vector_load %arg61[%parallel_loop3A_1217, %parallel_loop3A_1218] {strides = array<i32>} : memref<32x128xf32, #tpu.memory_space<vmem>>, vector<16xf32>,
        %parallel_loop3A_1220 = arith.mulf %parallel_loop3A_1092, %parallel_loop3A_1219 : vector<16xf32>
        %parallel_loop3A_1221 = arith.addf %parallel_loop3A_1216, %parallel_loop3A_1220 : vector<16xf32>
        %parallel_loop3A_1222 = arith.index_cast %parallel_loop3A_1087 : i32 to index
        %parallel_loop3A_1223 = arith.constant 80 : index
        %parallel_loop3A_1224 = tpu.vector_load %arg82[%parallel_loop3A_1222, %parallel_loop3A_1223] {strides = array<i32>} : memref<32x288xf32, #tpu.memory_space<vmem>>, vector<16xf32>,
        tpu.vector_store %arg82[%parallel_loop3A_1222, %parallel_loop3A_1223], %parallel_loop3A_1221 {strides = array<i32>} : memref<32x288xf32, #tpu.memory_space<vmem>>, vector<16xf32>,
      } {sc.loop_unroll_factor = 8 : i64, sc.parallel_access}
      %parallel_loop3A_1023 = arith.constant 0 : i32
      %parallel_loop3A_1024 = arith.constant 32 : i32
      %parallel_loop3A_1025 = arith.constant 1 : i32
      scf.for %parallel_loop3A_1087 = %parallel_loop3A_1023 to %parallel_loop3A_1024 step %parallel_loop3A_1025  : i32 {
        %parallel_loop3A_1088 = vector.broadcast %parallel_loop3A_1087 : i32 to vector<16xi32>
        %parallel_loop3A_1089 = tpu.vector_load_idx %arg38[%parallel_loop3A_1088] : memref<32xf32, #tpu.memory_space<vmem>>[vector<16xi32>], vector<16xf32>,
        %parallel_loop3A_1090 = tpu.vector_load_idx %arg39[%parallel_loop3A_1088] : memref<32xf32, #tpu.memory_space<vmem>>[vector<16xi32>], vector<16xf32>,
        %parallel_loop3A_1091 = tpu.vector_load_idx %arg40[%parallel_loop3A_1088] : memref<32xf32, #tpu.memory_space<vmem>>[vector<16xi32>], vector<16xf32>,
        %parallel_loop3A_1092 = tpu.vector_load_idx %arg41[%parallel_loop3A_1088] : memref<32xf32, #tpu.memory_space<vmem>>[vector<16xi32>], vector<16xf32>,
        %parallel_loop3A_1093 = arith.index_cast %parallel_loop3A_1087 : i32 to index
        %parallel_loop3A_1094 = arith.constant 0 : index
        %parallel_loop3A_1095 = tpu.vector_load %arg62[%parallel_loop3A_1093, %parallel_loop3A_1094] {strides = array<i32>} : memref<32x128xf32, #tpu.memory_space<vmem>>, vector<16xf32>,
        %parallel_loop3A_1096 = arith.mulf %parallel_loop3A_1089, %parallel_loop3A_1095 : vector<16xf32>
        %parallel_loop3A_1097 = arith.index_cast %parallel_loop3A_1087 : i32 to index
        %parallel_loop3A_1098 = arith.constant 0 : index
        %parallel_loop3A_1099 = tpu.vector_load %arg63[%parallel_loop3A_1097, %parallel_loop3A_1098] {strides = array<i32>} : memref<32x128xf32, #tpu.memory_space<vmem>>, vector<16xf32>,
        %parallel_loop3A_1100 = arith.mulf %parallel_loop3A_1090, %parallel_loop3A_1099 : vector<16xf32>
        %parallel_loop3A_1101 = arith.addf %parallel_loop3A_1096, %parallel_loop3A_1100 : vector<16xf32>
        %parallel_loop3A_1102 = arith.index_cast %parallel_loop3A_1087 : i32 to index
        %parallel_loop3A_1103 = arith.constant 0 : index
        %parallel_loop3A_1104 = tpu.vector_load %arg64[%parallel_loop3A_1102, %parallel_loop3A_1103] {strides = array<i32>} : memref<32x128xf32, #tpu.memory_space<vmem>>, vector<16xf32>,
        %parallel_loop3A_1105 = arith.mulf %parallel_loop3A_1091, %parallel_loop3A_1104 : vector<16xf32>
        %parallel_loop3A_1106 = arith.addf %parallel_loop3A_1101, %parallel_loop3A_1105 : vector<16xf32>
        %parallel_loop3A_1107 = arith.index_cast %parallel_loop3A_1087 : i32 to index
        %parallel_loop3A_1108 = arith.constant 0 : index
        %parallel_loop3A_1109 = tpu.vector_load %arg65[%parallel_loop3A_1107, %parallel_loop3A_1108] {strides = array<i32>} : memref<32x128xf32, #tpu.memory_space<vmem>>, vector<16xf32>,
        %parallel_loop3A_1110 = arith.mulf %parallel_loop3A_1092, %parallel_loop3A_1109 : vector<16xf32>
        %parallel_loop3A_1111 = arith.addf %parallel_loop3A_1106, %parallel_loop3A_1110 : vector<16xf32>
        %parallel_loop3A_1112 = arith.index_cast %parallel_loop3A_1087 : i32 to index
        %parallel_loop3A_1113 = arith.constant 96 : index
        %parallel_loop3A_1114 = tpu.vector_load %arg82[%parallel_loop3A_1112, %parallel_loop3A_1113] {strides = array<i32>} : memref<32x288xf32, #tpu.memory_space<vmem>>, vector<16xf32>,
        tpu.vector_store %arg82[%parallel_loop3A_1112, %parallel_loop3A_1113], %parallel_loop3A_1111 {strides = array<i32>} : memref<32x288xf32, #tpu.memory_space<vmem>>, vector<16xf32>,
        %parallel_loop3A_1115 = arith.index_cast %parallel_loop3A_1087 : i32 to index
        %parallel_loop3A_1116 = arith.constant 16 : index
        %parallel_loop3A_1117 = tpu.vector_load %arg62[%parallel_loop3A_1115, %parallel_loop3A_1116] {strides = array<i32>} : memref<32x128xf32, #tpu.memory_space<vmem>>, vector<16xf32>,
        %parallel_loop3A_1118 = arith.mulf %parallel_loop3A_1089, %parallel_loop3A_1117 : vector<16xf32>
        %parallel_loop3A_1119 = arith.index_cast %parallel_loop3A_1087 : i32 to index
        %parallel_loop3A_1120 = arith.constant 16 : index
        %parallel_loop3A_1121 = tpu.vector_load %arg63[%parallel_loop3A_1119, %parallel_loop3A_1120] {strides = array<i32>} : memref<32x128xf32, #tpu.memory_space<vmem>>, vector<16xf32>,
        %parallel_loop3A_1122 = arith.mulf %parallel_loop3A_1090, %parallel_loop3A_1121 : vector<16xf32>
        %parallel_loop3A_1123 = arith.addf %parallel_loop3A_1118, %parallel_loop3A_1122 : vector<16xf32>
        %parallel_loop3A_1124 = arith.index_cast %parallel_loop3A_1087 : i32 to index
        %parallel_loop3A_1125 = arith.constant 16 : index
        %parallel_loop3A_1126 = tpu.vector_load %arg64[%parallel_loop3A_1124, %parallel_loop3A_1125] {strides = array<i32>} : memref<32x128xf32, #tpu.memory_space<vmem>>, vector<16xf32>,
        %parallel_loop3A_1127 = arith.mulf %parallel_loop3A_1091, %parallel_loop3A_1126 : vector<16xf32>
        %parallel_loop3A_1128 = arith.addf %parallel_loop3A_1123, %parallel_loop3A_1127 : vector<16xf32>
        %parallel_loop3A_1129 = arith.index_cast %parallel_loop3A_1087 : i32 to index
        %parallel_loop3A_1130 = arith.constant 16 : index
        %parallel_loop3A_1131 = tpu.vector_load %arg65[%parallel_loop3A_1129, %parallel_loop3A_1130] {strides = array<i32>} : memref<32x128xf32, #tpu.memory_space<vmem>>, vector<16xf32>,
        %parallel_loop3A_1132 = arith.mulf %parallel_loop3A_1092, %parallel_loop3A_1131 : vector<16xf32>
        %parallel_loop3A_1133 = arith.addf %parallel_loop3A_1128, %parallel_loop3A_1132 : vector<16xf32>
        %parallel_loop3A_1134 = arith.index_cast %parallel_loop3A_1087 : i32 to index
        %parallel_loop3A_1135 = arith.constant 112 : index
        %parallel_loop3A_1136 = tpu.vector_load %arg82[%parallel_loop3A_1134, %parallel_loop3A_1135] {strides = array<i32>} : memref<32x288xf32, #tpu.memory_space<vmem>>, vector<16xf32>,
        tpu.vector_store %arg82[%parallel_loop3A_1134, %parallel_loop3A_1135], %parallel_loop3A_1133 {strides = array<i32>} : memref<32x288xf32, #tpu.memory_space<vmem>>, vector<16xf32>,
        %parallel_loop3A_1137 = arith.index_cast %parallel_loop3A_1087 : i32 to index
        %parallel_loop3A_1138 = arith.constant 32 : index
        %parallel_loop3A_1139 = tpu.vector_load %arg62[%parallel_loop3A_1137, %parallel_loop3A_1138] {strides = array<i32>} : memref<32x128xf32, #tpu.memory_space<vmem>>, vector<16xf32>,
        %parallel_loop3A_1140 = arith.mulf %parallel_loop3A_1089, %parallel_loop3A_1139 : vector<16xf32>
        %parallel_loop3A_1141 = arith.index_cast %parallel_loop3A_1087 : i32 to index
        %parallel_loop3A_1142 = arith.constant 32 : index
        %parallel_loop3A_1143 = tpu.vector_load %arg63[%parallel_loop3A_1141, %parallel_loop3A_1142] {strides = array<i32>} : memref<32x128xf32, #tpu.memory_space<vmem>>, vector<16xf32>,
        %parallel_loop3A_1144 = arith.mulf %parallel_loop3A_1090, %parallel_loop3A_1143 : vector<16xf32>
        %parallel_loop3A_1145 = arith.addf %parallel_loop3A_1140, %parallel_loop3A_1144 : vector<16xf32>
        %parallel_loop3A_1146 = arith.index_cast %parallel_loop3A_1087 : i32 to index
        %parallel_loop3A_1147 = arith.constant 32 : index
        %parallel_loop3A_1148 = tpu.vector_load %arg64[%parallel_loop3A_1146, %parallel_loop3A_1147] {strides = array<i32>} : memref<32x128xf32, #tpu.memory_space<vmem>>, vector<16xf32>,
        %parallel_loop3A_1149 = arith.mulf %parallel_loop3A_1091, %parallel_loop3A_1148 : vector<16xf32>
        %parallel_loop3A_1150 = arith.addf %parallel_loop3A_1145, %parallel_loop3A_1149 : vector<16xf32>
        %parallel_loop3A_1151 = arith.index_cast %parallel_loop3A_1087 : i32 to index
        %parallel_loop3A_1152 = arith.constant 32 : index
        %parallel_loop3A_1153 = tpu.vector_load %arg65[%parallel_loop3A_1151, %parallel_loop3A_1152] {strides = array<i32>} : memref<32x128xf32, #tpu.memory_space<vmem>>, vector<16xf32>,
        %parallel_loop3A_1154 = arith.mulf %parallel_loop3A_1092, %parallel_loop3A_1153 : vector<16xf32>
        %parallel_loop3A_1155 = arith.addf %parallel_loop3A_1150, %parallel_loop3A_1154 : vector<16xf32>
        %parallel_loop3A_1156 = arith.index_cast %parallel_loop3A_1087 : i32 to index
        %parallel_loop3A_1157 = arith.constant 128 : index
        %parallel_loop3A_1158 = tpu.vector_load %arg82[%parallel_loop3A_1156, %parallel_loop3A_1157] {strides = array<i32>} : memref<32x288xf32, #tpu.memory_space<vmem>>, vector<16xf32>,
        tpu.vector_store %arg82[%parallel_loop3A_1156, %parallel_loop3A_1157], %parallel_loop3A_1155 {strides = array<i32>} : memref<32x288xf32, #tpu.memory_space<vmem>>, vector<16xf32>,
        %parallel_loop3A_1159 = arith.index_cast %parallel_loop3A_1087 : i32 to index
        %parallel_loop3A_1160 = arith.constant 48 : index
        %parallel_loop3A_1161 = tpu.vector_load %arg62[%parallel_loop3A_1159, %parallel_loop3A_1160] {strides = array<i32>} : memref<32x128xf32, #tpu.memory_space<vmem>>, vector<16xf32>,
        %parallel_loop3A_1162 = arith.mulf %parallel_loop3A_1089, %parallel_loop3A_1161 : vector<16xf32>
        %parallel_loop3A_1163 = arith.index_cast %parallel_loop3A_1087 : i32 to index
        %parallel_loop3A_1164 = arith.constant 48 : index
        %parallel_loop3A_1165 = tpu.vector_load %arg63[%parallel_loop3A_1163, %parallel_loop3A_1164] {strides = array<i32>} : memref<32x128xf32, #tpu.memory_space<vmem>>, vector<16xf32>,
        %parallel_loop3A_1166 = arith.mulf %parallel_loop3A_1090, %parallel_loop3A_1165 : vector<16xf32>
        %parallel_loop3A_1167 = arith.addf %parallel_loop3A_1162, %parallel_loop3A_1166 : vector<16xf32>
        %parallel_loop3A_1168 = arith.index_cast %parallel_loop3A_1087 : i32 to index
        %parallel_loop3A_1169 = arith.constant 48 : index
        %parallel_loop3A_1170 = tpu.vector_load %arg64[%parallel_loop3A_1168, %parallel_loop3A_1169] {strides = array<i32>} : memref<32x128xf32, #tpu.memory_space<vmem>>, vector<16xf32>,
        %parallel_loop3A_1171 = arith.mulf %parallel_loop3A_1091, %parallel_loop3A_1170 : vector<16xf32>
        %parallel_loop3A_1172 = arith.addf %parallel_loop3A_1167, %parallel_loop3A_1171 : vector<16xf32>
        %parallel_loop3A_1173 = arith.index_cast %parallel_loop3A_1087 : i32 to index
        %parallel_loop3A_1174 = arith.constant 48 : index
        %parallel_loop3A_1175 = tpu.vector_load %arg65[%parallel_loop3A_1173, %parallel_loop3A_1174] {strides = array<i32>} : memref<32x128xf32, #tpu.memory_space<vmem>>, vector<16xf32>,
        %parallel_loop3A_1176 = arith.mulf %parallel_loop3A_1092, %parallel_loop3A_1175 : vector<16xf32>
        %parallel_loop3A_1177 = arith.addf %parallel_loop3A_1172, %parallel_loop3A_1176 : vector<16xf32>
        %parallel_loop3A_1178 = arith.index_cast %parallel_loop3A_1087 : i32 to index
        %parallel_loop3A_1179 = arith.constant 144 : index
        %parallel_loop3A_1180 = tpu.vector_load %arg82[%parallel_loop3A_1178, %parallel_loop3A_1179] {strides = array<i32>} : memref<32x288xf32, #tpu.memory_space<vmem>>, vector<16xf32>,
        tpu.vector_store %arg82[%parallel_loop3A_1178, %parallel_loop3A_1179], %parallel_loop3A_1177 {strides = array<i32>} : memref<32x288xf32, #tpu.memory_space<vmem>>, vector<16xf32>,
        %parallel_loop3A_1181 = arith.index_cast %parallel_loop3A_1087 : i32 to index
        %parallel_loop3A_1182 = arith.constant 64 : index
        %parallel_loop3A_1183 = tpu.vector_load %arg62[%parallel_loop3A_1181, %parallel_loop3A_1182] {strides = array<i32>} : memref<32x128xf32, #tpu.memory_space<vmem>>, vector<16xf32>,
        %parallel_loop3A_1184 = arith.mulf %parallel_loop3A_1089, %parallel_loop3A_1183 : vector<16xf32>
        %parallel_loop3A_1185 = arith.index_cast %parallel_loop3A_1087 : i32 to index
        %parallel_loop3A_1186 = arith.constant 64 : index
        %parallel_loop3A_1187 = tpu.vector_load %arg63[%parallel_loop3A_1185, %parallel_loop3A_1186] {strides = array<i32>} : memref<32x128xf32, #tpu.memory_space<vmem>>, vector<16xf32>,
        %parallel_loop3A_1188 = arith.mulf %parallel_loop3A_1090, %parallel_loop3A_1187 : vector<16xf32>
        %parallel_loop3A_1189 = arith.addf %parallel_loop3A_1184, %parallel_loop3A_1188 : vector<16xf32>
        %parallel_loop3A_1190 = arith.index_cast %parallel_loop3A_1087 : i32 to index
        %parallel_loop3A_1191 = arith.constant 64 : index
        %parallel_loop3A_1192 = tpu.vector_load %arg64[%parallel_loop3A_1190, %parallel_loop3A_1191] {strides = array<i32>} : memref<32x128xf32, #tpu.memory_space<vmem>>, vector<16xf32>,
        %parallel_loop3A_1193 = arith.mulf %parallel_loop3A_1091, %parallel_loop3A_1192 : vector<16xf32>
        %parallel_loop3A_1194 = arith.addf %parallel_loop3A_1189, %parallel_loop3A_1193 : vector<16xf32>
        %parallel_loop3A_1195 = arith.index_cast %parallel_loop3A_1087 : i32 to index
        %parallel_loop3A_1196 = arith.constant 64 : index
        %parallel_loop3A_1197 = tpu.vector_load %arg65[%parallel_loop3A_1195, %parallel_loop3A_1196] {strides = array<i32>} : memref<32x128xf32, #tpu.memory_space<vmem>>, vector<16xf32>,
        %parallel_loop3A_1198 = arith.mulf %parallel_loop3A_1092, %parallel_loop3A_1197 : vector<16xf32>
        %parallel_loop3A_1199 = arith.addf %parallel_loop3A_1194, %parallel_loop3A_1198 : vector<16xf32>
        %parallel_loop3A_1200 = arith.index_cast %parallel_loop3A_1087 : i32 to index
        %parallel_loop3A_1201 = arith.constant 160 : index
        %parallel_loop3A_1202 = tpu.vector_load %arg82[%parallel_loop3A_1200, %parallel_loop3A_1201] {strides = array<i32>} : memref<32x288xf32, #tpu.memory_space<vmem>>, vector<16xf32>,
        tpu.vector_store %arg82[%parallel_loop3A_1200, %parallel_loop3A_1201], %parallel_loop3A_1199 {strides = array<i32>} : memref<32x288xf32, #tpu.memory_space<vmem>>, vector<16xf32>,
        %parallel_loop3A_1203 = arith.index_cast %parallel_loop3A_1087 : i32 to index
        %parallel_loop3A_1204 = arith.constant 80 : index
        %parallel_loop3A_1205 = tpu.vector_load %arg62[%parallel_loop3A_1203, %parallel_loop3A_1204] {strides = array<i32>} : memref<32x128xf32, #tpu.memory_space<vmem>>, vector<16xf32>,
        %parallel_loop3A_1206 = arith.mulf %parallel_loop3A_1089, %parallel_loop3A_1205 : vector<16xf32>
        %parallel_loop3A_1207 = arith.index_cast %parallel_loop3A_1087 : i32 to index
        %parallel_loop3A_1208 = arith.constant 80 : index
        %parallel_loop3A_1209 = tpu.vector_load %arg63[%parallel_loop3A_1207, %parallel_loop3A_1208] {strides = array<i32>} : memref<32x128xf32, #tpu.memory_space<vmem>>, vector<16xf32>,
        %parallel_loop3A_1210 = arith.mulf %parallel_loop3A_1090, %parallel_loop3A_1209 : vector<16xf32>
        %parallel_loop3A_1211 = arith.addf %parallel_loop3A_1206, %parallel_loop3A_1210 : vector<16xf32>
        %parallel_loop3A_1212 = arith.index_cast %parallel_loop3A_1087 : i32 to index
        %parallel_loop3A_1213 = arith.constant 80 : index
        %parallel_loop3A_1214 = tpu.vector_load %arg64[%parallel_loop3A_1212, %parallel_loop3A_1213] {strides = array<i32>} : memref<32x128xf32, #tpu.memory_space<vmem>>, vector<16xf32>,
        %parallel_loop3A_1215 = arith.mulf %parallel_loop3A_1091, %parallel_loop3A_1214 : vector<16xf32>
        %parallel_loop3A_1216 = arith.addf %parallel_loop3A_1211, %parallel_loop3A_1215 : vector<16xf32>
        %parallel_loop3A_1217 = arith.index_cast %parallel_loop3A_1087 : i32 to index
        %parallel_loop3A_1218 = arith.constant 80 : index
        %parallel_loop3A_1219 = tpu.vector_load %arg65[%parallel_loop3A_1217, %parallel_loop3A_1218] {strides = array<i32>} : memref<32x128xf32, #tpu.memory_space<vmem>>, vector<16xf32>,
        %parallel_loop3A_1220 = arith.mulf %parallel_loop3A_1092, %parallel_loop3A_1219 : vector<16xf32>
        %parallel_loop3A_1221 = arith.addf %parallel_loop3A_1216, %parallel_loop3A_1220 : vector<16xf32>
        %parallel_loop3A_1222 = arith.index_cast %parallel_loop3A_1087 : i32 to index
        %parallel_loop3A_1223 = arith.constant 176 : index
        %parallel_loop3A_1224 = tpu.vector_load %arg82[%parallel_loop3A_1222, %parallel_loop3A_1223] {strides = array<i32>} : memref<32x288xf32, #tpu.memory_space<vmem>>, vector<16xf32>,
        tpu.vector_store %arg82[%parallel_loop3A_1222, %parallel_loop3A_1223], %parallel_loop3A_1221 {strides = array<i32>} : memref<32x288xf32, #tpu.memory_space<vmem>>, vector<16xf32>,
      } {sc.loop_unroll_factor = 8 : i64, sc.parallel_access}
      %parallel_loop3A_1026 = arith.constant 0 : i32
      %parallel_loop3A_1027 = arith.constant 32 : i32
      %parallel_loop3A_1028 = arith.constant 1 : i32
      scf.for %parallel_loop3A_1087 = %parallel_loop3A_1026 to %parallel_loop3A_1027 step %parallel_loop3A_1028  : i32 {
        %parallel_loop3A_1088 = vector.broadcast %parallel_loop3A_1087 : i32 to vector<16xi32>
        %parallel_loop3A_1089 = tpu.vector_load_idx %arg42[%parallel_loop3A_1088] : memref<32xf32, #tpu.memory_space<vmem>>[vector<16xi32>], vector<16xf32>,
        %parallel_loop3A_1090 = tpu.vector_load_idx %arg43[%parallel_loop3A_1088] : memref<32xf32, #tpu.memory_space<vmem>>[vector<16xi32>], vector<16xf32>,
        %parallel_loop3A_1091 = tpu.vector_load_idx %arg44[%parallel_loop3A_1088] : memref<32xf32, #tpu.memory_space<vmem>>[vector<16xi32>], vector<16xf32>,
        %parallel_loop3A_1092 = tpu.vector_load_idx %arg45[%parallel_loop3A_1088] : memref<32xf32, #tpu.memory_space<vmem>>[vector<16xi32>], vector<16xf32>,
        %parallel_loop3A_1093 = arith.index_cast %parallel_loop3A_1087 : i32 to index
        %parallel_loop3A_1094 = arith.constant 0 : index
        %parallel_loop3A_1095 = tpu.vector_load %arg66[%parallel_loop3A_1093, %parallel_loop3A_1094] {strides = array<i32>} : memref<32x128xf32, #tpu.memory_space<vmem>>, vector<16xf32>,
        %parallel_loop3A_1096 = arith.mulf %parallel_loop3A_1089, %parallel_loop3A_1095 : vector<16xf32>
        %parallel_loop3A_1097 = arith.index_cast %parallel_loop3A_1087 : i32 to index
        %parallel_loop3A_1098 = arith.constant 0 : index
        %parallel_loop3A_1099 = tpu.vector_load %arg67[%parallel_loop3A_1097, %parallel_loop3A_1098] {strides = array<i32>} : memref<32x128xf32, #tpu.memory_space<vmem>>, vector<16xf32>,
        %parallel_loop3A_1100 = arith.mulf %parallel_loop3A_1090, %parallel_loop3A_1099 : vector<16xf32>
        %parallel_loop3A_1101 = arith.addf %parallel_loop3A_1096, %parallel_loop3A_1100 : vector<16xf32>
        %parallel_loop3A_1102 = arith.index_cast %parallel_loop3A_1087 : i32 to index
        %parallel_loop3A_1103 = arith.constant 0 : index
        %parallel_loop3A_1104 = tpu.vector_load %arg68[%parallel_loop3A_1102, %parallel_loop3A_1103] {strides = array<i32>} : memref<32x128xf32, #tpu.memory_space<vmem>>, vector<16xf32>,
        %parallel_loop3A_1105 = arith.mulf %parallel_loop3A_1091, %parallel_loop3A_1104 : vector<16xf32>
        %parallel_loop3A_1106 = arith.addf %parallel_loop3A_1101, %parallel_loop3A_1105 : vector<16xf32>
        %parallel_loop3A_1107 = arith.index_cast %parallel_loop3A_1087 : i32 to index
        %parallel_loop3A_1108 = arith.constant 0 : index
        %parallel_loop3A_1109 = tpu.vector_load %arg69[%parallel_loop3A_1107, %parallel_loop3A_1108] {strides = array<i32>} : memref<32x128xf32, #tpu.memory_space<vmem>>, vector<16xf32>,
        %parallel_loop3A_1110 = arith.mulf %parallel_loop3A_1092, %parallel_loop3A_1109 : vector<16xf32>
        %parallel_loop3A_1111 = arith.addf %parallel_loop3A_1106, %parallel_loop3A_1110 : vector<16xf32>
        %parallel_loop3A_1112 = arith.index_cast %parallel_loop3A_1087 : i32 to index
        %parallel_loop3A_1113 = arith.constant 192 : index
        %parallel_loop3A_1114 = tpu.vector_load %arg82[%parallel_loop3A_1112, %parallel_loop3A_1113] {strides = array<i32>} : memref<32x288xf32, #tpu.memory_space<vmem>>, vector<16xf32>,
        tpu.vector_store %arg82[%parallel_loop3A_1112, %parallel_loop3A_1113], %parallel_loop3A_1111 {strides = array<i32>} : memref<32x288xf32, #tpu.memory_space<vmem>>, vector<16xf32>,
        %parallel_loop3A_1115 = arith.index_cast %parallel_loop3A_1087 : i32 to index
        %parallel_loop3A_1116 = arith.constant 16 : index
        %parallel_loop3A_1117 = tpu.vector_load %arg66[%parallel_loop3A_1115, %parallel_loop3A_1116] {strides = array<i32>} : memref<32x128xf32, #tpu.memory_space<vmem>>, vector<16xf32>,
        %parallel_loop3A_1118 = arith.mulf %parallel_loop3A_1089, %parallel_loop3A_1117 : vector<16xf32>
        %parallel_loop3A_1119 = arith.index_cast %parallel_loop3A_1087 : i32 to index
        %parallel_loop3A_1120 = arith.constant 16 : index
        %parallel_loop3A_1121 = tpu.vector_load %arg67[%parallel_loop3A_1119, %parallel_loop3A_1120] {strides = array<i32>} : memref<32x128xf32, #tpu.memory_space<vmem>>, vector<16xf32>,
        %parallel_loop3A_1122 = arith.mulf %parallel_loop3A_1090, %parallel_loop3A_1121 : vector<16xf32>
        %parallel_loop3A_1123 = arith.addf %parallel_loop3A_1118, %parallel_loop3A_1122 : vector<16xf32>
        %parallel_loop3A_1124 = arith.index_cast %parallel_loop3A_1087 : i32 to index
        %parallel_loop3A_1125 = arith.constant 16 : index
        %parallel_loop3A_1126 = tpu.vector_load %arg68[%parallel_loop3A_1124, %parallel_loop3A_1125] {strides = array<i32>} : memref<32x128xf32, #tpu.memory_space<vmem>>, vector<16xf32>,
        %parallel_loop3A_1127 = arith.mulf %parallel_loop3A_1091, %parallel_loop3A_1126 : vector<16xf32>
        %parallel_loop3A_1128 = arith.addf %parallel_loop3A_1123, %parallel_loop3A_1127 : vector<16xf32>
        %parallel_loop3A_1129 = arith.index_cast %parallel_loop3A_1087 : i32 to index
        %parallel_loop3A_1130 = arith.constant 16 : index
        %parallel_loop3A_1131 = tpu.vector_load %arg69[%parallel_loop3A_1129, %parallel_loop3A_1130] {strides = array<i32>} : memref<32x128xf32, #tpu.memory_space<vmem>>, vector<16xf32>,
        %parallel_loop3A_1132 = arith.mulf %parallel_loop3A_1092, %parallel_loop3A_1131 : vector<16xf32>
        %parallel_loop3A_1133 = arith.addf %parallel_loop3A_1128, %parallel_loop3A_1132 : vector<16xf32>
        %parallel_loop3A_1134 = arith.index_cast %parallel_loop3A_1087 : i32 to index
        %parallel_loop3A_1135 = arith.constant 208 : index
        %parallel_loop3A_1136 = tpu.vector_load %arg82[%parallel_loop3A_1134, %parallel_loop3A_1135] {strides = array<i32>} : memref<32x288xf32, #tpu.memory_space<vmem>>, vector<16xf32>,
        tpu.vector_store %arg82[%parallel_loop3A_1134, %parallel_loop3A_1135], %parallel_loop3A_1133 {strides = array<i32>} : memref<32x288xf32, #tpu.memory_space<vmem>>, vector<16xf32>,
        %parallel_loop3A_1137 = arith.index_cast %parallel_loop3A_1087 : i32 to index
        %parallel_loop3A_1138 = arith.constant 32 : index
        %parallel_loop3A_1139 = tpu.vector_load %arg66[%parallel_loop3A_1137, %parallel_loop3A_1138] {strides = array<i32>} : memref<32x128xf32, #tpu.memory_space<vmem>>, vector<16xf32>,
        %parallel_loop3A_1140 = arith.mulf %parallel_loop3A_1089, %parallel_loop3A_1139 : vector<16xf32>
        %parallel_loop3A_1141 = arith.index_cast %parallel_loop3A_1087 : i32 to index
        %parallel_loop3A_1142 = arith.constant 32 : index
        %parallel_loop3A_1143 = tpu.vector_load %arg67[%parallel_loop3A_1141, %parallel_loop3A_1142] {strides = array<i32>} : memref<32x128xf32, #tpu.memory_space<vmem>>, vector<16xf32>,
        %parallel_loop3A_1144 = arith.mulf %parallel_loop3A_1090, %parallel_loop3A_1143 : vector<16xf32>
        %parallel_loop3A_1145 = arith.addf %parallel_loop3A_1140, %parallel_loop3A_1144 : vector<16xf32>
        %parallel_loop3A_1146 = arith.index_cast %parallel_loop3A_1087 : i32 to index
        %parallel_loop3A_1147 = arith.constant 32 : index
        %parallel_loop3A_1148 = tpu.vector_load %arg68[%parallel_loop3A_1146, %parallel_loop3A_1147] {strides = array<i32>} : memref<32x128xf32, #tpu.memory_space<vmem>>, vector<16xf32>,
        %parallel_loop3A_1149 = arith.mulf %parallel_loop3A_1091, %parallel_loop3A_1148 : vector<16xf32>
        %parallel_loop3A_1150 = arith.addf %parallel_loop3A_1145, %parallel_loop3A_1149 : vector<16xf32>
        %parallel_loop3A_1151 = arith.index_cast %parallel_loop3A_1087 : i32 to index
        %parallel_loop3A_1152 = arith.constant 32 : index
        %parallel_loop3A_1153 = tpu.vector_load %arg69[%parallel_loop3A_1151, %parallel_loop3A_1152] {strides = array<i32>} : memref<32x128xf32, #tpu.memory_space<vmem>>, vector<16xf32>,
        %parallel_loop3A_1154 = arith.mulf %parallel_loop3A_1092, %parallel_loop3A_1153 : vector<16xf32>
        %parallel_loop3A_1155 = arith.addf %parallel_loop3A_1150, %parallel_loop3A_1154 : vector<16xf32>
        %parallel_loop3A_1156 = arith.index_cast %parallel_loop3A_1087 : i32 to index
        %parallel_loop3A_1157 = arith.constant 224 : index
        %parallel_loop3A_1158 = tpu.vector_load %arg82[%parallel_loop3A_1156, %parallel_loop3A_1157] {strides = array<i32>} : memref<32x288xf32, #tpu.memory_space<vmem>>, vector<16xf32>,
        tpu.vector_store %arg82[%parallel_loop3A_1156, %parallel_loop3A_1157], %parallel_loop3A_1155 {strides = array<i32>} : memref<32x288xf32, #tpu.memory_space<vmem>>, vector<16xf32>,
        %parallel_loop3A_1159 = arith.index_cast %parallel_loop3A_1087 : i32 to index
        %parallel_loop3A_1160 = arith.constant 48 : index
        %parallel_loop3A_1161 = tpu.vector_load %arg66[%parallel_loop3A_1159, %parallel_loop3A_1160] {strides = array<i32>} : memref<32x128xf32, #tpu.memory_space<vmem>>, vector<16xf32>,
        %parallel_loop3A_1162 = arith.mulf %parallel_loop3A_1089, %parallel_loop3A_1161 : vector<16xf32>
        %parallel_loop3A_1163 = arith.index_cast %parallel_loop3A_1087 : i32 to index
        %parallel_loop3A_1164 = arith.constant 48 : index
        %parallel_loop3A_1165 = tpu.vector_load %arg67[%parallel_loop3A_1163, %parallel_loop3A_1164] {strides = array<i32>} : memref<32x128xf32, #tpu.memory_space<vmem>>, vector<16xf32>,
        %parallel_loop3A_1166 = arith.mulf %parallel_loop3A_1090, %parallel_loop3A_1165 : vector<16xf32>
        %parallel_loop3A_1167 = arith.addf %parallel_loop3A_1162, %parallel_loop3A_1166 : vector<16xf32>
        %parallel_loop3A_1168 = arith.index_cast %parallel_loop3A_1087 : i32 to index
        %parallel_loop3A_1169 = arith.constant 48 : index
        %parallel_loop3A_1170 = tpu.vector_load %arg68[%parallel_loop3A_1168, %parallel_loop3A_1169] {strides = array<i32>} : memref<32x128xf32, #tpu.memory_space<vmem>>, vector<16xf32>,
        %parallel_loop3A_1171 = arith.mulf %parallel_loop3A_1091, %parallel_loop3A_1170 : vector<16xf32>
        %parallel_loop3A_1172 = arith.addf %parallel_loop3A_1167, %parallel_loop3A_1171 : vector<16xf32>
        %parallel_loop3A_1173 = arith.index_cast %parallel_loop3A_1087 : i32 to index
        %parallel_loop3A_1174 = arith.constant 48 : index
        %parallel_loop3A_1175 = tpu.vector_load %arg69[%parallel_loop3A_1173, %parallel_loop3A_1174] {strides = array<i32>} : memref<32x128xf32, #tpu.memory_space<vmem>>, vector<16xf32>,
        %parallel_loop3A_1176 = arith.mulf %parallel_loop3A_1092, %parallel_loop3A_1175 : vector<16xf32>
        %parallel_loop3A_1177 = arith.addf %parallel_loop3A_1172, %parallel_loop3A_1176 : vector<16xf32>
        %parallel_loop3A_1178 = arith.index_cast %parallel_loop3A_1087 : i32 to index
        %parallel_loop3A_1179 = arith.constant 240 : index
        %parallel_loop3A_1180 = tpu.vector_load %arg82[%parallel_loop3A_1178, %parallel_loop3A_1179] {strides = array<i32>} : memref<32x288xf32, #tpu.memory_space<vmem>>, vector<16xf32>,
        tpu.vector_store %arg82[%parallel_loop3A_1178, %parallel_loop3A_1179], %parallel_loop3A_1177 {strides = array<i32>} : memref<32x288xf32, #tpu.memory_space<vmem>>, vector<16xf32>,
        %parallel_loop3A_1181 = arith.index_cast %parallel_loop3A_1087 : i32 to index
        %parallel_loop3A_1182 = arith.constant 64 : index
        %parallel_loop3A_1183 = tpu.vector_load %arg66[%parallel_loop3A_1181, %parallel_loop3A_1182] {strides = array<i32>} : memref<32x128xf32, #tpu.memory_space<vmem>>, vector<16xf32>,
        %parallel_loop3A_1184 = arith.mulf %parallel_loop3A_1089, %parallel_loop3A_1183 : vector<16xf32>
        %parallel_loop3A_1185 = arith.index_cast %parallel_loop3A_1087 : i32 to index
        %parallel_loop3A_1186 = arith.constant 64 : index
        %parallel_loop3A_1187 = tpu.vector_load %arg67[%parallel_loop3A_1185, %parallel_loop3A_1186] {strides = array<i32>} : memref<32x128xf32, #tpu.memory_space<vmem>>, vector<16xf32>,
        %parallel_loop3A_1188 = arith.mulf %parallel_loop3A_1090, %parallel_loop3A_1187 : vector<16xf32>
        %parallel_loop3A_1189 = arith.addf %parallel_loop3A_1184, %parallel_loop3A_1188 : vector<16xf32>
        %parallel_loop3A_1190 = arith.index_cast %parallel_loop3A_1087 : i32 to index
        %parallel_loop3A_1191 = arith.constant 64 : index
        %parallel_loop3A_1192 = tpu.vector_load %arg68[%parallel_loop3A_1190, %parallel_loop3A_1191] {strides = array<i32>} : memref<32x128xf32, #tpu.memory_space<vmem>>, vector<16xf32>,
        %parallel_loop3A_1193 = arith.mulf %parallel_loop3A_1091, %parallel_loop3A_1192 : vector<16xf32>
        %parallel_loop3A_1194 = arith.addf %parallel_loop3A_1189, %parallel_loop3A_1193 : vector<16xf32>
        %parallel_loop3A_1195 = arith.index_cast %parallel_loop3A_1087 : i32 to index
        %parallel_loop3A_1196 = arith.constant 64 : index
        %parallel_loop3A_1197 = tpu.vector_load %arg69[%parallel_loop3A_1195, %parallel_loop3A_1196] {strides = array<i32>} : memref<32x128xf32, #tpu.memory_space<vmem>>, vector<16xf32>,
        %parallel_loop3A_1198 = arith.mulf %parallel_loop3A_1092, %parallel_loop3A_1197 : vector<16xf32>
        %parallel_loop3A_1199 = arith.addf %parallel_loop3A_1194, %parallel_loop3A_1198 : vector<16xf32>
        %parallel_loop3A_1200 = arith.index_cast %parallel_loop3A_1087 : i32 to index
        %parallel_loop3A_1201 = arith.constant 256 : index
        %parallel_loop3A_1202 = tpu.vector_load %arg82[%parallel_loop3A_1200, %parallel_loop3A_1201] {strides = array<i32>} : memref<32x288xf32, #tpu.memory_space<vmem>>, vector<16xf32>,
        tpu.vector_store %arg82[%parallel_loop3A_1200, %parallel_loop3A_1201], %parallel_loop3A_1199 {strides = array<i32>} : memref<32x288xf32, #tpu.memory_space<vmem>>, vector<16xf32>,
        %parallel_loop3A_1203 = arith.index_cast %parallel_loop3A_1087 : i32 to index
        %parallel_loop3A_1204 = arith.constant 80 : index
        %parallel_loop3A_1205 = tpu.vector_load %arg66[%parallel_loop3A_1203, %parallel_loop3A_1204] {strides = array<i32>} : memref<32x128xf32, #tpu.memory_space<vmem>>, vector<16xf32>,
        %parallel_loop3A_1206 = arith.mulf %parallel_loop3A_1089, %parallel_loop3A_1205 : vector<16xf32>
        %parallel_loop3A_1207 = arith.index_cast %parallel_loop3A_1087 : i32 to index
        %parallel_loop3A_1208 = arith.constant 80 : index
        %parallel_loop3A_1209 = tpu.vector_load %arg67[%parallel_loop3A_1207, %parallel_loop3A_1208] {strides = array<i32>} : memref<32x128xf32, #tpu.memory_space<vmem>>, vector<16xf32>,
        %parallel_loop3A_1210 = arith.mulf %parallel_loop3A_1090, %parallel_loop3A_1209 : vector<16xf32>
        %parallel_loop3A_1211 = arith.addf %parallel_loop3A_1206, %parallel_loop3A_1210 : vector<16xf32>
        %parallel_loop3A_1212 = arith.index_cast %parallel_loop3A_1087 : i32 to index
        %parallel_loop3A_1213 = arith.constant 80 : index
        %parallel_loop3A_1214 = tpu.vector_load %arg68[%parallel_loop3A_1212, %parallel_loop3A_1213] {strides = array<i32>} : memref<32x128xf32, #tpu.memory_space<vmem>>, vector<16xf32>,
        %parallel_loop3A_1215 = arith.mulf %parallel_loop3A_1091, %parallel_loop3A_1214 : vector<16xf32>
        %parallel_loop3A_1216 = arith.addf %parallel_loop3A_1211, %parallel_loop3A_1215 : vector<16xf32>
        %parallel_loop3A_1217 = arith.index_cast %parallel_loop3A_1087 : i32 to index
        %parallel_loop3A_1218 = arith.constant 80 : index
        %parallel_loop3A_1219 = tpu.vector_load %arg69[%parallel_loop3A_1217, %parallel_loop3A_1218] {strides = array<i32>} : memref<32x128xf32, #tpu.memory_space<vmem>>, vector<16xf32>,
        %parallel_loop3A_1220 = arith.mulf %parallel_loop3A_1092, %parallel_loop3A_1219 : vector<16xf32>
        %parallel_loop3A_1221 = arith.addf %parallel_loop3A_1216, %parallel_loop3A_1220 : vector<16xf32>
        %parallel_loop3A_1222 = arith.index_cast %parallel_loop3A_1087 : i32 to index
        %parallel_loop3A_1223 = arith.constant 272 : index
        %parallel_loop3A_1224 = tpu.vector_load %arg82[%parallel_loop3A_1222, %parallel_loop3A_1223] {strides = array<i32>} : memref<32x288xf32, #tpu.memory_space<vmem>>, vector<16xf32>,
        tpu.vector_store %arg82[%parallel_loop3A_1222, %parallel_loop3A_1223], %parallel_loop3A_1221 {strides = array<i32>} : memref<32x288xf32, #tpu.memory_space<vmem>>, vector<16xf32>,
      } {sc.loop_unroll_factor = 8 : i64, sc.parallel_access}
      %mul3A_1029 = arith.constant 32 : i32
      %mul3A_1030 = arith.muli %mul3A_495, %mul3A_1029 : i32
      %add3A_1031 = arith.addi %mul3A_2, %mul3A_1030 : i32
      "tpu.region"() ({
        %run_scoped3A = tpu.sem_alloc : memref<!tpu.dma_semaphore, #tpu.memory_space<semaphore_mem>>
        %dma_start3A_1087 = arith.constant 0 : i32
        %dma_start3A_1088 = tpu.memref_slice %arg7[%add3A_1031, %dma_start3A_1087] : memref<65536x288xf32, #tpu.memory_space<hbm>> -> memref<32x288xf32, #tpu.memory_space<hbm>>
        %dma_start3A_1089 = arith.constant 0 : i32
        %dma_start3A_1090 = tpu.memref_slice %arg7[%add3A_1031, %dma_start3A_1089] : memref<65536x288xf32, #tpu.memory_space<hbm>> -> memref<32x288xf32, #tpu.memory_space<hbm>>
        tpu.enqueue_dma source(%arg82 : memref<32x288xf32, #tpu.memory_space<vmem>>) target(%dma_start3A_1090 : memref<32x288xf32, #tpu.memory_space<hbm>>) target_semaphore(%run_scoped3A : memref<!tpu.dma_semaphore, #tpu.memory_space<semaphore_mem>>)
        %dma_wait3A_1091 = arith.constant 0 : i32
        %dma_wait3A_1092 = tpu.memref_slice %arg7[%add3A_1031, %dma_wait3A_1091] : memref<65536x288xf32, #tpu.memory_space<hbm>> -> memref<32x288xf32, #tpu.memory_space<hbm>>
        %dma_wait3A_1093 = arith.constant 0 : i32
        %dma_wait3A_1094 = tpu.memref_slice %arg7[%add3A_1031, %dma_wait3A_1093] : memref<65536x288xf32, #tpu.memory_space<hbm>> -> memref<32x288xf32, #tpu.memory_space<hbm>>
        tpu.wait_dma2 semaphore(%run_scoped3A : memref<!tpu.dma_semaphore, #tpu.memory_space<semaphore_mem>>) src(%arg82 : memref<32x288xf32, #tpu.memory_space<vmem>>) dst(%dma_wait3A_1094 : memref<32x288xf32, #tpu.memory_space<hbm>>)
        tpu.yield
      }) : () -> ()
      %add3A_1032 = arith.constant 2 : i32
      %add3A_1033 = arith.addi %mul3A_495, %add3A_1032 : i32
      %lt3A = arith.constant 64 : i32
      %lt3A_1034 = arith.cmpi slt, %add3A_1033, %lt3A : i32
      %convert_element_type3A_1035 = arith.extui %lt3A_1034 : i1 to i32
      %cond3A = arith.constant 0 : i32
      %cond3A_1036 = arith.cmpi ne, %convert_element_type3A_1035, %cond3A : i32
      scf.if %cond3A_1036 {
        %add3A_1087 = arith.constant 2 : i32
        %add3A_1088 = arith.addi %mul3A_495, %add3A_1087 : i32
        %mul3A_1089 = arith.constant 32 : i32
        %mul3A_1090 = arith.muli %add3A_1088, %mul3A_1089 : i32
        %mul3A_1091 = arith.constant 50176 : i32
        %mul3A_1092 = arith.muli %select_n3A, %mul3A_1091 : i32
        %add3A_1093 = arith.constant 0 : i32
        %add3A_1094 = arith.addi %mul3A_1090, %add3A_1093 : i32
        %get3A_1095 = arith.index_cast %add3A_1094 : i32 to index
        %get3A_1096 = tpu.vector_load %arg8[%get3A_1095] {strides = array<i32>} : memref<2048xf32, #tpu.memory_space<vmem>>, vector<16xf32>,
        %mul3A_1097 = arith.constant 2.230000e+02 : f32
        %mul3A_1098 = vector.broadcast %mul3A_1097 : f32 to vector<16xf32>
        %mul3A_1099 = arith.mulf %get3A_1096, %mul3A_1098 : vector<16xf32>
        %get3A_1100 = arith.index_cast %add3A_1094 : i32 to index
        %get3A_1101 = tpu.vector_load %arg9[%get3A_1100] {strides = array<i32>} : memref<2048xf32, #tpu.memory_space<vmem>>, vector<16xf32>,
        %mul3A_1102 = arith.constant 2.230000e+02 : f32
        %mul3A_1103 = vector.broadcast %mul3A_1102 : f32 to vector<16xf32>
        %mul3A_1104 = arith.mulf %get3A_1101, %mul3A_1103 : vector<16xf32>
        %convert_element_type3A_1105 = arith.fptosi %mul3A_1099 : vector<16xf32> to vector<16xi32>
        %min3A_1106 = arith.constant 222 : i32
        %min3A_1107 = vector.broadcast %min3A_1106 : i32 to vector<16xi32>
        %min3A_1108 = arith.minsi %convert_element_type3A_1105, %min3A_1107 : vector<16xi32>
        %convert_element_type3A_1109 = arith.fptosi %mul3A_1104 : vector<16xf32> to vector<16xi32>
        %min3A_1110 = arith.constant 222 : i32
        %min3A_1111 = vector.broadcast %min3A_1110 : i32 to vector<16xi32>
        %min3A_1112 = arith.minsi %convert_element_type3A_1109, %min3A_1111 : vector<16xi32>
        %convert_element_type3A_1113 = arith.sitofp %min3A_1108 : vector<16xi32> to vector<16xf32>
        %sub3A_1114 = arith.subf %mul3A_1099, %convert_element_type3A_1113 : vector<16xf32>
        %convert_element_type3A_1115 = arith.sitofp %min3A_1112 : vector<16xi32> to vector<16xf32>
        %sub3A_1116 = arith.subf %mul3A_1104, %convert_element_type3A_1115 : vector<16xf32>
        %mul3A_1117 = arith.constant 224 : i32
        %mul3A_1118 = vector.broadcast %mul3A_1117 : i32 to vector<16xi32>
        %mul3A_1119 = arith.muli %min3A_1112, %mul3A_1118 : vector<16xi32>
        %add3A_1120 = arith.addi %mul3A_1119, %min3A_1108 : vector<16xi32>
        %add3A_1121 = vector.broadcast %mul3A_1092 : i32 to vector<16xi32>
        %add3A_1122 = arith.addi %add3A_1120, %add3A_1121 : vector<16xi32>
        %swap3A_1123 = arith.constant 0 : index
        %swap3A_1124 = tpu.vector_load %arg10[%swap3A_1123] {strides = array<i32>} : memref<32xi32, #tpu.memory_space<vmem>>, vector<16xi32>,
        tpu.vector_store %arg10[%swap3A_1123], %add3A_1122 {strides = array<i32>} : memref<32xi32, #tpu.memory_space<vmem>>, vector<16xi32>,
        %add3A_1125 = arith.constant 1 : i32
        %add3A_1126 = vector.broadcast %add3A_1125 : i32 to vector<16xi32>
        %add3A_1127 = arith.addi %add3A_1122, %add3A_1126 : vector<16xi32>
        %swap3A_1128 = arith.constant 0 : index
        %swap3A_1129 = tpu.vector_load %arg11[%swap3A_1128] {strides = array<i32>} : memref<32xi32, #tpu.memory_space<vmem>>, vector<16xi32>,
        tpu.vector_store %arg11[%swap3A_1128], %add3A_1127 {strides = array<i32>} : memref<32xi32, #tpu.memory_space<vmem>>, vector<16xi32>,
        %add3A_1130 = arith.constant 224 : i32
        %add3A_1131 = vector.broadcast %add3A_1130 : i32 to vector<16xi32>
        %add3A_1132 = arith.addi %add3A_1122, %add3A_1131 : vector<16xi32>
        %swap3A_1133 = arith.constant 0 : index
        %swap3A_1134 = tpu.vector_load %arg12[%swap3A_1133] {strides = array<i32>} : memref<32xi32, #tpu.memory_space<vmem>>, vector<16xi32>,
        tpu.vector_store %arg12[%swap3A_1133], %add3A_1132 {strides = array<i32>} : memref<32xi32, #tpu.memory_space<vmem>>, vector<16xi32>,
        %add3A_1135 = arith.constant 224 : i32
        %add3A_1136 = vector.broadcast %add3A_1135 : i32 to vector<16xi32>
        %add3A_1137 = arith.addi %add3A_1122, %add3A_1136 : vector<16xi32>
        %add3A_1138 = arith.constant 1 : i32
        %add3A_1139 = vector.broadcast %add3A_1138 : i32 to vector<16xi32>
        %add3A_1140 = arith.addi %add3A_1137, %add3A_1139 : vector<16xi32>
        %swap3A_1141 = arith.constant 0 : index
        %swap3A_1142 = tpu.vector_load %arg13[%swap3A_1141] {strides = array<i32>} : memref<32xi32, #tpu.memory_space<vmem>>, vector<16xi32>,
        tpu.vector_store %arg13[%swap3A_1141], %add3A_1140 {strides = array<i32>} : memref<32xi32, #tpu.memory_space<vmem>>, vector<16xi32>,
        %sub3A_1143 = arith.constant 1.000000e+00 : f32
        %sub3A_1144 = vector.broadcast %sub3A_1143 : f32 to vector<16xf32>
        %sub3A_1145 = arith.subf %sub3A_1144, %sub3A_1114 : vector<16xf32>
        %sub3A_1146 = arith.constant 1.000000e+00 : f32
        %sub3A_1147 = vector.broadcast %sub3A_1146 : f32 to vector<16xf32>
        %sub3A_1148 = arith.subf %sub3A_1147, %sub3A_1116 : vector<16xf32>
        %mul3A_1149 = arith.mulf %sub3A_1145, %sub3A_1148 : vector<16xf32>
        %swap3A_1150 = arith.constant 0 : index
        %swap3A_1151 = tpu.vector_load %arg34[%swap3A_1150] {strides = array<i32>} : memref<32xf32, #tpu.memory_space<vmem>>, vector<16xf32>,
        tpu.vector_store %arg34[%swap3A_1150], %mul3A_1149 {strides = array<i32>} : memref<32xf32, #tpu.memory_space<vmem>>, vector<16xf32>,
        %sub3A_1152 = arith.constant 1.000000e+00 : f32
        %sub3A_1153 = vector.broadcast %sub3A_1152 : f32 to vector<16xf32>
        %sub3A_1154 = arith.subf %sub3A_1153, %sub3A_1116 : vector<16xf32>
        %mul3A_1155 = arith.mulf %sub3A_1114, %sub3A_1154 : vector<16xf32>
        %swap3A_1156 = arith.constant 0 : index
        %swap3A_1157 = tpu.vector_load %arg35[%swap3A_1156] {strides = array<i32>} : memref<32xf32, #tpu.memory_space<vmem>>, vector<16xf32>,
        tpu.vector_store %arg35[%swap3A_1156], %mul3A_1155 {strides = array<i32>} : memref<32xf32, #tpu.memory_space<vmem>>, vector<16xf32>,
        %sub3A_1158 = arith.constant 1.000000e+00 : f32
        %sub3A_1159 = vector.broadcast %sub3A_1158 : f32 to vector<16xf32>
        %sub3A_1160 = arith.subf %sub3A_1159, %sub3A_1114 : vector<16xf32>
        %mul3A_1161 = arith.mulf %sub3A_1160, %sub3A_1116 : vector<16xf32>
        %swap3A_1162 = arith.constant 0 : index
        %swap3A_1163 = tpu.vector_load %arg36[%swap3A_1162] {strides = array<i32>} : memref<32xf32, #tpu.memory_space<vmem>>, vector<16xf32>,
        tpu.vector_store %arg36[%swap3A_1162], %mul3A_1161 {strides = array<i32>} : memref<32xf32, #tpu.memory_space<vmem>>, vector<16xf32>,
        %mul3A_1164 = arith.mulf %sub3A_1114, %sub3A_1116 : vector<16xf32>
        %swap3A_1165 = arith.constant 0 : index
        %swap3A_1166 = tpu.vector_load %arg37[%swap3A_1165] {strides = array<i32>} : memref<32xf32, #tpu.memory_space<vmem>>, vector<16xf32>,
        tpu.vector_store %arg37[%swap3A_1165], %mul3A_1164 {strides = array<i32>} : memref<32xf32, #tpu.memory_space<vmem>>, vector<16xf32>,
        %add3A_1167 = arith.constant 16 : i32
        %add3A_1168 = arith.addi %mul3A_1090, %add3A_1167 : i32
        %get3A_1169 = arith.index_cast %add3A_1168 : i32 to index
        %get3A_1170 = tpu.vector_load %arg8[%get3A_1169] {strides = array<i32>} : memref<2048xf32, #tpu.memory_space<vmem>>, vector<16xf32>,
        %mul3A_1171 = arith.constant 2.230000e+02 : f32
        %mul3A_1172 = vector.broadcast %mul3A_1171 : f32 to vector<16xf32>
        %mul3A_1173 = arith.mulf %get3A_1170, %mul3A_1172 : vector<16xf32>
        %get3A_1174 = arith.index_cast %add3A_1168 : i32 to index
        %get3A_1175 = tpu.vector_load %arg9[%get3A_1174] {strides = array<i32>} : memref<2048xf32, #tpu.memory_space<vmem>>, vector<16xf32>,
        %mul3A_1176 = arith.constant 2.230000e+02 : f32
        %mul3A_1177 = vector.broadcast %mul3A_1176 : f32 to vector<16xf32>
        %mul3A_1178 = arith.mulf %get3A_1175, %mul3A_1177 : vector<16xf32>
        %convert_element_type3A_1179 = arith.fptosi %mul3A_1173 : vector<16xf32> to vector<16xi32>
        %min3A_1180 = arith.constant 222 : i32
        %min3A_1181 = vector.broadcast %min3A_1180 : i32 to vector<16xi32>
        %min3A_1182 = arith.minsi %convert_element_type3A_1179, %min3A_1181 : vector<16xi32>
        %convert_element_type3A_1183 = arith.fptosi %mul3A_1178 : vector<16xf32> to vector<16xi32>
        %min3A_1184 = arith.constant 222 : i32
        %min3A_1185 = vector.broadcast %min3A_1184 : i32 to vector<16xi32>
        %min3A_1186 = arith.minsi %convert_element_type3A_1183, %min3A_1185 : vector<16xi32>
        %convert_element_type3A_1187 = arith.sitofp %min3A_1182 : vector<16xi32> to vector<16xf32>
        %sub3A_1188 = arith.subf %mul3A_1173, %convert_element_type3A_1187 : vector<16xf32>
        %convert_element_type3A_1189 = arith.sitofp %min3A_1186 : vector<16xi32> to vector<16xf32>
        %sub3A_1190 = arith.subf %mul3A_1178, %convert_element_type3A_1189 : vector<16xf32>
        %mul3A_1191 = arith.constant 224 : i32
        %mul3A_1192 = vector.broadcast %mul3A_1191 : i32 to vector<16xi32>
        %mul3A_1193 = arith.muli %min3A_1186, %mul3A_1192 : vector<16xi32>
        %add3A_1194 = arith.addi %mul3A_1193, %min3A_1182 : vector<16xi32>
        %add3A_1195 = vector.broadcast %mul3A_1092 : i32 to vector<16xi32>
        %add3A_1196 = arith.addi %add3A_1194, %add3A_1195 : vector<16xi32>
        %swap3A_1197 = arith.constant 16 : index
        %swap3A_1198 = tpu.vector_load %arg10[%swap3A_1197] {strides = array<i32>} : memref<32xi32, #tpu.memory_space<vmem>>, vector<16xi32>,
        tpu.vector_store %arg10[%swap3A_1197], %add3A_1196 {strides = array<i32>} : memref<32xi32, #tpu.memory_space<vmem>>, vector<16xi32>,
        %add3A_1199 = arith.constant 1 : i32
        %add3A_1200 = vector.broadcast %add3A_1199 : i32 to vector<16xi32>
        %add3A_1201 = arith.addi %add3A_1196, %add3A_1200 : vector<16xi32>
        %swap3A_1202 = arith.constant 16 : index
        %swap3A_1203 = tpu.vector_load %arg11[%swap3A_1202] {strides = array<i32>} : memref<32xi32, #tpu.memory_space<vmem>>, vector<16xi32>,
        tpu.vector_store %arg11[%swap3A_1202], %add3A_1201 {strides = array<i32>} : memref<32xi32, #tpu.memory_space<vmem>>, vector<16xi32>,
        %add3A_1204 = arith.constant 224 : i32
        %add3A_1205 = vector.broadcast %add3A_1204 : i32 to vector<16xi32>
        %add3A_1206 = arith.addi %add3A_1196, %add3A_1205 : vector<16xi32>
        %swap3A_1207 = arith.constant 16 : index
        %swap3A_1208 = tpu.vector_load %arg12[%swap3A_1207] {strides = array<i32>} : memref<32xi32, #tpu.memory_space<vmem>>, vector<16xi32>,
        tpu.vector_store %arg12[%swap3A_1207], %add3A_1206 {strides = array<i32>} : memref<32xi32, #tpu.memory_space<vmem>>, vector<16xi32>,
        %add3A_1209 = arith.constant 224 : i32
        %add3A_1210 = vector.broadcast %add3A_1209 : i32 to vector<16xi32>
        %add3A_1211 = arith.addi %add3A_1196, %add3A_1210 : vector<16xi32>
        %add3A_1212 = arith.constant 1 : i32
        %add3A_1213 = vector.broadcast %add3A_1212 : i32 to vector<16xi32>
        %add3A_1214 = arith.addi %add3A_1211, %add3A_1213 : vector<16xi32>
        %swap3A_1215 = arith.constant 16 : index
        %swap3A_1216 = tpu.vector_load %arg13[%swap3A_1215] {strides = array<i32>} : memref<32xi32, #tpu.memory_space<vmem>>, vector<16xi32>,
        tpu.vector_store %arg13[%swap3A_1215], %add3A_1214 {strides = array<i32>} : memref<32xi32, #tpu.memory_space<vmem>>, vector<16xi32>,
        %sub3A_1217 = arith.constant 1.000000e+00 : f32
        %sub3A_1218 = vector.broadcast %sub3A_1217 : f32 to vector<16xf32>
        %sub3A_1219 = arith.subf %sub3A_1218, %sub3A_1188 : vector<16xf32>
        %sub3A_1220 = arith.constant 1.000000e+00 : f32
        %sub3A_1221 = vector.broadcast %sub3A_1220 : f32 to vector<16xf32>
        %sub3A_1222 = arith.subf %sub3A_1221, %sub3A_1190 : vector<16xf32>
        %mul3A_1223 = arith.mulf %sub3A_1219, %sub3A_1222 : vector<16xf32>
        %swap3A_1224 = arith.constant 16 : index
        %swap3A_1225 = tpu.vector_load %arg34[%swap3A_1224] {strides = array<i32>} : memref<32xf32, #tpu.memory_space<vmem>>, vector<16xf32>,
        tpu.vector_store %arg34[%swap3A_1224], %mul3A_1223 {strides = array<i32>} : memref<32xf32, #tpu.memory_space<vmem>>, vector<16xf32>,
        %sub3A_1226 = arith.constant 1.000000e+00 : f32
        %sub3A_1227 = vector.broadcast %sub3A_1226 : f32 to vector<16xf32>
        %sub3A_1228 = arith.subf %sub3A_1227, %sub3A_1190 : vector<16xf32>
        %mul3A_1229 = arith.mulf %sub3A_1188, %sub3A_1228 : vector<16xf32>
        %swap3A_1230 = arith.constant 16 : index
        %swap3A_1231 = tpu.vector_load %arg35[%swap3A_1230] {strides = array<i32>} : memref<32xf32, #tpu.memory_space<vmem>>, vector<16xf32>,
        tpu.vector_store %arg35[%swap3A_1230], %mul3A_1229 {strides = array<i32>} : memref<32xf32, #tpu.memory_space<vmem>>, vector<16xf32>,
        %sub3A_1232 = arith.constant 1.000000e+00 : f32
        %sub3A_1233 = vector.broadcast %sub3A_1232 : f32 to vector<16xf32>
        %sub3A_1234 = arith.subf %sub3A_1233, %sub3A_1188 : vector<16xf32>
        %mul3A_1235 = arith.mulf %sub3A_1234, %sub3A_1190 : vector<16xf32>
        %swap3A_1236 = arith.constant 16 : index
        %swap3A_1237 = tpu.vector_load %arg36[%swap3A_1236] {strides = array<i32>} : memref<32xf32, #tpu.memory_space<vmem>>, vector<16xf32>,
        tpu.vector_store %arg36[%swap3A_1236], %mul3A_1235 {strides = array<i32>} : memref<32xf32, #tpu.memory_space<vmem>>, vector<16xf32>,
        %mul3A_1238 = arith.mulf %sub3A_1188, %sub3A_1190 : vector<16xf32>
        %swap3A_1239 = arith.constant 16 : index
        %swap3A_1240 = tpu.vector_load %arg37[%swap3A_1239] {strides = array<i32>} : memref<32xf32, #tpu.memory_space<vmem>>, vector<16xf32>,
        tpu.vector_store %arg37[%swap3A_1239], %mul3A_1238 {strides = array<i32>} : memref<32xf32, #tpu.memory_space<vmem>>, vector<16xf32>,
        %mul3A_1241 = arith.constant 12544 : i32
        %mul3A_1242 = arith.muli %select_n3A, %mul3A_1241 : i32
        %add3A_1243 = arith.constant 0 : i32
        %add3A_1244 = arith.addi %mul3A_1090, %add3A_1243 : i32
        %get3A_1245 = arith.index_cast %add3A_1244 : i32 to index
        %get3A_1246 = tpu.vector_load %arg8[%get3A_1245] {strides = array<i32>} : memref<2048xf32, #tpu.memory_space<vmem>>, vector<16xf32>,
        %mul3A_1247 = arith.constant 1.110000e+02 : f32
        %mul3A_1248 = vector.broadcast %mul3A_1247 : f32 to vector<16xf32>
        %mul3A_1249 = arith.mulf %get3A_1246, %mul3A_1248 : vector<16xf32>
        %get3A_1250 = arith.index_cast %add3A_1244 : i32 to index
        %get3A_1251 = tpu.vector_load %arg9[%get3A_1250] {strides = array<i32>} : memref<2048xf32, #tpu.memory_space<vmem>>, vector<16xf32>,
        %mul3A_1252 = arith.constant 1.110000e+02 : f32
        %mul3A_1253 = vector.broadcast %mul3A_1252 : f32 to vector<16xf32>
        %mul3A_1254 = arith.mulf %get3A_1251, %mul3A_1253 : vector<16xf32>
        %convert_element_type3A_1255 = arith.fptosi %mul3A_1249 : vector<16xf32> to vector<16xi32>
        %min3A_1256 = arith.constant 110 : i32
        %min3A_1257 = vector.broadcast %min3A_1256 : i32 to vector<16xi32>
        %min3A_1258 = arith.minsi %convert_element_type3A_1255, %min3A_1257 : vector<16xi32>
        %convert_element_type3A_1259 = arith.fptosi %mul3A_1254 : vector<16xf32> to vector<16xi32>
        %min3A_1260 = arith.constant 110 : i32
        %min3A_1261 = vector.broadcast %min3A_1260 : i32 to vector<16xi32>
        %min3A_1262 = arith.minsi %convert_element_type3A_1259, %min3A_1261 : vector<16xi32>
        %convert_element_type3A_1263 = arith.sitofp %min3A_1258 : vector<16xi32> to vector<16xf32>
        %sub3A_1264 = arith.subf %mul3A_1249, %convert_element_type3A_1263 : vector<16xf32>
        %convert_element_type3A_1265 = arith.sitofp %min3A_1262 : vector<16xi32> to vector<16xf32>
        %sub3A_1266 = arith.subf %mul3A_1254, %convert_element_type3A_1265 : vector<16xf32>
        %mul3A_1267 = arith.constant 112 : i32
        %mul3A_1268 = vector.broadcast %mul3A_1267 : i32 to vector<16xi32>
        %mul3A_1269 = arith.muli %min3A_1262, %mul3A_1268 : vector<16xi32>
        %add3A_1270 = arith.addi %mul3A_1269, %min3A_1258 : vector<16xi32>
        %add3A_1271 = vector.broadcast %mul3A_1242 : i32 to vector<16xi32>
        %add3A_1272 = arith.addi %add3A_1270, %add3A_1271 : vector<16xi32>
        %swap3A_1273 = arith.constant 0 : index
        %swap3A_1274 = tpu.vector_load %arg14[%swap3A_1273] {strides = array<i32>} : memref<32xi32, #tpu.memory_space<vmem>>, vector<16xi32>,
        tpu.vector_store %arg14[%swap3A_1273], %add3A_1272 {strides = array<i32>} : memref<32xi32, #tpu.memory_space<vmem>>, vector<16xi32>,
        %add3A_1275 = arith.constant 1 : i32
        %add3A_1276 = vector.broadcast %add3A_1275 : i32 to vector<16xi32>
        %add3A_1277 = arith.addi %add3A_1272, %add3A_1276 : vector<16xi32>
        %swap3A_1278 = arith.constant 0 : index
        %swap3A_1279 = tpu.vector_load %arg15[%swap3A_1278] {strides = array<i32>} : memref<32xi32, #tpu.memory_space<vmem>>, vector<16xi32>,
        tpu.vector_store %arg15[%swap3A_1278], %add3A_1277 {strides = array<i32>} : memref<32xi32, #tpu.memory_space<vmem>>, vector<16xi32>,
        %add3A_1280 = arith.constant 112 : i32
        %add3A_1281 = vector.broadcast %add3A_1280 : i32 to vector<16xi32>
        %add3A_1282 = arith.addi %add3A_1272, %add3A_1281 : vector<16xi32>
        %swap3A_1283 = arith.constant 0 : index
        %swap3A_1284 = tpu.vector_load %arg16[%swap3A_1283] {strides = array<i32>} : memref<32xi32, #tpu.memory_space<vmem>>, vector<16xi32>,
        tpu.vector_store %arg16[%swap3A_1283], %add3A_1282 {strides = array<i32>} : memref<32xi32, #tpu.memory_space<vmem>>, vector<16xi32>,
        %add3A_1285 = arith.constant 112 : i32
        %add3A_1286 = vector.broadcast %add3A_1285 : i32 to vector<16xi32>
        %add3A_1287 = arith.addi %add3A_1272, %add3A_1286 : vector<16xi32>
        %add3A_1288 = arith.constant 1 : i32
        %add3A_1289 = vector.broadcast %add3A_1288 : i32 to vector<16xi32>
        %add3A_1290 = arith.addi %add3A_1287, %add3A_1289 : vector<16xi32>
        %swap3A_1291 = arith.constant 0 : index
        %swap3A_1292 = tpu.vector_load %arg17[%swap3A_1291] {strides = array<i32>} : memref<32xi32, #tpu.memory_space<vmem>>, vector<16xi32>,
        tpu.vector_store %arg17[%swap3A_1291], %add3A_1290 {strides = array<i32>} : memref<32xi32, #tpu.memory_space<vmem>>, vector<16xi32>,
        %sub3A_1293 = arith.constant 1.000000e+00 : f32
        %sub3A_1294 = vector.broadcast %sub3A_1293 : f32 to vector<16xf32>
        %sub3A_1295 = arith.subf %sub3A_1294, %sub3A_1264 : vector<16xf32>
        %sub3A_1296 = arith.constant 1.000000e+00 : f32
        %sub3A_1297 = vector.broadcast %sub3A_1296 : f32 to vector<16xf32>
        %sub3A_1298 = arith.subf %sub3A_1297, %sub3A_1266 : vector<16xf32>
        %mul3A_1299 = arith.mulf %sub3A_1295, %sub3A_1298 : vector<16xf32>
        %swap3A_1300 = arith.constant 0 : index
        %swap3A_1301 = tpu.vector_load %arg38[%swap3A_1300] {strides = array<i32>} : memref<32xf32, #tpu.memory_space<vmem>>, vector<16xf32>,
        tpu.vector_store %arg38[%swap3A_1300], %mul3A_1299 {strides = array<i32>} : memref<32xf32, #tpu.memory_space<vmem>>, vector<16xf32>,
        %sub3A_1302 = arith.constant 1.000000e+00 : f32
        %sub3A_1303 = vector.broadcast %sub3A_1302 : f32 to vector<16xf32>
        %sub3A_1304 = arith.subf %sub3A_1303, %sub3A_1266 : vector<16xf32>
        %mul3A_1305 = arith.mulf %sub3A_1264, %sub3A_1304 : vector<16xf32>
        %swap3A_1306 = arith.constant 0 : index
        %swap3A_1307 = tpu.vector_load %arg39[%swap3A_1306] {strides = array<i32>} : memref<32xf32, #tpu.memory_space<vmem>>, vector<16xf32>,
        tpu.vector_store %arg39[%swap3A_1306], %mul3A_1305 {strides = array<i32>} : memref<32xf32, #tpu.memory_space<vmem>>, vector<16xf32>,
        %sub3A_1308 = arith.constant 1.000000e+00 : f32
        %sub3A_1309 = vector.broadcast %sub3A_1308 : f32 to vector<16xf32>
        %sub3A_1310 = arith.subf %sub3A_1309, %sub3A_1264 : vector<16xf32>
        %mul3A_1311 = arith.mulf %sub3A_1310, %sub3A_1266 : vector<16xf32>
        %swap3A_1312 = arith.constant 0 : index
        %swap3A_1313 = tpu.vector_load %arg40[%swap3A_1312] {strides = array<i32>} : memref<32xf32, #tpu.memory_space<vmem>>, vector<16xf32>,
        tpu.vector_store %arg40[%swap3A_1312], %mul3A_1311 {strides = array<i32>} : memref<32xf32, #tpu.memory_space<vmem>>, vector<16xf32>,
        %mul3A_1314 = arith.mulf %sub3A_1264, %sub3A_1266 : vector<16xf32>
        %swap3A_1315 = arith.constant 0 : index
        %swap3A_1316 = tpu.vector_load %arg41[%swap3A_1315] {strides = array<i32>} : memref<32xf32, #tpu.memory_space<vmem>>, vector<16xf32>,
        tpu.vector_store %arg41[%swap3A_1315], %mul3A_1314 {strides = array<i32>} : memref<32xf32, #tpu.memory_space<vmem>>, vector<16xf32>,
        %add3A_1317 = arith.constant 16 : i32
        %add3A_1318 = arith.addi %mul3A_1090, %add3A_1317 : i32
        %get3A_1319 = arith.index_cast %add3A_1318 : i32 to index
        %get3A_1320 = tpu.vector_load %arg8[%get3A_1319] {strides = array<i32>} : memref<2048xf32, #tpu.memory_space<vmem>>, vector<16xf32>,
        %mul3A_1321 = arith.constant 1.110000e+02 : f32
        %mul3A_1322 = vector.broadcast %mul3A_1321 : f32 to vector<16xf32>
        %mul3A_1323 = arith.mulf %get3A_1320, %mul3A_1322 : vector<16xf32>
        %get3A_1324 = arith.index_cast %add3A_1318 : i32 to index
        %get3A_1325 = tpu.vector_load %arg9[%get3A_1324] {strides = array<i32>} : memref<2048xf32, #tpu.memory_space<vmem>>, vector<16xf32>,
        %mul3A_1326 = arith.constant 1.110000e+02 : f32
        %mul3A_1327 = vector.broadcast %mul3A_1326 : f32 to vector<16xf32>
        %mul3A_1328 = arith.mulf %get3A_1325, %mul3A_1327 : vector<16xf32>
        %convert_element_type3A_1329 = arith.fptosi %mul3A_1323 : vector<16xf32> to vector<16xi32>
        %min3A_1330 = arith.constant 110 : i32
        %min3A_1331 = vector.broadcast %min3A_1330 : i32 to vector<16xi32>
        %min3A_1332 = arith.minsi %convert_element_type3A_1329, %min3A_1331 : vector<16xi32>
        %convert_element_type3A_1333 = arith.fptosi %mul3A_1328 : vector<16xf32> to vector<16xi32>
        %min3A_1334 = arith.constant 110 : i32
        %min3A_1335 = vector.broadcast %min3A_1334 : i32 to vector<16xi32>
        %min3A_1336 = arith.minsi %convert_element_type3A_1333, %min3A_1335 : vector<16xi32>
        %convert_element_type3A_1337 = arith.sitofp %min3A_1332 : vector<16xi32> to vector<16xf32>
        %sub3A_1338 = arith.subf %mul3A_1323, %convert_element_type3A_1337 : vector<16xf32>
        %convert_element_type3A_1339 = arith.sitofp %min3A_1336 : vector<16xi32> to vector<16xf32>
        %sub3A_1340 = arith.subf %mul3A_1328, %convert_element_type3A_1339 : vector<16xf32>
        %mul3A_1341 = arith.constant 112 : i32
        %mul3A_1342 = vector.broadcast %mul3A_1341 : i32 to vector<16xi32>
        %mul3A_1343 = arith.muli %min3A_1336, %mul3A_1342 : vector<16xi32>
        %add3A_1344 = arith.addi %mul3A_1343, %min3A_1332 : vector<16xi32>
        %add3A_1345 = vector.broadcast %mul3A_1242 : i32 to vector<16xi32>
        %add3A_1346 = arith.addi %add3A_1344, %add3A_1345 : vector<16xi32>
        %swap3A_1347 = arith.constant 16 : index
        %swap3A_1348 = tpu.vector_load %arg14[%swap3A_1347] {strides = array<i32>} : memref<32xi32, #tpu.memory_space<vmem>>, vector<16xi32>,
        tpu.vector_store %arg14[%swap3A_1347], %add3A_1346 {strides = array<i32>} : memref<32xi32, #tpu.memory_space<vmem>>, vector<16xi32>,
        %add3A_1349 = arith.constant 1 : i32
        %add3A_1350 = vector.broadcast %add3A_1349 : i32 to vector<16xi32>
        %add3A_1351 = arith.addi %add3A_1346, %add3A_1350 : vector<16xi32>
        %swap3A_1352 = arith.constant 16 : index
        %swap3A_1353 = tpu.vector_load %arg15[%swap3A_1352] {strides = array<i32>} : memref<32xi32, #tpu.memory_space<vmem>>, vector<16xi32>,
        tpu.vector_store %arg15[%swap3A_1352], %add3A_1351 {strides = array<i32>} : memref<32xi32, #tpu.memory_space<vmem>>, vector<16xi32>,
        %add3A_1354 = arith.constant 112 : i32
        %add3A_1355 = vector.broadcast %add3A_1354 : i32 to vector<16xi32>
        %add3A_1356 = arith.addi %add3A_1346, %add3A_1355 : vector<16xi32>
        %swap3A_1357 = arith.constant 16 : index
        %swap3A_1358 = tpu.vector_load %arg16[%swap3A_1357] {strides = array<i32>} : memref<32xi32, #tpu.memory_space<vmem>>, vector<16xi32>,
        tpu.vector_store %arg16[%swap3A_1357], %add3A_1356 {strides = array<i32>} : memref<32xi32, #tpu.memory_space<vmem>>, vector<16xi32>,
        %add3A_1359 = arith.constant 112 : i32
        %add3A_1360 = vector.broadcast %add3A_1359 : i32 to vector<16xi32>
        %add3A_1361 = arith.addi %add3A_1346, %add3A_1360 : vector<16xi32>
        %add3A_1362 = arith.constant 1 : i32
        %add3A_1363 = vector.broadcast %add3A_1362 : i32 to vector<16xi32>
        %add3A_1364 = arith.addi %add3A_1361, %add3A_1363 : vector<16xi32>
        %swap3A_1365 = arith.constant 16 : index
        %swap3A_1366 = tpu.vector_load %arg17[%swap3A_1365] {strides = array<i32>} : memref<32xi32, #tpu.memory_space<vmem>>, vector<16xi32>,
        tpu.vector_store %arg17[%swap3A_1365], %add3A_1364 {strides = array<i32>} : memref<32xi32, #tpu.memory_space<vmem>>, vector<16xi32>,
        %sub3A_1367 = arith.constant 1.000000e+00 : f32
        %sub3A_1368 = vector.broadcast %sub3A_1367 : f32 to vector<16xf32>
        %sub3A_1369 = arith.subf %sub3A_1368, %sub3A_1338 : vector<16xf32>
        %sub3A_1370 = arith.constant 1.000000e+00 : f32
        %sub3A_1371 = vector.broadcast %sub3A_1370 : f32 to vector<16xf32>
        %sub3A_1372 = arith.subf %sub3A_1371, %sub3A_1340 : vector<16xf32>
        %mul3A_1373 = arith.mulf %sub3A_1369, %sub3A_1372 : vector<16xf32>
        %swap3A_1374 = arith.constant 16 : index
        %swap3A_1375 = tpu.vector_load %arg38[%swap3A_1374] {strides = array<i32>} : memref<32xf32, #tpu.memory_space<vmem>>, vector<16xf32>,
        tpu.vector_store %arg38[%swap3A_1374], %mul3A_1373 {strides = array<i32>} : memref<32xf32, #tpu.memory_space<vmem>>, vector<16xf32>,
        %sub3A_1376 = arith.constant 1.000000e+00 : f32
        %sub3A_1377 = vector.broadcast %sub3A_1376 : f32 to vector<16xf32>
        %sub3A_1378 = arith.subf %sub3A_1377, %sub3A_1340 : vector<16xf32>
        %mul3A_1379 = arith.mulf %sub3A_1338, %sub3A_1378 : vector<16xf32>
        %swap3A_1380 = arith.constant 16 : index
        %swap3A_1381 = tpu.vector_load %arg39[%swap3A_1380] {strides = array<i32>} : memref<32xf32, #tpu.memory_space<vmem>>, vector<16xf32>,
        tpu.vector_store %arg39[%swap3A_1380], %mul3A_1379 {strides = array<i32>} : memref<32xf32, #tpu.memory_space<vmem>>, vector<16xf32>,
        %sub3A_1382 = arith.constant 1.000000e+00 : f32
        %sub3A_1383 = vector.broadcast %sub3A_1382 : f32 to vector<16xf32>
        %sub3A_1384 = arith.subf %sub3A_1383, %sub3A_1338 : vector<16xf32>
        %mul3A_1385 = arith.mulf %sub3A_1384, %sub3A_1340 : vector<16xf32>
        %swap3A_1386 = arith.constant 16 : index
        %swap3A_1387 = tpu.vector_load %arg40[%swap3A_1386] {strides = array<i32>} : memref<32xf32, #tpu.memory_space<vmem>>, vector<16xf32>,
        tpu.vector_store %arg40[%swap3A_1386], %mul3A_1385 {strides = array<i32>} : memref<32xf32, #tpu.memory_space<vmem>>, vector<16xf32>,
        %mul3A_1388 = arith.mulf %sub3A_1338, %sub3A_1340 : vector<16xf32>
        %swap3A_1389 = arith.constant 16 : index
        %swap3A_1390 = tpu.vector_load %arg41[%swap3A_1389] {strides = array<i32>} : memref<32xf32, #tpu.memory_space<vmem>>, vector<16xf32>,
        tpu.vector_store %arg41[%swap3A_1389], %mul3A_1388 {strides = array<i32>} : memref<32xf32, #tpu.memory_space<vmem>>, vector<16xf32>,
        %mul3A_1391 = arith.constant 3136 : i32
        %mul3A_1392 = arith.muli %select_n3A, %mul3A_1391 : i32
        %add3A_1393 = arith.constant 0 : i32
        %add3A_1394 = arith.addi %mul3A_1090, %add3A_1393 : i32
        %get3A_1395 = arith.index_cast %add3A_1394 : i32 to index
        %get3A_1396 = tpu.vector_load %arg8[%get3A_1395] {strides = array<i32>} : memref<2048xf32, #tpu.memory_space<vmem>>, vector<16xf32>,
        %mul3A_1397 = arith.constant 5.500000e+01 : f32
        %mul3A_1398 = vector.broadcast %mul3A_1397 : f32 to vector<16xf32>
        %mul3A_1399 = arith.mulf %get3A_1396, %mul3A_1398 : vector<16xf32>
        %get3A_1400 = arith.index_cast %add3A_1394 : i32 to index
        %get3A_1401 = tpu.vector_load %arg9[%get3A_1400] {strides = array<i32>} : memref<2048xf32, #tpu.memory_space<vmem>>, vector<16xf32>,
        %mul3A_1402 = arith.constant 5.500000e+01 : f32
        %mul3A_1403 = vector.broadcast %mul3A_1402 : f32 to vector<16xf32>
        %mul3A_1404 = arith.mulf %get3A_1401, %mul3A_1403 : vector<16xf32>
        %convert_element_type3A_1405 = arith.fptosi %mul3A_1399 : vector<16xf32> to vector<16xi32>
        %min3A_1406 = arith.constant 54 : i32
        %min3A_1407 = vector.broadcast %min3A_1406 : i32 to vector<16xi32>
        %min3A_1408 = arith.minsi %convert_element_type3A_1405, %min3A_1407 : vector<16xi32>
        %convert_element_type3A_1409 = arith.fptosi %mul3A_1404 : vector<16xf32> to vector<16xi32>
        %min3A_1410 = arith.constant 54 : i32
        %min3A_1411 = vector.broadcast %min3A_1410 : i32 to vector<16xi32>
        %min3A_1412 = arith.minsi %convert_element_type3A_1409, %min3A_1411 : vector<16xi32>
        %convert_element_type3A_1413 = arith.sitofp %min3A_1408 : vector<16xi32> to vector<16xf32>
        %sub3A_1414 = arith.subf %mul3A_1399, %convert_element_type3A_1413 : vector<16xf32>
        %convert_element_type3A_1415 = arith.sitofp %min3A_1412 : vector<16xi32> to vector<16xf32>
        %sub3A_1416 = arith.subf %mul3A_1404, %convert_element_type3A_1415 : vector<16xf32>
        %mul3A_1417 = arith.constant 56 : i32
        %mul3A_1418 = vector.broadcast %mul3A_1417 : i32 to vector<16xi32>
        %mul3A_1419 = arith.muli %min3A_1412, %mul3A_1418 : vector<16xi32>
        %add3A_1420 = arith.addi %mul3A_1419, %min3A_1408 : vector<16xi32>
        %add3A_1421 = vector.broadcast %mul3A_1392 : i32 to vector<16xi32>
        %add3A_1422 = arith.addi %add3A_1420, %add3A_1421 : vector<16xi32>
        %swap3A_1423 = arith.constant 0 : index
        %swap3A_1424 = tpu.vector_load %arg18[%swap3A_1423] {strides = array<i32>} : memref<32xi32, #tpu.memory_space<vmem>>, vector<16xi32>,
        tpu.vector_store %arg18[%swap3A_1423], %add3A_1422 {strides = array<i32>} : memref<32xi32, #tpu.memory_space<vmem>>, vector<16xi32>,
        %add3A_1425 = arith.constant 1 : i32
        %add3A_1426 = vector.broadcast %add3A_1425 : i32 to vector<16xi32>
        %add3A_1427 = arith.addi %add3A_1422, %add3A_1426 : vector<16xi32>
        %swap3A_1428 = arith.constant 0 : index
        %swap3A_1429 = tpu.vector_load %arg19[%swap3A_1428] {strides = array<i32>} : memref<32xi32, #tpu.memory_space<vmem>>, vector<16xi32>,
        tpu.vector_store %arg19[%swap3A_1428], %add3A_1427 {strides = array<i32>} : memref<32xi32, #tpu.memory_space<vmem>>, vector<16xi32>,
        %add3A_1430 = arith.constant 56 : i32
        %add3A_1431 = vector.broadcast %add3A_1430 : i32 to vector<16xi32>
        %add3A_1432 = arith.addi %add3A_1422, %add3A_1431 : vector<16xi32>
        %swap3A_1433 = arith.constant 0 : index
        %swap3A_1434 = tpu.vector_load %arg20[%swap3A_1433] {strides = array<i32>} : memref<32xi32, #tpu.memory_space<vmem>>, vector<16xi32>,
        tpu.vector_store %arg20[%swap3A_1433], %add3A_1432 {strides = array<i32>} : memref<32xi32, #tpu.memory_space<vmem>>, vector<16xi32>,
        %add3A_1435 = arith.constant 56 : i32
        %add3A_1436 = vector.broadcast %add3A_1435 : i32 to vector<16xi32>
        %add3A_1437 = arith.addi %add3A_1422, %add3A_1436 : vector<16xi32>
        %add3A_1438 = arith.constant 1 : i32
        %add3A_1439 = vector.broadcast %add3A_1438 : i32 to vector<16xi32>
        %add3A_1440 = arith.addi %add3A_1437, %add3A_1439 : vector<16xi32>
        %swap3A_1441 = arith.constant 0 : index
        %swap3A_1442 = tpu.vector_load %arg21[%swap3A_1441] {strides = array<i32>} : memref<32xi32, #tpu.memory_space<vmem>>, vector<16xi32>,
        tpu.vector_store %arg21[%swap3A_1441], %add3A_1440 {strides = array<i32>} : memref<32xi32, #tpu.memory_space<vmem>>, vector<16xi32>,
        %sub3A_1443 = arith.constant 1.000000e+00 : f32
        %sub3A_1444 = vector.broadcast %sub3A_1443 : f32 to vector<16xf32>
        %sub3A_1445 = arith.subf %sub3A_1444, %sub3A_1414 : vector<16xf32>
        %sub3A_1446 = arith.constant 1.000000e+00 : f32
        %sub3A_1447 = vector.broadcast %sub3A_1446 : f32 to vector<16xf32>
        %sub3A_1448 = arith.subf %sub3A_1447, %sub3A_1416 : vector<16xf32>
        %mul3A_1449 = arith.mulf %sub3A_1445, %sub3A_1448 : vector<16xf32>
        %swap3A_1450 = arith.constant 0 : index
        %swap3A_1451 = tpu.vector_load %arg42[%swap3A_1450] {strides = array<i32>} : memref<32xf32, #tpu.memory_space<vmem>>, vector<16xf32>,
        tpu.vector_store %arg42[%swap3A_1450], %mul3A_1449 {strides = array<i32>} : memref<32xf32, #tpu.memory_space<vmem>>, vector<16xf32>,
        %sub3A_1452 = arith.constant 1.000000e+00 : f32
        %sub3A_1453 = vector.broadcast %sub3A_1452 : f32 to vector<16xf32>
        %sub3A_1454 = arith.subf %sub3A_1453, %sub3A_1416 : vector<16xf32>
        %mul3A_1455 = arith.mulf %sub3A_1414, %sub3A_1454 : vector<16xf32>
        %swap3A_1456 = arith.constant 0 : index
        %swap3A_1457 = tpu.vector_load %arg43[%swap3A_1456] {strides = array<i32>} : memref<32xf32, #tpu.memory_space<vmem>>, vector<16xf32>,
        tpu.vector_store %arg43[%swap3A_1456], %mul3A_1455 {strides = array<i32>} : memref<32xf32, #tpu.memory_space<vmem>>, vector<16xf32>,
        %sub3A_1458 = arith.constant 1.000000e+00 : f32
        %sub3A_1459 = vector.broadcast %sub3A_1458 : f32 to vector<16xf32>
        %sub3A_1460 = arith.subf %sub3A_1459, %sub3A_1414 : vector<16xf32>
        %mul3A_1461 = arith.mulf %sub3A_1460, %sub3A_1416 : vector<16xf32>
        %swap3A_1462 = arith.constant 0 : index
        %swap3A_1463 = tpu.vector_load %arg44[%swap3A_1462] {strides = array<i32>} : memref<32xf32, #tpu.memory_space<vmem>>, vector<16xf32>,
        tpu.vector_store %arg44[%swap3A_1462], %mul3A_1461 {strides = array<i32>} : memref<32xf32, #tpu.memory_space<vmem>>, vector<16xf32>,
        %mul3A_1464 = arith.mulf %sub3A_1414, %sub3A_1416 : vector<16xf32>
        %swap3A_1465 = arith.constant 0 : index
        %swap3A_1466 = tpu.vector_load %arg45[%swap3A_1465] {strides = array<i32>} : memref<32xf32, #tpu.memory_space<vmem>>, vector<16xf32>,
        tpu.vector_store %arg45[%swap3A_1465], %mul3A_1464 {strides = array<i32>} : memref<32xf32, #tpu.memory_space<vmem>>, vector<16xf32>,
        %add3A_1467 = arith.constant 16 : i32
        %add3A_1468 = arith.addi %mul3A_1090, %add3A_1467 : i32
        %get3A_1469 = arith.index_cast %add3A_1468 : i32 to index
        %get3A_1470 = tpu.vector_load %arg8[%get3A_1469] {strides = array<i32>} : memref<2048xf32, #tpu.memory_space<vmem>>, vector<16xf32>,
        %mul3A_1471 = arith.constant 5.500000e+01 : f32
        %mul3A_1472 = vector.broadcast %mul3A_1471 : f32 to vector<16xf32>
        %mul3A_1473 = arith.mulf %get3A_1470, %mul3A_1472 : vector<16xf32>
        %get3A_1474 = arith.index_cast %add3A_1468 : i32 to index
        %get3A_1475 = tpu.vector_load %arg9[%get3A_1474] {strides = array<i32>} : memref<2048xf32, #tpu.memory_space<vmem>>, vector<16xf32>,
        %mul3A_1476 = arith.constant 5.500000e+01 : f32
        %mul3A_1477 = vector.broadcast %mul3A_1476 : f32 to vector<16xf32>
        %mul3A_1478 = arith.mulf %get3A_1475, %mul3A_1477 : vector<16xf32>
        %convert_element_type3A_1479 = arith.fptosi %mul3A_1473 : vector<16xf32> to vector<16xi32>
        %min3A_1480 = arith.constant 54 : i32
        %min3A_1481 = vector.broadcast %min3A_1480 : i32 to vector<16xi32>
        %min3A_1482 = arith.minsi %convert_element_type3A_1479, %min3A_1481 : vector<16xi32>
        %convert_element_type3A_1483 = arith.fptosi %mul3A_1478 : vector<16xf32> to vector<16xi32>
        %min3A_1484 = arith.constant 54 : i32
        %min3A_1485 = vector.broadcast %min3A_1484 : i32 to vector<16xi32>
        %min3A_1486 = arith.minsi %convert_element_type3A_1483, %min3A_1485 : vector<16xi32>
        %convert_element_type3A_1487 = arith.sitofp %min3A_1482 : vector<16xi32> to vector<16xf32>
        %sub3A_1488 = arith.subf %mul3A_1473, %convert_element_type3A_1487 : vector<16xf32>
        %convert_element_type3A_1489 = arith.sitofp %min3A_1486 : vector<16xi32> to vector<16xf32>
        %sub3A_1490 = arith.subf %mul3A_1478, %convert_element_type3A_1489 : vector<16xf32>
        %mul3A_1491 = arith.constant 56 : i32
        %mul3A_1492 = vector.broadcast %mul3A_1491 : i32 to vector<16xi32>
        %mul3A_1493 = arith.muli %min3A_1486, %mul3A_1492 : vector<16xi32>
        %add3A_1494 = arith.addi %mul3A_1493, %min3A_1482 : vector<16xi32>
        %add3A_1495 = vector.broadcast %mul3A_1392 : i32 to vector<16xi32>
        %add3A_1496 = arith.addi %add3A_1494, %add3A_1495 : vector<16xi32>
        %swap3A_1497 = arith.constant 16 : index
        %swap3A_1498 = tpu.vector_load %arg18[%swap3A_1497] {strides = array<i32>} : memref<32xi32, #tpu.memory_space<vmem>>, vector<16xi32>,
        tpu.vector_store %arg18[%swap3A_1497], %add3A_1496 {strides = array<i32>} : memref<32xi32, #tpu.memory_space<vmem>>, vector<16xi32>,
        %add3A_1499 = arith.constant 1 : i32
        %add3A_1500 = vector.broadcast %add3A_1499 : i32 to vector<16xi32>
        %add3A_1501 = arith.addi %add3A_1496, %add3A_1500 : vector<16xi32>
        %swap3A_1502 = arith.constant 16 : index
        %swap3A_1503 = tpu.vector_load %arg19[%swap3A_1502] {strides = array<i32>} : memref<32xi32, #tpu.memory_space<vmem>>, vector<16xi32>,
        tpu.vector_store %arg19[%swap3A_1502], %add3A_1501 {strides = array<i32>} : memref<32xi32, #tpu.memory_space<vmem>>, vector<16xi32>,
        %add3A_1504 = arith.constant 56 : i32
        %add3A_1505 = vector.broadcast %add3A_1504 : i32 to vector<16xi32>
        %add3A_1506 = arith.addi %add3A_1496, %add3A_1505 : vector<16xi32>
        %swap3A_1507 = arith.constant 16 : index
        %swap3A_1508 = tpu.vector_load %arg20[%swap3A_1507] {strides = array<i32>} : memref<32xi32, #tpu.memory_space<vmem>>, vector<16xi32>,
        tpu.vector_store %arg20[%swap3A_1507], %add3A_1506 {strides = array<i32>} : memref<32xi32, #tpu.memory_space<vmem>>, vector<16xi32>,
        %add3A_1509 = arith.constant 56 : i32
        %add3A_1510 = vector.broadcast %add3A_1509 : i32 to vector<16xi32>
        %add3A_1511 = arith.addi %add3A_1496, %add3A_1510 : vector<16xi32>
        %add3A_1512 = arith.constant 1 : i32
        %add3A_1513 = vector.broadcast %add3A_1512 : i32 to vector<16xi32>
        %add3A_1514 = arith.addi %add3A_1511, %add3A_1513 : vector<16xi32>
        %swap3A_1515 = arith.constant 16 : index
        %swap3A_1516 = tpu.vector_load %arg21[%swap3A_1515] {strides = array<i32>} : memref<32xi32, #tpu.memory_space<vmem>>, vector<16xi32>,
        tpu.vector_store %arg21[%swap3A_1515], %add3A_1514 {strides = array<i32>} : memref<32xi32, #tpu.memory_space<vmem>>, vector<16xi32>,
        %sub3A_1517 = arith.constant 1.000000e+00 : f32
        %sub3A_1518 = vector.broadcast %sub3A_1517 : f32 to vector<16xf32>
        %sub3A_1519 = arith.subf %sub3A_1518, %sub3A_1488 : vector<16xf32>
        %sub3A_1520 = arith.constant 1.000000e+00 : f32
        %sub3A_1521 = vector.broadcast %sub3A_1520 : f32 to vector<16xf32>
        %sub3A_1522 = arith.subf %sub3A_1521, %sub3A_1490 : vector<16xf32>
        %mul3A_1523 = arith.mulf %sub3A_1519, %sub3A_1522 : vector<16xf32>
        %swap3A_1524 = arith.constant 16 : index
        %swap3A_1525 = tpu.vector_load %arg42[%swap3A_1524] {strides = array<i32>} : memref<32xf32, #tpu.memory_space<vmem>>, vector<16xf32>,
        tpu.vector_store %arg42[%swap3A_1524], %mul3A_1523 {strides = array<i32>} : memref<32xf32, #tpu.memory_space<vmem>>, vector<16xf32>,
        %sub3A_1526 = arith.constant 1.000000e+00 : f32
        %sub3A_1527 = vector.broadcast %sub3A_1526 : f32 to vector<16xf32>
        %sub3A_1528 = arith.subf %sub3A_1527, %sub3A_1490 : vector<16xf32>
        %mul3A_1529 = arith.mulf %sub3A_1488, %sub3A_1528 : vector<16xf32>
        %swap3A_1530 = arith.constant 16 : index
        %swap3A_1531 = tpu.vector_load %arg43[%swap3A_1530] {strides = array<i32>} : memref<32xf32, #tpu.memory_space<vmem>>, vector<16xf32>,
        tpu.vector_store %arg43[%swap3A_1530], %mul3A_1529 {strides = array<i32>} : memref<32xf32, #tpu.memory_space<vmem>>, vector<16xf32>,
        %sub3A_1532 = arith.constant 1.000000e+00 : f32
        %sub3A_1533 = vector.broadcast %sub3A_1532 : f32 to vector<16xf32>
        %sub3A_1534 = arith.subf %sub3A_1533, %sub3A_1488 : vector<16xf32>
        %mul3A_1535 = arith.mulf %sub3A_1534, %sub3A_1490 : vector<16xf32>
        %swap3A_1536 = arith.constant 16 : index
        %swap3A_1537 = tpu.vector_load %arg44[%swap3A_1536] {strides = array<i32>} : memref<32xf32, #tpu.memory_space<vmem>>, vector<16xf32>,
        tpu.vector_store %arg44[%swap3A_1536], %mul3A_1535 {strides = array<i32>} : memref<32xf32, #tpu.memory_space<vmem>>, vector<16xf32>,
        %mul3A_1538 = arith.mulf %sub3A_1488, %sub3A_1490 : vector<16xf32>
        %swap3A_1539 = arith.constant 16 : index
        %swap3A_1540 = tpu.vector_load %arg45[%swap3A_1539] {strides = array<i32>} : memref<32xf32, #tpu.memory_space<vmem>>, vector<16xf32>,
        tpu.vector_store %arg45[%swap3A_1539], %mul3A_1538 {strides = array<i32>} : memref<32xf32, #tpu.memory_space<vmem>>, vector<16xf32>,
        %dma_start3A_1541 = arith.constant 0 : i32
        %dma_start3A_1542 = arith.constant 0 : i32
        %dma_start3A_1543 = tpu.memref_slice %arg2[%dma_start3A_1541, %dma_start3A_1542] : memref<200704x128xf32, #tpu.memory_space<hbm>> -> memref<200704x128xf32, #tpu.memory_space<hbm>>
        tpu.enqueue_indirect_dma source(%dma_start3A_1543 : memref<200704x128xf32, #tpu.memory_space<hbm>>) target(%arg58 : memref<32x128xf32, #tpu.memory_space<vmem>>) offsets(%arg10 : memref<32xi32, #tpu.memory_space<vmem>>) semaphore(%arg83 : memref<!tpu.dma_semaphore, #tpu.memory_space<semaphore_mem>>)
        %dma_start3A_1544 = arith.constant 0 : i32
        %dma_start3A_1545 = arith.constant 0 : i32
        %dma_start3A_1546 = tpu.memref_slice %arg2[%dma_start3A_1544, %dma_start3A_1545] : memref<200704x128xf32, #tpu.memory_space<hbm>> -> memref<200704x128xf32, #tpu.memory_space<hbm>>
        tpu.enqueue_indirect_dma source(%dma_start3A_1546 : memref<200704x128xf32, #tpu.memory_space<hbm>>) target(%arg59 : memref<32x128xf32, #tpu.memory_space<vmem>>) offsets(%arg11 : memref<32xi32, #tpu.memory_space<vmem>>) semaphore(%arg83 : memref<!tpu.dma_semaphore, #tpu.memory_space<semaphore_mem>>)
        %dma_start3A_1547 = arith.constant 0 : i32
        %dma_start3A_1548 = arith.constant 0 : i32
        %dma_start3A_1549 = tpu.memref_slice %arg2[%dma_start3A_1547, %dma_start3A_1548] : memref<200704x128xf32, #tpu.memory_space<hbm>> -> memref<200704x128xf32, #tpu.memory_space<hbm>>
        tpu.enqueue_indirect_dma source(%dma_start3A_1549 : memref<200704x128xf32, #tpu.memory_space<hbm>>) target(%arg60 : memref<32x128xf32, #tpu.memory_space<vmem>>) offsets(%arg12 : memref<32xi32, #tpu.memory_space<vmem>>) semaphore(%arg83 : memref<!tpu.dma_semaphore, #tpu.memory_space<semaphore_mem>>)
        %dma_start3A_1550 = arith.constant 0 : i32
        %dma_start3A_1551 = arith.constant 0 : i32
        %dma_start3A_1552 = tpu.memref_slice %arg2[%dma_start3A_1550, %dma_start3A_1551] : memref<200704x128xf32, #tpu.memory_space<hbm>> -> memref<200704x128xf32, #tpu.memory_space<hbm>>
        tpu.enqueue_indirect_dma source(%dma_start3A_1552 : memref<200704x128xf32, #tpu.memory_space<hbm>>) target(%arg61 : memref<32x128xf32, #tpu.memory_space<vmem>>) offsets(%arg13 : memref<32xi32, #tpu.memory_space<vmem>>) semaphore(%arg83 : memref<!tpu.dma_semaphore, #tpu.memory_space<semaphore_mem>>)
        %dma_start3A_1553 = arith.constant 0 : i32
        %dma_start3A_1554 = arith.constant 0 : i32
        %dma_start3A_1555 = tpu.memref_slice %arg3[%dma_start3A_1553, %dma_start3A_1554] : memref<50176x128xf32, #tpu.memory_space<hbm>> -> memref<50176x128xf32, #tpu.memory_space<hbm>>
        tpu.enqueue_indirect_dma source(%dma_start3A_1555 : memref<50176x128xf32, #tpu.memory_space<hbm>>) target(%arg62 : memref<32x128xf32, #tpu.memory_space<vmem>>) offsets(%arg14 : memref<32xi32, #tpu.memory_space<vmem>>) semaphore(%arg83 : memref<!tpu.dma_semaphore, #tpu.memory_space<semaphore_mem>>)
        %dma_start3A_1556 = arith.constant 0 : i32
        %dma_start3A_1557 = arith.constant 0 : i32
        %dma_start3A_1558 = tpu.memref_slice %arg3[%dma_start3A_1556, %dma_start3A_1557] : memref<50176x128xf32, #tpu.memory_space<hbm>> -> memref<50176x128xf32, #tpu.memory_space<hbm>>
        tpu.enqueue_indirect_dma source(%dma_start3A_1558 : memref<50176x128xf32, #tpu.memory_space<hbm>>) target(%arg63 : memref<32x128xf32, #tpu.memory_space<vmem>>) offsets(%arg15 : memref<32xi32, #tpu.memory_space<vmem>>) semaphore(%arg83 : memref<!tpu.dma_semaphore, #tpu.memory_space<semaphore_mem>>)
        %dma_start3A_1559 = arith.constant 0 : i32
        %dma_start3A_1560 = arith.constant 0 : i32
        %dma_start3A_1561 = tpu.memref_slice %arg3[%dma_start3A_1559, %dma_start3A_1560] : memref<50176x128xf32, #tpu.memory_space<hbm>> -> memref<50176x128xf32, #tpu.memory_space<hbm>>
        tpu.enqueue_indirect_dma source(%dma_start3A_1561 : memref<50176x128xf32, #tpu.memory_space<hbm>>) target(%arg64 : memref<32x128xf32, #tpu.memory_space<vmem>>) offsets(%arg16 : memref<32xi32, #tpu.memory_space<vmem>>) semaphore(%arg83 : memref<!tpu.dma_semaphore, #tpu.memory_space<semaphore_mem>>)
        %dma_start3A_1562 = arith.constant 0 : i32
        %dma_start3A_1563 = arith.constant 0 : i32
        %dma_start3A_1564 = tpu.memref_slice %arg3[%dma_start3A_1562, %dma_start3A_1563] : memref<50176x128xf32, #tpu.memory_space<hbm>> -> memref<50176x128xf32, #tpu.memory_space<hbm>>
        tpu.enqueue_indirect_dma source(%dma_start3A_1564 : memref<50176x128xf32, #tpu.memory_space<hbm>>) target(%arg65 : memref<32x128xf32, #tpu.memory_space<vmem>>) offsets(%arg17 : memref<32xi32, #tpu.memory_space<vmem>>) semaphore(%arg83 : memref<!tpu.dma_semaphore, #tpu.memory_space<semaphore_mem>>)
        %dma_start3A_1565 = arith.constant 0 : i32
        %dma_start3A_1566 = arith.constant 0 : i32
        %dma_start3A_1567 = tpu.memref_slice %arg4[%dma_start3A_1565, %dma_start3A_1566] : memref<12544x128xf32, #tpu.memory_space<hbm>> -> memref<12544x128xf32, #tpu.memory_space<hbm>>
        tpu.enqueue_indirect_dma source(%dma_start3A_1567 : memref<12544x128xf32, #tpu.memory_space<hbm>>) target(%arg66 : memref<32x128xf32, #tpu.memory_space<vmem>>) offsets(%arg18 : memref<32xi32, #tpu.memory_space<vmem>>) semaphore(%arg83 : memref<!tpu.dma_semaphore, #tpu.memory_space<semaphore_mem>>)
        %dma_start3A_1568 = arith.constant 0 : i32
        %dma_start3A_1569 = arith.constant 0 : i32
        %dma_start3A_1570 = tpu.memref_slice %arg4[%dma_start3A_1568, %dma_start3A_1569] : memref<12544x128xf32, #tpu.memory_space<hbm>> -> memref<12544x128xf32, #tpu.memory_space<hbm>>
        tpu.enqueue_indirect_dma source(%dma_start3A_1570 : memref<12544x128xf32, #tpu.memory_space<hbm>>) target(%arg67 : memref<32x128xf32, #tpu.memory_space<vmem>>) offsets(%arg19 : memref<32xi32, #tpu.memory_space<vmem>>) semaphore(%arg83 : memref<!tpu.dma_semaphore, #tpu.memory_space<semaphore_mem>>)
        %dma_start3A_1571 = arith.constant 0 : i32
        %dma_start3A_1572 = arith.constant 0 : i32
        %dma_start3A_1573 = tpu.memref_slice %arg4[%dma_start3A_1571, %dma_start3A_1572] : memref<12544x128xf32, #tpu.memory_space<hbm>> -> memref<12544x128xf32, #tpu.memory_space<hbm>>
        tpu.enqueue_indirect_dma source(%dma_start3A_1573 : memref<12544x128xf32, #tpu.memory_space<hbm>>) target(%arg68 : memref<32x128xf32, #tpu.memory_space<vmem>>) offsets(%arg20 : memref<32xi32, #tpu.memory_space<vmem>>) semaphore(%arg83 : memref<!tpu.dma_semaphore, #tpu.memory_space<semaphore_mem>>)
        %dma_start3A_1574 = arith.constant 0 : i32
        %dma_start3A_1575 = arith.constant 0 : i32
        %dma_start3A_1576 = tpu.memref_slice %arg4[%dma_start3A_1574, %dma_start3A_1575] : memref<12544x128xf32, #tpu.memory_space<hbm>> -> memref<12544x128xf32, #tpu.memory_space<hbm>>
        tpu.enqueue_indirect_dma source(%dma_start3A_1576 : memref<12544x128xf32, #tpu.memory_space<hbm>>) target(%arg69 : memref<32x128xf32, #tpu.memory_space<vmem>>) offsets(%arg21 : memref<32xi32, #tpu.memory_space<vmem>>) semaphore(%arg83 : memref<!tpu.dma_semaphore, #tpu.memory_space<semaphore_mem>>)
      } else {
      }
      %dma_wait3A_1037 = arith.constant 0 : i32
      %dma_wait3A_1038 = arith.constant 0 : i32
      %dma_wait3A_1039 = tpu.memref_slice %arg2[%dma_wait3A_1037, %dma_wait3A_1038] : memref<200704x128xf32, #tpu.memory_space<hbm>> -> memref<200704x128xf32, #tpu.memory_space<hbm>>
      tpu.wait_indirect_dma semaphore(%arg84 : memref<!tpu.dma_semaphore, #tpu.memory_space<semaphore_mem>>) src(%dma_wait3A_1039 : memref<200704x128xf32, #tpu.memory_space<hbm>>) dst(%arg70 : memref<32x128xf32, #tpu.memory_space<vmem>>)
      %dma_wait3A_1040 = arith.constant 0 : i32
      %dma_wait3A_1041 = arith.constant 0 : i32
      %dma_wait3A_1042 = tpu.memref_slice %arg2[%dma_wait3A_1040, %dma_wait3A_1041] : memref<200704x128xf32, #tpu.memory_space<hbm>> -> memref<200704x128xf32, #tpu.memory_space<hbm>>
      tpu.wait_indirect_dma semaphore(%arg84 : memref<!tpu.dma_semaphore, #tpu.memory_space<semaphore_mem>>) src(%dma_wait3A_1042 : memref<200704x128xf32, #tpu.memory_space<hbm>>) dst(%arg71 : memref<32x128xf32, #tpu.memory_space<vmem>>)
      %dma_wait3A_1043 = arith.constant 0 : i32
      %dma_wait3A_1044 = arith.constant 0 : i32
      %dma_wait3A_1045 = tpu.memref_slice %arg2[%dma_wait3A_1043, %dma_wait3A_1044] : memref<200704x128xf32, #tpu.memory_space<hbm>> -> memref<200704x128xf32, #tpu.memory_space<hbm>>
      tpu.wait_indirect_dma semaphore(%arg84 : memref<!tpu.dma_semaphore, #tpu.memory_space<semaphore_mem>>) src(%dma_wait3A_1045 : memref<200704x128xf32, #tpu.memory_space<hbm>>) dst(%arg72 : memref<32x128xf32, #tpu.memory_space<vmem>>)
      %dma_wait3A_1046 = arith.constant 0 : i32
      %dma_wait3A_1047 = arith.constant 0 : i32
      %dma_wait3A_1048 = tpu.memref_slice %arg2[%dma_wait3A_1046, %dma_wait3A_1047] : memref<200704x128xf32, #tpu.memory_space<hbm>> -> memref<200704x128xf32, #tpu.memory_space<hbm>>
      tpu.wait_indirect_dma semaphore(%arg84 : memref<!tpu.dma_semaphore, #tpu.memory_space<semaphore_mem>>) src(%dma_wait3A_1048 : memref<200704x128xf32, #tpu.memory_space<hbm>>) dst(%arg73 : memref<32x128xf32, #tpu.memory_space<vmem>>)
      %dma_wait3A_1049 = arith.constant 0 : i32
      %dma_wait3A_1050 = arith.constant 0 : i32
      %dma_wait3A_1051 = tpu.memref_slice %arg3[%dma_wait3A_1049, %dma_wait3A_1050] : memref<50176x128xf32, #tpu.memory_space<hbm>> -> memref<50176x128xf32, #tpu.memory_space<hbm>>
      tpu.wait_indirect_dma semaphore(%arg84 : memref<!tpu.dma_semaphore, #tpu.memory_space<semaphore_mem>>) src(%dma_wait3A_1051 : memref<50176x128xf32, #tpu.memory_space<hbm>>) dst(%arg74 : memref<32x128xf32, #tpu.memory_space<vmem>>)
      %dma_wait3A_1052 = arith.constant 0 : i32
      %dma_wait3A_1053 = arith.constant 0 : i32
      %dma_wait3A_1054 = tpu.memref_slice %arg3[%dma_wait3A_1052, %dma_wait3A_1053] : memref<50176x128xf32, #tpu.memory_space<hbm>> -> memref<50176x128xf32, #tpu.memory_space<hbm>>
      tpu.wait_indirect_dma semaphore(%arg84 : memref<!tpu.dma_semaphore, #tpu.memory_space<semaphore_mem>>) src(%dma_wait3A_1054 : memref<50176x128xf32, #tpu.memory_space<hbm>>) dst(%arg75 : memref<32x128xf32, #tpu.memory_space<vmem>>)
      %dma_wait3A_1055 = arith.constant 0 : i32
      %dma_wait3A_1056 = arith.constant 0 : i32
      %dma_wait3A_1057 = tpu.memref_slice %arg3[%dma_wait3A_1055, %dma_wait3A_1056] : memref<50176x128xf32, #tpu.memory_space<hbm>> -> memref<50176x128xf32, #tpu.memory_space<hbm>>
      tpu.wait_indirect_dma semaphore(%arg84 : memref<!tpu.dma_semaphore, #tpu.memory_space<semaphore_mem>>) src(%dma_wait3A_1057 : memref<50176x128xf32, #tpu.memory_space<hbm>>) dst(%arg76 : memref<32x128xf32, #tpu.memory_space<vmem>>)
      %dma_wait3A_1058 = arith.constant 0 : i32
      %dma_wait3A_1059 = arith.constant 0 : i32
      %dma_wait3A_1060 = tpu.memref_slice %arg3[%dma_wait3A_1058, %dma_wait3A_1059] : memref<50176x128xf32, #tpu.memory_space<hbm>> -> memref<50176x128xf32, #tpu.memory_space<hbm>>
      tpu.wait_indirect_dma semaphore(%arg84 : memref<!tpu.dma_semaphore, #tpu.memory_space<semaphore_mem>>) src(%dma_wait3A_1060 : memref<50176x128xf32, #tpu.memory_space<hbm>>) dst(%arg77 : memref<32x128xf32, #tpu.memory_space<vmem>>)
      %dma_wait3A_1061 = arith.constant 0 : i32
      %dma_wait3A_1062 = arith.constant 0 : i32
      %dma_wait3A_1063 = tpu.memref_slice %arg4[%dma_wait3A_1061, %dma_wait3A_1062] : memref<12544x128xf32, #tpu.memory_space<hbm>> -> memref<12544x128xf32, #tpu.memory_space<hbm>>
      tpu.wait_indirect_dma semaphore(%arg84 : memref<!tpu.dma_semaphore, #tpu.memory_space<semaphore_mem>>) src(%dma_wait3A_1063 : memref<12544x128xf32, #tpu.memory_space<hbm>>) dst(%arg78 : memref<32x128xf32, #tpu.memory_space<vmem>>)
      %dma_wait3A_1064 = arith.constant 0 : i32
      %dma_wait3A_1065 = arith.constant 0 : i32
      %dma_wait3A_1066 = tpu.memref_slice %arg4[%dma_wait3A_1064, %dma_wait3A_1065] : memref<12544x128xf32, #tpu.memory_space<hbm>> -> memref<12544x128xf32, #tpu.memory_space<hbm>>
      tpu.wait_indirect_dma semaphore(%arg84 : memref<!tpu.dma_semaphore, #tpu.memory_space<semaphore_mem>>) src(%dma_wait3A_1066 : memref<12544x128xf32, #tpu.memory_space<hbm>>) dst(%arg79 : memref<32x128xf32, #tpu.memory_space<vmem>>)
      %dma_wait3A_1067 = arith.constant 0 : i32
      %dma_wait3A_1068 = arith.constant 0 : i32
      %dma_wait3A_1069 = tpu.memref_slice %arg4[%dma_wait3A_1067, %dma_wait3A_1068] : memref<12544x128xf32, #tpu.memory_space<hbm>> -> memref<12544x128xf32, #tpu.memory_space<hbm>>
      tpu.wait_indirect_dma semaphore(%arg84 : memref<!tpu.dma_semaphore, #tpu.memory_space<semaphore_mem>>) src(%dma_wait3A_1069 : memref<12544x128xf32, #tpu.memory_space<hbm>>) dst(%arg80 : memref<32x128xf32, #tpu.memory_space<vmem>>)
      %dma_wait3A_1070 = arith.constant 0 : i32
      %dma_wait3A_1071 = arith.constant 0 : i32
      %dma_wait3A_1072 = tpu.memref_slice %arg4[%dma_wait3A_1070, %dma_wait3A_1071] : memref<12544x128xf32, #tpu.memory_space<hbm>> -> memref<12544x128xf32, #tpu.memory_space<hbm>>
      tpu.wait_indirect_dma semaphore(%arg84 : memref<!tpu.dma_semaphore, #tpu.memory_space<semaphore_mem>>) src(%dma_wait3A_1072 : memref<12544x128xf32, #tpu.memory_space<hbm>>) dst(%arg81 : memref<32x128xf32, #tpu.memory_space<vmem>>)
      %add3A_1073 = arith.constant 1 : i32
      %add3A_1074 = arith.addi %mul3A_495, %add3A_1073 : i32
      %parallel_loop3A_1075 = arith.constant 0 : i32
      %parallel_loop3A_1076 = arith.constant 32 : i32
      %parallel_loop3A_1077 = arith.constant 1 : i32
      scf.for %parallel_loop3A_1087 = %parallel_loop3A_1075 to %parallel_loop3A_1076 step %parallel_loop3A_1077  : i32 {
        %parallel_loop3A_1088 = vector.broadcast %parallel_loop3A_1087 : i32 to vector<16xi32>
        %parallel_loop3A_1089 = tpu.vector_load_idx %arg46[%parallel_loop3A_1088] : memref<32xf32, #tpu.memory_space<vmem>>[vector<16xi32>], vector<16xf32>,
        %parallel_loop3A_1090 = tpu.vector_load_idx %arg47[%parallel_loop3A_1088] : memref<32xf32, #tpu.memory_space<vmem>>[vector<16xi32>], vector<16xf32>,
        %parallel_loop3A_1091 = tpu.vector_load_idx %arg48[%parallel_loop3A_1088] : memref<32xf32, #tpu.memory_space<vmem>>[vector<16xi32>], vector<16xf32>,
        %parallel_loop3A_1092 = tpu.vector_load_idx %arg49[%parallel_loop3A_1088] : memref<32xf32, #tpu.memory_space<vmem>>[vector<16xi32>], vector<16xf32>,
        %parallel_loop3A_1093 = arith.index_cast %parallel_loop3A_1087 : i32 to index
        %parallel_loop3A_1094 = arith.constant 0 : index
        %parallel_loop3A_1095 = tpu.vector_load %arg70[%parallel_loop3A_1093, %parallel_loop3A_1094] {strides = array<i32>} : memref<32x128xf32, #tpu.memory_space<vmem>>, vector<16xf32>,
        %parallel_loop3A_1096 = arith.mulf %parallel_loop3A_1089, %parallel_loop3A_1095 : vector<16xf32>
        %parallel_loop3A_1097 = arith.index_cast %parallel_loop3A_1087 : i32 to index
        %parallel_loop3A_1098 = arith.constant 0 : index
        %parallel_loop3A_1099 = tpu.vector_load %arg71[%parallel_loop3A_1097, %parallel_loop3A_1098] {strides = array<i32>} : memref<32x128xf32, #tpu.memory_space<vmem>>, vector<16xf32>,
        %parallel_loop3A_1100 = arith.mulf %parallel_loop3A_1090, %parallel_loop3A_1099 : vector<16xf32>
        %parallel_loop3A_1101 = arith.addf %parallel_loop3A_1096, %parallel_loop3A_1100 : vector<16xf32>
        %parallel_loop3A_1102 = arith.index_cast %parallel_loop3A_1087 : i32 to index
        %parallel_loop3A_1103 = arith.constant 0 : index
        %parallel_loop3A_1104 = tpu.vector_load %arg72[%parallel_loop3A_1102, %parallel_loop3A_1103] {strides = array<i32>} : memref<32x128xf32, #tpu.memory_space<vmem>>, vector<16xf32>,
        %parallel_loop3A_1105 = arith.mulf %parallel_loop3A_1091, %parallel_loop3A_1104 : vector<16xf32>
        %parallel_loop3A_1106 = arith.addf %parallel_loop3A_1101, %parallel_loop3A_1105 : vector<16xf32>
        %parallel_loop3A_1107 = arith.index_cast %parallel_loop3A_1087 : i32 to index
        %parallel_loop3A_1108 = arith.constant 0 : index
        %parallel_loop3A_1109 = tpu.vector_load %arg73[%parallel_loop3A_1107, %parallel_loop3A_1108] {strides = array<i32>} : memref<32x128xf32, #tpu.memory_space<vmem>>, vector<16xf32>,
        %parallel_loop3A_1110 = arith.mulf %parallel_loop3A_1092, %parallel_loop3A_1109 : vector<16xf32>
        %parallel_loop3A_1111 = arith.addf %parallel_loop3A_1106, %parallel_loop3A_1110 : vector<16xf32>
        %parallel_loop3A_1112 = arith.index_cast %parallel_loop3A_1087 : i32 to index
        %parallel_loop3A_1113 = arith.constant 0 : index
        %parallel_loop3A_1114 = tpu.vector_load %arg82[%parallel_loop3A_1112, %parallel_loop3A_1113] {strides = array<i32>} : memref<32x288xf32, #tpu.memory_space<vmem>>, vector<16xf32>,
        tpu.vector_store %arg82[%parallel_loop3A_1112, %parallel_loop3A_1113], %parallel_loop3A_1111 {strides = array<i32>} : memref<32x288xf32, #tpu.memory_space<vmem>>, vector<16xf32>,
        %parallel_loop3A_1115 = arith.index_cast %parallel_loop3A_1087 : i32 to index
        %parallel_loop3A_1116 = arith.constant 16 : index
        %parallel_loop3A_1117 = tpu.vector_load %arg70[%parallel_loop3A_1115, %parallel_loop3A_1116] {strides = array<i32>} : memref<32x128xf32, #tpu.memory_space<vmem>>, vector<16xf32>,
        %parallel_loop3A_1118 = arith.mulf %parallel_loop3A_1089, %parallel_loop3A_1117 : vector<16xf32>
        %parallel_loop3A_1119 = arith.index_cast %parallel_loop3A_1087 : i32 to index
        %parallel_loop3A_1120 = arith.constant 16 : index
        %parallel_loop3A_1121 = tpu.vector_load %arg71[%parallel_loop3A_1119, %parallel_loop3A_1120] {strides = array<i32>} : memref<32x128xf32, #tpu.memory_space<vmem>>, vector<16xf32>,
        %parallel_loop3A_1122 = arith.mulf %parallel_loop3A_1090, %parallel_loop3A_1121 : vector<16xf32>
        %parallel_loop3A_1123 = arith.addf %parallel_loop3A_1118, %parallel_loop3A_1122 : vector<16xf32>
        %parallel_loop3A_1124 = arith.index_cast %parallel_loop3A_1087 : i32 to index
        %parallel_loop3A_1125 = arith.constant 16 : index
        %parallel_loop3A_1126 = tpu.vector_load %arg72[%parallel_loop3A_1124, %parallel_loop3A_1125] {strides = array<i32>} : memref<32x128xf32, #tpu.memory_space<vmem>>, vector<16xf32>,
        %parallel_loop3A_1127 = arith.mulf %parallel_loop3A_1091, %parallel_loop3A_1126 : vector<16xf32>
        %parallel_loop3A_1128 = arith.addf %parallel_loop3A_1123, %parallel_loop3A_1127 : vector<16xf32>
        %parallel_loop3A_1129 = arith.index_cast %parallel_loop3A_1087 : i32 to index
        %parallel_loop3A_1130 = arith.constant 16 : index
        %parallel_loop3A_1131 = tpu.vector_load %arg73[%parallel_loop3A_1129, %parallel_loop3A_1130] {strides = array<i32>} : memref<32x128xf32, #tpu.memory_space<vmem>>, vector<16xf32>,
        %parallel_loop3A_1132 = arith.mulf %parallel_loop3A_1092, %parallel_loop3A_1131 : vector<16xf32>
        %parallel_loop3A_1133 = arith.addf %parallel_loop3A_1128, %parallel_loop3A_1132 : vector<16xf32>
        %parallel_loop3A_1134 = arith.index_cast %parallel_loop3A_1087 : i32 to index
        %parallel_loop3A_1135 = arith.constant 16 : index
        %parallel_loop3A_1136 = tpu.vector_load %arg82[%parallel_loop3A_1134, %parallel_loop3A_1135] {strides = array<i32>} : memref<32x288xf32, #tpu.memory_space<vmem>>, vector<16xf32>,
        tpu.vector_store %arg82[%parallel_loop3A_1134, %parallel_loop3A_1135], %parallel_loop3A_1133 {strides = array<i32>} : memref<32x288xf32, #tpu.memory_space<vmem>>, vector<16xf32>,
        %parallel_loop3A_1137 = arith.index_cast %parallel_loop3A_1087 : i32 to index
        %parallel_loop3A_1138 = arith.constant 32 : index
        %parallel_loop3A_1139 = tpu.vector_load %arg70[%parallel_loop3A_1137, %parallel_loop3A_1138] {strides = array<i32>} : memref<32x128xf32, #tpu.memory_space<vmem>>, vector<16xf32>,
        %parallel_loop3A_1140 = arith.mulf %parallel_loop3A_1089, %parallel_loop3A_1139 : vector<16xf32>
        %parallel_loop3A_1141 = arith.index_cast %parallel_loop3A_1087 : i32 to index
        %parallel_loop3A_1142 = arith.constant 32 : index
        %parallel_loop3A_1143 = tpu.vector_load %arg71[%parallel_loop3A_1141, %parallel_loop3A_1142] {strides = array<i32>} : memref<32x128xf32, #tpu.memory_space<vmem>>, vector<16xf32>,
        %parallel_loop3A_1144 = arith.mulf %parallel_loop3A_1090, %parallel_loop3A_1143 : vector<16xf32>
        %parallel_loop3A_1145 = arith.addf %parallel_loop3A_1140, %parallel_loop3A_1144 : vector<16xf32>
        %parallel_loop3A_1146 = arith.index_cast %parallel_loop3A_1087 : i32 to index
        %parallel_loop3A_1147 = arith.constant 32 : index
        %parallel_loop3A_1148 = tpu.vector_load %arg72[%parallel_loop3A_1146, %parallel_loop3A_1147] {strides = array<i32>} : memref<32x128xf32, #tpu.memory_space<vmem>>, vector<16xf32>,
        %parallel_loop3A_1149 = arith.mulf %parallel_loop3A_1091, %parallel_loop3A_1148 : vector<16xf32>
        %parallel_loop3A_1150 = arith.addf %parallel_loop3A_1145, %parallel_loop3A_1149 : vector<16xf32>
        %parallel_loop3A_1151 = arith.index_cast %parallel_loop3A_1087 : i32 to index
        %parallel_loop3A_1152 = arith.constant 32 : index
        %parallel_loop3A_1153 = tpu.vector_load %arg73[%parallel_loop3A_1151, %parallel_loop3A_1152] {strides = array<i32>} : memref<32x128xf32, #tpu.memory_space<vmem>>, vector<16xf32>,
        %parallel_loop3A_1154 = arith.mulf %parallel_loop3A_1092, %parallel_loop3A_1153 : vector<16xf32>
        %parallel_loop3A_1155 = arith.addf %parallel_loop3A_1150, %parallel_loop3A_1154 : vector<16xf32>
        %parallel_loop3A_1156 = arith.index_cast %parallel_loop3A_1087 : i32 to index
        %parallel_loop3A_1157 = arith.constant 32 : index
        %parallel_loop3A_1158 = tpu.vector_load %arg82[%parallel_loop3A_1156, %parallel_loop3A_1157] {strides = array<i32>} : memref<32x288xf32, #tpu.memory_space<vmem>>, vector<16xf32>,
        tpu.vector_store %arg82[%parallel_loop3A_1156, %parallel_loop3A_1157], %parallel_loop3A_1155 {strides = array<i32>} : memref<32x288xf32, #tpu.memory_space<vmem>>, vector<16xf32>,
        %parallel_loop3A_1159 = arith.index_cast %parallel_loop3A_1087 : i32 to index
        %parallel_loop3A_1160 = arith.constant 48 : index
        %parallel_loop3A_1161 = tpu.vector_load %arg70[%parallel_loop3A_1159, %parallel_loop3A_1160] {strides = array<i32>} : memref<32x128xf32, #tpu.memory_space<vmem>>, vector<16xf32>,
        %parallel_loop3A_1162 = arith.mulf %parallel_loop3A_1089, %parallel_loop3A_1161 : vector<16xf32>
        %parallel_loop3A_1163 = arith.index_cast %parallel_loop3A_1087 : i32 to index
        %parallel_loop3A_1164 = arith.constant 48 : index
        %parallel_loop3A_1165 = tpu.vector_load %arg71[%parallel_loop3A_1163, %parallel_loop3A_1164] {strides = array<i32>} : memref<32x128xf32, #tpu.memory_space<vmem>>, vector<16xf32>,
        %parallel_loop3A_1166 = arith.mulf %parallel_loop3A_1090, %parallel_loop3A_1165 : vector<16xf32>
        %parallel_loop3A_1167 = arith.addf %parallel_loop3A_1162, %parallel_loop3A_1166 : vector<16xf32>
        %parallel_loop3A_1168 = arith.index_cast %parallel_loop3A_1087 : i32 to index
        %parallel_loop3A_1169 = arith.constant 48 : index
        %parallel_loop3A_1170 = tpu.vector_load %arg72[%parallel_loop3A_1168, %parallel_loop3A_1169] {strides = array<i32>} : memref<32x128xf32, #tpu.memory_space<vmem>>, vector<16xf32>,
        %parallel_loop3A_1171 = arith.mulf %parallel_loop3A_1091, %parallel_loop3A_1170 : vector<16xf32>
        %parallel_loop3A_1172 = arith.addf %parallel_loop3A_1167, %parallel_loop3A_1171 : vector<16xf32>
        %parallel_loop3A_1173 = arith.index_cast %parallel_loop3A_1087 : i32 to index
        %parallel_loop3A_1174 = arith.constant 48 : index
        %parallel_loop3A_1175 = tpu.vector_load %arg73[%parallel_loop3A_1173, %parallel_loop3A_1174] {strides = array<i32>} : memref<32x128xf32, #tpu.memory_space<vmem>>, vector<16xf32>,
        %parallel_loop3A_1176 = arith.mulf %parallel_loop3A_1092, %parallel_loop3A_1175 : vector<16xf32>
        %parallel_loop3A_1177 = arith.addf %parallel_loop3A_1172, %parallel_loop3A_1176 : vector<16xf32>
        %parallel_loop3A_1178 = arith.index_cast %parallel_loop3A_1087 : i32 to index
        %parallel_loop3A_1179 = arith.constant 48 : index
        %parallel_loop3A_1180 = tpu.vector_load %arg82[%parallel_loop3A_1178, %parallel_loop3A_1179] {strides = array<i32>} : memref<32x288xf32, #tpu.memory_space<vmem>>, vector<16xf32>,
        tpu.vector_store %arg82[%parallel_loop3A_1178, %parallel_loop3A_1179], %parallel_loop3A_1177 {strides = array<i32>} : memref<32x288xf32, #tpu.memory_space<vmem>>, vector<16xf32>,
        %parallel_loop3A_1181 = arith.index_cast %parallel_loop3A_1087 : i32 to index
        %parallel_loop3A_1182 = arith.constant 64 : index
        %parallel_loop3A_1183 = tpu.vector_load %arg70[%parallel_loop3A_1181, %parallel_loop3A_1182] {strides = array<i32>} : memref<32x128xf32, #tpu.memory_space<vmem>>, vector<16xf32>,
        %parallel_loop3A_1184 = arith.mulf %parallel_loop3A_1089, %parallel_loop3A_1183 : vector<16xf32>
        %parallel_loop3A_1185 = arith.index_cast %parallel_loop3A_1087 : i32 to index
        %parallel_loop3A_1186 = arith.constant 64 : index
        %parallel_loop3A_1187 = tpu.vector_load %arg71[%parallel_loop3A_1185, %parallel_loop3A_1186] {strides = array<i32>} : memref<32x128xf32, #tpu.memory_space<vmem>>, vector<16xf32>,
        %parallel_loop3A_1188 = arith.mulf %parallel_loop3A_1090, %parallel_loop3A_1187 : vector<16xf32>
        %parallel_loop3A_1189 = arith.addf %parallel_loop3A_1184, %parallel_loop3A_1188 : vector<16xf32>
        %parallel_loop3A_1190 = arith.index_cast %parallel_loop3A_1087 : i32 to index
        %parallel_loop3A_1191 = arith.constant 64 : index
        %parallel_loop3A_1192 = tpu.vector_load %arg72[%parallel_loop3A_1190, %parallel_loop3A_1191] {strides = array<i32>} : memref<32x128xf32, #tpu.memory_space<vmem>>, vector<16xf32>,
        %parallel_loop3A_1193 = arith.mulf %parallel_loop3A_1091, %parallel_loop3A_1192 : vector<16xf32>
        %parallel_loop3A_1194 = arith.addf %parallel_loop3A_1189, %parallel_loop3A_1193 : vector<16xf32>
        %parallel_loop3A_1195 = arith.index_cast %parallel_loop3A_1087 : i32 to index
        %parallel_loop3A_1196 = arith.constant 64 : index
        %parallel_loop3A_1197 = tpu.vector_load %arg73[%parallel_loop3A_1195, %parallel_loop3A_1196] {strides = array<i32>} : memref<32x128xf32, #tpu.memory_space<vmem>>, vector<16xf32>,
        %parallel_loop3A_1198 = arith.mulf %parallel_loop3A_1092, %parallel_loop3A_1197 : vector<16xf32>
        %parallel_loop3A_1199 = arith.addf %parallel_loop3A_1194, %parallel_loop3A_1198 : vector<16xf32>
        %parallel_loop3A_1200 = arith.index_cast %parallel_loop3A_1087 : i32 to index
        %parallel_loop3A_1201 = arith.constant 64 : index
        %parallel_loop3A_1202 = tpu.vector_load %arg82[%parallel_loop3A_1200, %parallel_loop3A_1201] {strides = array<i32>} : memref<32x288xf32, #tpu.memory_space<vmem>>, vector<16xf32>,
        tpu.vector_store %arg82[%parallel_loop3A_1200, %parallel_loop3A_1201], %parallel_loop3A_1199 {strides = array<i32>} : memref<32x288xf32, #tpu.memory_space<vmem>>, vector<16xf32>,
        %parallel_loop3A_1203 = arith.index_cast %parallel_loop3A_1087 : i32 to index
        %parallel_loop3A_1204 = arith.constant 80 : index
        %parallel_loop3A_1205 = tpu.vector_load %arg70[%parallel_loop3A_1203, %parallel_loop3A_1204] {strides = array<i32>} : memref<32x128xf32, #tpu.memory_space<vmem>>, vector<16xf32>,
        %parallel_loop3A_1206 = arith.mulf %parallel_loop3A_1089, %parallel_loop3A_1205 : vector<16xf32>
        %parallel_loop3A_1207 = arith.index_cast %parallel_loop3A_1087 : i32 to index
        %parallel_loop3A_1208 = arith.constant 80 : index
        %parallel_loop3A_1209 = tpu.vector_load %arg71[%parallel_loop3A_1207, %parallel_loop3A_1208] {strides = array<i32>} : memref<32x128xf32, #tpu.memory_space<vmem>>, vector<16xf32>,
        %parallel_loop3A_1210 = arith.mulf %parallel_loop3A_1090, %parallel_loop3A_1209 : vector<16xf32>
        %parallel_loop3A_1211 = arith.addf %parallel_loop3A_1206, %parallel_loop3A_1210 : vector<16xf32>
        %parallel_loop3A_1212 = arith.index_cast %parallel_loop3A_1087 : i32 to index
        %parallel_loop3A_1213 = arith.constant 80 : index
        %parallel_loop3A_1214 = tpu.vector_load %arg72[%parallel_loop3A_1212, %parallel_loop3A_1213] {strides = array<i32>} : memref<32x128xf32, #tpu.memory_space<vmem>>, vector<16xf32>,
        %parallel_loop3A_1215 = arith.mulf %parallel_loop3A_1091, %parallel_loop3A_1214 : vector<16xf32>
        %parallel_loop3A_1216 = arith.addf %parallel_loop3A_1211, %parallel_loop3A_1215 : vector<16xf32>
        %parallel_loop3A_1217 = arith.index_cast %parallel_loop3A_1087 : i32 to index
        %parallel_loop3A_1218 = arith.constant 80 : index
        %parallel_loop3A_1219 = tpu.vector_load %arg73[%parallel_loop3A_1217, %parallel_loop3A_1218] {strides = array<i32>} : memref<32x128xf32, #tpu.memory_space<vmem>>, vector<16xf32>,
        %parallel_loop3A_1220 = arith.mulf %parallel_loop3A_1092, %parallel_loop3A_1219 : vector<16xf32>
        %parallel_loop3A_1221 = arith.addf %parallel_loop3A_1216, %parallel_loop3A_1220 : vector<16xf32>
        %parallel_loop3A_1222 = arith.index_cast %parallel_loop3A_1087 : i32 to index
        %parallel_loop3A_1223 = arith.constant 80 : index
        %parallel_loop3A_1224 = tpu.vector_load %arg82[%parallel_loop3A_1222, %parallel_loop3A_1223] {strides = array<i32>} : memref<32x288xf32, #tpu.memory_space<vmem>>, vector<16xf32>,
        tpu.vector_store %arg82[%parallel_loop3A_1222, %parallel_loop3A_1223], %parallel_loop3A_1221 {strides = array<i32>} : memref<32x288xf32, #tpu.memory_space<vmem>>, vector<16xf32>,
      } {sc.loop_unroll_factor = 8 : i64, sc.parallel_access}
      %parallel_loop3A_1078 = arith.constant 0 : i32
      %parallel_loop3A_1079 = arith.constant 32 : i32
      %parallel_loop3A_1080 = arith.constant 1 : i32
      scf.for %parallel_loop3A_1087 = %parallel_loop3A_1078 to %parallel_loop3A_1079 step %parallel_loop3A_1080  : i32 {
        %parallel_loop3A_1088 = vector.broadcast %parallel_loop3A_1087 : i32 to vector<16xi32>
        %parallel_loop3A_1089 = tpu.vector_load_idx %arg50[%parallel_loop3A_1088] : memref<32xf32, #tpu.memory_space<vmem>>[vector<16xi32>], vector<16xf32>,
        %parallel_loop3A_1090 = tpu.vector_load_idx %arg51[%parallel_loop3A_1088] : memref<32xf32, #tpu.memory_space<vmem>>[vector<16xi32>], vector<16xf32>,
        %parallel_loop3A_1091 = tpu.vector_load_idx %arg52[%parallel_loop3A_1088] : memref<32xf32, #tpu.memory_space<vmem>>[vector<16xi32>], vector<16xf32>,
        %parallel_loop3A_1092 = tpu.vector_load_idx %arg53[%parallel_loop3A_1088] : memref<32xf32, #tpu.memory_space<vmem>>[vector<16xi32>], vector<16xf32>,
        %parallel_loop3A_1093 = arith.index_cast %parallel_loop3A_1087 : i32 to index
        %parallel_loop3A_1094 = arith.constant 0 : index
        %parallel_loop3A_1095 = tpu.vector_load %arg74[%parallel_loop3A_1093, %parallel_loop3A_1094] {strides = array<i32>} : memref<32x128xf32, #tpu.memory_space<vmem>>, vector<16xf32>,
        %parallel_loop3A_1096 = arith.mulf %parallel_loop3A_1089, %parallel_loop3A_1095 : vector<16xf32>
        %parallel_loop3A_1097 = arith.index_cast %parallel_loop3A_1087 : i32 to index
        %parallel_loop3A_1098 = arith.constant 0 : index
        %parallel_loop3A_1099 = tpu.vector_load %arg75[%parallel_loop3A_1097, %parallel_loop3A_1098] {strides = array<i32>} : memref<32x128xf32, #tpu.memory_space<vmem>>, vector<16xf32>,
        %parallel_loop3A_1100 = arith.mulf %parallel_loop3A_1090, %parallel_loop3A_1099 : vector<16xf32>
        %parallel_loop3A_1101 = arith.addf %parallel_loop3A_1096, %parallel_loop3A_1100 : vector<16xf32>
        %parallel_loop3A_1102 = arith.index_cast %parallel_loop3A_1087 : i32 to index
        %parallel_loop3A_1103 = arith.constant 0 : index
        %parallel_loop3A_1104 = tpu.vector_load %arg76[%parallel_loop3A_1102, %parallel_loop3A_1103] {strides = array<i32>} : memref<32x128xf32, #tpu.memory_space<vmem>>, vector<16xf32>,
        %parallel_loop3A_1105 = arith.mulf %parallel_loop3A_1091, %parallel_loop3A_1104 : vector<16xf32>
        %parallel_loop3A_1106 = arith.addf %parallel_loop3A_1101, %parallel_loop3A_1105 : vector<16xf32>
        %parallel_loop3A_1107 = arith.index_cast %parallel_loop3A_1087 : i32 to index
        %parallel_loop3A_1108 = arith.constant 0 : index
        %parallel_loop3A_1109 = tpu.vector_load %arg77[%parallel_loop3A_1107, %parallel_loop3A_1108] {strides = array<i32>} : memref<32x128xf32, #tpu.memory_space<vmem>>, vector<16xf32>,
        %parallel_loop3A_1110 = arith.mulf %parallel_loop3A_1092, %parallel_loop3A_1109 : vector<16xf32>
        %parallel_loop3A_1111 = arith.addf %parallel_loop3A_1106, %parallel_loop3A_1110 : vector<16xf32>
        %parallel_loop3A_1112 = arith.index_cast %parallel_loop3A_1087 : i32 to index
        %parallel_loop3A_1113 = arith.constant 96 : index
        %parallel_loop3A_1114 = tpu.vector_load %arg82[%parallel_loop3A_1112, %parallel_loop3A_1113] {strides = array<i32>} : memref<32x288xf32, #tpu.memory_space<vmem>>, vector<16xf32>,
        tpu.vector_store %arg82[%parallel_loop3A_1112, %parallel_loop3A_1113], %parallel_loop3A_1111 {strides = array<i32>} : memref<32x288xf32, #tpu.memory_space<vmem>>, vector<16xf32>,
        %parallel_loop3A_1115 = arith.index_cast %parallel_loop3A_1087 : i32 to index
        %parallel_loop3A_1116 = arith.constant 16 : index
        %parallel_loop3A_1117 = tpu.vector_load %arg74[%parallel_loop3A_1115, %parallel_loop3A_1116] {strides = array<i32>} : memref<32x128xf32, #tpu.memory_space<vmem>>, vector<16xf32>,
        %parallel_loop3A_1118 = arith.mulf %parallel_loop3A_1089, %parallel_loop3A_1117 : vector<16xf32>
        %parallel_loop3A_1119 = arith.index_cast %parallel_loop3A_1087 : i32 to index
        %parallel_loop3A_1120 = arith.constant 16 : index
        %parallel_loop3A_1121 = tpu.vector_load %arg75[%parallel_loop3A_1119, %parallel_loop3A_1120] {strides = array<i32>} : memref<32x128xf32, #tpu.memory_space<vmem>>, vector<16xf32>,
        %parallel_loop3A_1122 = arith.mulf %parallel_loop3A_1090, %parallel_loop3A_1121 : vector<16xf32>
        %parallel_loop3A_1123 = arith.addf %parallel_loop3A_1118, %parallel_loop3A_1122 : vector<16xf32>
        %parallel_loop3A_1124 = arith.index_cast %parallel_loop3A_1087 : i32 to index
        %parallel_loop3A_1125 = arith.constant 16 : index
        %parallel_loop3A_1126 = tpu.vector_load %arg76[%parallel_loop3A_1124, %parallel_loop3A_1125] {strides = array<i32>} : memref<32x128xf32, #tpu.memory_space<vmem>>, vector<16xf32>,
        %parallel_loop3A_1127 = arith.mulf %parallel_loop3A_1091, %parallel_loop3A_1126 : vector<16xf32>
        %parallel_loop3A_1128 = arith.addf %parallel_loop3A_1123, %parallel_loop3A_1127 : vector<16xf32>
        %parallel_loop3A_1129 = arith.index_cast %parallel_loop3A_1087 : i32 to index
        %parallel_loop3A_1130 = arith.constant 16 : index
        %parallel_loop3A_1131 = tpu.vector_load %arg77[%parallel_loop3A_1129, %parallel_loop3A_1130] {strides = array<i32>} : memref<32x128xf32, #tpu.memory_space<vmem>>, vector<16xf32>,
        %parallel_loop3A_1132 = arith.mulf %parallel_loop3A_1092, %parallel_loop3A_1131 : vector<16xf32>
        %parallel_loop3A_1133 = arith.addf %parallel_loop3A_1128, %parallel_loop3A_1132 : vector<16xf32>
        %parallel_loop3A_1134 = arith.index_cast %parallel_loop3A_1087 : i32 to index
        %parallel_loop3A_1135 = arith.constant 112 : index
        %parallel_loop3A_1136 = tpu.vector_load %arg82[%parallel_loop3A_1134, %parallel_loop3A_1135] {strides = array<i32>} : memref<32x288xf32, #tpu.memory_space<vmem>>, vector<16xf32>,
        tpu.vector_store %arg82[%parallel_loop3A_1134, %parallel_loop3A_1135], %parallel_loop3A_1133 {strides = array<i32>} : memref<32x288xf32, #tpu.memory_space<vmem>>, vector<16xf32>,
        %parallel_loop3A_1137 = arith.index_cast %parallel_loop3A_1087 : i32 to index
        %parallel_loop3A_1138 = arith.constant 32 : index
        %parallel_loop3A_1139 = tpu.vector_load %arg74[%parallel_loop3A_1137, %parallel_loop3A_1138] {strides = array<i32>} : memref<32x128xf32, #tpu.memory_space<vmem>>, vector<16xf32>,
        %parallel_loop3A_1140 = arith.mulf %parallel_loop3A_1089, %parallel_loop3A_1139 : vector<16xf32>
        %parallel_loop3A_1141 = arith.index_cast %parallel_loop3A_1087 : i32 to index
        %parallel_loop3A_1142 = arith.constant 32 : index
        %parallel_loop3A_1143 = tpu.vector_load %arg75[%parallel_loop3A_1141, %parallel_loop3A_1142] {strides = array<i32>} : memref<32x128xf32, #tpu.memory_space<vmem>>, vector<16xf32>,
        %parallel_loop3A_1144 = arith.mulf %parallel_loop3A_1090, %parallel_loop3A_1143 : vector<16xf32>
        %parallel_loop3A_1145 = arith.addf %parallel_loop3A_1140, %parallel_loop3A_1144 : vector<16xf32>
        %parallel_loop3A_1146 = arith.index_cast %parallel_loop3A_1087 : i32 to index
        %parallel_loop3A_1147 = arith.constant 32 : index
        %parallel_loop3A_1148 = tpu.vector_load %arg76[%parallel_loop3A_1146, %parallel_loop3A_1147] {strides = array<i32>} : memref<32x128xf32, #tpu.memory_space<vmem>>, vector<16xf32>,
        %parallel_loop3A_1149 = arith.mulf %parallel_loop3A_1091, %parallel_loop3A_1148 : vector<16xf32>
        %parallel_loop3A_1150 = arith.addf %parallel_loop3A_1145, %parallel_loop3A_1149 : vector<16xf32>
        %parallel_loop3A_1151 = arith.index_cast %parallel_loop3A_1087 : i32 to index
        %parallel_loop3A_1152 = arith.constant 32 : index
        %parallel_loop3A_1153 = tpu.vector_load %arg77[%parallel_loop3A_1151, %parallel_loop3A_1152] {strides = array<i32>} : memref<32x128xf32, #tpu.memory_space<vmem>>, vector<16xf32>,
        %parallel_loop3A_1154 = arith.mulf %parallel_loop3A_1092, %parallel_loop3A_1153 : vector<16xf32>
        %parallel_loop3A_1155 = arith.addf %parallel_loop3A_1150, %parallel_loop3A_1154 : vector<16xf32>
        %parallel_loop3A_1156 = arith.index_cast %parallel_loop3A_1087 : i32 to index
        %parallel_loop3A_1157 = arith.constant 128 : index
        %parallel_loop3A_1158 = tpu.vector_load %arg82[%parallel_loop3A_1156, %parallel_loop3A_1157] {strides = array<i32>} : memref<32x288xf32, #tpu.memory_space<vmem>>, vector<16xf32>,
        tpu.vector_store %arg82[%parallel_loop3A_1156, %parallel_loop3A_1157], %parallel_loop3A_1155 {strides = array<i32>} : memref<32x288xf32, #tpu.memory_space<vmem>>, vector<16xf32>,
        %parallel_loop3A_1159 = arith.index_cast %parallel_loop3A_1087 : i32 to index
        %parallel_loop3A_1160 = arith.constant 48 : index
        %parallel_loop3A_1161 = tpu.vector_load %arg74[%parallel_loop3A_1159, %parallel_loop3A_1160] {strides = array<i32>} : memref<32x128xf32, #tpu.memory_space<vmem>>, vector<16xf32>,
        %parallel_loop3A_1162 = arith.mulf %parallel_loop3A_1089, %parallel_loop3A_1161 : vector<16xf32>
        %parallel_loop3A_1163 = arith.index_cast %parallel_loop3A_1087 : i32 to index
        %parallel_loop3A_1164 = arith.constant 48 : index
        %parallel_loop3A_1165 = tpu.vector_load %arg75[%parallel_loop3A_1163, %parallel_loop3A_1164] {strides = array<i32>} : memref<32x128xf32, #tpu.memory_space<vmem>>, vector<16xf32>,
        %parallel_loop3A_1166 = arith.mulf %parallel_loop3A_1090, %parallel_loop3A_1165 : vector<16xf32>
        %parallel_loop3A_1167 = arith.addf %parallel_loop3A_1162, %parallel_loop3A_1166 : vector<16xf32>
        %parallel_loop3A_1168 = arith.index_cast %parallel_loop3A_1087 : i32 to index
        %parallel_loop3A_1169 = arith.constant 48 : index
        %parallel_loop3A_1170 = tpu.vector_load %arg76[%parallel_loop3A_1168, %parallel_loop3A_1169] {strides = array<i32>} : memref<32x128xf32, #tpu.memory_space<vmem>>, vector<16xf32>,
        %parallel_loop3A_1171 = arith.mulf %parallel_loop3A_1091, %parallel_loop3A_1170 : vector<16xf32>
        %parallel_loop3A_1172 = arith.addf %parallel_loop3A_1167, %parallel_loop3A_1171 : vector<16xf32>
        %parallel_loop3A_1173 = arith.index_cast %parallel_loop3A_1087 : i32 to index
        %parallel_loop3A_1174 = arith.constant 48 : index
        %parallel_loop3A_1175 = tpu.vector_load %arg77[%parallel_loop3A_1173, %parallel_loop3A_1174] {strides = array<i32>} : memref<32x128xf32, #tpu.memory_space<vmem>>, vector<16xf32>,
        %parallel_loop3A_1176 = arith.mulf %parallel_loop3A_1092, %parallel_loop3A_1175 : vector<16xf32>
        %parallel_loop3A_1177 = arith.addf %parallel_loop3A_1172, %parallel_loop3A_1176 : vector<16xf32>
        %parallel_loop3A_1178 = arith.index_cast %parallel_loop3A_1087 : i32 to index
        %parallel_loop3A_1179 = arith.constant 144 : index
        %parallel_loop3A_1180 = tpu.vector_load %arg82[%parallel_loop3A_1178, %parallel_loop3A_1179] {strides = array<i32>} : memref<32x288xf32, #tpu.memory_space<vmem>>, vector<16xf32>,
        tpu.vector_store %arg82[%parallel_loop3A_1178, %parallel_loop3A_1179], %parallel_loop3A_1177 {strides = array<i32>} : memref<32x288xf32, #tpu.memory_space<vmem>>, vector<16xf32>,
        %parallel_loop3A_1181 = arith.index_cast %parallel_loop3A_1087 : i32 to index
        %parallel_loop3A_1182 = arith.constant 64 : index
        %parallel_loop3A_1183 = tpu.vector_load %arg74[%parallel_loop3A_1181, %parallel_loop3A_1182] {strides = array<i32>} : memref<32x128xf32, #tpu.memory_space<vmem>>, vector<16xf32>,
        %parallel_loop3A_1184 = arith.mulf %parallel_loop3A_1089, %parallel_loop3A_1183 : vector<16xf32>
        %parallel_loop3A_1185 = arith.index_cast %parallel_loop3A_1087 : i32 to index
        %parallel_loop3A_1186 = arith.constant 64 : index
        %parallel_loop3A_1187 = tpu.vector_load %arg75[%parallel_loop3A_1185, %parallel_loop3A_1186] {strides = array<i32>} : memref<32x128xf32, #tpu.memory_space<vmem>>, vector<16xf32>,
        %parallel_loop3A_1188 = arith.mulf %parallel_loop3A_1090, %parallel_loop3A_1187 : vector<16xf32>
        %parallel_loop3A_1189 = arith.addf %parallel_loop3A_1184, %parallel_loop3A_1188 : vector<16xf32>
        %parallel_loop3A_1190 = arith.index_cast %parallel_loop3A_1087 : i32 to index
        %parallel_loop3A_1191 = arith.constant 64 : index
        %parallel_loop3A_1192 = tpu.vector_load %arg76[%parallel_loop3A_1190, %parallel_loop3A_1191] {strides = array<i32>} : memref<32x128xf32, #tpu.memory_space<vmem>>, vector<16xf32>,
        %parallel_loop3A_1193 = arith.mulf %parallel_loop3A_1091, %parallel_loop3A_1192 : vector<16xf32>
        %parallel_loop3A_1194 = arith.addf %parallel_loop3A_1189, %parallel_loop3A_1193 : vector<16xf32>
        %parallel_loop3A_1195 = arith.index_cast %parallel_loop3A_1087 : i32 to index
        %parallel_loop3A_1196 = arith.constant 64 : index
        %parallel_loop3A_1197 = tpu.vector_load %arg77[%parallel_loop3A_1195, %parallel_loop3A_1196] {strides = array<i32>} : memref<32x128xf32, #tpu.memory_space<vmem>>, vector<16xf32>,
        %parallel_loop3A_1198 = arith.mulf %parallel_loop3A_1092, %parallel_loop3A_1197 : vector<16xf32>
        %parallel_loop3A_1199 = arith.addf %parallel_loop3A_1194, %parallel_loop3A_1198 : vector<16xf32>
        %parallel_loop3A_1200 = arith.index_cast %parallel_loop3A_1087 : i32 to index
        %parallel_loop3A_1201 = arith.constant 160 : index
        %parallel_loop3A_1202 = tpu.vector_load %arg82[%parallel_loop3A_1200, %parallel_loop3A_1201] {strides = array<i32>} : memref<32x288xf32, #tpu.memory_space<vmem>>, vector<16xf32>,
        tpu.vector_store %arg82[%parallel_loop3A_1200, %parallel_loop3A_1201], %parallel_loop3A_1199 {strides = array<i32>} : memref<32x288xf32, #tpu.memory_space<vmem>>, vector<16xf32>,
        %parallel_loop3A_1203 = arith.index_cast %parallel_loop3A_1087 : i32 to index
        %parallel_loop3A_1204 = arith.constant 80 : index
        %parallel_loop3A_1205 = tpu.vector_load %arg74[%parallel_loop3A_1203, %parallel_loop3A_1204] {strides = array<i32>} : memref<32x128xf32, #tpu.memory_space<vmem>>, vector<16xf32>,
        %parallel_loop3A_1206 = arith.mulf %parallel_loop3A_1089, %parallel_loop3A_1205 : vector<16xf32>
        %parallel_loop3A_1207 = arith.index_cast %parallel_loop3A_1087 : i32 to index
        %parallel_loop3A_1208 = arith.constant 80 : index
        %parallel_loop3A_1209 = tpu.vector_load %arg75[%parallel_loop3A_1207, %parallel_loop3A_1208] {strides = array<i32>} : memref<32x128xf32, #tpu.memory_space<vmem>>, vector<16xf32>,
        %parallel_loop3A_1210 = arith.mulf %parallel_loop3A_1090, %parallel_loop3A_1209 : vector<16xf32>
        %parallel_loop3A_1211 = arith.addf %parallel_loop3A_1206, %parallel_loop3A_1210 : vector<16xf32>
        %parallel_loop3A_1212 = arith.index_cast %parallel_loop3A_1087 : i32 to index
        %parallel_loop3A_1213 = arith.constant 80 : index
        %parallel_loop3A_1214 = tpu.vector_load %arg76[%parallel_loop3A_1212, %parallel_loop3A_1213] {strides = array<i32>} : memref<32x128xf32, #tpu.memory_space<vmem>>, vector<16xf32>,
        %parallel_loop3A_1215 = arith.mulf %parallel_loop3A_1091, %parallel_loop3A_1214 : vector<16xf32>
        %parallel_loop3A_1216 = arith.addf %parallel_loop3A_1211, %parallel_loop3A_1215 : vector<16xf32>
        %parallel_loop3A_1217 = arith.index_cast %parallel_loop3A_1087 : i32 to index
        %parallel_loop3A_1218 = arith.constant 80 : index
        %parallel_loop3A_1219 = tpu.vector_load %arg77[%parallel_loop3A_1217, %parallel_loop3A_1218] {strides = array<i32>} : memref<32x128xf32, #tpu.memory_space<vmem>>, vector<16xf32>,
        %parallel_loop3A_1220 = arith.mulf %parallel_loop3A_1092, %parallel_loop3A_1219 : vector<16xf32>
        %parallel_loop3A_1221 = arith.addf %parallel_loop3A_1216, %parallel_loop3A_1220 : vector<16xf32>
        %parallel_loop3A_1222 = arith.index_cast %parallel_loop3A_1087 : i32 to index
        %parallel_loop3A_1223 = arith.constant 176 : index
        %parallel_loop3A_1224 = tpu.vector_load %arg82[%parallel_loop3A_1222, %parallel_loop3A_1223] {strides = array<i32>} : memref<32x288xf32, #tpu.memory_space<vmem>>, vector<16xf32>,
        tpu.vector_store %arg82[%parallel_loop3A_1222, %parallel_loop3A_1223], %parallel_loop3A_1221 {strides = array<i32>} : memref<32x288xf32, #tpu.memory_space<vmem>>, vector<16xf32>,
      } {sc.loop_unroll_factor = 8 : i64, sc.parallel_access}
      %parallel_loop3A_1081 = arith.constant 0 : i32
      %parallel_loop3A_1082 = arith.constant 32 : i32
      %parallel_loop3A_1083 = arith.constant 1 : i32
      scf.for %parallel_loop3A_1087 = %parallel_loop3A_1081 to %parallel_loop3A_1082 step %parallel_loop3A_1083  : i32 {
        %parallel_loop3A_1088 = vector.broadcast %parallel_loop3A_1087 : i32 to vector<16xi32>
        %parallel_loop3A_1089 = tpu.vector_load_idx %arg54[%parallel_loop3A_1088] : memref<32xf32, #tpu.memory_space<vmem>>[vector<16xi32>], vector<16xf32>,
        %parallel_loop3A_1090 = tpu.vector_load_idx %arg55[%parallel_loop3A_1088] : memref<32xf32, #tpu.memory_space<vmem>>[vector<16xi32>], vector<16xf32>,
        %parallel_loop3A_1091 = tpu.vector_load_idx %arg56[%parallel_loop3A_1088] : memref<32xf32, #tpu.memory_space<vmem>>[vector<16xi32>], vector<16xf32>,
        %parallel_loop3A_1092 = tpu.vector_load_idx %arg57[%parallel_loop3A_1088] : memref<32xf32, #tpu.memory_space<vmem>>[vector<16xi32>], vector<16xf32>,
        %parallel_loop3A_1093 = arith.index_cast %parallel_loop3A_1087 : i32 to index
        %parallel_loop3A_1094 = arith.constant 0 : index
        %parallel_loop3A_1095 = tpu.vector_load %arg78[%parallel_loop3A_1093, %parallel_loop3A_1094] {strides = array<i32>} : memref<32x128xf32, #tpu.memory_space<vmem>>, vector<16xf32>,
        %parallel_loop3A_1096 = arith.mulf %parallel_loop3A_1089, %parallel_loop3A_1095 : vector<16xf32>
        %parallel_loop3A_1097 = arith.index_cast %parallel_loop3A_1087 : i32 to index
        %parallel_loop3A_1098 = arith.constant 0 : index
        %parallel_loop3A_1099 = tpu.vector_load %arg79[%parallel_loop3A_1097, %parallel_loop3A_1098] {strides = array<i32>} : memref<32x128xf32, #tpu.memory_space<vmem>>, vector<16xf32>,
        %parallel_loop3A_1100 = arith.mulf %parallel_loop3A_1090, %parallel_loop3A_1099 : vector<16xf32>
        %parallel_loop3A_1101 = arith.addf %parallel_loop3A_1096, %parallel_loop3A_1100 : vector<16xf32>
        %parallel_loop3A_1102 = arith.index_cast %parallel_loop3A_1087 : i32 to index
        %parallel_loop3A_1103 = arith.constant 0 : index
        %parallel_loop3A_1104 = tpu.vector_load %arg80[%parallel_loop3A_1102, %parallel_loop3A_1103] {strides = array<i32>} : memref<32x128xf32, #tpu.memory_space<vmem>>, vector<16xf32>,
        %parallel_loop3A_1105 = arith.mulf %parallel_loop3A_1091, %parallel_loop3A_1104 : vector<16xf32>
        %parallel_loop3A_1106 = arith.addf %parallel_loop3A_1101, %parallel_loop3A_1105 : vector<16xf32>
        %parallel_loop3A_1107 = arith.index_cast %parallel_loop3A_1087 : i32 to index
        %parallel_loop3A_1108 = arith.constant 0 : index
        %parallel_loop3A_1109 = tpu.vector_load %arg81[%parallel_loop3A_1107, %parallel_loop3A_1108] {strides = array<i32>} : memref<32x128xf32, #tpu.memory_space<vmem>>, vector<16xf32>,
        %parallel_loop3A_1110 = arith.mulf %parallel_loop3A_1092, %parallel_loop3A_1109 : vector<16xf32>
        %parallel_loop3A_1111 = arith.addf %parallel_loop3A_1106, %parallel_loop3A_1110 : vector<16xf32>
        %parallel_loop3A_1112 = arith.index_cast %parallel_loop3A_1087 : i32 to index
        %parallel_loop3A_1113 = arith.constant 192 : index
        %parallel_loop3A_1114 = tpu.vector_load %arg82[%parallel_loop3A_1112, %parallel_loop3A_1113] {strides = array<i32>} : memref<32x288xf32, #tpu.memory_space<vmem>>, vector<16xf32>,
        tpu.vector_store %arg82[%parallel_loop3A_1112, %parallel_loop3A_1113], %parallel_loop3A_1111 {strides = array<i32>} : memref<32x288xf32, #tpu.memory_space<vmem>>, vector<16xf32>,
        %parallel_loop3A_1115 = arith.index_cast %parallel_loop3A_1087 : i32 to index
        %parallel_loop3A_1116 = arith.constant 16 : index
        %parallel_loop3A_1117 = tpu.vector_load %arg78[%parallel_loop3A_1115, %parallel_loop3A_1116] {strides = array<i32>} : memref<32x128xf32, #tpu.memory_space<vmem>>, vector<16xf32>,
        %parallel_loop3A_1118 = arith.mulf %parallel_loop3A_1089, %parallel_loop3A_1117 : vector<16xf32>
        %parallel_loop3A_1119 = arith.index_cast %parallel_loop3A_1087 : i32 to index
        %parallel_loop3A_1120 = arith.constant 16 : index
        %parallel_loop3A_1121 = tpu.vector_load %arg79[%parallel_loop3A_1119, %parallel_loop3A_1120] {strides = array<i32>} : memref<32x128xf32, #tpu.memory_space<vmem>>, vector<16xf32>,
        %parallel_loop3A_1122 = arith.mulf %parallel_loop3A_1090, %parallel_loop3A_1121 : vector<16xf32>
        %parallel_loop3A_1123 = arith.addf %parallel_loop3A_1118, %parallel_loop3A_1122 : vector<16xf32>
        %parallel_loop3A_1124 = arith.index_cast %parallel_loop3A_1087 : i32 to index
        %parallel_loop3A_1125 = arith.constant 16 : index
        %parallel_loop3A_1126 = tpu.vector_load %arg80[%parallel_loop3A_1124, %parallel_loop3A_1125] {strides = array<i32>} : memref<32x128xf32, #tpu.memory_space<vmem>>, vector<16xf32>,
        %parallel_loop3A_1127 = arith.mulf %parallel_loop3A_1091, %parallel_loop3A_1126 : vector<16xf32>
        %parallel_loop3A_1128 = arith.addf %parallel_loop3A_1123, %parallel_loop3A_1127 : vector<16xf32>
        %parallel_loop3A_1129 = arith.index_cast %parallel_loop3A_1087 : i32 to index
        %parallel_loop3A_1130 = arith.constant 16 : index
        %parallel_loop3A_1131 = tpu.vector_load %arg81[%parallel_loop3A_1129, %parallel_loop3A_1130] {strides = array<i32>} : memref<32x128xf32, #tpu.memory_space<vmem>>, vector<16xf32>,
        %parallel_loop3A_1132 = arith.mulf %parallel_loop3A_1092, %parallel_loop3A_1131 : vector<16xf32>
        %parallel_loop3A_1133 = arith.addf %parallel_loop3A_1128, %parallel_loop3A_1132 : vector<16xf32>
        %parallel_loop3A_1134 = arith.index_cast %parallel_loop3A_1087 : i32 to index
        %parallel_loop3A_1135 = arith.constant 208 : index
        %parallel_loop3A_1136 = tpu.vector_load %arg82[%parallel_loop3A_1134, %parallel_loop3A_1135] {strides = array<i32>} : memref<32x288xf32, #tpu.memory_space<vmem>>, vector<16xf32>,
        tpu.vector_store %arg82[%parallel_loop3A_1134, %parallel_loop3A_1135], %parallel_loop3A_1133 {strides = array<i32>} : memref<32x288xf32, #tpu.memory_space<vmem>>, vector<16xf32>,
        %parallel_loop3A_1137 = arith.index_cast %parallel_loop3A_1087 : i32 to index
        %parallel_loop3A_1138 = arith.constant 32 : index
        %parallel_loop3A_1139 = tpu.vector_load %arg78[%parallel_loop3A_1137, %parallel_loop3A_1138] {strides = array<i32>} : memref<32x128xf32, #tpu.memory_space<vmem>>, vector<16xf32>,
        %parallel_loop3A_1140 = arith.mulf %parallel_loop3A_1089, %parallel_loop3A_1139 : vector<16xf32>
        %parallel_loop3A_1141 = arith.index_cast %parallel_loop3A_1087 : i32 to index
        %parallel_loop3A_1142 = arith.constant 32 : index
        %parallel_loop3A_1143 = tpu.vector_load %arg79[%parallel_loop3A_1141, %parallel_loop3A_1142] {strides = array<i32>} : memref<32x128xf32, #tpu.memory_space<vmem>>, vector<16xf32>,
        %parallel_loop3A_1144 = arith.mulf %parallel_loop3A_1090, %parallel_loop3A_1143 : vector<16xf32>
        %parallel_loop3A_1145 = arith.addf %parallel_loop3A_1140, %parallel_loop3A_1144 : vector<16xf32>
        %parallel_loop3A_1146 = arith.index_cast %parallel_loop3A_1087 : i32 to index
        %parallel_loop3A_1147 = arith.constant 32 : index
        %parallel_loop3A_1148 = tpu.vector_load %arg80[%parallel_loop3A_1146, %parallel_loop3A_1147] {strides = array<i32>} : memref<32x128xf32, #tpu.memory_space<vmem>>, vector<16xf32>,
        %parallel_loop3A_1149 = arith.mulf %parallel_loop3A_1091, %parallel_loop3A_1148 : vector<16xf32>
        %parallel_loop3A_1150 = arith.addf %parallel_loop3A_1145, %parallel_loop3A_1149 : vector<16xf32>
        %parallel_loop3A_1151 = arith.index_cast %parallel_loop3A_1087 : i32 to index
        %parallel_loop3A_1152 = arith.constant 32 : index
        %parallel_loop3A_1153 = tpu.vector_load %arg81[%parallel_loop3A_1151, %parallel_loop3A_1152] {strides = array<i32>} : memref<32x128xf32, #tpu.memory_space<vmem>>, vector<16xf32>,
        %parallel_loop3A_1154 = arith.mulf %parallel_loop3A_1092, %parallel_loop3A_1153 : vector<16xf32>
        %parallel_loop3A_1155 = arith.addf %parallel_loop3A_1150, %parallel_loop3A_1154 : vector<16xf32>
        %parallel_loop3A_1156 = arith.index_cast %parallel_loop3A_1087 : i32 to index
        %parallel_loop3A_1157 = arith.constant 224 : index
        %parallel_loop3A_1158 = tpu.vector_load %arg82[%parallel_loop3A_1156, %parallel_loop3A_1157] {strides = array<i32>} : memref<32x288xf32, #tpu.memory_space<vmem>>, vector<16xf32>,
        tpu.vector_store %arg82[%parallel_loop3A_1156, %parallel_loop3A_1157], %parallel_loop3A_1155 {strides = array<i32>} : memref<32x288xf32, #tpu.memory_space<vmem>>, vector<16xf32>,
        %parallel_loop3A_1159 = arith.index_cast %parallel_loop3A_1087 : i32 to index
        %parallel_loop3A_1160 = arith.constant 48 : index
        %parallel_loop3A_1161 = tpu.vector_load %arg78[%parallel_loop3A_1159, %parallel_loop3A_1160] {strides = array<i32>} : memref<32x128xf32, #tpu.memory_space<vmem>>, vector<16xf32>,
        %parallel_loop3A_1162 = arith.mulf %parallel_loop3A_1089, %parallel_loop3A_1161 : vector<16xf32>
        %parallel_loop3A_1163 = arith.index_cast %parallel_loop3A_1087 : i32 to index
        %parallel_loop3A_1164 = arith.constant 48 : index
        %parallel_loop3A_1165 = tpu.vector_load %arg79[%parallel_loop3A_1163, %parallel_loop3A_1164] {strides = array<i32>} : memref<32x128xf32, #tpu.memory_space<vmem>>, vector<16xf32>,
        %parallel_loop3A_1166 = arith.mulf %parallel_loop3A_1090, %parallel_loop3A_1165 : vector<16xf32>
        %parallel_loop3A_1167 = arith.addf %parallel_loop3A_1162, %parallel_loop3A_1166 : vector<16xf32>
        %parallel_loop3A_1168 = arith.index_cast %parallel_loop3A_1087 : i32 to index
        %parallel_loop3A_1169 = arith.constant 48 : index
        %parallel_loop3A_1170 = tpu.vector_load %arg80[%parallel_loop3A_1168, %parallel_loop3A_1169] {strides = array<i32>} : memref<32x128xf32, #tpu.memory_space<vmem>>, vector<16xf32>,
        %parallel_loop3A_1171 = arith.mulf %parallel_loop3A_1091, %parallel_loop3A_1170 : vector<16xf32>
        %parallel_loop3A_1172 = arith.addf %parallel_loop3A_1167, %parallel_loop3A_1171 : vector<16xf32>
        %parallel_loop3A_1173 = arith.index_cast %parallel_loop3A_1087 : i32 to index
        %parallel_loop3A_1174 = arith.constant 48 : index
        %parallel_loop3A_1175 = tpu.vector_load %arg81[%parallel_loop3A_1173, %parallel_loop3A_1174] {strides = array<i32>} : memref<32x128xf32, #tpu.memory_space<vmem>>, vector<16xf32>,
        %parallel_loop3A_1176 = arith.mulf %parallel_loop3A_1092, %parallel_loop3A_1175 : vector<16xf32>
        %parallel_loop3A_1177 = arith.addf %parallel_loop3A_1172, %parallel_loop3A_1176 : vector<16xf32>
        %parallel_loop3A_1178 = arith.index_cast %parallel_loop3A_1087 : i32 to index
        %parallel_loop3A_1179 = arith.constant 240 : index
        %parallel_loop3A_1180 = tpu.vector_load %arg82[%parallel_loop3A_1178, %parallel_loop3A_1179] {strides = array<i32>} : memref<32x288xf32, #tpu.memory_space<vmem>>, vector<16xf32>,
        tpu.vector_store %arg82[%parallel_loop3A_1178, %parallel_loop3A_1179], %parallel_loop3A_1177 {strides = array<i32>} : memref<32x288xf32, #tpu.memory_space<vmem>>, vector<16xf32>,
        %parallel_loop3A_1181 = arith.index_cast %parallel_loop3A_1087 : i32 to index
        %parallel_loop3A_1182 = arith.constant 64 : index
        %parallel_loop3A_1183 = tpu.vector_load %arg78[%parallel_loop3A_1181, %parallel_loop3A_1182] {strides = array<i32>} : memref<32x128xf32, #tpu.memory_space<vmem>>, vector<16xf32>,
        %parallel_loop3A_1184 = arith.mulf %parallel_loop3A_1089, %parallel_loop3A_1183 : vector<16xf32>
        %parallel_loop3A_1185 = arith.index_cast %parallel_loop3A_1087 : i32 to index
        %parallel_loop3A_1186 = arith.constant 64 : index
        %parallel_loop3A_1187 = tpu.vector_load %arg79[%parallel_loop3A_1185, %parallel_loop3A_1186] {strides = array<i32>} : memref<32x128xf32, #tpu.memory_space<vmem>>, vector<16xf32>,
        %parallel_loop3A_1188 = arith.mulf %parallel_loop3A_1090, %parallel_loop3A_1187 : vector<16xf32>
        %parallel_loop3A_1189 = arith.addf %parallel_loop3A_1184, %parallel_loop3A_1188 : vector<16xf32>
        %parallel_loop3A_1190 = arith.index_cast %parallel_loop3A_1087 : i32 to index
        %parallel_loop3A_1191 = arith.constant 64 : index
        %parallel_loop3A_1192 = tpu.vector_load %arg80[%parallel_loop3A_1190, %parallel_loop3A_1191] {strides = array<i32>} : memref<32x128xf32, #tpu.memory_space<vmem>>, vector<16xf32>,
        %parallel_loop3A_1193 = arith.mulf %parallel_loop3A_1091, %parallel_loop3A_1192 : vector<16xf32>
        %parallel_loop3A_1194 = arith.addf %parallel_loop3A_1189, %parallel_loop3A_1193 : vector<16xf32>
        %parallel_loop3A_1195 = arith.index_cast %parallel_loop3A_1087 : i32 to index
        %parallel_loop3A_1196 = arith.constant 64 : index
        %parallel_loop3A_1197 = tpu.vector_load %arg81[%parallel_loop3A_1195, %parallel_loop3A_1196] {strides = array<i32>} : memref<32x128xf32, #tpu.memory_space<vmem>>, vector<16xf32>,
        %parallel_loop3A_1198 = arith.mulf %parallel_loop3A_1092, %parallel_loop3A_1197 : vector<16xf32>
        %parallel_loop3A_1199 = arith.addf %parallel_loop3A_1194, %parallel_loop3A_1198 : vector<16xf32>
        %parallel_loop3A_1200 = arith.index_cast %parallel_loop3A_1087 : i32 to index
        %parallel_loop3A_1201 = arith.constant 256 : index
        %parallel_loop3A_1202 = tpu.vector_load %arg82[%parallel_loop3A_1200, %parallel_loop3A_1201] {strides = array<i32>} : memref<32x288xf32, #tpu.memory_space<vmem>>, vector<16xf32>,
        tpu.vector_store %arg82[%parallel_loop3A_1200, %parallel_loop3A_1201], %parallel_loop3A_1199 {strides = array<i32>} : memref<32x288xf32, #tpu.memory_space<vmem>>, vector<16xf32>,
        %parallel_loop3A_1203 = arith.index_cast %parallel_loop3A_1087 : i32 to index
        %parallel_loop3A_1204 = arith.constant 80 : index
        %parallel_loop3A_1205 = tpu.vector_load %arg78[%parallel_loop3A_1203, %parallel_loop3A_1204] {strides = array<i32>} : memref<32x128xf32, #tpu.memory_space<vmem>>, vector<16xf32>,
        %parallel_loop3A_1206 = arith.mulf %parallel_loop3A_1089, %parallel_loop3A_1205 : vector<16xf32>
        %parallel_loop3A_1207 = arith.index_cast %parallel_loop3A_1087 : i32 to index
        %parallel_loop3A_1208 = arith.constant 80 : index
        %parallel_loop3A_1209 = tpu.vector_load %arg79[%parallel_loop3A_1207, %parallel_loop3A_1208] {strides = array<i32>} : memref<32x128xf32, #tpu.memory_space<vmem>>, vector<16xf32>,
        %parallel_loop3A_1210 = arith.mulf %parallel_loop3A_1090, %parallel_loop3A_1209 : vector<16xf32>
        %parallel_loop3A_1211 = arith.addf %parallel_loop3A_1206, %parallel_loop3A_1210 : vector<16xf32>
        %parallel_loop3A_1212 = arith.index_cast %parallel_loop3A_1087 : i32 to index
        %parallel_loop3A_1213 = arith.constant 80 : index
        %parallel_loop3A_1214 = tpu.vector_load %arg80[%parallel_loop3A_1212, %parallel_loop3A_1213] {strides = array<i32>} : memref<32x128xf32, #tpu.memory_space<vmem>>, vector<16xf32>,
        %parallel_loop3A_1215 = arith.mulf %parallel_loop3A_1091, %parallel_loop3A_1214 : vector<16xf32>
        %parallel_loop3A_1216 = arith.addf %parallel_loop3A_1211, %parallel_loop3A_1215 : vector<16xf32>
        %parallel_loop3A_1217 = arith.index_cast %parallel_loop3A_1087 : i32 to index
        %parallel_loop3A_1218 = arith.constant 80 : index
        %parallel_loop3A_1219 = tpu.vector_load %arg81[%parallel_loop3A_1217, %parallel_loop3A_1218] {strides = array<i32>} : memref<32x128xf32, #tpu.memory_space<vmem>>, vector<16xf32>,
        %parallel_loop3A_1220 = arith.mulf %parallel_loop3A_1092, %parallel_loop3A_1219 : vector<16xf32>
        %parallel_loop3A_1221 = arith.addf %parallel_loop3A_1216, %parallel_loop3A_1220 : vector<16xf32>
        %parallel_loop3A_1222 = arith.index_cast %parallel_loop3A_1087 : i32 to index
        %parallel_loop3A_1223 = arith.constant 272 : index
        %parallel_loop3A_1224 = tpu.vector_load %arg82[%parallel_loop3A_1222, %parallel_loop3A_1223] {strides = array<i32>} : memref<32x288xf32, #tpu.memory_space<vmem>>, vector<16xf32>,
        tpu.vector_store %arg82[%parallel_loop3A_1222, %parallel_loop3A_1223], %parallel_loop3A_1221 {strides = array<i32>} : memref<32x288xf32, #tpu.memory_space<vmem>>, vector<16xf32>,
      } {sc.loop_unroll_factor = 8 : i64, sc.parallel_access}
      %mul3A_1084 = arith.constant 32 : i32
      %mul3A_1085 = arith.muli %add3A_1074, %mul3A_1084 : i32
      %add3A_1086 = arith.addi %mul3A_2, %mul3A_1085 : i32
      "tpu.region"() ({
        %run_scoped3A = tpu.sem_alloc : memref<!tpu.dma_semaphore, #tpu.memory_space<semaphore_mem>>
        %dma_start3A_1087 = arith.constant 0 : i32
        %dma_start3A_1088 = tpu.memref_slice %arg7[%add3A_1086, %dma_start3A_1087] : memref<65536x288xf32, #tpu.memory_space<hbm>> -> memref<32x288xf32, #tpu.memory_space<hbm>>
        %dma_start3A_1089 = arith.constant 0 : i32
        %dma_start3A_1090 = tpu.memref_slice %arg7[%add3A_1086, %dma_start3A_1089] : memref<65536x288xf32, #tpu.memory_space<hbm>> -> memref<32x288xf32, #tpu.memory_space<hbm>>
        tpu.enqueue_dma source(%arg82 : memref<32x288xf32, #tpu.memory_space<vmem>>) target(%dma_start3A_1090 : memref<32x288xf32, #tpu.memory_space<hbm>>) target_semaphore(%run_scoped3A : memref<!tpu.dma_semaphore, #tpu.memory_space<semaphore_mem>>)
        %dma_wait3A_1091 = arith.constant 0 : i32
        %dma_wait3A_1092 = tpu.memref_slice %arg7[%add3A_1086, %dma_wait3A_1091] : memref<65536x288xf32, #tpu.memory_space<hbm>> -> memref<32x288xf32, #tpu.memory_space<hbm>>
        %dma_wait3A_1093 = arith.constant 0 : i32
        %dma_wait3A_1094 = tpu.memref_slice %arg7[%add3A_1086, %dma_wait3A_1093] : memref<65536x288xf32, #tpu.memory_space<hbm>> -> memref<32x288xf32, #tpu.memory_space<hbm>>
        tpu.wait_dma2 semaphore(%run_scoped3A : memref<!tpu.dma_semaphore, #tpu.memory_space<semaphore_mem>>) src(%arg82 : memref<32x288xf32, #tpu.memory_space<vmem>>) dst(%dma_wait3A_1094 : memref<32x288xf32, #tpu.memory_space<hbm>>)
        tpu.yield
      }) : () -> ()
    }
    %scan3A_492 = arith.constant 32 : i32
    return
  }
}

module attributes {stable_mosaic.version = 14 : i64} {
  func.func @body(%arg0: i32, %arg1: i32, %arg2: memref<1x32x224x96xf32, #tpu.memory_space<vmem>>, %arg3: memref<7168x128xf32, #tpu.memory_space<vmem>>) attributes {dimension_semantics = [#tpu.dimension_semantics<arbitrary>, #tpu.dimension_semantics<arbitrary>], iteration_bounds = array<i64: 4, 7>, scalar_prefetch = 0 : i64, scratch_operands = 0 : i64, tpu.core_type = #tpu.core_type<tc>, window_params = [{transform_indices = @transform_0, window_bounds = array<i64: 1, 32, 224, 96>}, {transform_indices = @transform_1, window_bounds = array<i64: 7168, 128>}]} {
    %get3A = arith.constant 0 : index
    %get3A_0 = arith.constant 0 : index
    %get3A_1 = arith.constant 0 : index
    %get3A_2 = arith.constant 0 : index
    %get3A_3 = vector.load %arg2[%get3A, %get3A_0, %get3A_1, %get3A_2] : memref<1x32x224x96xf32, #tpu.memory_space<vmem>>, vector<1x32x224x96xf32>
    %reshape3A = vector.shape_cast %get3A_3 : vector<1x32x224x96xf32> to vector<7168x96xf32>
    %swap3A = arith.constant 0 : index
    %swap3A_4 = arith.constant 0 : index
    %swap3A_5 = vector.load %arg3[%swap3A, %swap3A_4] : memref<7168x128xf32, #tpu.memory_space<vmem>>, vector<7168x96xf32>
    tpu.vector_store %arg3[%swap3A, %swap3A_4], %reshape3A {strides = array<i32>} : memref<7168x128xf32, #tpu.memory_space<vmem>>, vector<7168x96xf32>,
    %broadcast_in_dim3A = arith.constant 0.000000e+00 : f32
    %broadcast_in_dim3A_6 = vector.broadcast %broadcast_in_dim3A : f32 to vector<7168x32xf32>
    %swap3A_7 = arith.constant 0 : index
    %swap3A_8 = arith.constant 96 : index
    %swap3A_9 = vector.load %arg3[%swap3A_7, %swap3A_8] : memref<7168x128xf32, #tpu.memory_space<vmem>>, vector<7168x32xf32>
    tpu.vector_store %arg3[%swap3A_7, %swap3A_8], %broadcast_in_dim3A_6 {strides = array<i32>} : memref<7168x128xf32, #tpu.memory_space<vmem>>, vector<7168x32xf32>,
    return
  }
  func.func @transform_0(%arg0: i32, %arg1: i32) -> (i32, i32, i32, i32) {
    %c0_i32 = arith.constant 0 : i32
    %c0_i32_0 = arith.constant 0 : i32
    %c0_i32_1 = arith.constant 0 : i32
    return %arg0, %arg1, %c0_i32, %c0_i32_0 : i32, i32, i32, i32
  }
  func.func @transform_1(%arg0: i32, %arg1: i32) -> (i32, i32) {
    %mul3A = arith.constant 7 : i32
    %mul3A_0 = arith.muli %arg0, %mul3A : i32
    %add3A = arith.addi %mul3A_0, %arg1 : i32
    %c0_i32 = arith.constant 0 : i32
    %c0_i32_1 = arith.constant 0 : i32
    return %add3A, %c0_i32 : i32, i32
  }
}

module attributes {stable_mosaic.version = 14 : i64} {
  func.func @body(%arg0: i32, %arg1: i32, %arg2: memref<1x16x112x96xf32, #tpu.memory_space<vmem>>, %arg3: memref<1792x128xf32, #tpu.memory_space<vmem>>) attributes {dimension_semantics = [#tpu.dimension_semantics<arbitrary>, #tpu.dimension_semantics<arbitrary>], iteration_bounds = array<i64: 4, 7>, scalar_prefetch = 0 : i64, scratch_operands = 0 : i64, tpu.core_type = #tpu.core_type<tc>, window_params = [{transform_indices = @transform_0, window_bounds = array<i64: 1, 16, 112, 96>}, {transform_indices = @transform_1, window_bounds = array<i64: 1792, 128>}]} {
    %get3A = arith.constant 0 : index
    %get3A_0 = arith.constant 0 : index
    %get3A_1 = arith.constant 0 : index
    %get3A_2 = arith.constant 0 : index
    %get3A_3 = vector.load %arg2[%get3A, %get3A_0, %get3A_1, %get3A_2] : memref<1x16x112x96xf32, #tpu.memory_space<vmem>>, vector<1x16x112x96xf32>
    %reshape3A = vector.shape_cast %get3A_3 : vector<1x16x112x96xf32> to vector<1792x96xf32>
    %swap3A = arith.constant 0 : index
    %swap3A_4 = arith.constant 0 : index
    %swap3A_5 = vector.load %arg3[%swap3A, %swap3A_4] : memref<1792x128xf32, #tpu.memory_space<vmem>>, vector<1792x96xf32>
    tpu.vector_store %arg3[%swap3A, %swap3A_4], %reshape3A {strides = array<i32>} : memref<1792x128xf32, #tpu.memory_space<vmem>>, vector<1792x96xf32>,
    %broadcast_in_dim3A = arith.constant 0.000000e+00 : f32
    %broadcast_in_dim3A_6 = vector.broadcast %broadcast_in_dim3A : f32 to vector<1792x32xf32>
    %swap3A_7 = arith.constant 0 : index
    %swap3A_8 = arith.constant 96 : index
    %swap3A_9 = vector.load %arg3[%swap3A_7, %swap3A_8] : memref<1792x128xf32, #tpu.memory_space<vmem>>, vector<1792x32xf32>
    tpu.vector_store %arg3[%swap3A_7, %swap3A_8], %broadcast_in_dim3A_6 {strides = array<i32>} : memref<1792x128xf32, #tpu.memory_space<vmem>>, vector<1792x32xf32>,
    return
  }
  func.func @transform_0(%arg0: i32, %arg1: i32) -> (i32, i32, i32, i32) {
    %c0_i32 = arith.constant 0 : i32
    %c0_i32_0 = arith.constant 0 : i32
    %c0_i32_1 = arith.constant 0 : i32
    return %arg0, %arg1, %c0_i32, %c0_i32_0 : i32, i32, i32, i32
  }
  func.func @transform_1(%arg0: i32, %arg1: i32) -> (i32, i32) {
    %mul3A = arith.constant 7 : i32
    %mul3A_0 = arith.muli %arg0, %mul3A : i32
    %add3A = arith.addi %mul3A_0, %arg1 : i32
    %c0_i32 = arith.constant 0 : i32
    %c0_i32_1 = arith.constant 0 : i32
    return %add3A, %c0_i32 : i32, i32
  }
}

module attributes {stable_mosaic.version = 14 : i64} {
  func.func @body(%arg0: i32, %arg1: i32, %arg2: memref<1x8x56x96xf32, #tpu.memory_space<vmem>>, %arg3: memref<448x128xf32, #tpu.memory_space<vmem>>) attributes {dimension_semantics = [#tpu.dimension_semantics<arbitrary>, #tpu.dimension_semantics<arbitrary>], iteration_bounds = array<i64: 4, 7>, scalar_prefetch = 0 : i64, scratch_operands = 0 : i64, tpu.core_type = #tpu.core_type<tc>, window_params = [{transform_indices = @transform_0, window_bounds = array<i64: 1, 8, 56, 96>}, {transform_indices = @transform_1, window_bounds = array<i64: 448, 128>}]} {
    %get3A = arith.constant 0 : index
    %get3A_0 = arith.constant 0 : index
    %get3A_1 = arith.constant 0 : index
    %get3A_2 = arith.constant 0 : index
    %get3A_3 = vector.load %arg2[%get3A, %get3A_0, %get3A_1, %get3A_2] : memref<1x8x56x96xf32, #tpu.memory_space<vmem>>, vector<1x8x56x96xf32>
    %reshape3A = vector.shape_cast %get3A_3 : vector<1x8x56x96xf32> to vector<448x96xf32>
    %swap3A = arith.constant 0 : index
    %swap3A_4 = arith.constant 0 : index
    %swap3A_5 = vector.load %arg3[%swap3A, %swap3A_4] : memref<448x128xf32, #tpu.memory_space<vmem>>, vector<448x96xf32>
    tpu.vector_store %arg3[%swap3A, %swap3A_4], %reshape3A {strides = array<i32>} : memref<448x128xf32, #tpu.memory_space<vmem>>, vector<448x96xf32>,
    %broadcast_in_dim3A = arith.constant 0.000000e+00 : f32
    %broadcast_in_dim3A_6 = vector.broadcast %broadcast_in_dim3A : f32 to vector<448x32xf32>
    %swap3A_7 = arith.constant 0 : index
    %swap3A_8 = arith.constant 96 : index
    %swap3A_9 = vector.load %arg3[%swap3A_7, %swap3A_8] : memref<448x128xf32, #tpu.memory_space<vmem>>, vector<448x32xf32>
    tpu.vector_store %arg3[%swap3A_7, %swap3A_8], %broadcast_in_dim3A_6 {strides = array<i32>} : memref<448x128xf32, #tpu.memory_space<vmem>>, vector<448x32xf32>,
    return
  }
  func.func @transform_0(%arg0: i32, %arg1: i32) -> (i32, i32, i32, i32) {
    %c0_i32 = arith.constant 0 : i32
    %c0_i32_0 = arith.constant 0 : i32
    %c0_i32_1 = arith.constant 0 : i32
    return %arg0, %arg1, %c0_i32, %c0_i32_0 : i32, i32, i32, i32
  }
  func.func @transform_1(%arg0: i32, %arg1: i32) -> (i32, i32) {
    %mul3A = arith.constant 7 : i32
    %mul3A_0 = arith.muli %arg0, %mul3A : i32
    %add3A = arith.addi %mul3A_0, %arg1 : i32
    %c0_i32 = arith.constant 0 : i32
    %c0_i32_1 = arith.constant 0 : i32
    return %add3A, %c0_i32 : i32, i32
  }
}

module attributes {stable_mosaic.version = 14 : i64} {
  func.func @body(%arg0: i32, %arg1: memref<2048x288xf32, #tpu.memory_space<vmem>>, %arg2: memref<2048x2xf32, #tpu.memory_space<vmem>>, %arg3: memref<288x256xf32, #tpu.memory_space<vmem>>, %arg4: memref<2x256xf32, #tpu.memory_space<vmem>>, %arg5: memref<1x256xf32, #tpu.memory_space<vmem>>, %arg6: memref<2048x256xf32, #tpu.memory_space<vmem>>) attributes {dimension_semantics = [#tpu.dimension_semantics<arbitrary>], iteration_bounds = array<i64: 32>, scalar_prefetch = 0 : i64, scratch_operands = 0 : i64, tpu.core_type = #tpu.core_type<tc>, window_params = [{transform_indices = @transform_0, window_bounds = array<i64: 2048, 288>}, {transform_indices = @transform_1, window_bounds = array<i64: 2048, 2>}, {pipeline_mode = #tpu.pipeline_mode<synchronous>, transform_indices = @transform_2, window_bounds = array<i64: 288, 256>}, {pipeline_mode = #tpu.pipeline_mode<synchronous>, transform_indices = @transform_3, window_bounds = array<i64: 2, 256>}, {pipeline_mode = #tpu.pipeline_mode<synchronous>, transform_indices = @transform_4, window_bounds = array<i64: 1, 256>}, {transform_indices = @transform_5, window_bounds = array<i64: 2048, 256>}]} {
    %get3A = arith.constant 0 : index
    %get3A_0 = arith.constant 0 : index
    %get3A_1 = vector.load %arg1[%get3A, %get3A_0] : memref<2048x288xf32, #tpu.memory_space<vmem>>, vector<2048x288xf32>
    %get3A_2 = arith.constant 0 : index
    %get3A_3 = arith.constant 0 : index
    %get3A_4 = vector.load %arg3[%get3A_2, %get3A_3] : memref<288x256xf32, #tpu.memory_space<vmem>>, vector<288x256xf32>
    %dot_general3A = arith.constant dense<0.000000e+00> : vector<2048x256xf32>
    %dot_general3A_5 = tpu.matmul %get3A_1, %get3A_4, %dot_general3A {dimension_numbers = #tpu.dot_dimension_numbers<[1], [0], [0], [1], [0, 0, 1, 1], [], []>, transpose_lhs_hint = false} : vector<2048x288xf32>, vector<288x256xf32>, vector<2048x256xf32> -> vector<2048x256xf32>
    %get3A_6 = arith.constant 0 : index
    %get3A_7 = arith.constant 0 : index
    %get3A_8 = vector.load %arg2[%get3A_6, %get3A_7] : memref<2048x2xf32, #tpu.memory_space<vmem>>, vector<2048x1xf32>
    %get3A_9 = arith.constant 0 : index
    %get3A_10 = arith.constant 0 : index
    %get3A_11 = vector.load %arg4[%get3A_9, %get3A_10] : memref<2x256xf32, #tpu.memory_space<vmem>>, vector<1x256xf32>
    %mul3A = vector.broadcast %get3A_8 : vector<2048x1xf32> to vector<2048x256xf32>
    %mul3A_12 = vector.broadcast %get3A_11 : vector<1x256xf32> to vector<2048x256xf32>
    %mul3A_13 = arith.mulf %mul3A, %mul3A_12 : vector<2048x256xf32>
    %add3A = arith.addf %dot_general3A_5, %mul3A_13 : vector<2048x256xf32>
    %get3A_14 = arith.constant 0 : index
    %get3A_15 = arith.constant 1 : index
    %get3A_16 = vector.load %arg2[%get3A_14, %get3A_15] : memref<2048x2xf32, #tpu.memory_space<vmem>>, vector<2048x1xf32>
    %get3A_17 = arith.constant 1 : index
    %get3A_18 = arith.constant 0 : index
    %get3A_19 = vector.load %arg4[%get3A_17, %get3A_18] : memref<2x256xf32, #tpu.memory_space<vmem>>, vector<1x256xf32>
    %mul3A_20 = vector.broadcast %get3A_16 : vector<2048x1xf32> to vector<2048x256xf32>
    %mul3A_21 = vector.broadcast %get3A_19 : vector<1x256xf32> to vector<2048x256xf32>
    %mul3A_22 = arith.mulf %mul3A_20, %mul3A_21 : vector<2048x256xf32>
    %add3A_23 = arith.addf %add3A, %mul3A_22 : vector<2048x256xf32>
    %get3A_24 = arith.constant 0 : index
    %get3A_25 = arith.constant 0 : index
    %get3A_26 = vector.load %arg5[%get3A_24, %get3A_25] : memref<1x256xf32, #tpu.memory_space<vmem>>, vector<1x256xf32>
    %add3A_27 = vector.broadcast %get3A_26 : vector<1x256xf32> to vector<2048x256xf32>
    %add3A_28 = arith.addf %add3A_23, %add3A_27 : vector<2048x256xf32>
    %max3A = arith.constant 0.000000e+00 : f32
    %max3A_29 = vector.broadcast %max3A : f32 to vector<2048x256xf32>
    %max3A_30 = arith.maximumf %add3A_28, %max3A_29 : vector<2048x256xf32>
    %swap3A = arith.constant 0 : index
    %swap3A_31 = arith.constant 0 : index
    %swap3A_32 = vector.load %arg6[%swap3A, %swap3A_31] : memref<2048x256xf32, #tpu.memory_space<vmem>>, vector<2048x256xf32>
    tpu.vector_store %arg6[%swap3A, %swap3A_31], %max3A_30 {strides = array<i32>} : memref<2048x256xf32, #tpu.memory_space<vmem>>, vector<2048x256xf32>,
    return
  }
  func.func @transform_0(%arg0: i32) -> (i32, i32) {
    %c0_i32 = arith.constant 0 : i32
    %c0_i32_0 = arith.constant 0 : i32
    return %arg0, %c0_i32 : i32, i32
  }
  func.func @transform_1(%arg0: i32) -> (i32, i32) {
    %c0_i32 = arith.constant 0 : i32
    %c0_i32_0 = arith.constant 0 : i32
    return %arg0, %c0_i32 : i32, i32
  }
  func.func @transform_2(%arg0: i32) -> (i32, i32) {
    %c0_i32 = arith.constant 0 : i32
    %c0_i32_0 = arith.constant 0 : i32
    %c0_i32_1 = arith.constant 0 : i32
    return %c0_i32, %c0_i32_0 : i32, i32
  }
  func.func @transform_3(%arg0: i32) -> (i32, i32) {
    %c0_i32 = arith.constant 0 : i32
    %c0_i32_0 = arith.constant 0 : i32
    %c0_i32_1 = arith.constant 0 : i32
    return %c0_i32, %c0_i32_0 : i32, i32
  }
  func.func @transform_4(%arg0: i32) -> (i32, i32) {
    %c0_i32 = arith.constant 0 : i32
    %c0_i32_0 = arith.constant 0 : i32
    %c0_i32_1 = arith.constant 0 : i32
    return %c0_i32, %c0_i32_0 : i32, i32
  }
  func.func @transform_5(%arg0: i32) -> (i32, i32) {
    %c0_i32 = arith.constant 0 : i32
    %c0_i32_0 = arith.constant 0 : i32
    return %arg0, %c0_i32 : i32, i32
  }
}

</mosaic_0001>

<sc_bundles>
// kernel: kernel.7.cloned.1.call-start
scs
__scs_entry_jumppad:
0x0: {  	(pc) =	sbr.rel $0x88, $3  }
0x1: {  	(tag) =	ssettag $0x0;
	lr =	simm.s32 $0x1  }
0x2: {  	[smem:$0x3F9B] =	sst lr;
	_ =	strace $0xD0000000  }
0x3: {  	_ = 	snop  }
0x4: {  	_ = 	snop  }
0x5: {  	_ = 	snop  }
0x6: {  	_ = 	snop  }
0x7: {  	_ = 	snop  }
__scs_overlays_trampoline_lowered:
0x8: {  	[smem:$0x3FAA] =	sst s0  }
0x9: {  	[smem:$0x3FAB] =	sst s1  }
0xa: {  	[smem:$0x3FAC] =	sst s2  }
0xb: {  	[smem:$0x3FAD] =	sst s3  }
0xc: {  	[smem:$0x3FAE] =	sst s4  }
0xd: {  	[smem:$0x3FAF] =	sst s5  }
0xe: {  	[smem:$0x3FB0] =	sst s6  }
0xf: {  	[smem:$0x3FB1] =	sst s7  }
0x10: {  	[smem:$0x3FB2] =	sst s8  }
0x11: {  	[smem:$0x3FB3] =	sst s9;
	s0 =	simm.s32 @!p0 $0x0  }
0x12: {  	s1 =	sld [smem:$0x3F99];
	s0 =	simm.s32 @p0 $0x1  }
0x13: {  	[smem:$0x3FB4] =	sst s0;
	s0 =	simm.s32 @!p1 $0x0  }
0x14: {  	s2 =	sld [smem:$0x3F98];
	s0 =	simm.s32 @p1 $0x1  }
0x15: {  	[smem:$0x3FB5] =	sst s0;
	s0 =	simm.s32 @!p2 $0x0  }
0x16: {  	s3 =	sld [smem:$0x3FDB];
	s0 =	simm.s32 @p2 $0x1  }
0x17: {  	s4 =	simm.s32 $0x1BF5;
	[smem:$0x3FB7] =	sst s0  }
0x18: {  	s0 =	sld [smem:$0x3F9A];
	_ =	swait.ge [sflag:s4], $0x0  }
0x19: {  	s7 =	sld [smem:$0x3F9B]  }
0x1a: {  	s8 =	sadd.s32 $0xFFFFE003, lr  }
0x1b: {  	s9 =	sadd.s32 $0xFFFFFEF7, lr;
	s5 =	simm.s32 $0xFFFFFFFF;
	p2 =	slt.u32 s8, $0xFFFFF086  }
0x1c: {  	p1 =	slt.u32 s9, $0xF7A;
	s5 =	simm.s32 @!p2 $0x0  }
0x1d: {  	s5 =	simm.s32 @p1 $0x1;
	p0 =	seq.s32 s7, s2  }
0x1e: {  	s7 =	smul.u32 @!p0 $0xF7A, s2;
	p2 =	seq.s32 @!p0 s5, $0x0  }
0x1f: {  	s9 =	smul.u32 $0xF7A, s1;
	s8 =	simm.s32 @!p0 $0x1BF5;
	p2 =	por !p2, p0  }
0x20: {  	[sflag:s8] =	ssyncset.s32 @!p0 $0xFFFFF086;
	s6 =	sadd.s32 @!p0 s3, s7;
	s7 =	simm.s32 @!p0 $0x108  }
0x21: {  	s3 =	sadd.s32 s3, s9;
	s6 =	sadd.s32 @!p0 $0x88, s6;
	s7 =	simm.s32 @p2 $0x1082  }
0x22: {  	[simem:s7], [sflag:s8] =	dma.local @!p0 [hbm:s6], $0xF7A  }
0x23: {  	s9 =	sor.u32 $0xD0000000, s2;
	s6 =	simm.s32 $0x108;
	_ =	swait.ge @!p0 [sflag:s8], $0x0  }
0x24: {  	s3 =	sadd.s32 $0x88, s3;
	s6 =	simm.s32 @!p1 $0x1082;
	[sflag:s4] =	ssyncset.s32 $0xFFFFF086  }
0x25: {  	[simem:s6], [sflag:s4] =	dma.local [hbm:s3], $0xF7A  }
0x26: {  	[smem:$0x3F9B] =	sst s1;
	(tag) =	ssettag s2;
	_ =	strace s9  }
0x27: {  	s1 =	sld [smem:$0x3FAB]  }
0x28: {  	s2 =	sld [smem:$0x3FAC]  }
0x29: {  	s4 =	sld [smem:$0x3FAE]  }
0x2a: {  	p0 =	seq.s32 s5, $0x0;
	s5 =	sld [smem:$0x3FAF]  }
0x2b: {  	s6 =	sld [smem:$0x3FB0]  }
0x2c: {  	s7 =	sld [smem:$0x3FB1]  }
0x2d: {  	s3 =	simm.s32 $0x108;
	s8 =	sld [smem:$0x3FB2]  }
0x2e: {  	s3 =	simm.s32 @!p0 $0x1082;
	s9 =	sld [smem:$0x3FB3]  }
0x2f: {  	lr =	sadd.s32 s0, s3;
	s0 =	sld [smem:$0x3FAA]  }
0x30: {  	s3 =	sld [smem:$0x3FAD]  }
0x31: {  	[smem:$0x3FB6] =	sst s10  }
0x32: {  	s10 =	sld [smem:$0x3FB4];
	_ =	sdelay $0x3  }
0x33: {  	p0 =	seq.s32 s10, $0x1;
	s10 =	sld [smem:$0x3FB6];
	_ =	sdelay $0x3  }
0x34: {  	[smem:$0x3FB6] =	sst s10  }
0x35: {  	s10 =	sld [smem:$0x3FB5];
	_ =	sdelay $0x3  }
0x36: {  	p1 =	seq.s32 s10, $0x1;
	s10 =	sld [smem:$0x3FB6];
	_ =	sdelay $0x3  }
0x37: {  	[smem:$0x3FB6] =	sst s10  }
0x38: {  	s10 =	sld [smem:$0x3FB7]  }
0x39: {  	_ = 	snop;
	(pc) =	sbr.ind lr, $3  }
0x3a: {  	_ = 	snop  }
0x3b: {  	_ = 	snop  }
0x3c: {  	p2 =	seq.s32 s10, $0x1;
	s10 =	sld [smem:$0x3FB6]  }
0x3d: {  	_ =	shalt  }
0x3e: {  	_ =	shalt  }
0x3f: {  	_ =	shalt  }
0x40: {  	_ =	shalt  }
0x41: {  	_ =	shalt  }
0x42: {  	_ =	shalt  }
0x43: {  	_ =	shalt  }
0x44: {  	_ =	shalt  }
0x45: {  	_ =	shalt  }
0x46: {  	_ =	shalt  }
0x47: {  	_ =	shalt  }
0x48: {  	_ =	shalt  }
0x49: {  	_ =	shalt  }
0x4a: {  	_ =	shalt  }
0x4b: {  	_ =	shalt  }
0x4c: {  	_ =	shalt  }
0x4d: {  	_ =	shalt  }
0x4e: {  	_ =	shalt  }
0x4f: {  	_ =	shalt  }
0x50: {  	_ =	shalt  }
0x51: {  	_ =	shalt  }
0x52: {  	_ =	shalt  }
0x53: {  	_ =	shalt  }
0x54: {  	_ =	shalt  }
0x55: {  	_ =	shalt  }
0x56: {  	_ =	shalt  }
0x57: {  	_ =	shalt  }
0x58: {  	_ =	shalt  }
0x59: {  	_ =	shalt  }
0x5a: {  	_ =	shalt  }
0x5b: {  	_ =	shalt  }
0x5c: {  	_ =	shalt  }
0x5d: {  	_ =	shalt  }
0x5e: {  	_ =	shalt  }
0x5f: {  	_ =	shalt  }
0x60: {  	_ =	shalt  }
0x61: {  	_ =	shalt  }
0x62: {  	_ =	shalt  }
0x63: {  	_ =	shalt  }
0x64: {  	_ =	shalt  }
0x65: {  	_ =	shalt  }
0x66: {  	_ =	shalt  }
0x67: {  	_ =	shalt  }
0x68: {  	_ =	shalt  }
0x69: {  	_ =	shalt  }
0x6a: {  	_ =	shalt  }
0x6b: {  	_ =	shalt  }
0x6c: {  	_ =	shalt  }
0x6d: {  	_ =	shalt  }
0x6e: {  	_ =	shalt  }
0x6f: {  	_ =	shalt  }
0x70: {  	_ =	shalt  }
0x71: {  	_ =	shalt  }
0x72: {  	_ =	shalt  }
0x73: {  	_ =	shalt  }
0x74: {  	_ =	shalt  }
0x75: {  	_ =	shalt  }
0x76: {  	_ =	shalt  }
0x77: {  	_ =	shalt  }
0x78: {  	_ =	shalt  }
0x79: {  	_ =	shalt  }
0x7a: {  	_ =	shalt  }
0x7b: {  	_ =	shalt  }
0x7c: {  	_ =	shalt  }
0x7d: {  	_ =	shalt  }
0x7e: {  	_ =	shalt  }
0x7f: {  	_ =	shalt  }
0x80: {  	_ =	shalt  }
0x81: {  	_ =	shalt  }
0x82: {  	_ =	shalt  }
0x83: {  	_ =	shalt  }
0x84: {  	_ =	shalt  }
0x85: {  	_ =	shalt  }
0x86: {  	_ =	shalt  }
0x87: {  	_ =	shalt  }
.Lfunc_end0:
.L_simem_size_0:
called_computation_lowered:
.L_overlay_start_0:
0x88: {  	s2 =	sld [smem:$0x3FD9]  }
0x89: {  	s3 =	sld [smem:$0x3FFE];
	_ =	sdelay $0x1  }
0x8a: {  	s1 =	srdreg.scid  }
0x8b: {  	s0 =	sand.u32 $0x1, s1  }
0x8c: {  	s17 =	sshll.u32 s0, $0xA;
	s2 =	sadd.s32 s3, s2  }
0x8d: {  	s2 =	sadd.s32 s2, s17  }
0x8e: {  	[smem:$0x3FC2] =	sst s2  }
0x8f: {  	_ = 	snop  }
0x90: {  	s2 =	sld [smem:$0x3FD0];
	(tm) =	ssettm $0x1  }
0x91: {  	s18 =	sld [smem:$0x3FFB];
	_ =	sdelay $0x3  }
0x92: {  	_ =	strace s18  }
0x93: {  	s3 =	sld [smem:$0x3FFC];
	_ =	sdelay $0x3  }
0x94: {  	_ =	strace s3  }
0x95: {  	s3 =	sld [smem:$0x3FFD];
	_ =	sdelay $0x3  }
0x96: {  	_ =	strace s3  }
0x97: {  	_ =	strace $0x8FFFFFFF  }
0x98: {  	s19 =	sld [smem:$0x3FDB];
	_ =	sdelay $0x1  }
0x99: {  	s4 =	simm.s32 $_scs_section_size  }
0x9a: {  	s5 =	simm.s32 $_size__tile_overlayer_lowered;
	s6 =	simm.s32 $_tile_overlayer_lowered  }
0x9b: {  	s22 =	simm.s32 $0x1BFF;
	s21 =	sshll.u32 s6, $0x1;
	s3 =	sadd.s32 s4, s19  }
0x9c: {  	s7 =	simm.s32 $0x0;
	s20 =	sshll.u32 s5, $0x1;
	s5 =	sadd.s32 s21, s3  }
0x9d: {  	[timem:s7], [sflag:s22] =	dma.local [hbm:s5], s20  }
0x9e: {  	_ =	swait.ge [sflag:s22], s20  }
0x9f: {  	s4 =	ssub.s32 $0x0, s20;
	[sflag:s22] =	ssyncset.done $0x0  }
0xa0: {  	[sflag:s22] =	ssyncadd.s32 s4;
	_ =	sdelay $0x1  }
0xa1: {  	s23 =	simm.s32 $0x1B8B  }
0xa2: {  	_ =	swait.ge [sflag:s23], $0x1  }
0xa3: {  	[sflag:s23] =	ssyncset.done $0x0  }
0xa4: {  	s25 =	simm.s32 $0x1B8E;
	s24 =	sld [smem:$0x3FFE];
	[sflag:s23] =	ssyncadd.s32 $0xFFFFFFFF  }
0xa5: {  	s26 =	simm.s32 $execute0_lowered;
	[smem:$0x3FD2] =	sst s25  }
0xa6: {  	s5 =	sshll.u32 s26, $0x1;
	_ =	strace $0x80000046;
	[dreg:$0x1] =	wrdreg $0xFFFFFFFF  }
0xa7: {  	s28 =	simm.s32 $_size_execute0_lowered;
	s3 =	sadd.s32 s3, s5;
	[dreg:$0x0] =	wrdreg $0x0  }
0xa8: {  	s5 =	sshll.u32 s28, $0x1;
	[dreg:$0x2] =	wrdreg s3  }
0xa9: {  	[dreg:$0x3] =	wrdreg s5  }
0xaa: {  	[dreg:$0x4] =	wrdreg $0xC0  }
0xab: {  	_ =	task [dreg:s7], $0x5FFFF  }
0xac: {  	[dreg:$0x1] =	wrdreg $0xFFFFFFFF  }
0xad: {  	[dreg:$0x0] =	wrdreg $0x60  }
0xae: {  	[dreg:$0x2] =	wrdreg s24  }
0xaf: {  	[dreg:$0x3] =	wrdreg s2  }
0xb0: {  	[dreg:$0x4] =	wrdreg $0x9  }
0xb1: {  	_ =	task.clear_ibuf [dreg:s7], $0x5FFFF;
	_ =	strace $0x90000046  }
0xb2: {  	s29 =	simm.s32 $0x9;
	_ =	strace $0x80000048  }
0xb3: {  	_ =	swait.ge [sflag:s29], $0x1  }
0xb4: {  	[sflag:s29] =	ssyncadd.s32 $0xFFFFFFFF  }
0xb5: {  	_ =	strace $0x90000048  }
0xb6: {  	_ =	sfence  }
0xb7: {  	s30 =	sld [smem:$0x0];
	_ =	sdelay $0x2  }
0xb8: {  	s31 =	sshll.u32 s1, $0xD;
	s1 =	sshrl.u32 s1, $0x2  }
0xb9: {  	s3 =	sand.u32 $0x4000, s31;
	s1 =	sadd.s32 s1, s30  }
0xba: {  	s0 =	sor.u32 s3, s0;
	s1 =	sshll.u32 s1, $0x11  }
0xbb: {  	s0 =	sor.u32 s1, s0  }
0xbc: {  	s0 =	sadd.s32 $0x8F2B, s0  }
0xbd: {  	[sflag:s0] =	ssyncadd.remote.s32 $0x1  }
0xbe: {  	_ =	sfence.sel $0xFFFF  }
0xbf: {  	[dreg:$0x0] =	wrdreg $0xFFFFFFFF;
	(pc) =	sbr.abs _section_cstart, $3  }
0xc0: {  	[dreg:$0x1] =	wrdreg $0xFFFFFFFF  }
0xc1: {  	_ =	task.clear_ibuf [dreg:s7], $0x2FFFF;
	_ =	strace $0x9FFFFFFF  }
0xc2: {  	(tm) =	ssettm $0x7FFFFFFF  }
0xc3: {  	_ =	shalt  }
tec
execute0_lowered:
.L_overlay_start_1:
0x0: {  	(tag) =	ssettag $0x1  }
0x1: {  	s0 =	rddreg [dreg:$0x0];
	s1 =	srdreg.scid  }
0x2: {  	s5 =	stileid.u32;
	s3 =	simm.s32 $0x0;
	s22 =	simm.s32 $0x1E80  }
0x3: {  	s23 =	simm.s32 $0x1F00;
	s24 =	simm.s32 $0x1F80;
	s28 =	simm.s32 $0x2100  }
0x4: {  	s29 =	simm.s32 $0x2180;
	s12 =	simm.s32 $0x2300;
	s7 =	simm.s32 $0x2380  }
0x5: {  	s9 =	simm.s32 $0x2400;
	s10 =	simm.s32 $0x2480;
	s14 =	simm.s32 $0x2500  }
0x6: {  	s30 =	simm.s32 $0x2600;
	s6 =	simm.s32 $0x2700;
	s8 =	simm.s32 $0x2780  }
0x7: {  	s1 =	sand.u32 $0x1, s1;
	s2 =	sshll.u32 s5, $0x1;
	[smem:$0x7FF] =	sst s3  }
0x8: {  	s16 =	sadd.s32 $0x416200, s0;
	s4 =	sadd.s32 $0x106200, s0;
	s5 =	sshrl.u32 s5, $0x2  }
0x9: {  	s3 =	simm.s32 $0x2680;
	s15 =	sor.u32 s1, s2;
	s21 =	smul.u32 $0xC400, s5  }
0xa: {  	_ =	strace $0x80000047;
	[dreg:$0x3] =	wrdreg s16;
	s31 =	smul.u32 $0x3100, s5  }
0xb: {  	[dreg:$0x4] =	wrdreg s4;
	s1 =	ssub.s32 $0x2, s1;
	s5 =	smul.u32 $0xC40, s5  }
0xc: {  	s4 =	simm.s32 $0x0;
	s17 =	sshll.u32 s15, $0x8;
	s19 =	sshrl.u32 s1, $0x1  }
0xd: {  	s25 =	sshll.u32 s15, $0xB;
	s15 =	simm.s32 $0x2580;
	s18 =	sadd.s32 s17, s0  }
0xe: {  	s0 =	sadd.s32 $0x726200, s0;
	[dreg:$0x7] =	wrdreg s25;
	s17 =	simm.s32 $0x1C00  }
0xf: {  	s25 =	simm.s32 $0x2000;
	[dreg:$0x5] =	wrdreg s0;
	s20 =	sadd.s32 $0x104200, s18  }
0x10: {  	s0 =	ssub.s32 s1, s19;
	s26 =	sadd.s32 $0x102200, s18;
	s19 =	simm.s32 $0x1C80  }
0x11: {  	s18 =	simm.s32 $0x1D00;
	s1 =	simm.s32 $0x2280;
	[dreg:$0x6] =	wrdreg s20  }
0x12: {  	[dreg:$0x8] =	wrdreg s26;
	s0 =	smax.u32 s0, $0x1;
	s20 =	simm.s32 $0x1D80  }
0x13: {  	v0 =	vmov s21;
	v1 =	vmov s31;
	v2 =	vmov s5;
	s26 =	simm.s32 $0x2080;
	[dreg:$0x9] =	wrdreg s0;
	s0 =	simm.s32 $0x2200  }
.LBB2_1:
0x14: {  	[dreg:$0xa] =	wrdreg s4  }
0x15: {  	s2 =	simm.s32 $0x0;
	s21 =	rddreg [dreg:$0x6];
	s5 =	simm.s32 $0x3  }
0x16: {  	[tilespmem:s2], [sflag:$0x3] =	stream.linear.gather [hbm4b:s21+s2], $0x800, $0x38;
	[tilespmem:$0x1D800] =	vst v63  }
0x17: {  	_ =	swait.ge [sflag:s5], $0x800  }
0x18: {  	[sflag:s5] =	ssyncset.done $0x0  }
0x19: {  	s11 =	simm.s32 $0x800;
	s31 =	rddreg [dreg:$0x8];
	[sflag:s5] =	ssyncadd.s32 $0xFFFFF800  }
0x1a: {  	[tilespmem:s11], [sflag:$0x3] =	stream.linear.gather [hbm4b:s31+s2], $0x800, $0x38;
	[tilespmem:$0x1D800] =	vst v63  }
0x1b: {  	_ =	swait.ge [sflag:s5], $0x800  }
0x1c: {  	[sflag:s5] =	ssyncset.done $0x0  }
0x1d: {  	[sflag:s5] =	ssyncadd.s32 $0xFFFFF800  }
0x1e: {  	v3 =	vld [tilespmem:$0x0]  }
0x1f: {  	v4 =	vld [tilespmem:$0x800]  }
0x20: {  	v7 =	vld [tilespmem:$0x10]  }
0x21: {  	v8 =	vld [tilespmem:$0x810]  }
0x22: {  	v13 =	vld [tilespmem:$0x0]  }
0x23: {  	v16 =	vld [tilespmem:$0x800]  }
0x24: {  	v48 =	vld [tilespmem:$0x10]  }
0x25: {  	v50 =	vld [tilespmem:$0x810]  }
0x26: {  	v21 =	vld [tilespmem:$0x0]  }
0x27: {  	v3 =	vmul.f32 $2.230000000e+02, v3  }
0x28: {  	v4 =	vmul.f32 $2.230000000e+02, v4;
	v7 =	vmul.f32 $2.230000000e+02, v7  }
0x29: {  	v8 =	vmul.f32 $2.230000000e+02, v8;
	v40 =	vmul.f32 $1.110000000e+02, v13  }
0x2a: {  	v42 =	vmul.f32 $1.110000000e+02, v16;
	v56 =	vmul.f32 $1.110000000e+02, v48  }
0x2b: {  	v58 =	vmul.f32 $1.110000000e+02, v50;
	v30 =	vmul.f32 $5.500000000e+01, v21  }
0x2c: {  	v5 =	vtrunc.f32 v3;
	v6 =	vtrunc.f32 v4  }
0x2d: {  	v5 =	vcvt.f32.s32 v5;
	v6 =	vcvt.f32.s32 v6  }
0x2e: {  	v37 =	vtrunc.f32 v7;
	v11 =	vtrunc.f32 v8  }
0x2f: {  	v44 =	vtrunc.f32 v40;
	vm0 =	vlt.s32 v5, $0xDE;
	vm5 =	vlt.s32 v6, $0xDE  }
0x30: {  	v46 =	vtrunc.f32 v42;
	v5 =	vnsel vm0, $0xDE, v5;
	v6 =	vnsel vm5, $0xDE, v6  }
0x31: {  	v9 =	vcvt.s32.f32 v5;
	v10 =	vcvt.s32.f32 v6  }
0x32: {  	v62 =	vtrunc.f32 v58;
	v11 =	vcvt.f32.s32 v11;
	v6 =	vmul.u32 $0xE0, v6  }
0x33: {  	v5 =	vadd.s32 v0, v5;
	v3 =	vsub.f32 v3, v9;
	v4 =	vsub.f32 v4, v10  }
0x34: {  	v13 =	vcvt.f32.s32 v46;
	vm7 =	vlt.s32 v11, $0xDE;
	v5 =	vadd.s32 v6, v5  }
0x35: {  	v12 =	vadd.s32 $0x1, v5;
	[tilespmem:$0x1000] =	vst v5;
	v36 =	vsub.f32 $1.000000000e+00, v3;
	v10 =	vsub.f32 $1.000000000e+00, v4  }
0x36: {  	vm9 =	vlt.s32 v13, $0x6E;
	v9 =	vcvt.f32.s32 v37;
	v14 =	vadd.s32 $0xE0, v5;
	[tilespmem:$0x1080] =	vst v12  }
0x37: {  	v11 =	vnsel vm7, $0xDE, v11;
	v5 =	vadd.s32 $0xE1, v5;
	[tilespmem:$0x1100] =	vst v14;
	v15 =	vmul.f32 v10, v36  }
0x38: {  	v52 =	vnsel vm9, $0x6E, v13;
	vm6 =	vlt.s32 v9, $0xDE;
	[tilespmem:$0x1180] =	vst v5;
	v10 =	vmul.f32 v10, v3  }
0x39: {  	v39 =	vcvt.s32.f32 v11;
	v9 =	vnsel vm6, $0xDE, v9;
	v6 =	vmul.f32 v4, v36;
	[tilespmem:$0x1C00] =	vst v15  }
0x3a: {  	v11 =	vmul.u32 $0xE0, v11;
	v38 =	vcvt.s32.f32 v9;
	v3 =	vmul.f32 v4, v3;
	[tilespmem:$0x1C80] =	vst v10  }
0x3b: {  	v54 =	vcvt.s32.f32 v52;
	v4 =	vsub.f32 v8, v39;
	v41 =	vadd.s32 v0, v9;
	[tilespmem:$0x1D00] =	vst v6  }
0x3c: {  	v5 =	vadd.s32 v11, v41;
	v11 =	vcvt.f32.s32 v44;
	v7 =	vsub.f32 v7, v38;
	[tilespmem:$0x1D80] =	vst v3  }
0x3d: {  	v23 =	vld [tilespmem:$0x800];
	v55 =	vmul.u32 $0x70, v52;
	v45 =	vsub.f32 $1.000000000e+00, v4;
	v47 =	vadd.s32 $0x1, v5;
	[tilespmem:$0x1010] =	vst v5  }
0x3e: {  	v3 =	vadd.s32 $0xE0, v5;
	vm8 =	vlt.s32 v11, $0x6E;
	[tilespmem:$0x1090] =	vst v47;
	v43 =	vsub.f32 $1.000000000e+00, v7  }
0x3f: {  	[tilespmem:$0x1110] =	vst v3;
	v3 =	vadd.s32 $0xE1, v5;
	v10 =	vmul.f32 v45, v7;
	v11 =	vnsel vm8, $0x6E, v11  }
0x40: {  	v12 =	vcvt.f32.s32 v62;
	[tilespmem:$0x1190] =	vst v3;
	v57 =	vadd.s32 v1, v11;
	v49 =	vmul.f32 v45, v43  }
0x41: {  	v51 =	vmul.f32 v4, v43;
	v4 =	vmul.f32 v4, v7;
	[tilespmem:$0x1C90] =	vst v10;
	v7 =	vadd.s32 v55, v57  }
0x42: {  	v33 =	vmul.f32 $5.500000000e+01, v23;
	v60 =	vtrunc.f32 v56;
	v5 =	vsub.f32 v42, v54;
	[tilespmem:$0x1200] =	vst v7  }
0x43: {  	v35 =	vtrunc.f32 v30;
	vm11 =	vlt.s32 v12, $0x6E;
	v53 =	vcvt.s32.f32 v11;
	[tilespmem:$0x1C10] =	vst v49  }
0x44: {  	v37 =	vld [tilespmem:$0x10];
	v36 =	vtrunc.f32 v33;
	v26 =	vnsel vm11, $0x6E, v12;
	v61 =	vsub.f32 $1.000000000e+00, v5;
	[tilespmem:$0x1D10] =	vst v51  }
0x45: {  	v10 =	vcvt.f32.s32 v60;
	v3 =	vsub.f32 v40, v53;
	v63 =	vadd.s32 $0x1, v7;
	[tilespmem:$0x1D90] =	vst v4  }
0x46: {  	v12 =	vcvt.f32.s32 v36;
	v29 =	vmul.u32 $0x70, v26;
	v20 =	vadd.s32 $0x70, v7;
	[tilespmem:$0x1280] =	vst v63  }
0x47: {  	v7 =	vadd.s32 $0x71, v7;
	vm10 =	vlt.s32 v10, $0x6E;
	[tilespmem:$0x1300] =	vst v20;
	v24 =	vmul.f32 v61, v3  }
0x48: {  	[tilespmem:$0x1380] =	vst v7;
	v59 =	vsub.f32 $1.000000000e+00, v3;
	v25 =	vnsel vm10, $0x6E, v10;
	v3 =	vmul.f32 v5, v3  }
0x49: {  	v44 =	vmul.f32 $5.500000000e+01, v37;
	v28 =	vcvt.s32.f32 v26;
	v6 =	vadd.s32 v1, v25;
	[tilespmem:$0x1E80] =	vst v24  }
0x4a: {  	v11 =	vcvt.f32.s32 v35;
	v22 =	vmul.f32 v61, v59;
	v32 =	vadd.s32 v29, v6;
	[tilespmem:$0x1F80] =	vst v3  }
0x4b: {  	v39 =	vld [tilespmem:$0x810];
	v27 =	vcvt.s32.f32 v25;
	v8 =	vmul.f32 v5, v59;
	[tilespmem:$0x1210] =	vst v32  }
0x4c: {  	vm13 =	vlt.s32 v12, $0x36;
	v47 =	vtrunc.f32 v44;
	v31 =	vsub.f32 v58, v28;
	[tilespmem:$0x1E00] =	vst v22  }
0x4d: {  	vm12 =	vlt.s32 v11, $0x36;
	v9 =	vsub.f32 v56, v27;
	v7 =	vadd.s32 $0x1, v32;
	[tilespmem:$0x1F00] =	vst v8  }
0x4e: {  	v41 =	vnsel vm13, $0x36, v12;
	v11 =	vnsel vm12, $0x36, v11;
	v5 =	vadd.s32 $0x71, v32;
	[tilespmem:$0x1290] =	vst v7  }
0x4f: {  	v38 =	vadd.s32 $0x70, v32;
	[tilespmem:$0x1390] =	vst v5;
	v5 =	vmul.u32 $0x38, v41;
	v4 =	vmul.f32 v31, v9  }
0x50: {  	v46 =	vmul.f32 $5.500000000e+01, v39;
	v43 =	vcvt.s32.f32 v41;
	v45 =	vadd.s32 v2, v11;
	[tilespmem:$0x1310] =	vst v38  }
0x51: {  	v3 =	vsub.f32 $1.000000000e+00, v31;
	v34 =	vsub.f32 $1.000000000e+00, v9;
	v5 =	vadd.s32 v5, v45;
	[tilespmem:$0x1F90] =	vst v4  }
0x52: {  	v42 =	vcvt.s32.f32 v11;
	v6 =	vsub.f32 v33, v43;
	v48 =	vadd.s32 $0x1, v5;
	[tilespmem:$0x1400] =	vst v5  }
0x53: {  	v40 =	vmul.f32 v3, v34;
	v3 =	vmul.f32 v3, v9;
	v52 =	vadd.s32 $0x38, v5;
	[tilespmem:$0x1480] =	vst v48  }
0x54: {  	v49 =	vtrunc.f32 v46;
	v8 =	vmul.f32 v31, v34;
	[tilespmem:$0x1500] =	vst v52  }
0x55: {  	v7 =	vcvt.f32.s32 v47;
	v51 =	vsub.f32 $1.000000000e+00, v6;
	[tilespmem:$0x1E90] =	vst v3;
	v3 =	vsub.f32 v30, v42  }
0x56: {  	v5 =	vadd.s32 $0x39, v5;
	[tilespmem:$0x1F10] =	vst v8;
	v8 =	vcvt.f32.s32 v49  }
0x57: {  	vm14 =	vlt.s32 v7, $0x36;
	[tilespmem:$0x1580] =	vst v5;
	v50 =	vsub.f32 $1.000000000e+00, v3;
	v54 =	vmul.f32 v51, v3  }
0x58: {  	v7 =	vnsel vm14, $0x36, v7;
	[tilespmem:$0x1E10] =	vst v40;
	vm15 =	vlt.s32 v8, $0x36;
	v3 =	vmul.f32 v6, v3  }
0x59: {  	v55 =	vcvt.s32.f32 v7;
	v8 =	vnsel vm15, $0x36, v8;
	v53 =	vmul.f32 v51, v50;
	[tilespmem:$0x2080] =	vst v54  }
0x5a: {  	v9 =	vmul.f32 v6, v50;
	v56 =	vcvt.s32.f32 v8;
	v57 =	vmul.u32 $0x38, v8;
	[tilespmem:$0x2180] =	vst v3  }
0x5b: {  	v7 =	vadd.s32 v2, v7;
	v4 =	vsub.f32 v44, v55;
	[tilespmem:$0x2000] =	vst v53  }
0x5c: {  	[tilespmem:$0x2100] =	vst v9;
	v58 =	vsub.f32 v46, v56;
	v3 =	vadd.s32 v57, v7  }
0x5d: {  	v59 =	vsub.f32 $1.000000000e+00, v4;
	[tilespmem:$0x1410] =	vst v3;
	v5 =	vadd.s32 $0x1, v3  }
0x5e: {  	v61 =	vadd.s32 $0x38, v3;
	v60 =	vsub.f32 $1.000000000e+00, v58;
	[tilespmem:$0x1490] =	vst v5  }
0x5f: {  	v3 =	vadd.s32 $0x39, v3;
	[tilespmem:$0x1510] =	vst v61;
	v63 =	vmul.f32 v58, v59  }
0x60: {  	[tilespmem:$0x1590] =	vst v3;
	v3 =	vmul.f32 v60, v4  }
0x61: {  	v62 =	vmul.f32 v60, v59;
	[tilespmem:$0x2110] =	vst v63  }
0x62: {  	[tilespmem:$0x2090] =	vst v3;
	v3 =	vmul.f32 v58, v4  }
0x63: {  	s4 =	simm.s32 $0x20;
	[tilespmem:$0x2010] =	vst v62  }
0x64: {  	s13 =	simm.s32 $0x1000;
	s16 =	simm.s32 $0x2800;
	s2 =	rddreg [dreg:$0x3];
	[tilespmem:$0x2190] =	vst v3  }
0x65: {  	[tilespmem:s16], [sflag:$0x1] =	stream.indirect.gather [hbm4b:s2+s4], $0x80, s13, s4, $0xb8;
	[tilespmem:$0x1D800] =	vst v63  }
0x66: {  	s21 =	simm.s32 $0x1080;
	s31 =	simm.s32 $0x3800  }
0x67: {  	[tilespmem:s31], [sflag:$0x1] =	stream.indirect.gather [hbm4b:s2+s4], $0x80, s21, s4, $0xb8;
	[tilespmem:$0x1D800] =	vst v63  }
0x68: {  	s13 =	simm.s32 $0x1100;
	s16 =	simm.s32 $0x4800  }
0x69: {  	[tilespmem:s16], [sflag:$0x1] =	stream.indirect.gather [hbm4b:s2+s4], $0x80, s13, s4, $0xb8;
	[tilespmem:$0x1D800] =	vst v63  }
0x6a: {  	s21 =	simm.s32 $0x1180;
	s31 =	simm.s32 $0x5800  }
0x6b: {  	[tilespmem:s31], [sflag:$0x1] =	stream.indirect.gather [hbm4b:s2+s4], $0x80, s21, s4, $0xb8;
	[tilespmem:$0x1D800] =	vst v63  }
0x6c: {  	s13 =	simm.s32 $0x1200;
	s16 =	simm.s32 $0x6800;
	s2 =	rddreg [dreg:$0x4]  }
0x6d: {  	[tilespmem:s16], [sflag:$0x1] =	stream.indirect.gather [hbm4b:s2+s4], $0x80, s13, s4, $0xb8;
	[tilespmem:$0x1D800] =	vst v63  }
0x6e: {  	s21 =	simm.s32 $0x1280;
	s31 =	simm.s32 $0x7800  }
0x6f: {  	[tilespmem:s31], [sflag:$0x1] =	stream.indirect.gather [hbm4b:s2+s4], $0x80, s21, s4, $0xb8;
	[tilespmem:$0x1D800] =	vst v63  }
0x70: {  	s13 =	simm.s32 $0x1300;
	s16 =	simm.s32 $0x8800  }
0x71: {  	[tilespmem:s16], [sflag:$0x1] =	stream.indirect.gather [hbm4b:s2+s4], $0x80, s13, s4, $0xb8;
	[tilespmem:$0x1D800] =	vst v63  }
0x72: {  	s21 =	simm.s32 $0x1380;
	s31 =	simm.s32 $0x9800  }
0x73: {  	[tilespmem:s31], [sflag:$0x1] =	stream.indirect.gather [hbm4b:s2+s4], $0x80, s21, s4, $0xb8;
	[tilespmem:$0x1D800] =	vst v63  }
0x74: {  	s13 =	simm.s32 $0x1400;
	s16 =	simm.s32 $0xA800;
	s2 =	rddreg [dreg:$0x1]  }
0x75: {  	[tilespmem:s16], [sflag:$0x1] =	stream.indirect.gather [hbm4b:s2+s4], $0x80, s13, s4, $0xb8;
	[tilespmem:$0x1D800] =	vst v63  }
0x76: {  	s21 =	simm.s32 $0x1480;
	s31 =	simm.s32 $0xB800  }
0x77: {  	[tilespmem:s31], [sflag:$0x1] =	stream.indirect.gather [hbm4b:s2+s4], $0x80, s21, s4, $0xb8;
	[tilespmem:$0x1D800] =	vst v63  }
0x78: {  	s13 =	simm.s32 $0x1500;
	s16 =	simm.s32 $0xC800  }
0x79: {  	[tilespmem:s16], [sflag:$0x1] =	stream.indirect.gather [hbm4b:s2+s4], $0x80, s13, s4, $0xb8;
	[tilespmem:$0x1D800] =	vst v63  }
0x7a: {  	s21 =	simm.s32 $0x1580;
	s31 =	simm.s32 $0xD800  }
0x7b: {  	[tilespmem:s31], [sflag:$0x1] =	stream.indirect.gather [hbm4b:s2+s4], $0x80, s21, s4, $0xb8;
	[tilespmem:$0x1D800] =	vst v63  }
0x7c: {  	s4 =	simm.s32 $0x0  }
.LBB2_2:
0x7d: {  	s13 =	sshll.u32 s4, $0x6  }
0x7e: {  	v3 =	vld [tilespmem:s13+$0x20]  }
0x7f: {  	v4 =	vld [tilespmem:s13+$0x820];
	_ =	sdelay $0x4  }
0x80: {  	v3 =	vmul.f32 $2.230000000e+02, v3;
	v4 =	vmul.f32 $2.230000000e+02, v4;
	_ =	sdelay $0x1  }
0x81: {  	v5 =	vtrunc.f32 v3;
	v6 =	vtrunc.f32 v4  }
0x82: {  	v5 =	vcvt.f32.s32 v5;
	v6 =	vcvt.f32.s32 v6;
	_ =	sdelay $0x1  }
0x83: {  	vm0 =	vlt.s32 v5, $0xDE;
	vm1 =	vlt.s32 v6, $0xDE  }
0x84: {  	v5 =	vnsel vm0, $0xDE, v5;
	v6 =	vnsel vm1, $0xDE, v6  }
0x85: {  	v7 =	vcvt.s32.f32 v5;
	v8 =	vcvt.s32.f32 v6  }
0x86: {  	v6 =	vmul.u32 $0xE0, v6  }
0x87: {  	v5 =	vadd.s32 v0, v5;
	v3 =	vsub.f32 v3, v7;
	v4 =	vsub.f32 v4, v8  }
0x88: {  	v5 =	vadd.s32 v6, v5  }
0x89: {  	[tilespmem:$0x1600] =	vst v5;
	v6 =	vadd.s32 $0x1, v5;
	v7 =	vsub.f32 $1.000000000e+00, v3;
	v8 =	vsub.f32 $1.000000000e+00, v4  }
0x8a: {  	v15 =	vadd.s32 $0xE0, v5;
	[tilespmem:$0x1680] =	vst v6  }
0x8b: {  	v5 =	vadd.s32 $0xE1, v5;
	[tilespmem:$0x1700] =	vst v15;
	v16 =	vmul.f32 v8, v7  }
0x8c: {  	[tilespmem:$0x1780] =	vst v5;
	v17 =	vmul.f32 v8, v3  }
0x8d: {  	v18 =	vmul.f32 v4, v7;
	[tilespmem:$0x2200] =	vst v16  }
0x8e: {  	v3 =	vmul.f32 v4, v3;
	[tilespmem:$0x2280] =	vst v17  }
0x8f: {  	[tilespmem:$0x2300] =	vst v18  }
0x90: {  	[tilespmem:$0x2380] =	vst v3  }
0x91: {  	v3 =	vld [tilespmem:s13+$0x30]  }
0x92: {  	v19 =	vld [tilespmem:s13+$0x830];
	_ =	sdelay $0x4  }
0x93: {  	v3 =	vmul.f32 $2.230000000e+02, v3;
	v4 =	vmul.f32 $2.230000000e+02, v19;
	_ =	sdelay $0x1  }
0x94: {  	v20 =	vtrunc.f32 v3;
	v21 =	vtrunc.f32 v4  }
0x95: {  	v5 =	vcvt.f32.s32 v20;
	v6 =	vcvt.f32.s32 v21;
	_ =	sdelay $0x1  }
0x96: {  	vm6 =	vlt.s32 v5, $0xDE;
	vm7 =	vlt.s32 v6, $0xDE  }
0x97: {  	v5 =	vnsel vm6, $0xDE, v5;
	v6 =	vnsel vm7, $0xDE, v6  }
0x98: {  	v22 =	vcvt.s32.f32 v5;
	v23 =	vcvt.s32.f32 v6  }
0x99: {  	v6 =	vmul.u32 $0xE0, v6  }
0x9a: {  	v5 =	vadd.s32 v0, v5;
	v3 =	vsub.f32 v3, v22;
	v4 =	vsub.f32 v4, v23  }
0x9b: {  	v5 =	vadd.s32 v6, v5  }
0x9c: {  	[tilespmem:$0x1610] =	vst v5;
	v6 =	vadd.s32 $0x1, v5;
	v7 =	vsub.f32 $1.000000000e+00, v3;
	v8 =	vsub.f32 $1.000000000e+00, v4  }
0x9d: {  	v24 =	vadd.s32 $0xE0, v5;
	[tilespmem:$0x1690] =	vst v6  }
0x9e: {  	v5 =	vadd.s32 $0xE1, v5;
	[tilespmem:$0x1710] =	vst v24;
	v25 =	vmul.f32 v8, v7  }
0x9f: {  	[tilespmem:$0x1790] =	vst v5;
	v26 =	vmul.f32 v8, v3  }
0xa0: {  	v27 =	vmul.f32 v4, v7;
	[tilespmem:$0x2210] =	vst v25  }
0xa1: {  	v3 =	vmul.f32 v4, v3;
	[tilespmem:$0x2290] =	vst v26  }
0xa2: {  	[tilespmem:$0x2310] =	vst v27  }
0xa3: {  	[tilespmem:$0x2390] =	vst v3  }
0xa4: {  	v3 =	vld [tilespmem:s13+$0x20]  }
0xa5: {  	v28 =	vld [tilespmem:s13+$0x820];
	_ =	sdelay $0x4  }
0xa6: {  	v3 =	vmul.f32 $1.110000000e+02, v3;
	v4 =	vmul.f32 $1.110000000e+02, v28;
	_ =	sdelay $0x1  }
0xa7: {  	v29 =	vtrunc.f32 v3;
	v30 =	vtrunc.f32 v4  }
0xa8: {  	v5 =	vcvt.f32.s32 v29;
	v6 =	vcvt.f32.s32 v30;
	_ =	sdelay $0x1  }
0xa9: {  	vm8 =	vlt.s32 v5, $0x6E;
	vm9 =	vlt.s32 v6, $0x6E  }
0xaa: {  	v5 =	vnsel vm8, $0x6E, v5;
	v6 =	vnsel vm9, $0x6E, v6  }
0xab: {  	v31 =	vcvt.s32.f32 v5;
	v32 =	vcvt.s32.f32 v6  }
0xac: {  	v6 =	vmul.u32 $0x70, v6  }
0xad: {  	v5 =	vadd.s32 v1, v5;
	v3 =	vsub.f32 v3, v31;
	v4 =	vsub.f32 v4, v32  }
0xae: {  	v5 =	vadd.s32 v6, v5  }
0xaf: {  	[tilespmem:$0x1800] =	vst v5;
	v6 =	vadd.s32 $0x1, v5;
	v7 =	vsub.f32 $1.000000000e+00, v3;
	v8 =	vsub.f32 $1.000000000e+00, v4  }
0xb0: {  	v33 =	vadd.s32 $0x70, v5;
	[tilespmem:$0x1880] =	vst v6  }
0xb1: {  	v5 =	vadd.s32 $0x71, v5;
	[tilespmem:$0x1900] =	vst v33;
	v34 =	vmul.f32 v8, v7  }
0xb2: {  	[tilespmem:$0x1980] =	vst v5;
	v35 =	vmul.f32 v8, v3  }
0xb3: {  	v36 =	vmul.f32 v4, v7;
	[tilespmem:$0x2400] =	vst v34  }
0xb4: {  	v3 =	vmul.f32 v4, v3;
	[tilespmem:$0x2480] =	vst v35  }
0xb5: {  	[tilespmem:$0x2500] =	vst v36  }
0xb6: {  	[tilespmem:$0x2580] =	vst v3  }
0xb7: {  	v3 =	vld [tilespmem:s13+$0x30]  }
0xb8: {  	v37 =	vld [tilespmem:s13+$0x830];
	_ =	sdelay $0x4  }
0xb9: {  	v3 =	vmul.f32 $1.110000000e+02, v3;
	v4 =	vmul.f32 $1.110000000e+02, v37;
	_ =	sdelay $0x1  }
0xba: {  	v38 =	vtrunc.f32 v3;
	v39 =	vtrunc.f32 v4  }
0xbb: {  	v5 =	vcvt.f32.s32 v38;
	v6 =	vcvt.f32.s32 v39;
	_ =	sdelay $0x1  }
0xbc: {  	vm10 =	vlt.s32 v5, $0x6E;
	vm11 =	vlt.s32 v6, $0x6E  }
0xbd: {  	v5 =	vnsel vm10, $0x6E, v5;
	v6 =	vnsel vm11, $0x6E, v6  }
0xbe: {  	v40 =	vcvt.s32.f32 v5;
	v41 =	vcvt.s32.f32 v6  }
0xbf: {  	v6 =	vmul.u32 $0x70, v6  }
0xc0: {  	v5 =	vadd.s32 v1, v5;
	v3 =	vsub.f32 v3, v40;
	v4 =	vsub.f32 v4, v41  }
0xc1: {  	v5 =	vadd.s32 v6, v5  }
0xc2: {  	[tilespmem:$0x1810] =	vst v5;
	v6 =	vadd.s32 $0x1, v5;
	v7 =	vsub.f32 $1.000000000e+00, v3;
	v8 =	vsub.f32 $1.000000000e+00, v4  }
0xc3: {  	v42 =	vadd.s32 $0x70, v5;
	[tilespmem:$0x1890] =	vst v6  }
0xc4: {  	v5 =	vadd.s32 $0x71, v5;
	[tilespmem:$0x1910] =	vst v42;
	v43 =	vmul.f32 v8, v7  }
0xc5: {  	[tilespmem:$0x1990] =	vst v5;
	v44 =	vmul.f32 v8, v3  }
0xc6: {  	v45 =	vmul.f32 v4, v7;
	[tilespmem:$0x2410] =	vst v43  }
0xc7: {  	v3 =	vmul.f32 v4, v3;
	[tilespmem:$0x2490] =	vst v44  }
0xc8: {  	[tilespmem:$0x2510] =	vst v45  }
0xc9: {  	[tilespmem:$0x2590] =	vst v3  }
0xca: {  	v3 =	vld [tilespmem:s13+$0x20]  }
0xcb: {  	v46 =	vld [tilespmem:s13+$0x820];
	_ =	sdelay $0x4  }
0xcc: {  	v3 =	vmul.f32 $5.500000000e+01, v3;
	v4 =	vmul.f32 $5.500000000e+01, v46;
	_ =	sdelay $0x1  }
0xcd: {  	v47 =	vtrunc.f32 v3;
	v48 =	vtrunc.f32 v4  }
0xce: {  	v5 =	vcvt.f32.s32 v47;
	v6 =	vcvt.f32.s32 v48;
	_ =	sdelay $0x1  }
0xcf: {  	vm12 =	vlt.s32 v5, $0x36;
	vm13 =	vlt.s32 v6, $0x36  }
0xd0: {  	v5 =	vnsel vm12, $0x36, v5;
	v6 =	vnsel vm13, $0x36, v6  }
0xd1: {  	v49 =	vcvt.s32.f32 v5;
	v50 =	vcvt.s32.f32 v6  }
0xd2: {  	v6 =	vmul.u32 $0x38, v6  }
0xd3: {  	v5 =	vadd.s32 v2, v5;
	v3 =	vsub.f32 v3, v49;
	v4 =	vsub.f32 v4, v50  }
0xd4: {  	v5 =	vadd.s32 v6, v5  }
0xd5: {  	[tilespmem:$0x1A00] =	vst v5;
	v6 =	vadd.s32 $0x1, v5;
	v7 =	vsub.f32 $1.000000000e+00, v3;
	v8 =	vsub.f32 $1.000000000e+00, v4  }
0xd6: {  	v51 =	vadd.s32 $0x38, v5;
	[tilespmem:$0x1A80] =	vst v6  }
0xd7: {  	v5 =	vadd.s32 $0x39, v5;
	[tilespmem:$0x1B00] =	vst v51;
	v52 =	vmul.f32 v8, v7  }
0xd8: {  	[tilespmem:$0x1B80] =	vst v5;
	v53 =	vmul.f32 v8, v3  }
0xd9: {  	v54 =	vmul.f32 v4, v7;
	[tilespmem:$0x2600] =	vst v52  }
0xda: {  	v3 =	vmul.f32 v4, v3;
	[tilespmem:$0x2680] =	vst v53  }
0xdb: {  	[tilespmem:$0x2700] =	vst v54  }
0xdc: {  	[tilespmem:$0x2780] =	vst v3  }
0xdd: {  	v3 =	vld [tilespmem:s13+$0x30]  }
0xde: {  	v55 =	vld [tilespmem:s13+$0x830];
	_ =	sdelay $0x4  }
0xdf: {  	v3 =	vmul.f32 $5.500000000e+01, v3;
	v4 =	vmul.f32 $5.500000000e+01, v55;
	_ =	sdelay $0x1  }
0xe0: {  	v56 =	vtrunc.f32 v3;
	v57 =	vtrunc.f32 v4  }
0xe1: {  	v5 =	vcvt.f32.s32 v56;
	v6 =	vcvt.f32.s32 v57;
	_ =	sdelay $0x1  }
0xe2: {  	vm14 =	vlt.s32 v5, $0x36;
	vm15 =	vlt.s32 v6, $0x36  }
0xe3: {  	v5 =	vnsel vm14, $0x36, v5;
	v6 =	vnsel vm15, $0x36, v6  }
0xe4: {  	v58 =	vcvt.s32.f32 v5;
	v59 =	vcvt.s32.f32 v6  }
0xe5: {  	v6 =	vmul.u32 $0x38, v6  }
0xe6: {  	v5 =	vadd.s32 v2, v5;
	v3 =	vsub.f32 v3, v58;
	v4 =	vsub.f32 v4, v59  }
0xe7: {  	v5 =	vadd.s32 v6, v5  }
0xe8: {  	[tilespmem:$0x1A10] =	vst v5;
	v6 =	vadd.s32 $0x1, v5;
	v7 =	vsub.f32 $1.000000000e+00, v3;
	v8 =	vsub.f32 $1.000000000e+00, v4  }
0xe9: {  	v60 =	vadd.s32 $0x38, v5;
	[tilespmem:$0x1A90] =	vst v6  }
0xea: {  	v5 =	vadd.s32 $0x39, v5;
	[tilespmem:$0x1B10] =	vst v60;
	v61 =	vmul.f32 v8, v7  }
0xeb: {  	[tilespmem:$0x1B90] =	vst v5;
	v62 =	vmul.f32 v8, v3  }
0xec: {  	v63 =	vmul.f32 v4, v7;
	[tilespmem:$0x2610] =	vst v61  }
0xed: {  	[dreg:$0xb] =	wrdreg s4;
	v3 =	vmul.f32 v4, v3;
	[tilespmem:$0x2690] =	vst v62  }
0xee: {  	s2 =	rddreg [dreg:$0x3];
	[tilespmem:$0x2710] =	vst v63  }
0xef: {  	s4 =	simm.s32 $0x20;
	s5 =	simm.s32 $0x1600;
	s11 =	simm.s32 $0xE800;
	[tilespmem:$0x2790] =	vst v3  }
0xf0: {  	[tilespmem:s11], [sflag:$0x2] =	stream.indirect.gather [hbm4b:s2+s4], $0x80, s5, s4, $0xb8;
	[tilespmem:$0x1D800] =	vst v63  }
0xf1: {  	s16 =	simm.s32 $0xF800;
	s11 =	simm.s32 $0x1680  }
0xf2: {  	[tilespmem:s16], [sflag:$0x2] =	stream.indirect.gather [hbm4b:s2+s4], $0x80, s11, s4, $0xb8;
	[tilespmem:$0x1D800] =	vst v63  }
0xf3: {  	s21 =	simm.s32 $0x1700;
	s31 =	simm.s32 $0x10800  }
0xf4: {  	[tilespmem:s31], [sflag:$0x2] =	stream.indirect.gather [hbm4b:s2+s4], $0x80, s21, s4, $0xb8;
	[tilespmem:$0x1D800] =	vst v63  }
0xf5: {  	s11 =	simm.s32 $0x1780;
	s16 =	simm.s32 $0x11800  }
0xf6: {  	[tilespmem:s16], [sflag:$0x2] =	stream.indirect.gather [hbm4b:s2+s4], $0x80, s11, s4, $0xb8;
	[tilespmem:$0x1D800] =	vst v63  }
0xf7: {  	s21 =	simm.s32 $0x1800;
	s31 =	simm.s32 $0x12800;
	s2 =	rddreg [dreg:$0x4]  }
0xf8: {  	[tilespmem:s31], [sflag:$0x2] =	stream.indirect.gather [hbm4b:s2+s4], $0x80, s21, s4, $0xb8;
	[tilespmem:$0x1D800] =	vst v63  }
0xf9: {  	s11 =	simm.s32 $0x1880;
	s16 =	simm.s32 $0x13800  }
0xfa: {  	[tilespmem:s16], [sflag:$0x2] =	stream.indirect.gather [hbm4b:s2+s4], $0x80, s11, s4, $0xb8;
	[tilespmem:$0x1D800] =	vst v63  }
0xfb: {  	s21 =	simm.s32 $0x1900;
	s31 =	simm.s32 $0x14800  }
0xfc: {  	[tilespmem:s31], [sflag:$0x2] =	stream.indirect.gather [hbm4b:s2+s4], $0x80, s21, s4, $0xb8;
	[tilespmem:$0x1D800] =	vst v63  }
0xfd: {  	s11 =	simm.s32 $0x1980;
	s16 =	simm.s32 $0x15800  }
0xfe: {  	[tilespmem:s16], [sflag:$0x2] =	stream.indirect.gather [hbm4b:s2+s4], $0x80, s11, s4, $0xb8;
	[tilespmem:$0x1D800] =	vst v63  }
0xff: {  	s21 =	simm.s32 $0x1A00;
	s31 =	simm.s32 $0x16800;
	s2 =	rddreg [dreg:$0x1]  }
0x100: {  	[tilespmem:s31], [sflag:$0x2] =	stream.indirect.gather [hbm4b:s2+s4], $0x80, s21, s4, $0xb8;
	[tilespmem:$0x1D800] =	vst v63  }
0x101: {  	s11 =	simm.s32 $0x1A80;
	s16 =	simm.s32 $0x17800  }
0x102: {  	[tilespmem:s16], [sflag:$0x2] =	stream.indirect.gather [hbm4b:s2+s4], $0x80, s11, s4, $0xb8;
	[tilespmem:$0x1D800] =	vst v63  }
0x103: {  	s21 =	simm.s32 $0x1B00;
	s31 =	simm.s32 $0x18800  }
0x104: {  	[tilespmem:s31], [sflag:$0x2] =	stream.indirect.gather [hbm4b:s2+s4], $0x80, s21, s4, $0xb8;
	[tilespmem:$0x1D800] =	vst v63  }
0x105: {  	s11 =	simm.s32 $0x1B80;
	s16 =	simm.s32 $0x19800;
	s21 =	simm.s32 $0x1  }
0x106: {  	[tilespmem:s16], [sflag:$0x2] =	stream.indirect.gather [hbm4b:s2+s4], $0x80, s11, s4, $0xb8;
	[tilespmem:$0x1D800] =	vst v63  }
0x107: {  	_ =	swait.ge [sflag:s21], $0x1000  }
0x108: {  	[sflag:s21] =	ssyncset.done $0x0  }
0x109: {  	[sflag:s21] =	ssyncadd.s32 $0xFFFFF000  }
0x10a: {  	_ =	swait.ge [sflag:s21], $0x1000  }
0x10b: {  	[sflag:s21] =	ssyncset.done $0x0  }
0x10c: {  	[sflag:s21] =	ssyncadd.s32 $0xFFFFF000  }
0x10d: {  	_ =	swait.ge [sflag:s21], $0x1000  }
0x10e: {  	[sflag:s21] =	ssyncset.done $0x0  }
0x10f: {  	[sflag:s21] =	ssyncadd.s32 $0xFFFFF000  }
0x110: {  	_ =	swait.ge [sflag:s21], $0x1000  }
0x111: {  	[sflag:s21] =	ssyncset.done $0x0  }
0x112: {  	[sflag:s21] =	ssyncadd.s32 $0xFFFFF000  }
0x113: {  	_ =	swait.ge [sflag:s21], $0x1000  }
0x114: {  	[sflag:s21] =	ssyncset.done $0x0  }
0x115: {  	[sflag:s21] =	ssyncadd.s32 $0xFFFFF000  }
0x116: {  	_ =	swait.ge [sflag:s21], $0x1000  }
0x117: {  	[sflag:s21] =	ssyncset.done $0x0  }
0x118: {  	[sflag:s21] =	ssyncadd.s32 $0xFFFFF000  }
0x119: {  	_ =	swait.ge [sflag:s21], $0x1000  }
0x11a: {  	[sflag:s21] =	ssyncset.done $0x0  }
0x11b: {  	[sflag:s21] =	ssyncadd.s32 $0xFFFFF000  }
0x11c: {  	_ =	swait.ge [sflag:s21], $0x1000  }
0x11d: {  	[sflag:s21] =	ssyncset.done $0x0  }
0x11e: {  	[sflag:s21] =	ssyncadd.s32 $0xFFFFF000  }
0x11f: {  	_ =	swait.ge [sflag:s21], $0x1000  }
0x120: {  	[sflag:s21] =	ssyncset.done $0x0  }
0x121: {  	[sflag:s21] =	ssyncadd.s32 $0xFFFFF000  }
0x122: {  	_ =	swait.ge [sflag:s21], $0x1000  }
0x123: {  	[sflag:s21] =	ssyncset.done $0x0  }
0x124: {  	[sflag:s21] =	ssyncadd.s32 $0xFFFFF000  }
0x125: {  	_ =	swait.ge [sflag:s21], $0x1000  }
0x126: {  	[sflag:s21] =	ssyncset.done $0x0  }
0x127: {  	[sflag:s21] =	ssyncadd.s32 $0xFFFFF000  }
0x128: {  	s5 =	simm.s32 $0x0;
	_ =	swait.ge [sflag:s21], $0x1000  }
0x129: {  	s31 =	sor.u32 $0x20, s13;
	[dreg:$0xd] =	wrdreg s13;
	[sflag:s21] =	ssyncset.done $0x0  }
0x12a: {  	s4 =	simm.s32 $0x0;
	[dreg:$0xc] =	wrdreg s31;
	[sflag:s21] =	ssyncadd.s32 $0xFFFFF000  }
.LBB2_3:
0x12b: {  	v3 =	vmov s5  }
0x12c: {  	v3 =	vand.u32 $0xFFFFFFF8, v3  }
0x12d: {  	v3 =	vbroadcast v3, $0x0;
	_ =	sdelay $0x2  }
0x12e: {  	s16 =	sshll.u32 s5, $0x7  }
0x12f: {  	v7 =	vld [tilespmem:s16+$0x2800]  }
0x130: {  	v8 =	vld [tilespmem:s16+$0x3800]  }
0x131: {  	v4 =	vld.idx.msk [tilespmem:v3+s17+$0x0], $0xffff  }
0x132: {  	v5 =	vld.idx.msk [tilespmem:v3+s19+$0x0], $0xffff  }
0x133: {  	v9 =	vld [tilespmem:s16+$0x4800]  }
0x134: {  	v6 =	vld.idx.msk [tilespmem:v3+s18+$0x0], $0xffff  }
0x135: {  	v10 =	vld [tilespmem:s16+$0x5800]  }
0x136: {  	v3 =	vld.idx.msk [tilespmem:v3+s20+$0x0], $0xffff  }
0x137: {  	v7 =	vmul.f32 v7, v4;
	v8 =	vmul.f32 v8, v5;
	_ =	sdelay $0x1  }
0x138: {  	v25 =	vmul.f32 v9, v6;
	v7 =	vadd.f32 v8, v7;
	_ =	sdelay $0x1  }
0x139: {  	s2 =	sshrl.u32 s5, $0x3;
	v26 =	vmul.f32 v10, v3;
	v7 =	vadd.f32 v25, v7  }
0x13a: {  	s2 =	smul.u32 $0x3000, s2  }
0x13b: {  	v7 =	vadd.f32 v26, v7  }
0x13c: {  	s13 =	sshra.s32 s2, $0x2  }
0x13d: {  	[tilespmem:s13+$0x1A800] =	vst v7  }
0x13e: {  	v7 =	vld [tilespmem:s16+$0x2810]  }
0x13f: {  	v27 =	vld [tilespmem:s16+$0x3810];
	_ =	sdelay $0x1  }
0x140: {  	v28 =	vld [tilespmem:s16+$0x4810];
	_ =	sdelay $0x1  }
0x141: {  	v29 =	vld [tilespmem:s16+$0x5810]  }
0x142: {  	v7 =	vmul.f32 v7, v4;
	v8 =	vmul.f32 v27, v5;
	_ =	sdelay $0x1  }
0x143: {  	s31 =	sor.u32 $0x1, s5;
	v30 =	vmul.f32 v28, v6;
	v7 =	vadd.f32 v8, v7  }
0x144: {  	v32 =	vmov s31  }
0x145: {  	s31 =	sshll.u32 s31, $0x7;
	v33 =	vand.u32 $0xFFFFFFF9, v32;
	v31 =	vmul.f32 v29, v3;
	v7 =	vadd.f32 v30, v7  }
0x146: {  	v14 =	vld [tilespmem:s31+$0x2800];
	v11 =	vbroadcast v33, $0x0  }
0x147: {  	v15 =	vld [tilespmem:s31+$0x3800];
	v7 =	vadd.f32 v31, v7  }
0x148: {  	v17 =	vld [tilespmem:s31+$0x4800]  }
0x149: {  	v36 =	vld [tilespmem:s31+$0x5800];
	[tilespmem:s13+$0x1A810] =	vst v7  }
0x14a: {  	v7 =	vld [tilespmem:s16+$0x2820]  }
0x14b: {  	v34 =	vld [tilespmem:s16+$0x3820]  }
0x14c: {  	v9 =	vld.idx.msk [tilespmem:v11+s17+$0x0], $0xffff  }
0x14d: {  	v10 =	vld.idx.msk [tilespmem:v11+s19+$0x0], $0xffff  }
0x14e: {  	s11 =	sor.u32 $0x2, s5;
	s20 =	simm.s32 $0x1D00;
	v12 =	vld [tilespmem:s16+$0x4820]  }
0x14f: {  	v42 =	vmov s11;
	v8 =	vld.idx.msk [tilespmem:v11+s20+$0x0], $0xffff  }
0x150: {  	s11 =	sshll.u32 s11, $0x7;
	v44 =	vand.u32 $0xFFFFFFFA, v42;
	v13 =	vld [tilespmem:s16+$0x5820];
	v7 =	vmul.f32 v7, v4;
	v16 =	vmul.f32 v34, v5  }
0x151: {  	s21 =	simm.s32 $0x1D80;
	v47 =	vld [tilespmem:s11+$0x2800];
	v18 =	vbroadcast v44, $0x0;
	s17 =	sor.u32 $0x3, s5  }
0x152: {  	s2 =	sshll.u32 s17, $0x7;
	v14 =	vmul.f32 v14, v9;
	v15 =	vmul.f32 v15, v10;
	v16 =	vadd.f32 v16, v7;
	v7 =	vld.idx.msk [tilespmem:v11+s21+$0x0], $0xffff  }
0x153: {  	v49 =	vld [tilespmem:s2+$0x2800];
	v12 =	vmul.f32 v12, v6  }
0x154: {  	v50 =	vld [tilespmem:s2+$0x3800];
	v37 =	vadd.f32 v15, v14  }
0x155: {  	v25 =	vld [tilespmem:s11+$0x3800];
	v38 =	vmul.f32 v17, v8;
	v35 =	vmul.f32 v13, v3;
	v12 =	vadd.f32 v12, v16  }
0x156: {  	s18 =	simm.s32 $0x1C80;
	v26 =	vld [tilespmem:s11+$0x4800]  }
0x157: {  	v14 =	vld.idx.msk [tilespmem:v18+s18+$0x0], $0xffff;
	v39 =	vadd.f32 v38, v37;
	v11 =	vadd.f32 v35, v12;
	v40 =	vmul.f32 v36, v7  }
0x158: {  	s19 =	simm.s32 $0x1C00;
	v28 =	vld [tilespmem:s11+$0x5800]  }
0x159: {  	v13 =	vld.idx.msk [tilespmem:v18+s19+$0x0], $0xffff;
	[tilespmem:s13+$0x1A820] =	vst v11;
	v11 =	vadd.f32 v40, v39  }
0x15a: {  	v41 =	vld [tilespmem:s16+$0x2830]  }
0x15b: {  	v43 =	vld [tilespmem:s16+$0x3830];
	[tilespmem:s13+$0x1A880] =	vst v11  }
0x15c: {  	v46 =	vmov s17;
	v20 =	vld [tilespmem:s31+$0x2810]  }
0x15d: {  	v11 =	vand.u32 $0xFFFFFFFB, v46;
	v21 =	vld [tilespmem:s31+$0x3810]  }
0x15e: {  	v45 =	vld [tilespmem:s16+$0x4830];
	v24 =	vbroadcast v11, $0x0  }
0x15f: {  	v22 =	vld [tilespmem:s31+$0x4810]  }
0x160: {  	v19 =	vld [tilespmem:s16+$0x5830]  }
0x161: {  	v23 =	vld [tilespmem:s31+$0x5810];
	v27 =	vmul.f32 v41, v4;
	v16 =	vmul.f32 v43, v5  }
0x162: {  	v12 =	vld.idx.msk [tilespmem:v18+s20+$0x0], $0xffff;
	v20 =	vmul.f32 v20, v9;
	v21 =	vmul.f32 v21, v10  }
0x163: {  	v11 =	vld.idx.msk [tilespmem:v18+s21+$0x0], $0xffff;
	v17 =	vmul.f32 v45, v6;
	v27 =	vadd.f32 v16, v27  }
0x164: {  	v48 =	vmul.f32 v22, v8;
	v15 =	vld.idx.msk [tilespmem:v24+s19+$0x0], $0xffff;
	v20 =	vadd.f32 v21, v20  }
0x165: {  	v25 =	vmul.f32 v25, v14;
	v19 =	vmul.f32 v19, v3;
	v16 =	vld.idx.msk [tilespmem:v24+s18+$0x0], $0xffff;
	v17 =	vadd.f32 v17, v27  }
0x166: {  	v29 =	vld [tilespmem:s2+$0x4800];
	v51 =	vmul.f32 v47, v13;
	v23 =	vmul.f32 v23, v7;
	v20 =	vadd.f32 v48, v20  }
0x167: {  	v18 =	vld.idx.msk [tilespmem:v24+s20+$0x0], $0xffff;
	v19 =	vadd.f32 v19, v17  }
0x168: {  	v54 =	vld [tilespmem:s2+$0x5800];
	v52 =	vmul.f32 v26, v12;
	v21 =	vadd.f32 v25, v51;
	v20 =	vadd.f32 v23, v20  }
0x169: {  	v53 =	vmul.f32 v28, v11;
	v17 =	vld.idx.msk [tilespmem:v24+s21+$0x0], $0xffff;
	[tilespmem:s13+$0x1A830] =	vst v19  }
0x16a: {  	v55 =	vadd.f32 v52, v21;
	v25 =	vld [tilespmem:s16+$0x2840];
	v56 =	vmul.f32 v49, v15;
	v57 =	vmul.f32 v50, v16;
	[tilespmem:s13+$0x1A890] =	vst v20  }
0x16b: {  	v58 =	vld [tilespmem:s31+$0x2820]  }
0x16c: {  	v19 =	vadd.f32 v53, v55;
	v61 =	vmul.f32 v29, v18;
	v60 =	vadd.f32 v57, v56;
	v59 =	vld [tilespmem:s31+$0x3820]  }
0x16d: {  	v62 =	vld [tilespmem:s31+$0x4820]  }
0x16e: {  	[tilespmem:s13+$0x1A900] =	vst v19;
	v33 =	vmul.f32 v54, v17;
	v63 =	vld [tilespmem:s31+$0x5820];
	v32 =	vadd.f32 v61, v60  }
0x16f: {  	v34 =	vld [tilespmem:s11+$0x2810]  }
0x170: {  	v35 =	vld [tilespmem:s11+$0x3810];
	v19 =	vadd.f32 v33, v32  }
0x171: {  	v38 =	vld [tilespmem:s11+$0x4810];
	v36 =	vmul.f32 v58, v9;
	v37 =	vmul.f32 v59, v10  }
0x172: {  	v39 =	vld [tilespmem:s11+$0x5810];
	[tilespmem:s13+$0x1A980] =	vst v19  }
0x173: {  	v41 =	vmul.f32 v62, v8;
	v42 =	vld [tilespmem:s2+$0x2810];
	v40 =	vadd.f32 v37, v36  }
0x174: {  	v43 =	vmul.f32 v63, v7;
	v44 =	vld [tilespmem:s2+$0x3810]  }
0x175: {  	v45 =	vld [tilespmem:s16+$0x3840];
	v46 =	vmul.f32 v34, v13;
	v47 =	vmul.f32 v35, v14;
	v19 =	vadd.f32 v41, v40  }
0x176: {  	v48 =	vld [tilespmem:s2+$0x4810]  }
0x177: {  	v30 =	vld [tilespmem:s16+$0x4840];
	v49 =	vmul.f32 v38, v12;
	v20 =	vadd.f32 v47, v46;
	v19 =	vadd.f32 v43, v19  }
0x178: {  	v50 =	vmul.f32 v39, v11;
	v51 =	vld [tilespmem:s2+$0x5810]  }
0x179: {  	v52 =	vld [tilespmem:s16+$0x5840];
	v53 =	vadd.f32 v49, v20;
	v54 =	vmul.f32 v42, v15;
	v55 =	vmul.f32 v44, v16;
	[tilespmem:s13+$0x1A8A0] =	vst v19  }
0x17a: {  	v56 =	vld [tilespmem:s31+$0x2830]  }
0x17b: {  	v58 =	vmul.f32 v48, v18;
	v19 =	vadd.f32 v50, v53;
	v20 =	vadd.f32 v55, v54;
	v57 =	vld [tilespmem:s31+$0x3830]  }
0x17c: {  	v25 =	vmul.f32 v25, v4;
	v59 =	vld [tilespmem:s31+$0x4830]  }
0x17d: {  	v32 =	vmul.f32 v45, v5;
	v62 =	vmul.f32 v51, v17;
	v60 =	vld [tilespmem:s31+$0x5830];
	[tilespmem:s13+$0x1A910] =	vst v19;
	v61 =	vadd.f32 v58, v20  }
0x17e: {  	v63 =	vld [tilespmem:s11+$0x2820]  }
0x17f: {  	v25 =	vadd.f32 v32, v25;
	v35 =	vmul.f32 v30, v6;
	v33 =	vld [tilespmem:s11+$0x3820];
	v19 =	vadd.f32 v62, v61  }
0x180: {  	v34 =	vld [tilespmem:s11+$0x4820]  }
0x181: {  	s17 =	sor.u32 $0x4, s5;
	v37 =	vmul.f32 v52, v3;
	v25 =	vadd.f32 v35, v25;
	v36 =	vld [tilespmem:s11+$0x5820];
	[tilespmem:s13+$0x1A990] =	vst v19  }
0x182: {  	v50 =	vmov s17;
	v38 =	vld [tilespmem:s2+$0x2820]  }
0x183: {  	v52 =	vand.u32 $0xFFFFFFFC, v50;
	v19 =	vadd.f32 v37, v25;
	v40 =	vld [tilespmem:s2+$0x3820]  }
0x184: {  	v54 =	vbroadcast v52, $0x0;
	v31 =	vld [tilespmem:s2+$0x4820]  }
0x185: {  	v22 =	vmul.f32 v56, v9;
	v39 =	vmul.f32 v57, v10;
	v44 =	vld [tilespmem:s2+$0x5820];
	[tilespmem:s13+$0x1A840] =	vst v19  }
0x186: {  	v21 =	vmul.f32 v63, v13;
	v29 =	vmul.f32 v33, v14;
	v24 =	vld [tilespmem:s16+$0x2850]  }
0x187: {  	v23 =	vmul.f32 v59, v8;
	v22 =	vadd.f32 v39, v22;
	v26 =	vld [tilespmem:s16+$0x3850]  }
0x188: {  	v20 =	vmul.f32 v34, v12;
	v25 =	vld [tilespmem:s16+$0x4850];
	v21 =	vadd.f32 v29, v21  }
0x189: {  	v42 =	vmul.f32 v60, v7;
	v43 =	vmul.f32 v36, v11;
	v41 =	vadd.f32 v23, v22;
	v23 =	vld [tilespmem:s16+$0x5850]  }
0x18a: {  	s16 =	sshll.u32 s17, $0x7;
	v22 =	vld.idx.msk [tilespmem:v54+s20+$0x0], $0xffff;
	v20 =	vadd.f32 v20, v21;
	v45 =	vmul.f32 v38, v15;
	v27 =	vmul.f32 v40, v16  }
0x18b: {  	v35 =	vld [tilespmem:s16+$0x2800];
	v19 =	vadd.f32 v42, v41  }
0x18c: {  	v36 =	vld [tilespmem:s16+$0x3800];
	v46 =	vmul.f32 v31, v18;
	v20 =	vadd.f32 v43, v20;
	v21 =	vadd.f32 v27, v45  }
0x18d: {  	v37 =	vld [tilespmem:s16+$0x4800];
	[tilespmem:s13+$0x1A8B0] =	vst v19  }
0x18e: {  	v48 =	vmul.f32 v44, v17;
	v27 =	vld [tilespmem:s31+$0x2840];
	[tilespmem:s13+$0x1A920] =	vst v20;
	v47 =	vadd.f32 v46, v21  }
0x18f: {  	v49 =	vld [tilespmem:s11+$0x2830]  }
0x190: {  	v51 =	vld [tilespmem:s11+$0x3830];
	v19 =	vadd.f32 v48, v47  }
0x191: {  	v53 =	vld [tilespmem:s11+$0x4830]  }
0x192: {  	v55 =	vld [tilespmem:s11+$0x5830];
	[tilespmem:s13+$0x1A9A0] =	vst v19  }
0x193: {  	v56 =	vld [tilespmem:s2+$0x2830]  }
0x194: {  	v32 =	vld [tilespmem:s2+$0x3830]  }
0x195: {  	v61 =	vld [tilespmem:s31+$0x3840];
	v21 =	vmul.f32 v49, v13;
	v28 =	vmul.f32 v51, v14  }
0x196: {  	v33 =	vld [tilespmem:s2+$0x4830]  }
0x197: {  	v40 =	vld [tilespmem:s31+$0x4840];
	v57 =	vmul.f32 v53, v12;
	v21 =	vadd.f32 v28, v21  }
0x198: {  	v34 =	vld [tilespmem:s2+$0x5830];
	v30 =	vmul.f32 v55, v11  }
0x199: {  	v41 =	vld [tilespmem:s31+$0x5840];
	v31 =	vmul.f32 v56, v15;
	v32 =	vmul.f32 v32, v16;
	v28 =	vadd.f32 v57, v21  }
0x19a: {  	v20 =	vld.idx.msk [tilespmem:v54+s19+$0x0], $0xffff  }
0x19b: {  	v19 =	vld.idx.msk [tilespmem:v54+s18+$0x0], $0xffff;
	v59 =	vmul.f32 v33, v18;
	v58 =	vadd.f32 v32, v31;
	v28 =	vadd.f32 v30, v28  }
0x19c: {  	v27 =	vmul.f32 v27, v9;
	v21 =	vld.idx.msk [tilespmem:v54+s21+$0x0], $0xffff  }
0x19d: {  	v60 =	vld [tilespmem:s16+$0x5800];
	v42 =	vmul.f32 v34, v17;
	v33 =	vmul.f32 v61, v10;
	v29 =	vadd.f32 v59, v58;
	[tilespmem:s13+$0x1A930] =	vst v28  }
0x19e: {  	v44 =	vld [tilespmem:s11+$0x2840]  }
0x19f: {  	v52 =	vmul.f32 v40, v8;
	v27 =	vadd.f32 v33, v27;
	v45 =	vld [tilespmem:s11+$0x3840];
	v28 =	vadd.f32 v42, v29  }
0x1a0: {  	v62 =	vmul.f32 v35, v20;
	v63 =	vmul.f32 v36, v19;
	v48 =	vld [tilespmem:s11+$0x4840]  }
0x1a1: {  	v54 =	vmul.f32 v41, v7;
	v27 =	vadd.f32 v52, v27;
	v49 =	vld [tilespmem:s11+$0x5840];
	[tilespmem:s13+$0x1A9B0] =	vst v28  }
0x1a2: {  	v43 =	vmul.f32 v37, v22;
	v30 =	vadd.f32 v63, v62;
	v51 =	vld [tilespmem:s2+$0x2840]  }
0x1a3: {  	v27 =	vadd.f32 v54, v27;
	v53 =	vld [tilespmem:s2+$0x3840]  }
0x1a4: {  	v46 =	vadd.f32 v43, v30;
	v47 =	vmul.f32 v60, v21;
	v59 =	vld [tilespmem:s2+$0x4840]  }
0x1a5: {  	[tilespmem:s13+$0x1A8C0] =	vst v27;
	v63 =	vld [tilespmem:s2+$0x5840]  }
0x1a6: {  	v50 =	vadd.f32 v47, v46;
	v42 =	vld [tilespmem:s31+$0x2850]  }
0x1a7: {  	v38 =	vld [tilespmem:s31+$0x4850]  }
0x1a8: {  	[tilespmem:s13+$0x1AA00] =	vst v50;
	v30 =	vld [tilespmem:s31+$0x5850];
	v56 =	vmul.f32 v44, v13;
	v57 =	vmul.f32 v45, v14  }
0x1a9: {  	v55 =	vld [tilespmem:s16+$0x2810]  }
0x1aa: {  	v58 =	vld [tilespmem:s16+$0x3810];
	v61 =	vmul.f32 v48, v12;
	v60 =	vadd.f32 v57, v56  }
0x1ab: {  	v62 =	vld [tilespmem:s16+$0x4810]  }
0x1ac: {  	s17 =	sor.u32 $0x5, s5;
	v34 =	vmul.f32 v49, v11;
	v44 =	vld [tilespmem:s31+$0x3850];
	v48 =	vadd.f32 v61, v60;
	v49 =	vmul.f32 v51, v15  }
0x1ad: {  	v50 =	vmul.f32 v53, v16;
	v51 =	vld [tilespmem:s16+$0x5810];
	v54 =	vmul.f32 v59, v18;
	v59 =	vmov s17;
	s17 =	sshll.u32 s17, $0x7  }
0x1ae: {  	v27 =	vadd.f32 v34, v48;
	v48 =	vld [tilespmem:s17+$0x2800]  }
0x1af: {  	v28 =	vadd.f32 v50, v49;
	v49 =	vld [tilespmem:s17+$0x3800]  }
0x1b0: {  	v50 =	vld [tilespmem:s17+$0x4800];
	[tilespmem:s13+$0x1A940] =	vst v27  }
0x1b1: {  	v39 =	vld [tilespmem:s11+$0x2850]  }
0x1b2: {  	v52 =	vmul.f32 v55, v20;
	v53 =	vmul.f32 v58, v19;
	v40 =	vld [tilespmem:s11+$0x3850]  }
0x1b3: {  	v37 =	vld [tilespmem:s11+$0x4850]  }
0x1b4: {  	s31 =	sor.u32 $0x6, s5;
	v32 =	vmul.f32 v62, v22;
	v31 =	vadd.f32 v53, v52;
	v33 =	vld [tilespmem:s11+$0x5850]  }
0x1b5: {  	v56 =	vmul.f32 v63, v17;
	v55 =	vadd.f32 v54, v28;
	v58 =	vmul.f32 v51, v21;
	v51 =	vld [tilespmem:s17+$0x5800];
	s11 =	sshll.u32 s31, $0x7  }
0x1b6: {  	v57 =	vadd.f32 v32, v31;
	v53 =	vld [tilespmem:s11+$0x2800]  }
0x1b7: {  	v27 =	vadd.f32 v56, v55;
	v54 =	vld [tilespmem:s11+$0x3800]  }
0x1b8: {  	v28 =	vand.u32 $0xFFFFFFFD, v59;
	v55 =	vld [tilespmem:s11+$0x4800];
	v29 =	vadd.f32 v58, v57  }
0x1b9: {  	v60 =	vbroadcast v28, $0x0;
	v56 =	vld [tilespmem:s11+$0x5800];
	[tilespmem:s13+$0x1A9C0] =	vst v27  }
0x1ba: {  	v47 =	vld [tilespmem:s2+$0x2850];
	[tilespmem:s13+$0x1AA10] =	vst v29  }
0x1bb: {  	v61 =	vmov s31;
	v41 =	vld [tilespmem:s16+$0x2820]  }
0x1bc: {  	v28 =	vand.u32 $0xFFFFFFFE, v61;
	v43 =	vld [tilespmem:s16+$0x3820]  }
0x1bd: {  	v28 =	vbroadcast v28, $0x0;
	v45 =	vld [tilespmem:s16+$0x4820]  }
0x1be: {  	v46 =	vld [tilespmem:s16+$0x5820]  }
0x1bf: {  	v32 =	vld.idx.msk [tilespmem:v60+s19+$0x0], $0xffff  }
0x1c0: {  	v34 =	vld.idx.msk [tilespmem:v60+s18+$0x0], $0xffff  }
0x1c1: {  	v31 =	vld.idx.msk [tilespmem:v60+s20+$0x0], $0xffff  }
0x1c2: {  	v27 =	vld.idx.msk [tilespmem:v60+s21+$0x0], $0xffff;
	s21 =	sor.u32 $0x7, s5  }
0x1c3: {  	v35 =	vld.idx.msk [tilespmem:v28+s19+$0x0], $0xffff;
	v52 =	vmov s21  }
0x1c4: {  	v36 =	vld.idx.msk [tilespmem:v28+s18+$0x0], $0xffff  }
0x1c5: {  	v29 =	vld.idx.msk [tilespmem:v28+s20+$0x0], $0xffff;
	s20 =	simm.s32 $0x1D80  }
0x1c6: {  	s21 =	sshll.u32 s21, $0x7;
	v28 =	vld.idx.msk [tilespmem:v28+s20+$0x0], $0xffff;
	v57 =	vmul.f32 v41, v20  }
0x1c7: {  	v58 =	vmul.f32 v43, v19;
	v62 =	vmul.f32 v50, v31;
	v50 =	vld [tilespmem:s21+$0x3800]  }
0x1c8: {  	v48 =	vmul.f32 v48, v32;
	v49 =	vmul.f32 v49, v34;
	v41 =	vld.idx.msk [tilespmem:v52+s19+$0x0], $0xffff  }
0x1c9: {  	v45 =	vmul.f32 v45, v22;
	s19 =	simm.s32 $0x1C80;
	v57 =	vadd.f32 v58, v57;
	v58 =	vld [tilespmem:s21+$0x2800]  }
0x1ca: {  	s18 =	simm.s32 $0x1D00;
	v63 =	vmul.f32 v46, v21;
	v43 =	vld.idx.msk [tilespmem:v52+s19+$0x0], $0xffff;
	v48 =	vadd.f32 v49, v48  }
0x1cb: {  	v46 =	vld.idx.msk [tilespmem:v52+s18+$0x0], $0xffff;
	v60 =	vmul.f32 v53, v35;
	v61 =	vmul.f32 v54, v36;
	v45 =	vadd.f32 v45, v57  }
0x1cc: {  	v51 =	vmul.f32 v51, v27;
	v48 =	vadd.f32 v62, v48;
	v62 =	vld [tilespmem:s21+$0x4800]  }
0x1cd: {  	v49 =	vadd.f32 v61, v60;
	v61 =	vld [tilespmem:s21+$0x5800];
	v57 =	vadd.f32 v63, v45  }
0x1ce: {  	v60 =	vmul.f32 v55, v29;
	v45 =	vld.idx.msk [tilespmem:v52+s20+$0x0], $0xffff;
	v51 =	vadd.f32 v51, v48  }
0x1cf: {  	v48 =	vld [tilespmem:s2+$0x3850];
	v63 =	vmul.f32 v58, v41;
	[tilespmem:s13+$0x1AA20] =	vst v57;
	v50 =	vmul.f32 v50, v43  }
0x1d0: {  	v49 =	vadd.f32 v60, v49;
	v58 =	vmul.f32 v56, v28;
	v57 =	vld [tilespmem:s16+$0x2830];
	[tilespmem:s13+$0x1AA80] =	vst v51  }
0x1d1: {  	v59 =	vld [tilespmem:s17+$0x2810];
	v50 =	vadd.f32 v50, v63;
	v54 =	vmul.f32 v62, v46  }
0x1d2: {  	v49 =	vadd.f32 v58, v49;
	v62 =	vld [tilespmem:s17+$0x3810]  }
0x1d3: {  	v63 =	vld [tilespmem:s17+$0x4810];
	v53 =	vmul.f32 v61, v45;
	v50 =	vadd.f32 v54, v50  }
0x1d4: {  	v60 =	vld [tilespmem:s17+$0x5810];
	[tilespmem:s13+$0x1AB00] =	vst v49  }
0x1d5: {  	v49 =	vld [tilespmem:s11+$0x2810];
	v50 =	vadd.f32 v53, v50  }
0x1d6: {  	v61 =	vld [tilespmem:s11+$0x3810]  }
0x1d7: {  	v52 =	vmul.f32 v59, v32;
	v55 =	vmul.f32 v62, v34;
	v62 =	vld [tilespmem:s11+$0x4810];
	[tilespmem:s13+$0x1AB80] =	vst v50  }
0x1d8: {  	v50 =	vld [tilespmem:s21+$0x2810]  }
0x1d9: {  	v51 =	vmul.f32 v63, v31;
	v52 =	vadd.f32 v55, v52;
	v63 =	vld [tilespmem:s21+$0x3810]  }
0x1da: {  	v58 =	vld [tilespmem:s11+$0x5810];
	v54 =	vmul.f32 v60, v27  }
0x1db: {  	v49 =	vmul.f32 v49, v35;
	v60 =	vmul.f32 v61, v36;
	v53 =	vld [tilespmem:s21+$0x4810];
	v51 =	vadd.f32 v51, v52  }
0x1dc: {  	v56 =	vld [tilespmem:s16+$0x4830]  }
0x1dd: {  	v49 =	vadd.f32 v60, v49;
	v52 =	vmul.f32 v62, v29;
	v51 =	vadd.f32 v54, v51;
	v54 =	vld [tilespmem:s21+$0x5810]  }
0x1de: {  	v59 =	vld [tilespmem:s16+$0x3830];
	v50 =	vmul.f32 v50, v41;
	v55 =	vmul.f32 v63, v43  }
0x1df: {  	v61 =	vmul.f32 v58, v28;
	v60 =	vld [tilespmem:s16+$0x5830];
	v49 =	vadd.f32 v52, v49;
	[tilespmem:s13+$0x1AA90] =	vst v51  }
0x1e0: {  	v53 =	vmul.f32 v53, v46;
	v52 =	vld [tilespmem:s17+$0x2820];
	v50 =	vadd.f32 v55, v50  }
0x1e1: {  	v55 =	vld [tilespmem:s17+$0x3820];
	v49 =	vadd.f32 v61, v49  }
0x1e2: {  	v51 =	vld [tilespmem:s17+$0x4820];
	v50 =	vadd.f32 v53, v50;
	v62 =	vmul.f32 v54, v45  }
0x1e3: {  	v54 =	vld [tilespmem:s17+$0x5820];
	[tilespmem:s13+$0x1AB10] =	vst v49  }
0x1e4: {  	v49 =	vld [tilespmem:s11+$0x2820];
	v50 =	vadd.f32 v62, v50  }
0x1e5: {  	v63 =	vmul.f32 v57, v20;
	v61 =	vmul.f32 v59, v19;
	v58 =	vld [tilespmem:s11+$0x3820]  }
0x1e6: {  	v59 =	vld [tilespmem:s11+$0x4820];
	v52 =	vmul.f32 v52, v32;
	v55 =	vmul.f32 v55, v34;
	[tilespmem:s13+$0x1AB90] =	vst v50  }
0x1e7: {  	v62 =	vadd.f32 v61, v63;
	v63 =	vmul.f32 v56, v22;
	v56 =	vld [tilespmem:s21+$0x2820]  }
0x1e8: {  	v51 =	vmul.f32 v51, v31;
	v52 =	vadd.f32 v55, v52;
	v55 =	vld [tilespmem:s21+$0x3820]  }
0x1e9: {  	v57 =	vmul.f32 v60, v21;
	v60 =	vld [tilespmem:s11+$0x5820];
	v53 =	vadd.f32 v63, v62;
	v54 =	vmul.f32 v54, v27  }
0x1ea: {  	v49 =	vmul.f32 v49, v35;
	v61 =	vmul.f32 v58, v36;
	v58 =	vld [tilespmem:s21+$0x4820];
	v51 =	vadd.f32 v51, v52  }
0x1eb: {  	v50 =	vld [tilespmem:s2+$0x4850];
	v53 =	vadd.f32 v57, v53  }
0x1ec: {  	v62 =	vmul.f32 v59, v29;
	v57 =	vld [tilespmem:s21+$0x5820];
	v52 =	vadd.f32 v61, v49;
	v51 =	vadd.f32 v54, v51  }
0x1ed: {  	v49 =	vld [tilespmem:s2+$0x5850];
	[tilespmem:s13+$0x1AA30] =	vst v53;
	v63 =	vmul.f32 v56, v41;
	v55 =	vmul.f32 v55, v43  }
0x1ee: {  	v61 =	vmul.f32 v60, v28;
	v56 =	vld [tilespmem:s16+$0x2840];
	[tilespmem:s13+$0x1AAA0] =	vst v51;
	v51 =	vadd.f32 v62, v52  }
0x1ef: {  	v62 =	vmul.f32 v58, v46;
	v54 =	vld [tilespmem:s17+$0x2830];
	v53 =	vadd.f32 v55, v63  }
0x1f0: {  	v63 =	vld [tilespmem:s17+$0x3830];
	v51 =	vadd.f32 v61, v51  }
0x1f1: {  	v60 =	vld [tilespmem:s17+$0x4830];
	v61 =	vmul.f32 v57, v45;
	v53 =	vadd.f32 v62, v53  }
0x1f2: {  	v62 =	vld [tilespmem:s17+$0x5830];
	[tilespmem:s13+$0x1AB20] =	vst v51  }
0x1f3: {  	v51 =	vld [tilespmem:s11+$0x2830];
	v53 =	vadd.f32 v61, v53  }
0x1f4: {  	v55 =	vld [tilespmem:s11+$0x3830]  }
0x1f5: {  	v59 =	vld [tilespmem:s11+$0x4830];
	v54 =	vmul.f32 v54, v32;
	v58 =	vmul.f32 v63, v34;
	[tilespmem:s13+$0x1ABA0] =	vst v53  }
0x1f6: {  	v53 =	vld [tilespmem:s21+$0x2830]  }
0x1f7: {  	v52 =	vmul.f32 v60, v31;
	v54 =	vadd.f32 v58, v54;
	v58 =	vld [tilespmem:s21+$0x3830]  }
0x1f8: {  	v60 =	vld [tilespmem:s11+$0x5830];
	v57 =	vmul.f32 v62, v27  }
0x1f9: {  	v52 =	vadd.f32 v52, v54;
	v51 =	vmul.f32 v51, v35;
	v54 =	vmul.f32 v55, v36;
	v55 =	vld [tilespmem:s21+$0x4830]  }
0x1fa: {  	v61 =	vld [tilespmem:s16+$0x3840]  }
0x1fb: {  	v63 =	vmul.f32 v59, v29;
	v52 =	vadd.f32 v57, v52;
	v51 =	vadd.f32 v54, v51;
	v57 =	vld [tilespmem:s21+$0x5830]  }
0x1fc: {  	v59 =	vld [tilespmem:s16+$0x4840];
	v53 =	vmul.f32 v53, v41;
	v58 =	vmul.f32 v58, v43  }
0x1fd: {  	v62 =	vmul.f32 v60, v28;
	[tilespmem:s13+$0x1AAB0] =	vst v52;
	v51 =	vadd.f32 v63, v51;
	v52 =	vld [tilespmem:s16+$0x5840]  }
0x1fe: {  	v53 =	vadd.f32 v58, v53;
	v58 =	vld [tilespmem:s17+$0x2840];
	v55 =	vmul.f32 v55, v46  }
0x1ff: {  	v56 =	vmul.f32 v56, v20;
	v54 =	vld [tilespmem:s17+$0x3840];
	v51 =	vadd.f32 v62, v51  }
0x200: {  	v60 =	vmul.f32 v61, v19;
	v53 =	vadd.f32 v55, v53;
	v55 =	vld [tilespmem:s17+$0x4840];
	v57 =	vmul.f32 v57, v45  }
0x201: {  	[tilespmem:s13+$0x1AB30] =	vst v51;
	v51 =	vld [tilespmem:s17+$0x5840]  }
0x202: {  	v56 =	vadd.f32 v60, v56;
	v59 =	vmul.f32 v59, v22;
	v60 =	vld [tilespmem:s11+$0x2840];
	v53 =	vadd.f32 v57, v53  }
0x203: {  	v57 =	vld [tilespmem:s11+$0x3840]  }
0x204: {  	v4 =	vmul.f32 v24, v4;
	v56 =	vadd.f32 v59, v56;
	v52 =	vmul.f32 v52, v21;
	v59 =	vld [tilespmem:s11+$0x4840];
	[tilespmem:s13+$0x1ABB0] =	vst v53  }
0x205: {  	v63 =	vmul.f32 v58, v32;
	v54 =	vmul.f32 v54, v34;
	v58 =	vld [tilespmem:s21+$0x2840]  }
0x206: {  	v5 =	vmul.f32 v26, v5;
	v6 =	vmul.f32 v25, v6;
	v56 =	vadd.f32 v52, v56;
	v26 =	vld [tilespmem:s21+$0x3840]  }
0x207: {  	v3 =	vmul.f32 v23, v3;
	v53 =	vld [tilespmem:s11+$0x5840];
	v25 =	vadd.f32 v54, v63;
	v61 =	vmul.f32 v55, v31  }
0x208: {  	[tilespmem:s13+$0x1AA40] =	vst v56;
	v62 =	vmul.f32 v60, v35;
	v63 =	vmul.f32 v57, v36;
	v57 =	vld [tilespmem:s21+$0x4840]  }
0x209: {  	v4 =	vadd.f32 v5, v4;
	v51 =	vmul.f32 v51, v27;
	v25 =	vadd.f32 v61, v25;
	v52 =	vld [tilespmem:s16+$0x2850]  }
0x20a: {  	v9 =	vmul.f32 v42, v9;
	v60 =	vmul.f32 v59, v29;
	v61 =	vld [tilespmem:s21+$0x5840];
	v5 =	vadd.f32 v63, v62  }
0x20b: {  	v42 =	vld [tilespmem:s16+$0x4850];
	v25 =	vadd.f32 v51, v25;
	v62 =	vmul.f32 v58, v41;
	v26 =	vmul.f32 v26, v43  }
0x20c: {  	v4 =	vadd.f32 v6, v4;
	v10 =	vmul.f32 v44, v10;
	v6 =	vld [tilespmem:s16+$0x5850];
	v53 =	vmul.f32 v53, v28  }
0x20d: {  	v51 =	vld [tilespmem:s16+$0x3850];
	v5 =	vadd.f32 v60, v5;
	[tilespmem:s13+$0x1AAC0] =	vst v25;
	v63 =	vadd.f32 v26, v62;
	v54 =	vmul.f32 v57, v46  }
0x20e: {  	v8 =	vmul.f32 v38, v8;
	v7 =	vmul.f32 v30, v7;
	v9 =	vadd.f32 v10, v9;
	v55 =	vld [tilespmem:s17+$0x2850]  }
0x20f: {  	v57 =	vld [tilespmem:s17+$0x3850];
	v24 =	vmul.f32 v61, v45;
	v5 =	vadd.f32 v53, v5;
	v56 =	vadd.f32 v54, v63  }
0x210: {  	v59 =	vmul.f32 v40, v14;
	v58 =	vmul.f32 v39, v13;
	v60 =	vld [tilespmem:s17+$0x4850]  }
0x211: {  	v8 =	vadd.f32 v8, v9;
	v12 =	vmul.f32 v37, v12;
	v61 =	vld [tilespmem:s17+$0x5850];
	[tilespmem:s13+$0x1AB40] =	vst v5;
	v62 =	vadd.f32 v24, v56  }
0x212: {  	v15 =	vmul.f32 v47, v15;
	v16 =	vmul.f32 v48, v16;
	v9 =	vadd.f32 v59, v58;
	v63 =	vld [tilespmem:s11+$0x2850]  }
0x213: {  	v3 =	vadd.f32 v3, v4;
	v30 =	vmul.f32 v50, v18;
	v44 =	vmul.f32 v49, v17;
	v37 =	vld [tilespmem:s11+$0x3850];
	[tilespmem:s13+$0x1ABC0] =	vst v62  }
0x214: {  	v39 =	vmul.f32 v33, v11;
	v47 =	vmul.f32 v52, v20;
	v38 =	vadd.f32 v12, v9;
	v40 =	vld [tilespmem:s21+$0x2850]  }
0x215: {  	v7 =	vadd.f32 v7, v8;
	v50 =	vmul.f32 v42, v22;
	v49 =	vmul.f32 v51, v19;
	v48 =	vld [tilespmem:s21+$0x3850]  }
0x216: {  	v6 =	vmul.f32 v6, v21;
	v24 =	vadd.f32 v16, v15;
	v8 =	vadd.f32 v39, v38;
	v51 =	vld [tilespmem:s11+$0x4850]  }
0x217: {  	v9 =	vadd.f32 v49, v47;
	v10 =	vmul.f32 v55, v32;
	v52 =	vmul.f32 v57, v34;
	v53 =	vld [tilespmem:s21+$0x4850]  }
0x218: {  	v54 =	vld [tilespmem:s11+$0x5850];
	v14 =	vmul.f32 v60, v31;
	v59 =	vmul.f32 v61, v27;
	v4 =	vadd.f32 v30, v24  }
0x219: {  	v9 =	vadd.f32 v50, v9;
	v56 =	vld [tilespmem:s21+$0x5850];
	v55 =	vmul.f32 v63, v35;
	v5 =	vmul.f32 v37, v36  }
0x21a: {  	v10 =	vadd.f32 v52, v10;
	v11 =	vmul.f32 v40, v41;
	v57 =	vmul.f32 v48, v43  }
0x21b: {  	[tilespmem:s13+$0x1A850] =	vst v3;
	v4 =	vadd.f32 v44, v4;
	v58 =	vmul.f32 v51, v29;
	v5 =	vadd.f32 v5, v55  }
0x21c: {  	[tilespmem:s13+$0x1A8D0] =	vst v7;
	v3 =	vadd.f32 v14, v10;
	v60 =	vmul.f32 v53, v46;
	v11 =	vadd.f32 v57, v11  }
0x21d: {  	p0 =	slt.u32 s5, $0x18;
	[tilespmem:s13+$0x1A950] =	vst v8;
	v6 =	vadd.f32 v6, v9;
	v61 =	vmul.f32 v54, v28;
	v5 =	vadd.f32 v58, v5  }
.Ltmp0:
0x21e: {  	[tilespmem:s13+$0x1A9D0] =	vst v4;
	v3 =	vadd.f32 v59, v3;
	v63 =	vmul.f32 v56, v45;
	v62 =	vadd.f32 v60, v11;
	(pc) =	sbr.rel @p0 .LBB2_3-.Ltmp0, $4  }
0x21f: {  	[tilespmem:s13+$0x1AA50] =	vst v6;
	v5 =	vadd.f32 v61, v5  }
0x220: {  	[tilespmem:s13+$0x1AAD0] =	vst v3;
	v3 =	vadd.f32 v63, v62  }
0x221: {  	s31 =	sadd.s32 $0x8, s5;
	[tilespmem:s13+$0x1AB50] =	vst v5  }
0x222: {  	s5 =	smov.u32 s31;
	s17 =	simm.s32 $0x1C00;
	[tilespmem:s13+$0x1ABD0] =	vst v3  }
0x223: {  	s21 =	simm.s32 $0x1E00  }
.LBB2_5:
0x224: {  	v3 =	vmov s4  }
0x225: {  	v3 =	vand.u32 $0xFFFFFFF8, v3  }
0x226: {  	v3 =	vbroadcast v3, $0x0;
	_ =	sdelay $0x2  }
0x227: {  	s13 =	sshll.u32 s4, $0x7  }
0x228: {  	v7 =	vld [tilespmem:s13+$0x6800]  }
0x229: {  	v8 =	vld [tilespmem:s13+$0x7800]  }
0x22a: {  	v4 =	vld.idx.msk [tilespmem:v3+s21+$0x0], $0xffff  }
0x22b: {  	v5 =	vld.idx.msk [tilespmem:v3+s22+$0x0], $0xffff  }
0x22c: {  	v9 =	vld [tilespmem:s13+$0x8800]  }
0x22d: {  	v6 =	vld.idx.msk [tilespmem:v3+s23+$0x0], $0xffff  }
0x22e: {  	v10 =	vld [tilespmem:s13+$0x9800]  }
0x22f: {  	v3 =	vld.idx.msk [tilespmem:v3+s24+$0x0], $0xffff  }
0x230: {  	v7 =	vmul.f32 v7, v4;
	v8 =	vmul.f32 v8, v5;
	_ =	sdelay $0x1  }
0x231: {  	v25 =	vmul.f32 v9, v6;
	v7 =	vadd.f32 v8, v7;
	_ =	sdelay $0x1  }
0x232: {  	s2 =	sshrl.u32 s4, $0x3;
	v26 =	vmul.f32 v10, v3;
	v7 =	vadd.f32 v25, v7  }
0x233: {  	s2 =	smul.u32 $0x3000, s2  }
0x234: {  	v7 =	vadd.f32 v26, v7  }
0x235: {  	s5 =	sshra.s32 s2, $0x2  }
0x236: {  	[tilespmem:s5+$0x1A860] =	vst v7  }
0x237: {  	v7 =	vld [tilespmem:s13+$0x6810]  }
0x238: {  	v27 =	vld [tilespmem:s13+$0x7810];
	_ =	sdelay $0x1  }
0x239: {  	v28 =	vld [tilespmem:s13+$0x8810];
	_ =	sdelay $0x1  }
0x23a: {  	v29 =	vld [tilespmem:s13+$0x9810]  }
0x23b: {  	v7 =	vmul.f32 v7, v4;
	v8 =	vmul.f32 v27, v5;
	_ =	sdelay $0x1  }
0x23c: {  	s31 =	sor.u32 $0x1, s4;
	v30 =	vmul.f32 v28, v6;
	v7 =	vadd.f32 v8, v7  }
0x23d: {  	v32 =	vmov s31  }
0x23e: {  	s16 =	sshll.u32 s31, $0x7;
	v33 =	vand.u32 $0xFFFFFFF9, v32;
	v31 =	vmul.f32 v29, v3;
	v7 =	vadd.f32 v30, v7  }
0x23f: {  	v14 =	vld [tilespmem:s16+$0x6800];
	v11 =	vbroadcast v33, $0x0  }
0x240: {  	v15 =	vld [tilespmem:s16+$0x7800];
	v7 =	vadd.f32 v31, v7  }
0x241: {  	v17 =	vld [tilespmem:s16+$0x8800]  }
0x242: {  	v36 =	vld [tilespmem:s16+$0x9800];
	[tilespmem:s5+$0x1A870] =	vst v7  }
0x243: {  	v7 =	vld [tilespmem:s13+$0x6820]  }
0x244: {  	v34 =	vld [tilespmem:s13+$0x7820]  }
0x245: {  	v9 =	vld.idx.msk [tilespmem:v11+s21+$0x0], $0xffff  }
0x246: {  	v10 =	vld.idx.msk [tilespmem:v11+s22+$0x0], $0xffff  }
0x247: {  	s11 =	sor.u32 $0x2, s4;
	v12 =	vld [tilespmem:s13+$0x8820]  }
0x248: {  	v42 =	vmov s11;
	v8 =	vld.idx.msk [tilespmem:v11+s23+$0x0], $0xffff  }
0x249: {  	s11 =	sshll.u32 s11, $0x7;
	v44 =	vand.u32 $0xFFFFFFFA, v42;
	v13 =	vld [tilespmem:s13+$0x9820];
	v7 =	vmul.f32 v7, v4;
	v16 =	vmul.f32 v34, v5  }
0x24a: {  	s17 =	sor.u32 $0x3, s4;
	v47 =	vld [tilespmem:s11+$0x6800];
	v18 =	vbroadcast v44, $0x0  }
0x24b: {  	s2 =	sshll.u32 s17, $0x7;
	v14 =	vmul.f32 v14, v9;
	v15 =	vmul.f32 v15, v10;
	v16 =	vadd.f32 v16, v7;
	v7 =	vld.idx.msk [tilespmem:v11+s24+$0x0], $0xffff  }
0x24c: {  	v49 =	vld [tilespmem:s2+$0x6800];
	v12 =	vmul.f32 v12, v6  }
0x24d: {  	v50 =	vld [tilespmem:s2+$0x7800];
	v37 =	vadd.f32 v15, v14  }
0x24e: {  	v25 =	vld [tilespmem:s11+$0x7800];
	v38 =	vmul.f32 v17, v8;
	v35 =	vmul.f32 v13, v3;
	v12 =	vadd.f32 v12, v16  }
0x24f: {  	v26 =	vld [tilespmem:s11+$0x8800]  }
0x250: {  	v14 =	vld.idx.msk [tilespmem:v18+s22+$0x0], $0xffff;
	v39 =	vadd.f32 v38, v37;
	v11 =	vadd.f32 v35, v12;
	v40 =	vmul.f32 v36, v7  }
0x251: {  	v28 =	vld [tilespmem:s11+$0x9800]  }
0x252: {  	v13 =	vld.idx.msk [tilespmem:v18+s21+$0x0], $0xffff;
	[tilespmem:s5+$0x1AC00] =	vst v11;
	v11 =	vadd.f32 v40, v39  }
0x253: {  	v41 =	vld [tilespmem:s13+$0x6830]  }
0x254: {  	v43 =	vld [tilespmem:s13+$0x7830];
	[tilespmem:s5+$0x1A8E0] =	vst v11  }
0x255: {  	v46 =	vmov s17;
	v20 =	vld [tilespmem:s16+$0x6810]  }
0x256: {  	v11 =	vand.u32 $0xFFFFFFFB, v46;
	v21 =	vld [tilespmem:s16+$0x7810]  }
0x257: {  	v45 =	vld [tilespmem:s13+$0x8830];
	v24 =	vbroadcast v11, $0x0  }
0x258: {  	v22 =	vld [tilespmem:s16+$0x8810]  }
0x259: {  	v19 =	vld [tilespmem:s13+$0x9830]  }
0x25a: {  	v23 =	vld [tilespmem:s16+$0x9810];
	v27 =	vmul.f32 v41, v4;
	v16 =	vmul.f32 v43, v5  }
0x25b: {  	v12 =	vld.idx.msk [tilespmem:v18+s23+$0x0], $0xffff;
	v20 =	vmul.f32 v20, v9;
	v21 =	vmul.f32 v21, v10  }
0x25c: {  	v11 =	vld.idx.msk [tilespmem:v18+s24+$0x0], $0xffff;
	v17 =	vmul.f32 v45, v6;
	v27 =	vadd.f32 v16, v27  }
0x25d: {  	v48 =	vmul.f32 v22, v8;
	v15 =	vld.idx.msk [tilespmem:v24+s21+$0x0], $0xffff;
	v20 =	vadd.f32 v21, v20  }
0x25e: {  	v25 =	vmul.f32 v25, v14;
	v19 =	vmul.f32 v19, v3;
	v16 =	vld.idx.msk [tilespmem:v24+s22+$0x0], $0xffff;
	v17 =	vadd.f32 v17, v27  }
0x25f: {  	v29 =	vld [tilespmem:s2+$0x8800];
	v51 =	vmul.f32 v47, v13;
	v23 =	vmul.f32 v23, v7;
	v20 =	vadd.f32 v48, v20  }
0x260: {  	v18 =	vld.idx.msk [tilespmem:v24+s23+$0x0], $0xffff;
	v19 =	vadd.f32 v19, v17  }
0x261: {  	v54 =	vld [tilespmem:s2+$0x9800];
	v52 =	vmul.f32 v26, v12;
	v21 =	vadd.f32 v25, v51;
	v20 =	vadd.f32 v23, v20  }
0x262: {  	v53 =	vmul.f32 v28, v11;
	v17 =	vld.idx.msk [tilespmem:v24+s24+$0x0], $0xffff;
	[tilespmem:s5+$0x1AC10] =	vst v19  }
0x263: {  	v55 =	vadd.f32 v52, v21;
	v25 =	vld [tilespmem:s13+$0x6840];
	v56 =	vmul.f32 v49, v15;
	v57 =	vmul.f32 v50, v16;
	[tilespmem:s5+$0x1A8F0] =	vst v20  }
0x264: {  	v58 =	vld [tilespmem:s16+$0x6820]  }
0x265: {  	v19 =	vadd.f32 v53, v55;
	v61 =	vmul.f32 v29, v18;
	v60 =	vadd.f32 v57, v56;
	v59 =	vld [tilespmem:s16+$0x7820]  }
0x266: {  	v62 =	vld [tilespmem:s16+$0x8820]  }
0x267: {  	[tilespmem:s5+$0x1A960] =	vst v19;
	v33 =	vmul.f32 v54, v17;
	v63 =	vld [tilespmem:s16+$0x9820];
	v32 =	vadd.f32 v61, v60  }
0x268: {  	v34 =	vld [tilespmem:s11+$0x6810]  }
0x269: {  	v35 =	vld [tilespmem:s11+$0x7810];
	v19 =	vadd.f32 v33, v32  }
0x26a: {  	v38 =	vld [tilespmem:s11+$0x8810];
	v36 =	vmul.f32 v58, v9;
	v37 =	vmul.f32 v59, v10  }
0x26b: {  	v39 =	vld [tilespmem:s11+$0x9810];
	[tilespmem:s5+$0x1A9E0] =	vst v19  }
0x26c: {  	v41 =	vmul.f32 v62, v8;
	v42 =	vld [tilespmem:s2+$0x6810];
	v40 =	vadd.f32 v37, v36  }
0x26d: {  	v43 =	vmul.f32 v63, v7;
	v44 =	vld [tilespmem:s2+$0x7810]  }
0x26e: {  	v45 =	vld [tilespmem:s13+$0x7840];
	v46 =	vmul.f32 v34, v13;
	v47 =	vmul.f32 v35, v14;
	v19 =	vadd.f32 v41, v40  }
0x26f: {  	v48 =	vld [tilespmem:s2+$0x8810]  }
0x270: {  	v30 =	vld [tilespmem:s13+$0x8840];
	v49 =	vmul.f32 v38, v12;
	v20 =	vadd.f32 v47, v46;
	v19 =	vadd.f32 v43, v19  }
0x271: {  	v50 =	vmul.f32 v39, v11;
	v51 =	vld [tilespmem:s2+$0x9810]  }
0x272: {  	v52 =	vld [tilespmem:s13+$0x9840];
	v53 =	vadd.f32 v49, v20;
	v54 =	vmul.f32 v42, v15;
	v55 =	vmul.f32 v44, v16;
	[tilespmem:s5+$0x1AC80] =	vst v19  }
0x273: {  	v56 =	vld [tilespmem:s16+$0x6830]  }
0x274: {  	v58 =	vmul.f32 v48, v18;
	v19 =	vadd.f32 v50, v53;
	v20 =	vadd.f32 v55, v54;
	v57 =	vld [tilespmem:s16+$0x7830]  }
0x275: {  	v25 =	vmul.f32 v25, v4;
	v59 =	vld [tilespmem:s16+$0x8830]  }
0x276: {  	v32 =	vmul.f32 v45, v5;
	v62 =	vmul.f32 v51, v17;
	v60 =	vld [tilespmem:s16+$0x9830];
	[tilespmem:s5+$0x1A970] =	vst v19;
	v61 =	vadd.f32 v58, v20  }
0x277: {  	v63 =	vld [tilespmem:s11+$0x6820]  }
0x278: {  	v25 =	vadd.f32 v32, v25;
	v35 =	vmul.f32 v30, v6;
	v33 =	vld [tilespmem:s11+$0x7820];
	v19 =	vadd.f32 v62, v61  }
0x279: {  	v34 =	vld [tilespmem:s11+$0x8820]  }
0x27a: {  	s18 =	sor.u32 $0x4, s4;
	v37 =	vmul.f32 v52, v3;
	v25 =	vadd.f32 v35, v25;
	v36 =	vld [tilespmem:s11+$0x9820];
	[tilespmem:s5+$0x1A9F0] =	vst v19  }
0x27b: {  	v50 =	vmov s18;
	v38 =	vld [tilespmem:s2+$0x6820]  }
0x27c: {  	v52 =	vand.u32 $0xFFFFFFFC, v50;
	v19 =	vadd.f32 v37, v25;
	v40 =	vld [tilespmem:s2+$0x7820]  }
0x27d: {  	v54 =	vbroadcast v52, $0x0;
	v31 =	vld [tilespmem:s2+$0x8820]  }
0x27e: {  	v22 =	vmul.f32 v56, v9;
	v39 =	vmul.f32 v57, v10;
	v44 =	vld [tilespmem:s2+$0x9820];
	[tilespmem:s5+$0x1AC20] =	vst v19  }
0x27f: {  	v21 =	vmul.f32 v63, v13;
	v29 =	vmul.f32 v33, v14;
	v24 =	vld [tilespmem:s13+$0x6850]  }
0x280: {  	v23 =	vmul.f32 v59, v8;
	v22 =	vadd.f32 v39, v22;
	v26 =	vld [tilespmem:s13+$0x7850]  }
0x281: {  	v20 =	vmul.f32 v34, v12;
	v25 =	vld [tilespmem:s13+$0x8850];
	v21 =	vadd.f32 v29, v21  }
0x282: {  	v42 =	vmul.f32 v60, v7;
	v43 =	vmul.f32 v36, v11;
	v41 =	vadd.f32 v23, v22;
	v23 =	vld [tilespmem:s13+$0x9850]  }
0x283: {  	s13 =	sshll.u32 s18, $0x7;
	v22 =	vld.idx.msk [tilespmem:v54+s23+$0x0], $0xffff;
	v20 =	vadd.f32 v20, v21;
	v45 =	vmul.f32 v38, v15;
	v27 =	vmul.f32 v40, v16  }
0x284: {  	v35 =	vld [tilespmem:s13+$0x6800];
	v19 =	vadd.f32 v42, v41  }
0x285: {  	v36 =	vld [tilespmem:s13+$0x7800];
	v46 =	vmul.f32 v31, v18;
	v20 =	vadd.f32 v43, v20;
	v21 =	vadd.f32 v27, v45  }
0x286: {  	v37 =	vld [tilespmem:s13+$0x8800];
	[tilespmem:s5+$0x1AC90] =	vst v19  }
0x287: {  	v48 =	vmul.f32 v44, v17;
	v27 =	vld [tilespmem:s16+$0x6840];
	[tilespmem:s5+$0x1AD00] =	vst v20;
	v47 =	vadd.f32 v46, v21  }
0x288: {  	v49 =	vld [tilespmem:s11+$0x6830]  }
0x289: {  	v51 =	vld [tilespmem:s11+$0x7830];
	v19 =	vadd.f32 v48, v47  }
0x28a: {  	v53 =	vld [tilespmem:s11+$0x8830]  }
0x28b: {  	v55 =	vld [tilespmem:s11+$0x9830];
	[tilespmem:s5+$0x1AD80] =	vst v19  }
0x28c: {  	v56 =	vld [tilespmem:s2+$0x6830]  }
0x28d: {  	v32 =	vld [tilespmem:s2+$0x7830]  }
0x28e: {  	v61 =	vld [tilespmem:s16+$0x7840];
	v21 =	vmul.f32 v49, v13;
	v28 =	vmul.f32 v51, v14  }
0x28f: {  	v33 =	vld [tilespmem:s2+$0x8830]  }
0x290: {  	v40 =	vld [tilespmem:s16+$0x8840];
	v57 =	vmul.f32 v53, v12;
	v21 =	vadd.f32 v28, v21  }
0x291: {  	v34 =	vld [tilespmem:s2+$0x9830];
	v30 =	vmul.f32 v55, v11  }
0x292: {  	v41 =	vld [tilespmem:s16+$0x9840];
	v31 =	vmul.f32 v56, v15;
	v32 =	vmul.f32 v32, v16;
	v28 =	vadd.f32 v57, v21  }
0x293: {  	v20 =	vld.idx.msk [tilespmem:v54+s21+$0x0], $0xffff  }
0x294: {  	v19 =	vld.idx.msk [tilespmem:v54+s22+$0x0], $0xffff;
	v59 =	vmul.f32 v33, v18;
	v58 =	vadd.f32 v32, v31;
	v28 =	vadd.f32 v30, v28  }
0x295: {  	v27 =	vmul.f32 v27, v9;
	v21 =	vld.idx.msk [tilespmem:v54+s24+$0x0], $0xffff  }
0x296: {  	v60 =	vld [tilespmem:s13+$0x9800];
	v42 =	vmul.f32 v34, v17;
	v33 =	vmul.f32 v61, v10;
	v29 =	vadd.f32 v59, v58;
	[tilespmem:s5+$0x1AD10] =	vst v28  }
0x297: {  	v44 =	vld [tilespmem:s11+$0x6840]  }
0x298: {  	v52 =	vmul.f32 v40, v8;
	v27 =	vadd.f32 v33, v27;
	v45 =	vld [tilespmem:s11+$0x7840];
	v28 =	vadd.f32 v42, v29  }
0x299: {  	v62 =	vmul.f32 v35, v20;
	v63 =	vmul.f32 v36, v19;
	v48 =	vld [tilespmem:s11+$0x8840]  }
0x29a: {  	v54 =	vmul.f32 v41, v7;
	v27 =	vadd.f32 v52, v27;
	v49 =	vld [tilespmem:s11+$0x9840];
	[tilespmem:s5+$0x1AD90] =	vst v28  }
0x29b: {  	v43 =	vmul.f32 v37, v22;
	v30 =	vadd.f32 v63, v62;
	v51 =	vld [tilespmem:s2+$0x6840]  }
0x29c: {  	v27 =	vadd.f32 v54, v27;
	v53 =	vld [tilespmem:s2+$0x7840]  }
0x29d: {  	v46 =	vadd.f32 v43, v30;
	v47 =	vmul.f32 v60, v21;
	v59 =	vld [tilespmem:s2+$0x8840]  }
0x29e: {  	[tilespmem:s5+$0x1ACA0] =	vst v27;
	v63 =	vld [tilespmem:s2+$0x9840]  }
0x29f: {  	v50 =	vadd.f32 v47, v46;
	v42 =	vld [tilespmem:s16+$0x6850]  }
0x2a0: {  	v38 =	vld [tilespmem:s16+$0x8850]  }
0x2a1: {  	[tilespmem:s5+$0x1AA60] =	vst v50;
	v30 =	vld [tilespmem:s16+$0x9850];
	v56 =	vmul.f32 v44, v13;
	v57 =	vmul.f32 v45, v14  }
0x2a2: {  	v55 =	vld [tilespmem:s13+$0x6810]  }
0x2a3: {  	v58 =	vld [tilespmem:s13+$0x7810];
	v61 =	vmul.f32 v48, v12;
	v60 =	vadd.f32 v57, v56  }
0x2a4: {  	v62 =	vld [tilespmem:s13+$0x8810]  }
0x2a5: {  	s31 =	sor.u32 $0x5, s4;
	v34 =	vmul.f32 v49, v11;
	v44 =	vld [tilespmem:s16+$0x7850];
	v48 =	vadd.f32 v61, v60;
	v49 =	vmul.f32 v51, v15  }
0x2a6: {  	v50 =	vmul.f32 v53, v16;
	v51 =	vld [tilespmem:s13+$0x9810];
	v54 =	vmul.f32 v59, v18;
	v59 =	vmov s31;
	s31 =	sshll.u32 s31, $0x7  }
0x2a7: {  	v27 =	vadd.f32 v34, v48;
	v48 =	vld [tilespmem:s31+$0x6800]  }
0x2a8: {  	v28 =	vadd.f32 v50, v49;
	v49 =	vld [tilespmem:s31+$0x7800]  }
0x2a9: {  	v50 =	vld [tilespmem:s31+$0x8800];
	[tilespmem:s5+$0x1AD20] =	vst v27  }
0x2aa: {  	v39 =	vld [tilespmem:s11+$0x6850]  }
0x2ab: {  	v52 =	vmul.f32 v55, v20;
	v53 =	vmul.f32 v58, v19;
	v40 =	vld [tilespmem:s11+$0x7850]  }
0x2ac: {  	v37 =	vld [tilespmem:s11+$0x8850]  }
0x2ad: {  	s17 =	sor.u32 $0x6, s4;
	v32 =	vmul.f32 v62, v22;
	v31 =	vadd.f32 v53, v52;
	v33 =	vld [tilespmem:s11+$0x9850]  }
0x2ae: {  	v56 =	vmul.f32 v63, v17;
	v55 =	vadd.f32 v54, v28;
	v58 =	vmul.f32 v51, v21;
	v51 =	vld [tilespmem:s31+$0x9800];
	s11 =	sshll.u32 s17, $0x7  }
0x2af: {  	v57 =	vadd.f32 v32, v31;
	v53 =	vld [tilespmem:s11+$0x6800]  }
0x2b0: {  	v27 =	vadd.f32 v56, v55;
	v54 =	vld [tilespmem:s11+$0x7800]  }
0x2b1: {  	v28 =	vand.u32 $0xFFFFFFFD, v59;
	v55 =	vld [tilespmem:s11+$0x8800];
	v29 =	vadd.f32 v58, v57  }
0x2b2: {  	v60 =	vbroadcast v28, $0x0;
	v56 =	vld [tilespmem:s11+$0x9800];
	[tilespmem:s5+$0x1ADA0] =	vst v27  }
0x2b3: {  	v47 =	vld [tilespmem:s2+$0x6850];
	[tilespmem:s5+$0x1AA70] =	vst v29  }
0x2b4: {  	v61 =	vmov s17;
	v41 =	vld [tilespmem:s13+$0x6820]  }
0x2b5: {  	v28 =	vand.u32 $0xFFFFFFFE, v61;
	v43 =	vld [tilespmem:s13+$0x7820]  }
0x2b6: {  	v28 =	vbroadcast v28, $0x0;
	v45 =	vld [tilespmem:s13+$0x8820]  }
0x2b7: {  	v46 =	vld [tilespmem:s13+$0x9820]  }
0x2b8: {  	v32 =	vld.idx.msk [tilespmem:v60+s21+$0x0], $0xffff  }
0x2b9: {  	v34 =	vld.idx.msk [tilespmem:v60+s22+$0x0], $0xffff  }
0x2ba: {  	s18 =	sor.u32 $0x7, s4;
	v31 =	vld.idx.msk [tilespmem:v60+s23+$0x0], $0xffff  }
0x2bb: {  	v52 =	vmov s18;
	v27 =	vld.idx.msk [tilespmem:v60+s24+$0x0], $0xffff  }
0x2bc: {  	v35 =	vld.idx.msk [tilespmem:v28+s21+$0x0], $0xffff  }
0x2bd: {  	v36 =	vld.idx.msk [tilespmem:v28+s22+$0x0], $0xffff  }
0x2be: {  	v29 =	vld.idx.msk [tilespmem:v28+s23+$0x0], $0xffff  }
0x2bf: {  	v28 =	vld.idx.msk [tilespmem:v28+s24+$0x0], $0xffff  }
0x2c0: {  	v57 =	vmul.f32 v41, v20;
	v58 =	vmul.f32 v43, v19;
	v41 =	vld.idx.msk [tilespmem:v52+s21+$0x0], $0xffff  }
0x2c1: {  	s18 =	sshll.u32 s18, $0x7;
	v43 =	vld.idx.msk [tilespmem:v52+s22+$0x0], $0xffff;
	v48 =	vmul.f32 v48, v32;
	v49 =	vmul.f32 v49, v34  }
0x2c2: {  	v45 =	vmul.f32 v45, v22;
	v62 =	vmul.f32 v50, v31;
	v50 =	vld [tilespmem:s18+$0x7800];
	v57 =	vadd.f32 v58, v57  }
0x2c3: {  	v63 =	vmul.f32 v46, v21;
	v58 =	vld [tilespmem:s18+$0x6800];
	v48 =	vadd.f32 v49, v48  }
0x2c4: {  	v46 =	vld.idx.msk [tilespmem:v52+s23+$0x0], $0xffff;
	v60 =	vmul.f32 v53, v35;
	v61 =	vmul.f32 v54, v36;
	v45 =	vadd.f32 v45, v57  }
0x2c5: {  	v51 =	vmul.f32 v51, v27;
	v48 =	vadd.f32 v62, v48;
	v62 =	vld [tilespmem:s18+$0x8800]  }
0x2c6: {  	v49 =	vadd.f32 v61, v60;
	v61 =	vld [tilespmem:s18+$0x9800];
	v57 =	vadd.f32 v63, v45  }
0x2c7: {  	v60 =	vmul.f32 v55, v29;
	v45 =	vld.idx.msk [tilespmem:v52+s24+$0x0], $0xffff;
	v51 =	vadd.f32 v51, v48  }
0x2c8: {  	v50 =	vmul.f32 v50, v43;
	v48 =	vld [tilespmem:s2+$0x7850];
	v63 =	vmul.f32 v58, v41;
	[tilespmem:s5+$0x1AE00] =	vst v57  }
0x2c9: {  	v49 =	vadd.f32 v60, v49;
	v58 =	vmul.f32 v56, v28;
	v57 =	vld [tilespmem:s13+$0x6830];
	[tilespmem:s5+$0x1AAE0] =	vst v51  }
0x2ca: {  	v50 =	vadd.f32 v50, v63;
	v59 =	vld [tilespmem:s31+$0x6810];
	v54 =	vmul.f32 v62, v46  }
0x2cb: {  	v49 =	vadd.f32 v58, v49;
	v62 =	vld [tilespmem:s31+$0x7810]  }
0x2cc: {  	v63 =	vld [tilespmem:s31+$0x8810];
	v53 =	vmul.f32 v61, v45;
	v50 =	vadd.f32 v54, v50  }
0x2cd: {  	v60 =	vld [tilespmem:s31+$0x9810];
	[tilespmem:s5+$0x1AB60] =	vst v49  }
0x2ce: {  	v49 =	vld [tilespmem:s11+$0x6810];
	v50 =	vadd.f32 v53, v50  }
0x2cf: {  	v61 =	vld [tilespmem:s11+$0x7810]  }
0x2d0: {  	v52 =	vmul.f32 v59, v32;
	v55 =	vmul.f32 v62, v34;
	v62 =	vld [tilespmem:s11+$0x8810];
	[tilespmem:s5+$0x1ABE0] =	vst v50  }
0x2d1: {  	v50 =	vld [tilespmem:s18+$0x6810]  }
0x2d2: {  	v51 =	vmul.f32 v63, v31;
	v52 =	vadd.f32 v55, v52;
	v63 =	vld [tilespmem:s18+$0x7810]  }
0x2d3: {  	v58 =	vld [tilespmem:s11+$0x9810];
	v54 =	vmul.f32 v60, v27  }
0x2d4: {  	v49 =	vmul.f32 v49, v35;
	v60 =	vmul.f32 v61, v36;
	v53 =	vld [tilespmem:s18+$0x8810];
	v51 =	vadd.f32 v51, v52  }
0x2d5: {  	v56 =	vld [tilespmem:s13+$0x8830]  }
0x2d6: {  	v49 =	vadd.f32 v60, v49;
	v52 =	vmul.f32 v62, v29;
	v51 =	vadd.f32 v54, v51;
	v54 =	vld [tilespmem:s18+$0x9810]  }
0x2d7: {  	v59 =	vld [tilespmem:s13+$0x7830];
	v50 =	vmul.f32 v50, v41;
	v55 =	vmul.f32 v63, v43  }
0x2d8: {  	v61 =	vmul.f32 v58, v28;
	v60 =	vld [tilespmem:s13+$0x9830];
	v49 =	vadd.f32 v52, v49;
	[tilespmem:s5+$0x1AAF0] =	vst v51  }
0x2d9: {  	v53 =	vmul.f32 v53, v46;
	v52 =	vld [tilespmem:s31+$0x6820];
	v50 =	vadd.f32 v55, v50  }
0x2da: {  	v55 =	vld [tilespmem:s31+$0x7820];
	v49 =	vadd.f32 v61, v49  }
0x2db: {  	v51 =	vld [tilespmem:s31+$0x8820];
	v50 =	vadd.f32 v53, v50;
	v62 =	vmul.f32 v54, v45  }
0x2dc: {  	v54 =	vld [tilespmem:s31+$0x9820];
	[tilespmem:s5+$0x1AB70] =	vst v49  }
0x2dd: {  	v49 =	vld [tilespmem:s11+$0x6820];
	v50 =	vadd.f32 v62, v50  }
0x2de: {  	v63 =	vmul.f32 v57, v20;
	v61 =	vmul.f32 v59, v19;
	v58 =	vld [tilespmem:s11+$0x7820]  }
0x2df: {  	v59 =	vld [tilespmem:s11+$0x8820];
	v52 =	vmul.f32 v52, v32;
	v55 =	vmul.f32 v55, v34;
	[tilespmem:s5+$0x1ABF0] =	vst v50  }
0x2e0: {  	v62 =	vadd.f32 v61, v63;
	v63 =	vmul.f32 v56, v22;
	v56 =	vld [tilespmem:s18+$0x6820]  }
0x2e1: {  	v51 =	vmul.f32 v51, v31;
	v52 =	vadd.f32 v55, v52;
	v55 =	vld [tilespmem:s18+$0x7820]  }
0x2e2: {  	v57 =	vmul.f32 v60, v21;
	v60 =	vld [tilespmem:s11+$0x9820];
	v53 =	vadd.f32 v63, v62;
	v54 =	vmul.f32 v54, v27  }
0x2e3: {  	v49 =	vmul.f32 v49, v35;
	v61 =	vmul.f32 v58, v36;
	v58 =	vld [tilespmem:s18+$0x8820];
	v51 =	vadd.f32 v51, v52  }
0x2e4: {  	v50 =	vld [tilespmem:s2+$0x8850];
	v53 =	vadd.f32 v57, v53  }
0x2e5: {  	v62 =	vmul.f32 v59, v29;
	v57 =	vld [tilespmem:s18+$0x9820];
	v52 =	vadd.f32 v61, v49;
	v51 =	vadd.f32 v54, v51  }
0x2e6: {  	v49 =	vld [tilespmem:s2+$0x9850];
	[tilespmem:s5+$0x1AE10] =	vst v53;
	v63 =	vmul.f32 v56, v41;
	v55 =	vmul.f32 v55, v43  }
0x2e7: {  	v61 =	vmul.f32 v60, v28;
	v56 =	vld [tilespmem:s13+$0x6840];
	[tilespmem:s5+$0x1AE80] =	vst v51;
	v51 =	vadd.f32 v62, v52  }
0x2e8: {  	v62 =	vmul.f32 v58, v46;
	v54 =	vld [tilespmem:s31+$0x6830];
	v53 =	vadd.f32 v55, v63  }
0x2e9: {  	v63 =	vld [tilespmem:s31+$0x7830];
	v51 =	vadd.f32 v61, v51  }
0x2ea: {  	v60 =	vld [tilespmem:s31+$0x8830];
	v61 =	vmul.f32 v57, v45;
	v53 =	vadd.f32 v62, v53  }
0x2eb: {  	v62 =	vld [tilespmem:s31+$0x9830];
	[tilespmem:s5+$0x1AF00] =	vst v51  }
0x2ec: {  	v51 =	vld [tilespmem:s11+$0x6830];
	v53 =	vadd.f32 v61, v53  }
0x2ed: {  	v55 =	vld [tilespmem:s11+$0x7830]  }
0x2ee: {  	v59 =	vld [tilespmem:s11+$0x8830];
	v54 =	vmul.f32 v54, v32;
	v58 =	vmul.f32 v63, v34;
	[tilespmem:s5+$0x1AF80] =	vst v53  }
0x2ef: {  	v53 =	vld [tilespmem:s18+$0x6830]  }
0x2f0: {  	v52 =	vmul.f32 v60, v31;
	v54 =	vadd.f32 v58, v54;
	v58 =	vld [tilespmem:s18+$0x7830]  }
0x2f1: {  	v60 =	vld [tilespmem:s11+$0x9830];
	v57 =	vmul.f32 v62, v27  }
0x2f2: {  	v52 =	vadd.f32 v52, v54;
	v51 =	vmul.f32 v51, v35;
	v54 =	vmul.f32 v55, v36;
	v55 =	vld [tilespmem:s18+$0x8830]  }
0x2f3: {  	v61 =	vld [tilespmem:s13+$0x7840]  }
0x2f4: {  	v63 =	vmul.f32 v59, v29;
	v52 =	vadd.f32 v57, v52;
	v51 =	vadd.f32 v54, v51;
	v57 =	vld [tilespmem:s18+$0x9830]  }
0x2f5: {  	v59 =	vld [tilespmem:s13+$0x8840];
	v53 =	vmul.f32 v53, v41;
	v58 =	vmul.f32 v58, v43  }
0x2f6: {  	v62 =	vmul.f32 v60, v28;
	[tilespmem:s5+$0x1AE90] =	vst v52;
	v51 =	vadd.f32 v63, v51;
	v52 =	vld [tilespmem:s13+$0x9840]  }
0x2f7: {  	v53 =	vadd.f32 v58, v53;
	v58 =	vld [tilespmem:s31+$0x6840];
	v55 =	vmul.f32 v55, v46  }
0x2f8: {  	v56 =	vmul.f32 v56, v20;
	v54 =	vld [tilespmem:s31+$0x7840];
	v51 =	vadd.f32 v62, v51  }
0x2f9: {  	v60 =	vmul.f32 v61, v19;
	v53 =	vadd.f32 v55, v53;
	v55 =	vld [tilespmem:s31+$0x8840];
	v57 =	vmul.f32 v57, v45  }
0x2fa: {  	[tilespmem:s5+$0x1AF10] =	vst v51;
	v51 =	vld [tilespmem:s31+$0x9840]  }
0x2fb: {  	v56 =	vadd.f32 v60, v56;
	v59 =	vmul.f32 v59, v22;
	v60 =	vld [tilespmem:s11+$0x6840];
	v53 =	vadd.f32 v57, v53  }
0x2fc: {  	v57 =	vld [tilespmem:s11+$0x7840]  }
0x2fd: {  	v4 =	vmul.f32 v24, v4;
	v56 =	vadd.f32 v59, v56;
	v52 =	vmul.f32 v52, v21;
	v59 =	vld [tilespmem:s11+$0x8840];
	[tilespmem:s5+$0x1AF90] =	vst v53  }
0x2fe: {  	v63 =	vmul.f32 v58, v32;
	v54 =	vmul.f32 v54, v34;
	v58 =	vld [tilespmem:s18+$0x6840]  }
0x2ff: {  	v5 =	vmul.f32 v26, v5;
	v6 =	vmul.f32 v25, v6;
	v56 =	vadd.f32 v52, v56;
	v26 =	vld [tilespmem:s18+$0x7840]  }
0x300: {  	v3 =	vmul.f32 v23, v3;
	v53 =	vld [tilespmem:s11+$0x9840];
	v25 =	vadd.f32 v54, v63;
	v61 =	vmul.f32 v55, v31  }
0x301: {  	[tilespmem:s5+$0x1AE20] =	vst v56;
	v62 =	vmul.f32 v60, v35;
	v63 =	vmul.f32 v57, v36;
	v57 =	vld [tilespmem:s18+$0x8840]  }
0x302: {  	v4 =	vadd.f32 v5, v4;
	v51 =	vmul.f32 v51, v27;
	v25 =	vadd.f32 v61, v25;
	v52 =	vld [tilespmem:s13+$0x6850]  }
0x303: {  	v9 =	vmul.f32 v42, v9;
	v60 =	vmul.f32 v59, v29;
	v61 =	vld [tilespmem:s18+$0x9840];
	v5 =	vadd.f32 v63, v62  }
0x304: {  	v42 =	vld [tilespmem:s13+$0x8850];
	v25 =	vadd.f32 v51, v25;
	v62 =	vmul.f32 v58, v41;
	v26 =	vmul.f32 v26, v43  }
0x305: {  	v4 =	vadd.f32 v6, v4;
	v10 =	vmul.f32 v44, v10;
	v6 =	vld [tilespmem:s13+$0x9850];
	v53 =	vmul.f32 v53, v28  }
0x306: {  	v51 =	vld [tilespmem:s13+$0x7850];
	v5 =	vadd.f32 v60, v5;
	[tilespmem:s5+$0x1AEA0] =	vst v25;
	v63 =	vadd.f32 v26, v62;
	v54 =	vmul.f32 v57, v46  }
0x307: {  	v8 =	vmul.f32 v38, v8;
	v7 =	vmul.f32 v30, v7;
	v9 =	vadd.f32 v10, v9;
	v55 =	vld [tilespmem:s31+$0x6850]  }
0x308: {  	v57 =	vld [tilespmem:s31+$0x7850];
	v24 =	vmul.f32 v61, v45;
	v5 =	vadd.f32 v53, v5;
	v56 =	vadd.f32 v54, v63  }
0x309: {  	v59 =	vmul.f32 v40, v14;
	v58 =	vmul.f32 v39, v13;
	v60 =	vld [tilespmem:s31+$0x8850]  }
0x30a: {  	v8 =	vadd.f32 v8, v9;
	v12 =	vmul.f32 v37, v12;
	v61 =	vld [tilespmem:s31+$0x9850];
	[tilespmem:s5+$0x1AF20] =	vst v5;
	v62 =	vadd.f32 v24, v56  }
0x30b: {  	v15 =	vmul.f32 v47, v15;
	v16 =	vmul.f32 v48, v16;
	v9 =	vadd.f32 v59, v58;
	v63 =	vld [tilespmem:s11+$0x6850]  }
0x30c: {  	v3 =	vadd.f32 v3, v4;
	v30 =	vmul.f32 v50, v18;
	v44 =	vmul.f32 v49, v17;
	v37 =	vld [tilespmem:s11+$0x7850];
	[tilespmem:s5+$0x1AFA0] =	vst v62  }
0x30d: {  	v39 =	vmul.f32 v33, v11;
	v47 =	vmul.f32 v52, v20;
	v38 =	vadd.f32 v12, v9;
	v40 =	vld [tilespmem:s18+$0x6850]  }
0x30e: {  	v7 =	vadd.f32 v7, v8;
	v50 =	vmul.f32 v42, v22;
	v49 =	vmul.f32 v51, v19;
	v48 =	vld [tilespmem:s18+$0x7850]  }
0x30f: {  	v6 =	vmul.f32 v6, v21;
	v24 =	vadd.f32 v16, v15;
	v8 =	vadd.f32 v39, v38;
	v51 =	vld [tilespmem:s11+$0x8850]  }
0x310: {  	v9 =	vadd.f32 v49, v47;
	v10 =	vmul.f32 v55, v32;
	v52 =	vmul.f32 v57, v34;
	v53 =	vld [tilespmem:s18+$0x8850]  }
0x311: {  	v54 =	vld [tilespmem:s11+$0x9850];
	v14 =	vmul.f32 v60, v31;
	v59 =	vmul.f32 v61, v27;
	v4 =	vadd.f32 v30, v24  }
0x312: {  	v9 =	vadd.f32 v50, v9;
	v56 =	vld [tilespmem:s18+$0x9850];
	v55 =	vmul.f32 v63, v35;
	v5 =	vmul.f32 v37, v36  }
0x313: {  	v10 =	vadd.f32 v52, v10;
	v11 =	vmul.f32 v40, v41;
	v57 =	vmul.f32 v48, v43  }
0x314: {  	[tilespmem:s5+$0x1AC30] =	vst v3;
	v4 =	vadd.f32 v44, v4;
	v58 =	vmul.f32 v51, v29;
	v5 =	vadd.f32 v5, v55  }
0x315: {  	[tilespmem:s5+$0x1ACB0] =	vst v7;
	v3 =	vadd.f32 v14, v10;
	v60 =	vmul.f32 v53, v46;
	v11 =	vadd.f32 v57, v11  }
0x316: {  	p0 =	slt.u32 s4, $0x18;
	[tilespmem:s5+$0x1AD30] =	vst v8;
	v6 =	vadd.f32 v6, v9;
	v61 =	vmul.f32 v54, v28;
	v5 =	vadd.f32 v58, v5  }
.Ltmp1:
0x317: {  	[tilespmem:s5+$0x1ADB0] =	vst v4;
	v3 =	vadd.f32 v59, v3;
	v63 =	vmul.f32 v56, v45;
	v62 =	vadd.f32 v60, v11;
	(pc) =	sbr.rel @p0 .LBB2_5-.Ltmp1, $4  }
0x318: {  	[tilespmem:s5+$0x1AE30] =	vst v6;
	v5 =	vadd.f32 v61, v5  }
0x319: {  	[tilespmem:s5+$0x1AEB0] =	vst v3;
	v3 =	vadd.f32 v63, v62  }
0x31a: {  	s31 =	sadd.s32 $0x8, s4;
	[tilespmem:s5+$0x1AF30] =	vst v5  }
0x31b: {  	s4 =	smov.u32 s31;
	[tilespmem:s5+$0x1AFB0] =	vst v3;
	s5 =	simm.s32 $0x0  }
.LBB2_6:
0x31c: {  	v3 =	vmov s5  }
0x31d: {  	v3 =	vand.u32 $0xFFFFFFF8, v3  }
0x31e: {  	v3 =	vbroadcast v3, $0x0;
	_ =	sdelay $0x2  }
0x31f: {  	s13 =	sshll.u32 s5, $0x7  }
0x320: {  	v7 =	vld [tilespmem:s13+$0xA800]  }
0x321: {  	v8 =	vld [tilespmem:s13+$0xB800]  }
0x322: {  	v4 =	vld.idx.msk [tilespmem:v3+s25+$0x0], $0xffff  }
0x323: {  	v5 =	vld.idx.msk [tilespmem:v3+s26+$0x0], $0xffff  }
0x324: {  	v9 =	vld [tilespmem:s13+$0xC800]  }
0x325: {  	v6 =	vld.idx.msk [tilespmem:v3+s28+$0x0], $0xffff  }
0x326: {  	v10 =	vld [tilespmem:s13+$0xD800]  }
0x327: {  	v3 =	vld.idx.msk [tilespmem:v3+s29+$0x0], $0xffff  }
0x328: {  	v7 =	vmul.f32 v7, v4;
	v8 =	vmul.f32 v8, v5;
	_ =	sdelay $0x1  }
0x329: {  	v25 =	vmul.f32 v9, v6;
	v7 =	vadd.f32 v8, v7;
	_ =	sdelay $0x1  }
0x32a: {  	s2 =	sshrl.u32 s5, $0x3;
	v26 =	vmul.f32 v10, v3;
	v7 =	vadd.f32 v25, v7  }
0x32b: {  	s2 =	smul.u32 $0x3000, s2  }
0x32c: {  	v7 =	vadd.f32 v26, v7  }
0x32d: {  	s4 =	sshra.s32 s2, $0x2  }
0x32e: {  	[tilespmem:s4+$0x1AC40] =	vst v7  }
0x32f: {  	v7 =	vld [tilespmem:s13+$0xA810]  }
0x330: {  	v27 =	vld [tilespmem:s13+$0xB810];
	_ =	sdelay $0x1  }
0x331: {  	v28 =	vld [tilespmem:s13+$0xC810];
	_ =	sdelay $0x1  }
0x332: {  	v29 =	vld [tilespmem:s13+$0xD810]  }
0x333: {  	v7 =	vmul.f32 v7, v4;
	v8 =	vmul.f32 v27, v5;
	_ =	sdelay $0x1  }
0x334: {  	s31 =	sor.u32 $0x1, s5;
	v30 =	vmul.f32 v28, v6;
	v7 =	vadd.f32 v8, v7  }
0x335: {  	v32 =	vmov s31  }
0x336: {  	s16 =	sshll.u32 s31, $0x7;
	v33 =	vand.u32 $0xFFFFFFF9, v32;
	v31 =	vmul.f32 v29, v3;
	v7 =	vadd.f32 v30, v7  }
0x337: {  	v14 =	vld [tilespmem:s16+$0xA800];
	v11 =	vbroadcast v33, $0x0  }
0x338: {  	v15 =	vld [tilespmem:s16+$0xB800];
	v7 =	vadd.f32 v31, v7  }
0x339: {  	v17 =	vld [tilespmem:s16+$0xC800]  }
0x33a: {  	v36 =	vld [tilespmem:s16+$0xD800];
	[tilespmem:s4+$0x1AC50] =	vst v7  }
0x33b: {  	v7 =	vld [tilespmem:s13+$0xA820]  }
0x33c: {  	v34 =	vld [tilespmem:s13+$0xB820]  }
0x33d: {  	v9 =	vld.idx.msk [tilespmem:v11+s25+$0x0], $0xffff  }
0x33e: {  	v10 =	vld.idx.msk [tilespmem:v11+s26+$0x0], $0xffff  }
0x33f: {  	s11 =	sor.u32 $0x2, s5;
	v12 =	vld [tilespmem:s13+$0xC820]  }
0x340: {  	v42 =	vmov s11;
	v8 =	vld.idx.msk [tilespmem:v11+s28+$0x0], $0xffff  }
0x341: {  	s11 =	sshll.u32 s11, $0x7;
	v44 =	vand.u32 $0xFFFFFFFA, v42;
	v13 =	vld [tilespmem:s13+$0xD820];
	v7 =	vmul.f32 v7, v4;
	v16 =	vmul.f32 v34, v5  }
0x342: {  	s17 =	sor.u32 $0x3, s5;
	v47 =	vld [tilespmem:s11+$0xA800];
	v18 =	vbroadcast v44, $0x0  }
0x343: {  	s2 =	sshll.u32 s17, $0x7;
	v14 =	vmul.f32 v14, v9;
	v15 =	vmul.f32 v15, v10;
	v16 =	vadd.f32 v16, v7;
	v7 =	vld.idx.msk [tilespmem:v11+s29+$0x0], $0xffff  }
0x344: {  	v49 =	vld [tilespmem:s2+$0xA800];
	v12 =	vmul.f32 v12, v6  }
0x345: {  	v50 =	vld [tilespmem:s2+$0xB800];
	v37 =	vadd.f32 v15, v14  }
0x346: {  	v25 =	vld [tilespmem:s11+$0xB800];
	v38 =	vmul.f32 v17, v8;
	v35 =	vmul.f32 v13, v3;
	v12 =	vadd.f32 v12, v16  }
0x347: {  	v26 =	vld [tilespmem:s11+$0xC800]  }
0x348: {  	v14 =	vld.idx.msk [tilespmem:v18+s26+$0x0], $0xffff;
	v39 =	vadd.f32 v38, v37;
	v11 =	vadd.f32 v35, v12;
	v40 =	vmul.f32 v36, v7  }
0x349: {  	v28 =	vld [tilespmem:s11+$0xD800]  }
0x34a: {  	v13 =	vld.idx.msk [tilespmem:v18+s25+$0x0], $0xffff;
	[tilespmem:s4+$0x1AC60] =	vst v11;
	v11 =	vadd.f32 v40, v39  }
0x34b: {  	v41 =	vld [tilespmem:s13+$0xA830]  }
0x34c: {  	v43 =	vld [tilespmem:s13+$0xB830];
	[tilespmem:s4+$0x1ACC0] =	vst v11  }
0x34d: {  	v46 =	vmov s17;
	v20 =	vld [tilespmem:s16+$0xA810]  }
0x34e: {  	v11 =	vand.u32 $0xFFFFFFFB, v46;
	v21 =	vld [tilespmem:s16+$0xB810]  }
0x34f: {  	v45 =	vld [tilespmem:s13+$0xC830];
	v24 =	vbroadcast v11, $0x0  }
0x350: {  	v22 =	vld [tilespmem:s16+$0xC810]  }
0x351: {  	v19 =	vld [tilespmem:s13+$0xD830]  }
0x352: {  	v23 =	vld [tilespmem:s16+$0xD810];
	v27 =	vmul.f32 v41, v4;
	v16 =	vmul.f32 v43, v5  }
0x353: {  	v12 =	vld.idx.msk [tilespmem:v18+s28+$0x0], $0xffff;
	v20 =	vmul.f32 v20, v9;
	v21 =	vmul.f32 v21, v10  }
0x354: {  	v11 =	vld.idx.msk [tilespmem:v18+s29+$0x0], $0xffff;
	v17 =	vmul.f32 v45, v6;
	v27 =	vadd.f32 v16, v27  }
0x355: {  	v48 =	vmul.f32 v22, v8;
	v15 =	vld.idx.msk [tilespmem:v24+s25+$0x0], $0xffff;
	v20 =	vadd.f32 v21, v20  }
0x356: {  	v25 =	vmul.f32 v25, v14;
	v19 =	vmul.f32 v19, v3;
	v16 =	vld.idx.msk [tilespmem:v24+s26+$0x0], $0xffff;
	v17 =	vadd.f32 v17, v27  }
0x357: {  	v29 =	vld [tilespmem:s2+$0xC800];
	v51 =	vmul.f32 v47, v13;
	v23 =	vmul.f32 v23, v7;
	v20 =	vadd.f32 v48, v20  }
0x358: {  	v18 =	vld.idx.msk [tilespmem:v24+s28+$0x0], $0xffff;
	v19 =	vadd.f32 v19, v17  }
0x359: {  	v54 =	vld [tilespmem:s2+$0xD800];
	v52 =	vmul.f32 v26, v12;
	v21 =	vadd.f32 v25, v51;
	v20 =	vadd.f32 v23, v20  }
0x35a: {  	v53 =	vmul.f32 v28, v11;
	v17 =	vld.idx.msk [tilespmem:v24+s29+$0x0], $0xffff;
	[tilespmem:s4+$0x1AC70] =	vst v19  }
0x35b: {  	v55 =	vadd.f32 v52, v21;
	v25 =	vld [tilespmem:s13+$0xA840];
	v56 =	vmul.f32 v49, v15;
	v57 =	vmul.f32 v50, v16;
	[tilespmem:s4+$0x1ACD0] =	vst v20  }
0x35c: {  	v58 =	vld [tilespmem:s16+$0xA820]  }
0x35d: {  	v19 =	vadd.f32 v53, v55;
	v61 =	vmul.f32 v29, v18;
	v60 =	vadd.f32 v57, v56;
	v59 =	vld [tilespmem:s16+$0xB820]  }
0x35e: {  	v62 =	vld [tilespmem:s16+$0xC820]  }
0x35f: {  	[tilespmem:s4+$0x1AD40] =	vst v19;
	v33 =	vmul.f32 v54, v17;
	v63 =	vld [tilespmem:s16+$0xD820];
	v32 =	vadd.f32 v61, v60  }
0x360: {  	v34 =	vld [tilespmem:s11+$0xA810]  }
0x361: {  	v35 =	vld [tilespmem:s11+$0xB810];
	v19 =	vadd.f32 v33, v32  }
0x362: {  	v38 =	vld [tilespmem:s11+$0xC810];
	v36 =	vmul.f32 v58, v9;
	v37 =	vmul.f32 v59, v10  }
0x363: {  	v39 =	vld [tilespmem:s11+$0xD810];
	[tilespmem:s4+$0x1ADC0] =	vst v19  }
0x364: {  	v41 =	vmul.f32 v62, v8;
	v42 =	vld [tilespmem:s2+$0xA810];
	v40 =	vadd.f32 v37, v36  }
0x365: {  	v43 =	vmul.f32 v63, v7;
	v44 =	vld [tilespmem:s2+$0xB810]  }
0x366: {  	v45 =	vld [tilespmem:s13+$0xB840];
	v46 =	vmul.f32 v34, v13;
	v47 =	vmul.f32 v35, v14;
	v19 =	vadd.f32 v41, v40  }
0x367: {  	v48 =	vld [tilespmem:s2+$0xC810]  }
0x368: {  	v30 =	vld [tilespmem:s13+$0xC840];
	v49 =	vmul.f32 v38, v12;
	v20 =	vadd.f32 v47, v46;
	v19 =	vadd.f32 v43, v19  }
0x369: {  	v50 =	vmul.f32 v39, v11;
	v51 =	vld [tilespmem:s2+$0xD810]  }
0x36a: {  	v52 =	vld [tilespmem:s13+$0xD840];
	v53 =	vadd.f32 v49, v20;
	v54 =	vmul.f32 v42, v15;
	v55 =	vmul.f32 v44, v16;
	[tilespmem:s4+$0x1ACE0] =	vst v19  }
0x36b: {  	v56 =	vld [tilespmem:s16+$0xA830]  }
0x36c: {  	v58 =	vmul.f32 v48, v18;
	v19 =	vadd.f32 v50, v53;
	v20 =	vadd.f32 v55, v54;
	v57 =	vld [tilespmem:s16+$0xB830]  }
0x36d: {  	v25 =	vmul.f32 v25, v4;
	v59 =	vld [tilespmem:s16+$0xC830]  }
0x36e: {  	v32 =	vmul.f32 v45, v5;
	v62 =	vmul.f32 v51, v17;
	v60 =	vld [tilespmem:s16+$0xD830];
	[tilespmem:s4+$0x1AD50] =	vst v19;
	v61 =	vadd.f32 v58, v20  }
0x36f: {  	v63 =	vld [tilespmem:s11+$0xA820]  }
0x370: {  	v25 =	vadd.f32 v32, v25;
	v35 =	vmul.f32 v30, v6;
	v33 =	vld [tilespmem:s11+$0xB820];
	v19 =	vadd.f32 v62, v61  }
0x371: {  	v34 =	vld [tilespmem:s11+$0xC820]  }
0x372: {  	s17 =	sor.u32 $0x4, s5;
	v37 =	vmul.f32 v52, v3;
	v25 =	vadd.f32 v35, v25;
	v36 =	vld [tilespmem:s11+$0xD820];
	[tilespmem:s4+$0x1ADD0] =	vst v19  }
0x373: {  	v50 =	vmov s17;
	v38 =	vld [tilespmem:s2+$0xA820]  }
0x374: {  	v52 =	vand.u32 $0xFFFFFFFC, v50;
	v19 =	vadd.f32 v37, v25;
	v40 =	vld [tilespmem:s2+$0xB820]  }
0x375: {  	v54 =	vbroadcast v52, $0x0;
	v31 =	vld [tilespmem:s2+$0xC820]  }
0x376: {  	v22 =	vmul.f32 v56, v9;
	v39 =	vmul.f32 v57, v10;
	v44 =	vld [tilespmem:s2+$0xD820];
	[tilespmem:s4+$0x1B000] =	vst v19  }
0x377: {  	v21 =	vmul.f32 v63, v13;
	v29 =	vmul.f32 v33, v14;
	v24 =	vld [tilespmem:s13+$0xA850]  }
0x378: {  	v23 =	vmul.f32 v59, v8;
	v22 =	vadd.f32 v39, v22;
	v26 =	vld [tilespmem:s13+$0xB850]  }
0x379: {  	v20 =	vmul.f32 v34, v12;
	v25 =	vld [tilespmem:s13+$0xC850];
	v21 =	vadd.f32 v29, v21  }
0x37a: {  	v42 =	vmul.f32 v60, v7;
	v43 =	vmul.f32 v36, v11;
	v41 =	vadd.f32 v23, v22;
	v23 =	vld [tilespmem:s13+$0xD850]  }
0x37b: {  	s13 =	sshll.u32 s17, $0x7;
	v22 =	vld.idx.msk [tilespmem:v54+s28+$0x0], $0xffff;
	v20 =	vadd.f32 v20, v21;
	v45 =	vmul.f32 v38, v15;
	v27 =	vmul.f32 v40, v16  }
0x37c: {  	v35 =	vld [tilespmem:s13+$0xA800];
	v19 =	vadd.f32 v42, v41  }
0x37d: {  	v36 =	vld [tilespmem:s13+$0xB800];
	v46 =	vmul.f32 v31, v18;
	v20 =	vadd.f32 v43, v20;
	v21 =	vadd.f32 v27, v45  }
0x37e: {  	v37 =	vld [tilespmem:s13+$0xC800];
	[tilespmem:s4+$0x1ACF0] =	vst v19  }
0x37f: {  	v48 =	vmul.f32 v44, v17;
	v27 =	vld [tilespmem:s16+$0xA840];
	[tilespmem:s4+$0x1AD60] =	vst v20;
	v47 =	vadd.f32 v46, v21  }
0x380: {  	v49 =	vld [tilespmem:s11+$0xA830]  }
0x381: {  	v51 =	vld [tilespmem:s11+$0xB830];
	v19 =	vadd.f32 v48, v47  }
0x382: {  	v53 =	vld [tilespmem:s11+$0xC830]  }
0x383: {  	v55 =	vld [tilespmem:s11+$0xD830];
	[tilespmem:s4+$0x1ADE0] =	vst v19  }
0x384: {  	v56 =	vld [tilespmem:s2+$0xA830]  }
0x385: {  	v32 =	vld [tilespmem:s2+$0xB830]  }
0x386: {  	v61 =	vld [tilespmem:s16+$0xB840];
	v21 =	vmul.f32 v49, v13;
	v28 =	vmul.f32 v51, v14  }
0x387: {  	v33 =	vld [tilespmem:s2+$0xC830]  }
0x388: {  	v40 =	vld [tilespmem:s16+$0xC840];
	v57 =	vmul.f32 v53, v12;
	v21 =	vadd.f32 v28, v21  }
0x389: {  	v34 =	vld [tilespmem:s2+$0xD830];
	v30 =	vmul.f32 v55, v11  }
0x38a: {  	v41 =	vld [tilespmem:s16+$0xD840];
	v31 =	vmul.f32 v56, v15;
	v32 =	vmul.f32 v32, v16;
	v28 =	vadd.f32 v57, v21  }
0x38b: {  	v20 =	vld.idx.msk [tilespmem:v54+s25+$0x0], $0xffff  }
0x38c: {  	v19 =	vld.idx.msk [tilespmem:v54+s26+$0x0], $0xffff;
	v59 =	vmul.f32 v33, v18;
	v58 =	vadd.f32 v32, v31;
	v28 =	vadd.f32 v30, v28  }
0x38d: {  	v27 =	vmul.f32 v27, v9;
	v21 =	vld.idx.msk [tilespmem:v54+s29+$0x0], $0xffff  }
0x38e: {  	v60 =	vld [tilespmem:s13+$0xD800];
	v42 =	vmul.f32 v34, v17;
	v33 =	vmul.f32 v61, v10;
	v29 =	vadd.f32 v59, v58;
	[tilespmem:s4+$0x1AD70] =	vst v28  }
0x38f: {  	v44 =	vld [tilespmem:s11+$0xA840]  }
0x390: {  	v52 =	vmul.f32 v40, v8;
	v27 =	vadd.f32 v33, v27;
	v45 =	vld [tilespmem:s11+$0xB840];
	v28 =	vadd.f32 v42, v29  }
0x391: {  	v62 =	vmul.f32 v35, v20;
	v63 =	vmul.f32 v36, v19;
	v48 =	vld [tilespmem:s11+$0xC840]  }
0x392: {  	v54 =	vmul.f32 v41, v7;
	v27 =	vadd.f32 v52, v27;
	v49 =	vld [tilespmem:s11+$0xD840];
	[tilespmem:s4+$0x1ADF0] =	vst v28  }
0x393: {  	v43 =	vmul.f32 v37, v22;
	v30 =	vadd.f32 v63, v62;
	v51 =	vld [tilespmem:s2+$0xA840]  }
0x394: {  	v27 =	vadd.f32 v54, v27;
	v53 =	vld [tilespmem:s2+$0xB840]  }
0x395: {  	v46 =	vadd.f32 v43, v30;
	v47 =	vmul.f32 v60, v21;
	v59 =	vld [tilespmem:s2+$0xC840]  }
0x396: {  	[tilespmem:s4+$0x1B080] =	vst v27;
	v63 =	vld [tilespmem:s2+$0xD840]  }
0x397: {  	v50 =	vadd.f32 v47, v46;
	v42 =	vld [tilespmem:s16+$0xA850]  }
0x398: {  	v38 =	vld [tilespmem:s16+$0xC850]  }
0x399: {  	[tilespmem:s4+$0x1AE40] =	vst v50;
	v30 =	vld [tilespmem:s16+$0xD850];
	v56 =	vmul.f32 v44, v13;
	v57 =	vmul.f32 v45, v14  }
0x39a: {  	v55 =	vld [tilespmem:s13+$0xA810]  }
0x39b: {  	v58 =	vld [tilespmem:s13+$0xB810];
	v61 =	vmul.f32 v48, v12;
	v60 =	vadd.f32 v57, v56  }
0x39c: {  	v62 =	vld [tilespmem:s13+$0xC810]  }
0x39d: {  	s18 =	sor.u32 $0x5, s5;
	v34 =	vmul.f32 v49, v11;
	v44 =	vld [tilespmem:s16+$0xB850];
	v48 =	vadd.f32 v61, v60  }
0x39e: {  	s31 =	sshll.u32 s18, $0x7;
	v49 =	vmul.f32 v51, v15;
	v50 =	vmul.f32 v53, v16;
	v51 =	vld [tilespmem:s13+$0xD810]  }
0x39f: {  	v27 =	vadd.f32 v34, v48;
	v48 =	vld [tilespmem:s31+$0xA800]  }
0x3a0: {  	v28 =	vadd.f32 v50, v49;
	v49 =	vld [tilespmem:s31+$0xB800]  }
0x3a1: {  	v50 =	vld [tilespmem:s31+$0xC800];
	[tilespmem:s4+$0x1B100] =	vst v27  }
0x3a2: {  	v39 =	vld [tilespmem:s11+$0xA850]  }
0x3a3: {  	v52 =	vmul.f32 v55, v20;
	v53 =	vmul.f32 v58, v19;
	v40 =	vld [tilespmem:s11+$0xB850]  }
0x3a4: {  	v54 =	vmul.f32 v59, v18;
	v37 =	vld [tilespmem:s11+$0xC850]  }
0x3a5: {  	s21 =	sor.u32 $0x6, s5;
	v32 =	vmul.f32 v62, v22;
	v31 =	vadd.f32 v53, v52;
	v33 =	vld [tilespmem:s11+$0xD850]  }
0x3a6: {  	v56 =	vmul.f32 v63, v17;
	v55 =	vadd.f32 v54, v28;
	v58 =	vmul.f32 v51, v21;
	v51 =	vld [tilespmem:s31+$0xD800];
	s11 =	sshll.u32 s21, $0x7  }
0x3a7: {  	v57 =	vadd.f32 v32, v31;
	v53 =	vld [tilespmem:s11+$0xA800]  }
0x3a8: {  	v59 =	vmov s18;
	v27 =	vadd.f32 v56, v55;
	v54 =	vld [tilespmem:s11+$0xB800]  }
0x3a9: {  	v28 =	vand.u32 $0xFFFFFFFD, v59;
	v55 =	vld [tilespmem:s11+$0xC800];
	v29 =	vadd.f32 v58, v57  }
0x3aa: {  	v60 =	vbroadcast v28, $0x0;
	v56 =	vld [tilespmem:s11+$0xD800];
	[tilespmem:s4+$0x1B180] =	vst v27  }
0x3ab: {  	v47 =	vld [tilespmem:s2+$0xA850];
	[tilespmem:s4+$0x1AE50] =	vst v29  }
0x3ac: {  	v61 =	vmov s21;
	v41 =	vld [tilespmem:s13+$0xA820]  }
0x3ad: {  	v28 =	vand.u32 $0xFFFFFFFE, v61;
	v43 =	vld [tilespmem:s13+$0xB820]  }
0x3ae: {  	v28 =	vbroadcast v28, $0x0;
	v45 =	vld [tilespmem:s13+$0xC820]  }
0x3af: {  	v46 =	vld [tilespmem:s13+$0xD820]  }
0x3b0: {  	v32 =	vld.idx.msk [tilespmem:v60+s25+$0x0], $0xffff  }
0x3b1: {  	v34 =	vld.idx.msk [tilespmem:v60+s26+$0x0], $0xffff  }
0x3b2: {  	s18 =	sor.u32 $0x7, s5;
	v31 =	vld.idx.msk [tilespmem:v60+s28+$0x0], $0xffff  }
0x3b3: {  	v52 =	vmov s18;
	v27 =	vld.idx.msk [tilespmem:v60+s29+$0x0], $0xffff  }
0x3b4: {  	v35 =	vld.idx.msk [tilespmem:v28+s25+$0x0], $0xffff  }
0x3b5: {  	v36 =	vld.idx.msk [tilespmem:v28+s26+$0x0], $0xffff  }
0x3b6: {  	v29 =	vld.idx.msk [tilespmem:v28+s28+$0x0], $0xffff  }
0x3b7: {  	v28 =	vld.idx.msk [tilespmem:v28+s29+$0x0], $0xffff  }
0x3b8: {  	v57 =	vmul.f32 v41, v20;
	v58 =	vmul.f32 v43, v19;
	v41 =	vld.idx.msk [tilespmem:v52+s25+$0x0], $0xffff  }
0x3b9: {  	s21 =	sshll.u32 s18, $0x7;
	v43 =	vld.idx.msk [tilespmem:v52+s26+$0x0], $0xffff;
	v48 =	vmul.f32 v48, v32;
	v49 =	vmul.f32 v49, v34  }
0x3ba: {  	v45 =	vmul.f32 v45, v22;
	v62 =	vmul.f32 v50, v31;
	v50 =	vld [tilespmem:s21+$0xB800];
	v57 =	vadd.f32 v58, v57  }
0x3bb: {  	v63 =	vmul.f32 v46, v21;
	v58 =	vld [tilespmem:s21+$0xA800];
	v48 =	vadd.f32 v49, v48  }
0x3bc: {  	v46 =	vld.idx.msk [tilespmem:v52+s28+$0x0], $0xffff;
	v60 =	vmul.f32 v53, v35;
	v61 =	vmul.f32 v54, v36;
	v45 =	vadd.f32 v45, v57  }
0x3bd: {  	v51 =	vmul.f32 v51, v27;
	v48 =	vadd.f32 v62, v48;
	v62 =	vld [tilespmem:s21+$0xC800]  }
0x3be: {  	v49 =	vadd.f32 v61, v60;
	v61 =	vld [tilespmem:s21+$0xD800];
	v57 =	vadd.f32 v63, v45  }
0x3bf: {  	v60 =	vmul.f32 v55, v29;
	v45 =	vld.idx.msk [tilespmem:v52+s29+$0x0], $0xffff;
	v51 =	vadd.f32 v51, v48  }
0x3c0: {  	v50 =	vmul.f32 v50, v43;
	v48 =	vld [tilespmem:s2+$0xB850];
	v63 =	vmul.f32 v58, v41;
	[tilespmem:s4+$0x1AE60] =	vst v57  }
0x3c1: {  	v49 =	vadd.f32 v60, v49;
	v58 =	vmul.f32 v56, v28;
	v57 =	vld [tilespmem:s13+$0xA830];
	[tilespmem:s4+$0x1AEC0] =	vst v51  }
0x3c2: {  	v50 =	vadd.f32 v50, v63;
	v59 =	vld [tilespmem:s31+$0xA810];
	v54 =	vmul.f32 v62, v46  }
0x3c3: {  	v49 =	vadd.f32 v58, v49;
	v62 =	vld [tilespmem:s31+$0xB810]  }
0x3c4: {  	v63 =	vld [tilespmem:s31+$0xC810];
	v53 =	vmul.f32 v61, v45;
	v50 =	vadd.f32 v54, v50  }
0x3c5: {  	v60 =	vld [tilespmem:s31+$0xD810];
	[tilespmem:s4+$0x1AF40] =	vst v49  }
0x3c6: {  	v49 =	vld [tilespmem:s11+$0xA810];
	v50 =	vadd.f32 v53, v50  }
0x3c7: {  	v61 =	vld [tilespmem:s11+$0xB810]  }
0x3c8: {  	v52 =	vmul.f32 v59, v32;
	v55 =	vmul.f32 v62, v34;
	v62 =	vld [tilespmem:s11+$0xC810];
	[tilespmem:s4+$0x1AFC0] =	vst v50  }
0x3c9: {  	v50 =	vld [tilespmem:s21+$0xA810]  }
0x3ca: {  	v51 =	vmul.f32 v63, v31;
	v52 =	vadd.f32 v55, v52;
	v63 =	vld [tilespmem:s21+$0xB810]  }
0x3cb: {  	v58 =	vld [tilespmem:s11+$0xD810];
	v54 =	vmul.f32 v60, v27  }
0x3cc: {  	v49 =	vmul.f32 v49, v35;
	v60 =	vmul.f32 v61, v36;
	v53 =	vld [tilespmem:s21+$0xC810];
	v51 =	vadd.f32 v51, v52  }
0x3cd: {  	v56 =	vld [tilespmem:s13+$0xC830]  }
0x3ce: {  	v49 =	vadd.f32 v60, v49;
	v52 =	vmul.f32 v62, v29;
	v51 =	vadd.f32 v54, v51;
	v54 =	vld [tilespmem:s21+$0xD810]  }
0x3cf: {  	v59 =	vld [tilespmem:s13+$0xB830];
	v50 =	vmul.f32 v50, v41;
	v55 =	vmul.f32 v63, v43  }
0x3d0: {  	v61 =	vmul.f32 v58, v28;
	v60 =	vld [tilespmem:s13+$0xD830];
	v49 =	vadd.f32 v52, v49;
	[tilespmem:s4+$0x1AED0] =	vst v51  }
0x3d1: {  	v53 =	vmul.f32 v53, v46;
	v52 =	vld [tilespmem:s31+$0xA820];
	v50 =	vadd.f32 v55, v50  }
0x3d2: {  	v55 =	vld [tilespmem:s31+$0xB820];
	v49 =	vadd.f32 v61, v49  }
0x3d3: {  	v51 =	vld [tilespmem:s31+$0xC820];
	v50 =	vadd.f32 v53, v50;
	v62 =	vmul.f32 v54, v45  }
0x3d4: {  	v54 =	vld [tilespmem:s31+$0xD820];
	[tilespmem:s4+$0x1AF50] =	vst v49  }
0x3d5: {  	v49 =	vld [tilespmem:s11+$0xA820];
	v50 =	vadd.f32 v62, v50  }
0x3d6: {  	v63 =	vmul.f32 v57, v20;
	v61 =	vmul.f32 v59, v19;
	v58 =	vld [tilespmem:s11+$0xB820]  }
0x3d7: {  	v59 =	vld [tilespmem:s11+$0xC820];
	v52 =	vmul.f32 v52, v32;
	v55 =	vmul.f32 v55, v34;
	[tilespmem:s4+$0x1AFD0] =	vst v50  }
0x3d8: {  	v62 =	vadd.f32 v61, v63;
	v63 =	vmul.f32 v56, v22;
	v56 =	vld [tilespmem:s21+$0xA820]  }
0x3d9: {  	v51 =	vmul.f32 v51, v31;
	v52 =	vadd.f32 v55, v52;
	v55 =	vld [tilespmem:s21+$0xB820]  }
0x3da: {  	v57 =	vmul.f32 v60, v21;
	v60 =	vld [tilespmem:s11+$0xD820];
	v53 =	vadd.f32 v63, v62;
	v54 =	vmul.f32 v54, v27  }
0x3db: {  	v49 =	vmul.f32 v49, v35;
	v61 =	vmul.f32 v58, v36;
	v58 =	vld [tilespmem:s21+$0xC820];
	v51 =	vadd.f32 v51, v52  }
0x3dc: {  	v50 =	vld [tilespmem:s2+$0xC850];
	v53 =	vadd.f32 v57, v53  }
0x3dd: {  	v62 =	vmul.f32 v59, v29;
	v57 =	vld [tilespmem:s21+$0xD820];
	v52 =	vadd.f32 v61, v49;
	v51 =	vadd.f32 v54, v51  }
0x3de: {  	v49 =	vld [tilespmem:s2+$0xD850];
	[tilespmem:s4+$0x1AE70] =	vst v53;
	v63 =	vmul.f32 v56, v41;
	v55 =	vmul.f32 v55, v43  }
0x3df: {  	v61 =	vmul.f32 v60, v28;
	v56 =	vld [tilespmem:s13+$0xA840];
	[tilespmem:s4+$0x1AEE0] =	vst v51;
	v51 =	vadd.f32 v62, v52  }
0x3e0: {  	v62 =	vmul.f32 v58, v46;
	v54 =	vld [tilespmem:s31+$0xA830];
	v53 =	vadd.f32 v55, v63  }
0x3e1: {  	v63 =	vld [tilespmem:s31+$0xB830];
	v51 =	vadd.f32 v61, v51  }
0x3e2: {  	v60 =	vld [tilespmem:s31+$0xC830];
	v61 =	vmul.f32 v57, v45;
	v53 =	vadd.f32 v62, v53  }
0x3e3: {  	v62 =	vld [tilespmem:s31+$0xD830];
	[tilespmem:s4+$0x1AF60] =	vst v51  }
0x3e4: {  	v51 =	vld [tilespmem:s11+$0xA830];
	v53 =	vadd.f32 v61, v53  }
0x3e5: {  	v55 =	vld [tilespmem:s11+$0xB830]  }
0x3e6: {  	v59 =	vld [tilespmem:s11+$0xC830];
	v54 =	vmul.f32 v54, v32;
	v58 =	vmul.f32 v63, v34;
	[tilespmem:s4+$0x1AFE0] =	vst v53  }
0x3e7: {  	v53 =	vld [tilespmem:s21+$0xA830]  }
0x3e8: {  	v52 =	vmul.f32 v60, v31;
	v54 =	vadd.f32 v58, v54;
	v58 =	vld [tilespmem:s21+$0xB830]  }
0x3e9: {  	v60 =	vld [tilespmem:s11+$0xD830];
	v57 =	vmul.f32 v62, v27  }
0x3ea: {  	v52 =	vadd.f32 v52, v54;
	v51 =	vmul.f32 v51, v35;
	v54 =	vmul.f32 v55, v36;
	v55 =	vld [tilespmem:s21+$0xC830]  }
0x3eb: {  	v61 =	vld [tilespmem:s13+$0xB840]  }
0x3ec: {  	v63 =	vmul.f32 v59, v29;
	v52 =	vadd.f32 v57, v52;
	v51 =	vadd.f32 v54, v51;
	v57 =	vld [tilespmem:s21+$0xD830]  }
0x3ed: {  	v59 =	vld [tilespmem:s13+$0xC840];
	v53 =	vmul.f32 v53, v41;
	v58 =	vmul.f32 v58, v43  }
0x3ee: {  	v62 =	vmul.f32 v60, v28;
	[tilespmem:s4+$0x1AEF0] =	vst v52;
	v51 =	vadd.f32 v63, v51;
	v52 =	vld [tilespmem:s13+$0xD840]  }
0x3ef: {  	v53 =	vadd.f32 v58, v53;
	v58 =	vld [tilespmem:s31+$0xA840];
	v55 =	vmul.f32 v55, v46  }
0x3f0: {  	v56 =	vmul.f32 v56, v20;
	v54 =	vld [tilespmem:s31+$0xB840];
	v51 =	vadd.f32 v62, v51  }
0x3f1: {  	v60 =	vmul.f32 v61, v19;
	v53 =	vadd.f32 v55, v53;
	v55 =	vld [tilespmem:s31+$0xC840];
	v57 =	vmul.f32 v57, v45  }
0x3f2: {  	[tilespmem:s4+$0x1AF70] =	vst v51;
	v51 =	vld [tilespmem:s31+$0xD840]  }
0x3f3: {  	v56 =	vadd.f32 v60, v56;
	v59 =	vmul.f32 v59, v22;
	v60 =	vld [tilespmem:s11+$0xA840];
	v53 =	vadd.f32 v57, v53  }
0x3f4: {  	v57 =	vld [tilespmem:s11+$0xB840]  }
0x3f5: {  	v4 =	vmul.f32 v24, v4;
	v56 =	vadd.f32 v59, v56;
	v52 =	vmul.f32 v52, v21;
	v59 =	vld [tilespmem:s11+$0xC840];
	[tilespmem:s4+$0x1AFF0] =	vst v53  }
0x3f6: {  	v63 =	vmul.f32 v58, v32;
	v54 =	vmul.f32 v54, v34;
	v58 =	vld [tilespmem:s21+$0xA840]  }
0x3f7: {  	v5 =	vmul.f32 v26, v5;
	v6 =	vmul.f32 v25, v6;
	v56 =	vadd.f32 v52, v56;
	v26 =	vld [tilespmem:s21+$0xB840]  }
0x3f8: {  	v3 =	vmul.f32 v23, v3;
	v53 =	vld [tilespmem:s11+$0xD840];
	v25 =	vadd.f32 v54, v63;
	v61 =	vmul.f32 v55, v31  }
0x3f9: {  	[tilespmem:s4+$0x1B200] =	vst v56;
	v62 =	vmul.f32 v60, v35;
	v63 =	vmul.f32 v57, v36;
	v57 =	vld [tilespmem:s21+$0xC840]  }
0x3fa: {  	v4 =	vadd.f32 v5, v4;
	v51 =	vmul.f32 v51, v27;
	v25 =	vadd.f32 v61, v25;
	v52 =	vld [tilespmem:s13+$0xA850]  }
0x3fb: {  	v9 =	vmul.f32 v42, v9;
	v60 =	vmul.f32 v59, v29;
	v61 =	vld [tilespmem:s21+$0xD840];
	v5 =	vadd.f32 v63, v62  }
0x3fc: {  	v42 =	vld [tilespmem:s13+$0xC850];
	v25 =	vadd.f32 v51, v25;
	v62 =	vmul.f32 v58, v41;
	v26 =	vmul.f32 v26, v43  }
0x3fd: {  	v4 =	vadd.f32 v6, v4;
	v10 =	vmul.f32 v44, v10;
	v6 =	vld [tilespmem:s13+$0xD850];
	v53 =	vmul.f32 v53, v28  }
0x3fe: {  	v51 =	vld [tilespmem:s13+$0xB850];
	v5 =	vadd.f32 v60, v5;
	[tilespmem:s4+$0x1B280] =	vst v25;
	v63 =	vadd.f32 v26, v62;
	v54 =	vmul.f32 v57, v46  }
0x3ff: {  	v8 =	vmul.f32 v38, v8;
	v7 =	vmul.f32 v30, v7;
	v9 =	vadd.f32 v10, v9;
	v55 =	vld [tilespmem:s31+$0xA850]  }
0x400: {  	v57 =	vld [tilespmem:s31+$0xB850];
	v24 =	vmul.f32 v61, v45;
	v5 =	vadd.f32 v53, v5;
	v56 =	vadd.f32 v54, v63  }
0x401: {  	v59 =	vmul.f32 v40, v14;
	v58 =	vmul.f32 v39, v13;
	v60 =	vld [tilespmem:s31+$0xC850]  }
0x402: {  	v8 =	vadd.f32 v8, v9;
	v12 =	vmul.f32 v37, v12;
	v61 =	vld [tilespmem:s31+$0xD850];
	[tilespmem:s4+$0x1B300] =	vst v5;
	v62 =	vadd.f32 v24, v56  }
0x403: {  	v15 =	vmul.f32 v47, v15;
	v16 =	vmul.f32 v48, v16;
	v9 =	vadd.f32 v59, v58;
	v63 =	vld [tilespmem:s11+$0xA850]  }
0x404: {  	v3 =	vadd.f32 v3, v4;
	v30 =	vmul.f32 v50, v18;
	v44 =	vmul.f32 v49, v17;
	v37 =	vld [tilespmem:s11+$0xB850];
	[tilespmem:s4+$0x1B380] =	vst v62  }
0x405: {  	v39 =	vmul.f32 v33, v11;
	v47 =	vmul.f32 v52, v20;
	v38 =	vadd.f32 v12, v9;
	v40 =	vld [tilespmem:s21+$0xA850]  }
0x406: {  	v7 =	vadd.f32 v7, v8;
	v50 =	vmul.f32 v42, v22;
	v49 =	vmul.f32 v51, v19;
	v48 =	vld [tilespmem:s21+$0xB850]  }
0x407: {  	v6 =	vmul.f32 v6, v21;
	v24 =	vadd.f32 v16, v15;
	v8 =	vadd.f32 v39, v38;
	v51 =	vld [tilespmem:s11+$0xC850]  }
0x408: {  	v9 =	vadd.f32 v49, v47;
	v10 =	vmul.f32 v55, v32;
	v52 =	vmul.f32 v57, v34;
	v53 =	vld [tilespmem:s21+$0xC850]  }
0x409: {  	v54 =	vld [tilespmem:s11+$0xD850];
	v14 =	vmul.f32 v60, v31;
	v59 =	vmul.f32 v61, v27;
	v4 =	vadd.f32 v30, v24  }
0x40a: {  	v9 =	vadd.f32 v50, v9;
	v56 =	vld [tilespmem:s21+$0xD850];
	v55 =	vmul.f32 v63, v35;
	v5 =	vmul.f32 v37, v36  }
0x40b: {  	v10 =	vadd.f32 v52, v10;
	v11 =	vmul.f32 v40, v41;
	v57 =	vmul.f32 v48, v43  }
0x40c: {  	[tilespmem:s4+$0x1B010] =	vst v3;
	v4 =	vadd.f32 v44, v4;
	v58 =	vmul.f32 v51, v29;
	v5 =	vadd.f32 v5, v55  }
0x40d: {  	[tilespmem:s4+$0x1B090] =	vst v7;
	v3 =	vadd.f32 v14, v10;
	v60 =	vmul.f32 v53, v46;
	v11 =	vadd.f32 v57, v11  }
0x40e: {  	p0 =	slt.u32 s5, $0x18;
	[tilespmem:s4+$0x1B110] =	vst v8;
	v6 =	vadd.f32 v6, v9;
	v61 =	vmul.f32 v54, v28;
	v5 =	vadd.f32 v58, v5  }
.Ltmp2:
0x40f: {  	[tilespmem:s4+$0x1B190] =	vst v4;
	v3 =	vadd.f32 v59, v3;
	v63 =	vmul.f32 v56, v45;
	v62 =	vadd.f32 v60, v11;
	(pc) =	sbr.rel @p0 .LBB2_6-.Ltmp2, $4  }
0x410: {  	[tilespmem:s4+$0x1B210] =	vst v6;
	v5 =	vadd.f32 v61, v5  }
0x411: {  	[tilespmem:s4+$0x1B290] =	vst v3;
	v3 =	vadd.f32 v63, v62  }
0x412: {  	s31 =	sadd.s32 $0x8, s5;
	[tilespmem:s4+$0x1B310] =	vst v5  }
0x413: {  	s5 =	smov.u32 s31;
	[tilespmem:s4+$0x1B390] =	vst v3  }
0x414: {  	s2 =	rddreg [dreg:$0x7]  }
0x415: {  	s5 =	rddreg [dreg:$0xd]  }
0x416: {  	s2 =	sor.u32 s2, s5  }
0x417: {  	s2 =	sshrl.u32 s2, $0x3  }
0x418: {  	s2 =	smul.u32 $0x180, s2  }
0x419: {  	s4 =	rddreg [dreg:$0x5];
	s17 =	simm.s32 $0x0  }
0x41a: {  	s21 =	simm.s32 $0x1A800;
	s18 =	simm.s32 $0x3;
	s2 =	sadd.s32 s4, s2  }
0x41b: {  	[hbm4b:s2+s17] =	stream.linear.scatter [tilespmem:s21], [sflag:$0x3], $0x3000, $0x38;
	[tilespmem:$0x1D800] =	vst v63  }
0x41c: {  	_ =	swait.ge [sflag:s18], $0x3000  }
0x41d: {  	s31 =	rddreg [dreg:$0xb]  }
0x41e: {  	p0 =	seq.s32 s31, $0x1F  }
.Ltmp3:
0x41f: {  	_ = 	snop;
	(pc) =	sbr.rel @p0 .LBB2_9-.Ltmp3, $3  }
0x420: {  	_ =	sdelay $0x1  }
0x421: {  	[sflag:s18] =	ssyncset.done $0x0  }
0x422: {  	[sflag:s18] =	ssyncadd.s32 $0xFFFFD000  }
0x423: {  	v3 =	vld [tilespmem:s5+$0x40]  }
0x424: {  	v4 =	vld [tilespmem:s5+$0x840];
	_ =	sdelay $0x4  }
0x425: {  	v3 =	vmul.f32 $2.230000000e+02, v3;
	v4 =	vmul.f32 $2.230000000e+02, v4;
	_ =	sdelay $0x1  }
0x426: {  	v5 =	vtrunc.f32 v3;
	v6 =	vtrunc.f32 v4  }
0x427: {  	v5 =	vcvt.f32.s32 v5;
	v6 =	vcvt.f32.s32 v6;
	_ =	sdelay $0x1  }
0x428: {  	vm0 =	vlt.s32 v5, $0xDE;
	vm1 =	vlt.s32 v6, $0xDE  }
0x429: {  	v5 =	vnsel vm0, $0xDE, v5;
	v6 =	vnsel vm1, $0xDE, v6  }
0x42a: {  	v7 =	vcvt.s32.f32 v5;
	v8 =	vcvt.s32.f32 v6  }
0x42b: {  	v6 =	vmul.u32 $0xE0, v6  }
0x42c: {  	v5 =	vadd.s32 v0, v5;
	v3 =	vsub.f32 v3, v7;
	v4 =	vsub.f32 v4, v8  }
0x42d: {  	v5 =	vadd.s32 v6, v5  }
0x42e: {  	[tilespmem:$0x1000] =	vst v5;
	v6 =	vadd.s32 $0x1, v5;
	v7 =	vsub.f32 $1.000000000e+00, v3;
	v8 =	vsub.f32 $1.000000000e+00, v4  }
0x42f: {  	v15 =	vadd.s32 $0xE0, v5;
	[tilespmem:$0x1080] =	vst v6  }
0x430: {  	v5 =	vadd.s32 $0xE1, v5;
	[tilespmem:$0x1100] =	vst v15;
	v16 =	vmul.f32 v8, v7  }
0x431: {  	[tilespmem:$0x1180] =	vst v5;
	v17 =	vmul.f32 v8, v3  }
0x432: {  	v18 =	vmul.f32 v4, v7;
	[tilespmem:$0x1C00] =	vst v16  }
0x433: {  	v3 =	vmul.f32 v4, v3;
	[tilespmem:$0x1C80] =	vst v17  }
0x434: {  	[tilespmem:$0x1D00] =	vst v18  }
0x435: {  	[tilespmem:$0x1D80] =	vst v3  }
0x436: {  	v3 =	vld [tilespmem:s5+$0x50]  }
0x437: {  	v19 =	vld [tilespmem:s5+$0x850];
	_ =	sdelay $0x4  }
0x438: {  	v3 =	vmul.f32 $2.230000000e+02, v3;
	v4 =	vmul.f32 $2.230000000e+02, v19;
	_ =	sdelay $0x1  }
0x439: {  	v20 =	vtrunc.f32 v3;
	v21 =	vtrunc.f32 v4  }
0x43a: {  	v5 =	vcvt.f32.s32 v20;
	v6 =	vcvt.f32.s32 v21;
	_ =	sdelay $0x1  }
0x43b: {  	vm6 =	vlt.s32 v5, $0xDE;
	vm7 =	vlt.s32 v6, $0xDE  }
0x43c: {  	v5 =	vnsel vm6, $0xDE, v5;
	v6 =	vnsel vm7, $0xDE, v6  }
0x43d: {  	v22 =	vcvt.s32.f32 v5;
	v23 =	vcvt.s32.f32 v6  }
0x43e: {  	v6 =	vmul.u32 $0xE0, v6  }
0x43f: {  	v5 =	vadd.s32 v0, v5;
	v3 =	vsub.f32 v3, v22;
	v4 =	vsub.f32 v4, v23  }
0x440: {  	v5 =	vadd.s32 v6, v5  }
0x441: {  	[tilespmem:$0x1010] =	vst v5;
	v6 =	vadd.s32 $0x1, v5;
	v7 =	vsub.f32 $1.000000000e+00, v3;
	v8 =	vsub.f32 $1.000000000e+00, v4  }
0x442: {  	v24 =	vadd.s32 $0xE0, v5;
	[tilespmem:$0x1090] =	vst v6  }
0x443: {  	v5 =	vadd.s32 $0xE1, v5;
	[tilespmem:$0x1110] =	vst v24;
	v25 =	vmul.f32 v8, v7  }
0x444: {  	[tilespmem:$0x1190] =	vst v5;
	v26 =	vmul.f32 v8, v3  }
0x445: {  	v27 =	vmul.f32 v4, v7;
	[tilespmem:$0x1C10] =	vst v25  }
0x446: {  	v3 =	vmul.f32 v4, v3;
	[tilespmem:$0x1C90] =	vst v26  }
0x447: {  	[tilespmem:$0x1D10] =	vst v27  }
0x448: {  	[tilespmem:$0x1D90] =	vst v3  }
0x449: {  	v3 =	vld [tilespmem:s5+$0x40]  }
0x44a: {  	v28 =	vld [tilespmem:s5+$0x840];
	_ =	sdelay $0x4  }
0x44b: {  	v3 =	vmul.f32 $1.110000000e+02, v3;
	v4 =	vmul.f32 $1.110000000e+02, v28;
	_ =	sdelay $0x1  }
0x44c: {  	v29 =	vtrunc.f32 v3;
	v30 =	vtrunc.f32 v4  }
0x44d: {  	v5 =	vcvt.f32.s32 v29;
	v6 =	vcvt.f32.s32 v30;
	_ =	sdelay $0x1  }
0x44e: {  	vm8 =	vlt.s32 v5, $0x6E;
	vm9 =	vlt.s32 v6, $0x6E  }
0x44f: {  	v5 =	vnsel vm8, $0x6E, v5;
	v6 =	vnsel vm9, $0x6E, v6  }
0x450: {  	v31 =	vcvt.s32.f32 v5;
	v32 =	vcvt.s32.f32 v6  }
0x451: {  	v6 =	vmul.u32 $0x70, v6  }
0x452: {  	v5 =	vadd.s32 v1, v5;
	v3 =	vsub.f32 v3, v31;
	v4 =	vsub.f32 v4, v32  }
0x453: {  	v5 =	vadd.s32 v6, v5  }
0x454: {  	[tilespmem:$0x1200] =	vst v5;
	v6 =	vadd.s32 $0x1, v5;
	v7 =	vsub.f32 $1.000000000e+00, v3;
	v8 =	vsub.f32 $1.000000000e+00, v4  }
0x455: {  	v33 =	vadd.s32 $0x70, v5;
	[tilespmem:$0x1280] =	vst v6  }
0x456: {  	v5 =	vadd.s32 $0x71, v5;
	[tilespmem:$0x1300] =	vst v33;
	v34 =	vmul.f32 v8, v7  }
0x457: {  	[tilespmem:$0x1380] =	vst v5;
	v35 =	vmul.f32 v8, v3  }
0x458: {  	v36 =	vmul.f32 v4, v7;
	[tilespmem:$0x1E00] =	vst v34  }
0x459: {  	v3 =	vmul.f32 v4, v3;
	[tilespmem:$0x1E80] =	vst v35  }
0x45a: {  	[tilespmem:$0x1F00] =	vst v36  }
0x45b: {  	[tilespmem:$0x1F80] =	vst v3  }
0x45c: {  	v3 =	vld [tilespmem:s5+$0x50]  }
0x45d: {  	v37 =	vld [tilespmem:s5+$0x850];
	_ =	sdelay $0x4  }
0x45e: {  	v3 =	vmul.f32 $1.110000000e+02, v3;
	v4 =	vmul.f32 $1.110000000e+02, v37;
	_ =	sdelay $0x1  }
0x45f: {  	v38 =	vtrunc.f32 v3;
	v39 =	vtrunc.f32 v4  }
0x460: {  	v5 =	vcvt.f32.s32 v38;
	v6 =	vcvt.f32.s32 v39;
	_ =	sdelay $0x1  }
0x461: {  	vm10 =	vlt.s32 v5, $0x6E;
	vm11 =	vlt.s32 v6, $0x6E  }
0x462: {  	v5 =	vnsel vm10, $0x6E, v5;
	v6 =	vnsel vm11, $0x6E, v6  }
0x463: {  	v40 =	vcvt.s32.f32 v5;
	v41 =	vcvt.s32.f32 v6  }
0x464: {  	v6 =	vmul.u32 $0x70, v6  }
0x465: {  	v5 =	vadd.s32 v1, v5;
	v3 =	vsub.f32 v3, v40;
	v4 =	vsub.f32 v4, v41  }
0x466: {  	v5 =	vadd.s32 v6, v5  }
0x467: {  	[tilespmem:$0x1210] =	vst v5;
	v6 =	vadd.s32 $0x1, v5;
	v7 =	vsub.f32 $1.000000000e+00, v3;
	v8 =	vsub.f32 $1.000000000e+00, v4  }
0x468: {  	v42 =	vadd.s32 $0x70, v5;
	[tilespmem:$0x1290] =	vst v6  }
0x469: {  	v5 =	vadd.s32 $0x71, v5;
	[tilespmem:$0x1310] =	vst v42;
	v43 =	vmul.f32 v8, v7  }
0x46a: {  	[tilespmem:$0x1390] =	vst v5;
	v44 =	vmul.f32 v8, v3  }
0x46b: {  	v45 =	vmul.f32 v4, v7;
	[tilespmem:$0x1E10] =	vst v43  }
0x46c: {  	v3 =	vmul.f32 v4, v3;
	[tilespmem:$0x1E90] =	vst v44  }
0x46d: {  	[tilespmem:$0x1F10] =	vst v45  }
0x46e: {  	[tilespmem:$0x1F90] =	vst v3  }
0x46f: {  	v3 =	vld [tilespmem:s5+$0x40]  }
0x470: {  	v46 =	vld [tilespmem:s5+$0x840];
	_ =	sdelay $0x4  }
0x471: {  	v3 =	vmul.f32 $5.500000000e+01, v3;
	v4 =	vmul.f32 $5.500000000e+01, v46;
	_ =	sdelay $0x1  }
0x472: {  	v47 =	vtrunc.f32 v3;
	v48 =	vtrunc.f32 v4  }
0x473: {  	v5 =	vcvt.f32.s32 v47;
	v6 =	vcvt.f32.s32 v48;
	_ =	sdelay $0x1  }
0x474: {  	vm12 =	vlt.s32 v5, $0x36;
	vm13 =	vlt.s32 v6, $0x36  }
0x475: {  	v5 =	vnsel vm12, $0x36, v5;
	v6 =	vnsel vm13, $0x36, v6  }
0x476: {  	v49 =	vcvt.s32.f32 v5;
	v50 =	vcvt.s32.f32 v6  }
0x477: {  	v6 =	vmul.u32 $0x38, v6  }
0x478: {  	v5 =	vadd.s32 v2, v5;
	v3 =	vsub.f32 v3, v49;
	v4 =	vsub.f32 v4, v50  }
0x479: {  	v5 =	vadd.s32 v6, v5  }
0x47a: {  	[tilespmem:$0x1400] =	vst v5;
	v6 =	vadd.s32 $0x1, v5;
	v7 =	vsub.f32 $1.000000000e+00, v3;
	v8 =	vsub.f32 $1.000000000e+00, v4  }
0x47b: {  	v51 =	vadd.s32 $0x38, v5;
	[tilespmem:$0x1480] =	vst v6  }
0x47c: {  	v5 =	vadd.s32 $0x39, v5;
	[tilespmem:$0x1500] =	vst v51;
	v52 =	vmul.f32 v8, v7  }
0x47d: {  	[tilespmem:$0x1580] =	vst v5;
	v53 =	vmul.f32 v8, v3  }
0x47e: {  	v54 =	vmul.f32 v4, v7;
	[tilespmem:$0x2000] =	vst v52  }
0x47f: {  	v3 =	vmul.f32 v4, v3;
	[tilespmem:$0x2080] =	vst v53  }
0x480: {  	[tilespmem:$0x2100] =	vst v54  }
0x481: {  	[tilespmem:$0x2180] =	vst v3  }
0x482: {  	v3 =	vld [tilespmem:s5+$0x50]  }
0x483: {  	v55 =	vld [tilespmem:s5+$0x850];
	_ =	sdelay $0x4  }
0x484: {  	v3 =	vmul.f32 $5.500000000e+01, v3;
	v4 =	vmul.f32 $5.500000000e+01, v55;
	_ =	sdelay $0x1  }
0x485: {  	v56 =	vtrunc.f32 v3;
	v57 =	vtrunc.f32 v4  }
0x486: {  	v5 =	vcvt.f32.s32 v56;
	v6 =	vcvt.f32.s32 v57;
	_ =	sdelay $0x1  }
0x487: {  	vm14 =	vlt.s32 v5, $0x36;
	vm15 =	vlt.s32 v6, $0x36  }
0x488: {  	v5 =	vnsel vm14, $0x36, v5;
	v6 =	vnsel vm15, $0x36, v6  }
0x489: {  	v58 =	vcvt.s32.f32 v5;
	v59 =	vcvt.s32.f32 v6  }
0x48a: {  	v6 =	vmul.u32 $0x38, v6  }
0x48b: {  	v5 =	vadd.s32 v2, v5;
	v3 =	vsub.f32 v3, v58;
	v4 =	vsub.f32 v4, v59  }
0x48c: {  	v5 =	vadd.s32 v6, v5  }
0x48d: {  	[tilespmem:$0x1410] =	vst v5;
	v6 =	vadd.s32 $0x1, v5;
	v7 =	vsub.f32 $1.000000000e+00, v3;
	v8 =	vsub.f32 $1.000000000e+00, v4  }
0x48e: {  	v60 =	vadd.s32 $0x38, v5;
	[tilespmem:$0x1490] =	vst v6  }
0x48f: {  	v5 =	vadd.s32 $0x39, v5;
	[tilespmem:$0x1510] =	vst v60;
	v61 =	vmul.f32 v8, v7  }
0x490: {  	[tilespmem:$0x1590] =	vst v5;
	v62 =	vmul.f32 v8, v3  }
0x491: {  	v63 =	vmul.f32 v4, v7;
	[tilespmem:$0x2010] =	vst v61  }
0x492: {  	v3 =	vmul.f32 v4, v3;
	[tilespmem:$0x2090] =	vst v62  }
0x493: {  	s2 =	rddreg [dreg:$0x3];
	[tilespmem:$0x2110] =	vst v63  }
0x494: {  	s4 =	simm.s32 $0x20;
	s13 =	simm.s32 $0x1000;
	s11 =	simm.s32 $0x2800;
	[tilespmem:$0x2190] =	vst v3  }
0x495: {  	[tilespmem:s11], [sflag:$0x1] =	stream.indirect.gather [hbm4b:s2+s4], $0x80, s13, s4, $0xb8;
	[tilespmem:$0x1D800] =	vst v63  }
0x496: {  	s16 =	simm.s32 $0x1080;
	s17 =	simm.s32 $0x3800  }
0x497: {  	[tilespmem:s17], [sflag:$0x1] =	stream.indirect.gather [hbm4b:s2+s4], $0x80, s16, s4, $0xb8;
	[tilespmem:$0x1D800] =	vst v63  }
0x498: {  	s18 =	simm.s32 $0x1100;
	s31 =	simm.s32 $0x4800  }
0x499: {  	[tilespmem:s31], [sflag:$0x1] =	stream.indirect.gather [hbm4b:s2+s4], $0x80, s18, s4, $0xb8;
	[tilespmem:$0x1D800] =	vst v63  }
0x49a: {  	s11 =	simm.s32 $0x1180;
	s13 =	simm.s32 $0x5800  }
0x49b: {  	[tilespmem:s13], [sflag:$0x1] =	stream.indirect.gather [hbm4b:s2+s4], $0x80, s11, s4, $0xb8;
	[tilespmem:$0x1D800] =	vst v63  }
0x49c: {  	s16 =	simm.s32 $0x1200;
	s17 =	simm.s32 $0x6800;
	s2 =	rddreg [dreg:$0x4]  }
0x49d: {  	[tilespmem:s17], [sflag:$0x1] =	stream.indirect.gather [hbm4b:s2+s4], $0x80, s16, s4, $0xb8;
	[tilespmem:$0x1D800] =	vst v63  }
0x49e: {  	s18 =	simm.s32 $0x1280;
	s31 =	simm.s32 $0x7800  }
0x49f: {  	[tilespmem:s31], [sflag:$0x1] =	stream.indirect.gather [hbm4b:s2+s4], $0x80, s18, s4, $0xb8;
	[tilespmem:$0x1D800] =	vst v63  }
0x4a0: {  	s11 =	simm.s32 $0x1300;
	s13 =	simm.s32 $0x8800  }
0x4a1: {  	[tilespmem:s13], [sflag:$0x1] =	stream.indirect.gather [hbm4b:s2+s4], $0x80, s11, s4, $0xb8;
	[tilespmem:$0x1D800] =	vst v63  }
0x4a2: {  	s16 =	simm.s32 $0x1380;
	s17 =	simm.s32 $0x9800  }
0x4a3: {  	[tilespmem:s17], [sflag:$0x1] =	stream.indirect.gather [hbm4b:s2+s4], $0x80, s16, s4, $0xb8;
	[tilespmem:$0x1D800] =	vst v63  }
0x4a4: {  	s18 =	simm.s32 $0x1400;
	s31 =	simm.s32 $0xA800;
	s2 =	rddreg [dreg:$0x1]  }
0x4a5: {  	[tilespmem:s31], [sflag:$0x1] =	stream.indirect.gather [hbm4b:s2+s4], $0x80, s18, s4, $0xb8;
	[tilespmem:$0x1D800] =	vst v63  }
0x4a6: {  	s11 =	simm.s32 $0x1480;
	s13 =	simm.s32 $0xB800  }
0x4a7: {  	[tilespmem:s13], [sflag:$0x1] =	stream.indirect.gather [hbm4b:s2+s4], $0x80, s11, s4, $0xb8;
	[tilespmem:$0x1D800] =	vst v63  }
0x4a8: {  	s16 =	simm.s32 $0x1500;
	s17 =	simm.s32 $0xC800  }
0x4a9: {  	[tilespmem:s17], [sflag:$0x1] =	stream.indirect.gather [hbm4b:s2+s4], $0x80, s16, s4, $0xb8;
	[tilespmem:$0x1D800] =	vst v63  }
0x4aa: {  	s18 =	simm.s32 $0x1580;
	s31 =	simm.s32 $0xD800  }
0x4ab: {  	[tilespmem:s31], [sflag:$0x1] =	stream.indirect.gather [hbm4b:s2+s4], $0x80, s18, s4, $0xb8;
	[tilespmem:$0x1D800] =	vst v63  }
.LBB2_9:
0x4ac: {  	s2 =	simm.s32 $0x2  }
0x4ad: {  	_ =	swait.ge [sflag:s2], $0x1000  }
0x4ae: {  	[sflag:s2] =	ssyncset.done $0x0  }
0x4af: {  	[sflag:s2] =	ssyncadd.s32 $0xFFFFF000  }
0x4b0: {  	_ =	swait.ge [sflag:s2], $0x1000  }
0x4b1: {  	[sflag:s2] =	ssyncset.done $0x0  }
0x4b2: {  	[sflag:s2] =	ssyncadd.s32 $0xFFFFF000  }
0x4b3: {  	_ =	swait.ge [sflag:s2], $0x1000  }
0x4b4: {  	[sflag:s2] =	ssyncset.done $0x0  }
0x4b5: {  	[sflag:s2] =	ssyncadd.s32 $0xFFFFF000  }
0x4b6: {  	_ =	swait.ge [sflag:s2], $0x1000  }
0x4b7: {  	[sflag:s2] =	ssyncset.done $0x0  }
0x4b8: {  	[sflag:s2] =	ssyncadd.s32 $0xFFFFF000  }
0x4b9: {  	_ =	swait.ge [sflag:s2], $0x1000  }
0x4ba: {  	[sflag:s2] =	ssyncset.done $0x0  }
0x4bb: {  	[sflag:s2] =	ssyncadd.s32 $0xFFFFF000  }
0x4bc: {  	_ =	swait.ge [sflag:s2], $0x1000  }
0x4bd: {  	[sflag:s2] =	ssyncset.done $0x0  }
0x4be: {  	[sflag:s2] =	ssyncadd.s32 $0xFFFFF000  }
0x4bf: {  	_ =	swait.ge [sflag:s2], $0x1000  }
0x4c0: {  	[sflag:s2] =	ssyncset.done $0x0  }
0x4c1: {  	[sflag:s2] =	ssyncadd.s32 $0xFFFFF000  }
0x4c2: {  	_ =	swait.ge [sflag:s2], $0x1000  }
0x4c3: {  	[sflag:s2] =	ssyncset.done $0x0  }
0x4c4: {  	[sflag:s2] =	ssyncadd.s32 $0xFFFFF000  }
0x4c5: {  	_ =	swait.ge [sflag:s2], $0x1000  }
0x4c6: {  	[sflag:s2] =	ssyncset.done $0x0  }
0x4c7: {  	[sflag:s2] =	ssyncadd.s32 $0xFFFFF000  }
0x4c8: {  	_ =	swait.ge [sflag:s2], $0x1000  }
0x4c9: {  	[sflag:s2] =	ssyncset.done $0x0  }
0x4ca: {  	[sflag:s2] =	ssyncadd.s32 $0xFFFFF000  }
0x4cb: {  	_ =	swait.ge [sflag:s2], $0x1000  }
0x4cc: {  	[sflag:s2] =	ssyncset.done $0x0  }
0x4cd: {  	[sflag:s2] =	ssyncadd.s32 $0xFFFFF000  }
0x4ce: {  	_ =	swait.ge [sflag:s2], $0x1000  }
0x4cf: {  	[sflag:s2] =	ssyncset.done $0x0  }
0x4d0: {  	s4 =	simm.s32 $0x0;
	s5 =	simm.s32 $0x0;
	[sflag:s2] =	ssyncadd.s32 $0xFFFFF000  }
.LBB2_10:
0x4d1: {  	v3 =	vmov s5  }
0x4d2: {  	v3 =	vand.u32 $0xFFFFFFF8, v3  }
0x4d3: {  	v3 =	vbroadcast v3, $0x0;
	_ =	sdelay $0x2  }
0x4d4: {  	s13 =	sshll.u32 s5, $0x7  }
0x4d5: {  	v7 =	vld [tilespmem:s13+$0xE800]  }
0x4d6: {  	v8 =	vld [tilespmem:s13+$0xF800]  }
0x4d7: {  	v4 =	vld.idx.msk [tilespmem:v3+s0+$0x0], $0xffff  }
0x4d8: {  	v5 =	vld.idx.msk [tilespmem:v3+s1+$0x0], $0xffff  }
0x4d9: {  	v9 =	vld [tilespmem:s13+$0x10800]  }
0x4da: {  	v6 =	vld.idx.msk [tilespmem:v3+s12+$0x0], $0xffff  }
0x4db: {  	v10 =	vld [tilespmem:s13+$0x11800]  }
0x4dc: {  	v3 =	vld.idx.msk [tilespmem:v3+s7+$0x0], $0xffff  }
0x4dd: {  	v7 =	vmul.f32 v7, v4;
	v8 =	vmul.f32 v8, v5;
	_ =	sdelay $0x1  }
0x4de: {  	v25 =	vmul.f32 v9, v6;
	v7 =	vadd.f32 v8, v7;
	_ =	sdelay $0x1  }
0x4df: {  	s2 =	sshrl.u32 s5, $0x3;
	v26 =	vmul.f32 v10, v3;
	v7 =	vadd.f32 v25, v7  }
0x4e0: {  	s2 =	smul.u32 $0x3000, s2  }
0x4e1: {  	v7 =	vadd.f32 v26, v7  }
0x4e2: {  	s11 =	sshra.s32 s2, $0x2  }
0x4e3: {  	[tilespmem:s11+$0x1A800] =	vst v7  }
0x4e4: {  	v7 =	vld [tilespmem:s13+$0xE810]  }
0x4e5: {  	v27 =	vld [tilespmem:s13+$0xF810];
	_ =	sdelay $0x1  }
0x4e6: {  	v28 =	vld [tilespmem:s13+$0x10810];
	_ =	sdelay $0x1  }
0x4e7: {  	v29 =	vld [tilespmem:s13+$0x11810]  }
0x4e8: {  	v7 =	vmul.f32 v7, v4;
	v8 =	vmul.f32 v27, v5;
	_ =	sdelay $0x1  }
0x4e9: {  	s16 =	sor.u32 $0x1, s5;
	v30 =	vmul.f32 v28, v6;
	v7 =	vadd.f32 v8, v7  }
0x4ea: {  	v32 =	vmov s16  }
0x4eb: {  	s16 =	sshll.u32 s16, $0x7;
	v33 =	vand.u32 $0xFFFFFFF9, v32;
	v31 =	vmul.f32 v29, v3;
	v7 =	vadd.f32 v30, v7  }
0x4ec: {  	v14 =	vld [tilespmem:s16+$0xE800];
	v11 =	vbroadcast v33, $0x0  }
0x4ed: {  	v15 =	vld [tilespmem:s16+$0xF800];
	v7 =	vadd.f32 v31, v7  }
0x4ee: {  	v17 =	vld [tilespmem:s16+$0x10800]  }
0x4ef: {  	v36 =	vld [tilespmem:s16+$0x11800];
	[tilespmem:s11+$0x1A810] =	vst v7  }
0x4f0: {  	v7 =	vld [tilespmem:s13+$0xE820]  }
0x4f1: {  	v34 =	vld [tilespmem:s13+$0xF820]  }
0x4f2: {  	v9 =	vld.idx.msk [tilespmem:v11+s0+$0x0], $0xffff  }
0x4f3: {  	v10 =	vld.idx.msk [tilespmem:v11+s1+$0x0], $0xffff  }
0x4f4: {  	s17 =	sor.u32 $0x2, s5;
	v12 =	vld [tilespmem:s13+$0x10820]  }
0x4f5: {  	v42 =	vmov s17;
	v8 =	vld.idx.msk [tilespmem:v11+s12+$0x0], $0xffff  }
0x4f6: {  	s17 =	sshll.u32 s17, $0x7;
	v44 =	vand.u32 $0xFFFFFFFA, v42;
	v13 =	vld [tilespmem:s13+$0x11820];
	v7 =	vmul.f32 v7, v4;
	v16 =	vmul.f32 v34, v5  }
0x4f7: {  	s18 =	sor.u32 $0x3, s5;
	v47 =	vld [tilespmem:s17+$0xE800];
	v18 =	vbroadcast v44, $0x0  }
0x4f8: {  	s2 =	sshll.u32 s18, $0x7;
	v14 =	vmul.f32 v14, v9;
	v15 =	vmul.f32 v15, v10;
	v16 =	vadd.f32 v16, v7;
	v7 =	vld.idx.msk [tilespmem:v11+s7+$0x0], $0xffff  }
0x4f9: {  	v49 =	vld [tilespmem:s2+$0xE800];
	v12 =	vmul.f32 v12, v6  }
0x4fa: {  	v50 =	vld [tilespmem:s2+$0xF800];
	v37 =	vadd.f32 v15, v14  }
0x4fb: {  	v25 =	vld [tilespmem:s17+$0xF800];
	v38 =	vmul.f32 v17, v8;
	v35 =	vmul.f32 v13, v3;
	v12 =	vadd.f32 v12, v16  }
0x4fc: {  	v26 =	vld [tilespmem:s17+$0x10800]  }
0x4fd: {  	v14 =	vld.idx.msk [tilespmem:v18+s1+$0x0], $0xffff;
	v39 =	vadd.f32 v38, v37;
	v11 =	vadd.f32 v35, v12;
	v40 =	vmul.f32 v36, v7  }
0x4fe: {  	v28 =	vld [tilespmem:s17+$0x11800]  }
0x4ff: {  	v13 =	vld.idx.msk [tilespmem:v18+s0+$0x0], $0xffff;
	[tilespmem:s11+$0x1A820] =	vst v11;
	v11 =	vadd.f32 v40, v39  }
0x500: {  	v41 =	vld [tilespmem:s13+$0xE830]  }
0x501: {  	v43 =	vld [tilespmem:s13+$0xF830];
	[tilespmem:s11+$0x1A880] =	vst v11  }
0x502: {  	v46 =	vmov s18;
	v20 =	vld [tilespmem:s16+$0xE810]  }
0x503: {  	v11 =	vand.u32 $0xFFFFFFFB, v46;
	v21 =	vld [tilespmem:s16+$0xF810]  }
0x504: {  	v45 =	vld [tilespmem:s13+$0x10830];
	v24 =	vbroadcast v11, $0x0  }
0x505: {  	v22 =	vld [tilespmem:s16+$0x10810]  }
0x506: {  	v19 =	vld [tilespmem:s13+$0x11830]  }
0x507: {  	v23 =	vld [tilespmem:s16+$0x11810];
	v27 =	vmul.f32 v41, v4;
	v16 =	vmul.f32 v43, v5  }
0x508: {  	v12 =	vld.idx.msk [tilespmem:v18+s12+$0x0], $0xffff;
	v20 =	vmul.f32 v20, v9;
	v21 =	vmul.f32 v21, v10  }
0x509: {  	v11 =	vld.idx.msk [tilespmem:v18+s7+$0x0], $0xffff;
	v17 =	vmul.f32 v45, v6;
	v27 =	vadd.f32 v16, v27  }
0x50a: {  	v48 =	vmul.f32 v22, v8;
	v15 =	vld.idx.msk [tilespmem:v24+s0+$0x0], $0xffff;
	v20 =	vadd.f32 v21, v20  }
0x50b: {  	v25 =	vmul.f32 v25, v14;
	v19 =	vmul.f32 v19, v3;
	v16 =	vld.idx.msk [tilespmem:v24+s1+$0x0], $0xffff;
	v17 =	vadd.f32 v17, v27  }
0x50c: {  	v29 =	vld [tilespmem:s2+$0x10800];
	v51 =	vmul.f32 v47, v13;
	v23 =	vmul.f32 v23, v7;
	v20 =	vadd.f32 v48, v20  }
0x50d: {  	v18 =	vld.idx.msk [tilespmem:v24+s12+$0x0], $0xffff;
	v19 =	vadd.f32 v19, v17  }
0x50e: {  	v54 =	vld [tilespmem:s2+$0x11800];
	v52 =	vmul.f32 v26, v12;
	v21 =	vadd.f32 v25, v51;
	v20 =	vadd.f32 v23, v20  }
0x50f: {  	v53 =	vmul.f32 v28, v11;
	v17 =	vld.idx.msk [tilespmem:v24+s7+$0x0], $0xffff;
	[tilespmem:s11+$0x1A830] =	vst v19  }
0x510: {  	v55 =	vadd.f32 v52, v21;
	v25 =	vld [tilespmem:s13+$0xE840];
	v56 =	vmul.f32 v49, v15;
	v57 =	vmul.f32 v50, v16;
	[tilespmem:s11+$0x1A890] =	vst v20  }
0x511: {  	v58 =	vld [tilespmem:s16+$0xE820]  }
0x512: {  	v19 =	vadd.f32 v53, v55;
	v61 =	vmul.f32 v29, v18;
	v60 =	vadd.f32 v57, v56;
	v59 =	vld [tilespmem:s16+$0xF820]  }
0x513: {  	v62 =	vld [tilespmem:s16+$0x10820]  }
0x514: {  	[tilespmem:s11+$0x1A900] =	vst v19;
	v33 =	vmul.f32 v54, v17;
	v63 =	vld [tilespmem:s16+$0x11820];
	v32 =	vadd.f32 v61, v60  }
0x515: {  	v34 =	vld [tilespmem:s17+$0xE810]  }
0x516: {  	v35 =	vld [tilespmem:s17+$0xF810];
	v19 =	vadd.f32 v33, v32  }
0x517: {  	v38 =	vld [tilespmem:s17+$0x10810];
	v36 =	vmul.f32 v58, v9;
	v37 =	vmul.f32 v59, v10  }
0x518: {  	v39 =	vld [tilespmem:s17+$0x11810];
	[tilespmem:s11+$0x1A980] =	vst v19  }
0x519: {  	v41 =	vmul.f32 v62, v8;
	v42 =	vld [tilespmem:s2+$0xE810];
	v40 =	vadd.f32 v37, v36  }
0x51a: {  	v43 =	vmul.f32 v63, v7;
	v44 =	vld [tilespmem:s2+$0xF810]  }
0x51b: {  	v45 =	vld [tilespmem:s13+$0xF840];
	v46 =	vmul.f32 v34, v13;
	v47 =	vmul.f32 v35, v14;
	v19 =	vadd.f32 v41, v40  }
0x51c: {  	v48 =	vld [tilespmem:s2+$0x10810]  }
0x51d: {  	v30 =	vld [tilespmem:s13+$0x10840];
	v49 =	vmul.f32 v38, v12;
	v20 =	vadd.f32 v47, v46;
	v19 =	vadd.f32 v43, v19  }
0x51e: {  	v50 =	vmul.f32 v39, v11;
	v51 =	vld [tilespmem:s2+$0x11810]  }
0x51f: {  	v52 =	vld [tilespmem:s13+$0x11840];
	v53 =	vadd.f32 v49, v20;
	v54 =	vmul.f32 v42, v15;
	v55 =	vmul.f32 v44, v16;
	[tilespmem:s11+$0x1A8A0] =	vst v19  }
0x520: {  	v56 =	vld [tilespmem:s16+$0xE830]  }
0x521: {  	v58 =	vmul.f32 v48, v18;
	v19 =	vadd.f32 v50, v53;
	v20 =	vadd.f32 v55, v54;
	v57 =	vld [tilespmem:s16+$0xF830]  }
0x522: {  	v25 =	vmul.f32 v25, v4;
	v59 =	vld [tilespmem:s16+$0x10830]  }
0x523: {  	v32 =	vmul.f32 v45, v5;
	v62 =	vmul.f32 v51, v17;
	v60 =	vld [tilespmem:s16+$0x11830];
	[tilespmem:s11+$0x1A910] =	vst v19;
	v61 =	vadd.f32 v58, v20  }
0x524: {  	v63 =	vld [tilespmem:s17+$0xE820]  }
0x525: {  	v25 =	vadd.f32 v32, v25;
	v35 =	vmul.f32 v30, v6;
	v33 =	vld [tilespmem:s17+$0xF820];
	v19 =	vadd.f32 v62, v61  }
0x526: {  	v34 =	vld [tilespmem:s17+$0x10820]  }
0x527: {  	s18 =	sor.u32 $0x4, s5;
	v37 =	vmul.f32 v52, v3;
	v25 =	vadd.f32 v35, v25;
	v36 =	vld [tilespmem:s17+$0x11820];
	[tilespmem:s11+$0x1A990] =	vst v19  }
0x528: {  	v50 =	vmov s18;
	v38 =	vld [tilespmem:s2+$0xE820]  }
0x529: {  	v52 =	vand.u32 $0xFFFFFFFC, v50;
	v19 =	vadd.f32 v37, v25;
	v40 =	vld [tilespmem:s2+$0xF820]  }
0x52a: {  	v54 =	vbroadcast v52, $0x0;
	v31 =	vld [tilespmem:s2+$0x10820]  }
0x52b: {  	v22 =	vmul.f32 v56, v9;
	v39 =	vmul.f32 v57, v10;
	v44 =	vld [tilespmem:s2+$0x11820];
	[tilespmem:s11+$0x1A840] =	vst v19  }
0x52c: {  	v21 =	vmul.f32 v63, v13;
	v29 =	vmul.f32 v33, v14;
	v24 =	vld [tilespmem:s13+$0xE850]  }
0x52d: {  	v23 =	vmul.f32 v59, v8;
	v22 =	vadd.f32 v39, v22;
	v26 =	vld [tilespmem:s13+$0xF850]  }
0x52e: {  	v20 =	vmul.f32 v34, v12;
	v25 =	vld [tilespmem:s13+$0x10850];
	v21 =	vadd.f32 v29, v21  }
0x52f: {  	v42 =	vmul.f32 v60, v7;
	v43 =	vmul.f32 v36, v11;
	v41 =	vadd.f32 v23, v22;
	v23 =	vld [tilespmem:s13+$0x11850]  }
0x530: {  	s13 =	sshll.u32 s18, $0x7;
	v22 =	vld.idx.msk [tilespmem:v54+s12+$0x0], $0xffff;
	v20 =	vadd.f32 v20, v21;
	v45 =	vmul.f32 v38, v15;
	v27 =	vmul.f32 v40, v16  }
0x531: {  	v35 =	vld [tilespmem:s13+$0xE800];
	v19 =	vadd.f32 v42, v41  }
0x532: {  	v36 =	vld [tilespmem:s13+$0xF800];
	v46 =	vmul.f32 v31, v18;
	v20 =	vadd.f32 v43, v20;
	v21 =	vadd.f32 v27, v45  }
0x533: {  	v37 =	vld [tilespmem:s13+$0x10800];
	[tilespmem:s11+$0x1A8B0] =	vst v19  }
0x534: {  	v48 =	vmul.f32 v44, v17;
	v27 =	vld [tilespmem:s16+$0xE840];
	[tilespmem:s11+$0x1A920] =	vst v20;
	v47 =	vadd.f32 v46, v21  }
0x535: {  	v49 =	vld [tilespmem:s17+$0xE830]  }
0x536: {  	v51 =	vld [tilespmem:s17+$0xF830];
	v19 =	vadd.f32 v48, v47  }
0x537: {  	v53 =	vld [tilespmem:s17+$0x10830]  }
0x538: {  	v55 =	vld [tilespmem:s17+$0x11830];
	[tilespmem:s11+$0x1A9A0] =	vst v19  }
0x539: {  	v56 =	vld [tilespmem:s2+$0xE830]  }
0x53a: {  	v32 =	vld [tilespmem:s2+$0xF830]  }
0x53b: {  	v61 =	vld [tilespmem:s16+$0xF840];
	v21 =	vmul.f32 v49, v13;
	v28 =	vmul.f32 v51, v14  }
0x53c: {  	v33 =	vld [tilespmem:s2+$0x10830]  }
0x53d: {  	v40 =	vld [tilespmem:s16+$0x10840];
	v57 =	vmul.f32 v53, v12;
	v21 =	vadd.f32 v28, v21  }
0x53e: {  	v34 =	vld [tilespmem:s2+$0x11830];
	v30 =	vmul.f32 v55, v11  }
0x53f: {  	v41 =	vld [tilespmem:s16+$0x11840];
	v31 =	vmul.f32 v56, v15;
	v32 =	vmul.f32 v32, v16;
	v28 =	vadd.f32 v57, v21  }
0x540: {  	v20 =	vld.idx.msk [tilespmem:v54+s0+$0x0], $0xffff  }
0x541: {  	v19 =	vld.idx.msk [tilespmem:v54+s1+$0x0], $0xffff;
	v59 =	vmul.f32 v33, v18;
	v58 =	vadd.f32 v32, v31;
	v28 =	vadd.f32 v30, v28  }
0x542: {  	v27 =	vmul.f32 v27, v9;
	v21 =	vld.idx.msk [tilespmem:v54+s7+$0x0], $0xffff  }
0x543: {  	v60 =	vld [tilespmem:s13+$0x11800];
	v42 =	vmul.f32 v34, v17;
	v33 =	vmul.f32 v61, v10;
	v29 =	vadd.f32 v59, v58;
	[tilespmem:s11+$0x1A930] =	vst v28  }
0x544: {  	v44 =	vld [tilespmem:s17+$0xE840]  }
0x545: {  	v52 =	vmul.f32 v40, v8;
	v27 =	vadd.f32 v33, v27;
	v45 =	vld [tilespmem:s17+$0xF840];
	v28 =	vadd.f32 v42, v29  }
0x546: {  	v62 =	vmul.f32 v35, v20;
	v63 =	vmul.f32 v36, v19;
	v48 =	vld [tilespmem:s17+$0x10840]  }
0x547: {  	v54 =	vmul.f32 v41, v7;
	v27 =	vadd.f32 v52, v27;
	v49 =	vld [tilespmem:s17+$0x11840];
	[tilespmem:s11+$0x1A9B0] =	vst v28  }
0x548: {  	v43 =	vmul.f32 v37, v22;
	v30 =	vadd.f32 v63, v62;
	v51 =	vld [tilespmem:s2+$0xE840]  }
0x549: {  	v27 =	vadd.f32 v54, v27;
	v53 =	vld [tilespmem:s2+$0xF840]  }
0x54a: {  	v46 =	vadd.f32 v43, v30;
	v47 =	vmul.f32 v60, v21;
	v59 =	vld [tilespmem:s2+$0x10840]  }
0x54b: {  	[tilespmem:s11+$0x1A8C0] =	vst v27;
	v63 =	vld [tilespmem:s2+$0x11840]  }
0x54c: {  	v50 =	vadd.f32 v47, v46;
	v42 =	vld [tilespmem:s16+$0xE850]  }
0x54d: {  	v38 =	vld [tilespmem:s16+$0x10850]  }
0x54e: {  	[tilespmem:s11+$0x1AA00] =	vst v50;
	v30 =	vld [tilespmem:s16+$0x11850];
	v56 =	vmul.f32 v44, v13;
	v57 =	vmul.f32 v45, v14  }
0x54f: {  	v55 =	vld [tilespmem:s13+$0xE810]  }
0x550: {  	v58 =	vld [tilespmem:s13+$0xF810];
	v61 =	vmul.f32 v48, v12;
	v60 =	vadd.f32 v57, v56  }
0x551: {  	v62 =	vld [tilespmem:s13+$0x10810]  }
0x552: {  	s31 =	sor.u32 $0x5, s5;
	v34 =	vmul.f32 v49, v11;
	v44 =	vld [tilespmem:s16+$0xF850];
	v48 =	vadd.f32 v61, v60  }
0x553: {  	s16 =	sshll.u32 s31, $0x7;
	v49 =	vmul.f32 v51, v15;
	v50 =	vmul.f32 v53, v16;
	v51 =	vld [tilespmem:s13+$0x11810]  }
0x554: {  	v27 =	vadd.f32 v34, v48;
	v48 =	vld [tilespmem:s16+$0xE800]  }
0x555: {  	v28 =	vadd.f32 v50, v49;
	v49 =	vld [tilespmem:s16+$0xF800]  }
0x556: {  	v50 =	vld [tilespmem:s16+$0x10800];
	[tilespmem:s11+$0x1A940] =	vst v27  }
0x557: {  	v39 =	vld [tilespmem:s17+$0xE850]  }
0x558: {  	v52 =	vmul.f32 v55, v20;
	v53 =	vmul.f32 v58, v19;
	v40 =	vld [tilespmem:s17+$0xF850]  }
0x559: {  	v54 =	vmul.f32 v59, v18;
	v37 =	vld [tilespmem:s17+$0x10850]  }
0x55a: {  	v32 =	vmul.f32 v62, v22;
	v31 =	vadd.f32 v53, v52;
	v33 =	vld [tilespmem:s17+$0x11850];
	s17 =	sor.u32 $0x6, s5  }
0x55b: {  	v56 =	vmul.f32 v63, v17;
	v55 =	vadd.f32 v54, v28;
	v58 =	vmul.f32 v51, v21;
	v51 =	vld [tilespmem:s16+$0x11800];
	s18 =	sshll.u32 s17, $0x7  }
0x55c: {  	v57 =	vadd.f32 v32, v31;
	v53 =	vld [tilespmem:s18+$0xE800]  }
0x55d: {  	v59 =	vmov s31;
	v27 =	vadd.f32 v56, v55;
	v54 =	vld [tilespmem:s18+$0xF800]  }
0x55e: {  	v28 =	vand.u32 $0xFFFFFFFD, v59;
	v29 =	vadd.f32 v58, v57;
	v55 =	vld [tilespmem:s18+$0x10800]  }
0x55f: {  	v60 =	vbroadcast v28, $0x0;
	v56 =	vld [tilespmem:s18+$0x11800];
	[tilespmem:s11+$0x1A9C0] =	vst v27  }
0x560: {  	v47 =	vld [tilespmem:s2+$0xE850];
	[tilespmem:s11+$0x1AA10] =	vst v29  }
0x561: {  	v61 =	vmov s17;
	v41 =	vld [tilespmem:s13+$0xE820]  }
0x562: {  	v28 =	vand.u32 $0xFFFFFFFE, v61;
	v43 =	vld [tilespmem:s13+$0xF820]  }
0x563: {  	v28 =	vbroadcast v28, $0x0;
	v45 =	vld [tilespmem:s13+$0x10820]  }
0x564: {  	v46 =	vld [tilespmem:s13+$0x11820]  }
0x565: {  	v32 =	vld.idx.msk [tilespmem:v60+s0+$0x0], $0xffff  }
0x566: {  	v34 =	vld.idx.msk [tilespmem:v60+s1+$0x0], $0xffff  }
0x567: {  	s31 =	sor.u32 $0x7, s5;
	v31 =	vld.idx.msk [tilespmem:v60+s12+$0x0], $0xffff  }
0x568: {  	v52 =	vmov s31;
	v27 =	vld.idx.msk [tilespmem:v60+s7+$0x0], $0xffff  }
0x569: {  	v35 =	vld.idx.msk [tilespmem:v28+s0+$0x0], $0xffff  }
0x56a: {  	v36 =	vld.idx.msk [tilespmem:v28+s1+$0x0], $0xffff  }
0x56b: {  	v29 =	vld.idx.msk [tilespmem:v28+s12+$0x0], $0xffff  }
0x56c: {  	v28 =	vld.idx.msk [tilespmem:v28+s7+$0x0], $0xffff  }
0x56d: {  	v57 =	vmul.f32 v41, v20;
	v58 =	vmul.f32 v43, v19;
	v41 =	vld.idx.msk [tilespmem:v52+s0+$0x0], $0xffff  }
0x56e: {  	s31 =	sshll.u32 s31, $0x7;
	v43 =	vld.idx.msk [tilespmem:v52+s1+$0x0], $0xffff;
	v48 =	vmul.f32 v48, v32;
	v49 =	vmul.f32 v49, v34  }
0x56f: {  	v45 =	vmul.f32 v45, v22;
	v62 =	vmul.f32 v50, v31;
	v50 =	vld [tilespmem:s31+$0xF800];
	v57 =	vadd.f32 v58, v57  }
0x570: {  	v58 =	vld [tilespmem:s31+$0xE800];
	v48 =	vadd.f32 v49, v48  }
0x571: {  	v63 =	vmul.f32 v46, v21;
	v46 =	vld.idx.msk [tilespmem:v52+s12+$0x0], $0xffff;
	v51 =	vmul.f32 v51, v27;
	v45 =	vadd.f32 v45, v57  }
0x572: {  	v60 =	vmul.f32 v53, v35;
	v61 =	vmul.f32 v54, v36;
	v48 =	vadd.f32 v62, v48;
	v62 =	vld [tilespmem:s31+$0x10800]  }
0x573: {  	v57 =	vadd.f32 v63, v45;
	v45 =	vld.idx.msk [tilespmem:v52+s7+$0x0], $0xffff  }
0x574: {  	v49 =	vadd.f32 v61, v60;
	v60 =	vmul.f32 v55, v29;
	v61 =	vld [tilespmem:s31+$0x11800];
	v51 =	vadd.f32 v51, v48  }
0x575: {  	v50 =	vmul.f32 v50, v43;
	v48 =	vld [tilespmem:s2+$0xF850];
	v63 =	vmul.f32 v58, v41;
	[tilespmem:s11+$0x1AA20] =	vst v57  }
0x576: {  	v58 =	vmul.f32 v56, v28;
	v49 =	vadd.f32 v60, v49;
	v57 =	vld [tilespmem:s13+$0xE830];
	[tilespmem:s11+$0x1AA80] =	vst v51  }
0x577: {  	v50 =	vadd.f32 v50, v63;
	v59 =	vld [tilespmem:s16+$0xE810];
	v54 =	vmul.f32 v62, v46  }
0x578: {  	v62 =	vld [tilespmem:s16+$0xF810];
	v49 =	vadd.f32 v58, v49  }
0x579: {  	v63 =	vld [tilespmem:s16+$0x10810];
	v53 =	vmul.f32 v61, v45;
	v50 =	vadd.f32 v54, v50  }
0x57a: {  	v60 =	vld [tilespmem:s16+$0x11810];
	[tilespmem:s11+$0x1AB00] =	vst v49  }
0x57b: {  	v49 =	vld [tilespmem:s18+$0xE810];
	v50 =	vadd.f32 v53, v50  }
0x57c: {  	v61 =	vld [tilespmem:s18+$0xF810]  }
0x57d: {  	v52 =	vmul.f32 v59, v32;
	v55 =	vmul.f32 v62, v34;
	v62 =	vld [tilespmem:s18+$0x10810];
	[tilespmem:s11+$0x1AB80] =	vst v50  }
0x57e: {  	v50 =	vld [tilespmem:s31+$0xE810]  }
0x57f: {  	v51 =	vmul.f32 v63, v31;
	v52 =	vadd.f32 v55, v52;
	v63 =	vld [tilespmem:s31+$0xF810]  }
0x580: {  	v58 =	vld [tilespmem:s18+$0x11810];
	v54 =	vmul.f32 v60, v27  }
0x581: {  	v53 =	vld [tilespmem:s31+$0x10810];
	v49 =	vmul.f32 v49, v35;
	v60 =	vmul.f32 v61, v36;
	v51 =	vadd.f32 v51, v52  }
0x582: {  	v56 =	vld [tilespmem:s13+$0x10830]  }
0x583: {  	v49 =	vadd.f32 v60, v49;
	v52 =	vmul.f32 v62, v29;
	v51 =	vadd.f32 v54, v51;
	v54 =	vld [tilespmem:s31+$0x11810]  }
0x584: {  	v59 =	vld [tilespmem:s13+$0xF830];
	v50 =	vmul.f32 v50, v41;
	v55 =	vmul.f32 v63, v43  }
0x585: {  	v61 =	vmul.f32 v58, v28;
	v60 =	vld [tilespmem:s13+$0x11830];
	v49 =	vadd.f32 v52, v49;
	[tilespmem:s11+$0x1AA90] =	vst v51  }
0x586: {  	v53 =	vmul.f32 v53, v46;
	v52 =	vld [tilespmem:s16+$0xE820];
	v50 =	vadd.f32 v55, v50  }
0x587: {  	v55 =	vld [tilespmem:s16+$0xF820];
	v49 =	vadd.f32 v61, v49  }
0x588: {  	v51 =	vld [tilespmem:s16+$0x10820];
	v50 =	vadd.f32 v53, v50;
	v62 =	vmul.f32 v54, v45  }
0x589: {  	v54 =	vld [tilespmem:s16+$0x11820];
	[tilespmem:s11+$0x1AB10] =	vst v49  }
0x58a: {  	v49 =	vld [tilespmem:s18+$0xE820];
	v50 =	vadd.f32 v62, v50  }
0x58b: {  	v63 =	vmul.f32 v57, v20;
	v61 =	vmul.f32 v59, v19;
	v58 =	vld [tilespmem:s18+$0xF820]  }
0x58c: {  	v59 =	vld [tilespmem:s18+$0x10820];
	v52 =	vmul.f32 v52, v32;
	v55 =	vmul.f32 v55, v34;
	[tilespmem:s11+$0x1AB90] =	vst v50  }
0x58d: {  	v62 =	vadd.f32 v61, v63;
	v63 =	vmul.f32 v56, v22;
	v56 =	vld [tilespmem:s31+$0xE820]  }
0x58e: {  	v51 =	vmul.f32 v51, v31;
	v52 =	vadd.f32 v55, v52;
	v55 =	vld [tilespmem:s31+$0xF820]  }
0x58f: {  	v57 =	vmul.f32 v60, v21;
	v60 =	vld [tilespmem:s18+$0x11820];
	v53 =	vadd.f32 v63, v62;
	v54 =	vmul.f32 v54, v27  }
0x590: {  	v49 =	vmul.f32 v49, v35;
	v61 =	vmul.f32 v58, v36;
	v58 =	vld [tilespmem:s31+$0x10820];
	v51 =	vadd.f32 v51, v52  }
0x591: {  	v50 =	vld [tilespmem:s2+$0x10850];
	v53 =	vadd.f32 v57, v53  }
0x592: {  	v62 =	vmul.f32 v59, v29;
	v57 =	vld [tilespmem:s31+$0x11820];
	v52 =	vadd.f32 v61, v49;
	v51 =	vadd.f32 v54, v51  }
0x593: {  	v49 =	vld [tilespmem:s2+$0x11850];
	[tilespmem:s11+$0x1AA30] =	vst v53;
	v63 =	vmul.f32 v56, v41;
	v55 =	vmul.f32 v55, v43  }
0x594: {  	v61 =	vmul.f32 v60, v28;
	v56 =	vld [tilespmem:s13+$0xE840];
	[tilespmem:s11+$0x1AAA0] =	vst v51;
	v51 =	vadd.f32 v62, v52  }
0x595: {  	v62 =	vmul.f32 v58, v46;
	v54 =	vld [tilespmem:s16+$0xE830];
	v53 =	vadd.f32 v55, v63  }
0x596: {  	v63 =	vld [tilespmem:s16+$0xF830];
	v51 =	vadd.f32 v61, v51  }
0x597: {  	v60 =	vld [tilespmem:s16+$0x10830];
	v61 =	vmul.f32 v57, v45;
	v53 =	vadd.f32 v62, v53  }
0x598: {  	v62 =	vld [tilespmem:s16+$0x11830];
	[tilespmem:s11+$0x1AB20] =	vst v51  }
0x599: {  	v51 =	vld [tilespmem:s18+$0xE830];
	v53 =	vadd.f32 v61, v53  }
0x59a: {  	v55 =	vld [tilespmem:s18+$0xF830]  }
0x59b: {  	v59 =	vld [tilespmem:s18+$0x10830];
	v54 =	vmul.f32 v54, v32;
	v58 =	vmul.f32 v63, v34;
	[tilespmem:s11+$0x1ABA0] =	vst v53  }
0x59c: {  	v53 =	vld [tilespmem:s31+$0xE830]  }
0x59d: {  	v52 =	vmul.f32 v60, v31;
	v54 =	vadd.f32 v58, v54;
	v58 =	vld [tilespmem:s31+$0xF830]  }
0x59e: {  	v60 =	vld [tilespmem:s18+$0x11830];
	v57 =	vmul.f32 v62, v27  }
0x59f: {  	v52 =	vadd.f32 v52, v54;
	v51 =	vmul.f32 v51, v35;
	v54 =	vmul.f32 v55, v36;
	v55 =	vld [tilespmem:s31+$0x10830]  }
0x5a0: {  	v61 =	vld [tilespmem:s13+$0xF840]  }
0x5a1: {  	v63 =	vmul.f32 v59, v29;
	v52 =	vadd.f32 v57, v52;
	v51 =	vadd.f32 v54, v51;
	v57 =	vld [tilespmem:s31+$0x11830]  }
0x5a2: {  	v59 =	vld [tilespmem:s13+$0x10840];
	v53 =	vmul.f32 v53, v41;
	v58 =	vmul.f32 v58, v43  }
0x5a3: {  	v62 =	vmul.f32 v60, v28;
	[tilespmem:s11+$0x1AAB0] =	vst v52;
	v51 =	vadd.f32 v63, v51;
	v52 =	vld [tilespmem:s13+$0x11840]  }
0x5a4: {  	v53 =	vadd.f32 v58, v53;
	v58 =	vld [tilespmem:s16+$0xE840];
	v55 =	vmul.f32 v55, v46  }
0x5a5: {  	v56 =	vmul.f32 v56, v20;
	v54 =	vld [tilespmem:s16+$0xF840];
	v51 =	vadd.f32 v62, v51  }
0x5a6: {  	v60 =	vmul.f32 v61, v19;
	v53 =	vadd.f32 v55, v53;
	v55 =	vld [tilespmem:s16+$0x10840];
	v57 =	vmul.f32 v57, v45  }
0x5a7: {  	[tilespmem:s11+$0x1AB30] =	vst v51;
	v51 =	vld [tilespmem:s16+$0x11840]  }
0x5a8: {  	v56 =	vadd.f32 v60, v56;
	v59 =	vmul.f32 v59, v22;
	v60 =	vld [tilespmem:s18+$0xE840];
	v53 =	vadd.f32 v57, v53  }
0x5a9: {  	v57 =	vld [tilespmem:s18+$0xF840]  }
0x5aa: {  	v4 =	vmul.f32 v24, v4;
	v56 =	vadd.f32 v59, v56;
	v52 =	vmul.f32 v52, v21;
	v59 =	vld [tilespmem:s18+$0x10840];
	[tilespmem:s11+$0x1ABB0] =	vst v53  }
0x5ab: {  	v63 =	vmul.f32 v58, v32;
	v54 =	vmul.f32 v54, v34;
	v58 =	vld [tilespmem:s31+$0xE840]  }
0x5ac: {  	v5 =	vmul.f32 v26, v5;
	v6 =	vmul.f32 v25, v6;
	v56 =	vadd.f32 v52, v56;
	v26 =	vld [tilespmem:s31+$0xF840]  }
0x5ad: {  	v3 =	vmul.f32 v23, v3;
	v53 =	vld [tilespmem:s18+$0x11840];
	v25 =	vadd.f32 v54, v63;
	v61 =	vmul.f32 v55, v31  }
0x5ae: {  	[tilespmem:s11+$0x1AA40] =	vst v56;
	v62 =	vmul.f32 v60, v35;
	v63 =	vmul.f32 v57, v36;
	v57 =	vld [tilespmem:s31+$0x10840]  }
0x5af: {  	v4 =	vadd.f32 v5, v4;
	v51 =	vmul.f32 v51, v27;
	v25 =	vadd.f32 v61, v25;
	v52 =	vld [tilespmem:s13+$0xE850]  }
0x5b0: {  	v9 =	vmul.f32 v42, v9;
	v60 =	vmul.f32 v59, v29;
	v61 =	vld [tilespmem:s31+$0x11840];
	v5 =	vadd.f32 v63, v62  }
0x5b1: {  	v42 =	vld [tilespmem:s13+$0x10850];
	v25 =	vadd.f32 v51, v25;
	v62 =	vmul.f32 v58, v41;
	v26 =	vmul.f32 v26, v43  }
0x5b2: {  	v4 =	vadd.f32 v6, v4;
	v10 =	vmul.f32 v44, v10;
	v6 =	vld [tilespmem:s13+$0x11850];
	v53 =	vmul.f32 v53, v28  }
0x5b3: {  	v51 =	vld [tilespmem:s13+$0xF850];
	v5 =	vadd.f32 v60, v5;
	[tilespmem:s11+$0x1AAC0] =	vst v25;
	v63 =	vadd.f32 v26, v62;
	v54 =	vmul.f32 v57, v46  }
0x5b4: {  	v8 =	vmul.f32 v38, v8;
	v7 =	vmul.f32 v30, v7;
	v9 =	vadd.f32 v10, v9;
	v55 =	vld [tilespmem:s16+$0xE850]  }
0x5b5: {  	v57 =	vld [tilespmem:s16+$0xF850];
	v24 =	vmul.f32 v61, v45;
	v5 =	vadd.f32 v53, v5;
	v56 =	vadd.f32 v54, v63  }
0x5b6: {  	v59 =	vmul.f32 v40, v14;
	v58 =	vmul.f32 v39, v13;
	v60 =	vld [tilespmem:s16+$0x10850]  }
0x5b7: {  	v8 =	vadd.f32 v8, v9;
	v12 =	vmul.f32 v37, v12;
	v61 =	vld [tilespmem:s16+$0x11850];
	[tilespmem:s11+$0x1AB40] =	vst v5;
	v62 =	vadd.f32 v24, v56  }
0x5b8: {  	v15 =	vmul.f32 v47, v15;
	v16 =	vmul.f32 v48, v16;
	v9 =	vadd.f32 v59, v58;
	v63 =	vld [tilespmem:s18+$0xE850]  }
0x5b9: {  	v3 =	vadd.f32 v3, v4;
	v30 =	vmul.f32 v50, v18;
	v44 =	vmul.f32 v49, v17;
	v37 =	vld [tilespmem:s18+$0xF850];
	[tilespmem:s11+$0x1ABC0] =	vst v62  }
0x5ba: {  	v39 =	vmul.f32 v33, v11;
	v47 =	vmul.f32 v52, v20;
	v38 =	vadd.f32 v12, v9;
	v40 =	vld [tilespmem:s31+$0xE850]  }
0x5bb: {  	v7 =	vadd.f32 v7, v8;
	v50 =	vmul.f32 v42, v22;
	v49 =	vmul.f32 v51, v19;
	v48 =	vld [tilespmem:s31+$0xF850]  }
0x5bc: {  	v6 =	vmul.f32 v6, v21;
	v24 =	vadd.f32 v16, v15;
	v8 =	vadd.f32 v39, v38;
	v51 =	vld [tilespmem:s18+$0x10850]  }
0x5bd: {  	v9 =	vadd.f32 v49, v47;
	v10 =	vmul.f32 v55, v32;
	v52 =	vmul.f32 v57, v34;
	v53 =	vld [tilespmem:s31+$0x10850]  }
0x5be: {  	v54 =	vld [tilespmem:s18+$0x11850];
	v14 =	vmul.f32 v60, v31;
	v59 =	vmul.f32 v61, v27;
	v4 =	vadd.f32 v30, v24  }
0x5bf: {  	v9 =	vadd.f32 v50, v9;
	v56 =	vld [tilespmem:s31+$0x11850];
	v55 =	vmul.f32 v63, v35;
	v5 =	vmul.f32 v37, v36  }
0x5c0: {  	v10 =	vadd.f32 v52, v10;
	v11 =	vmul.f32 v40, v41;
	v57 =	vmul.f32 v48, v43  }
0x5c1: {  	[tilespmem:s11+$0x1A850] =	vst v3;
	v4 =	vadd.f32 v44, v4;
	v58 =	vmul.f32 v51, v29;
	v5 =	vadd.f32 v5, v55  }
0x5c2: {  	[tilespmem:s11+$0x1A8D0] =	vst v7;
	v3 =	vadd.f32 v14, v10;
	v60 =	vmul.f32 v53, v46;
	v11 =	vadd.f32 v57, v11  }
0x5c3: {  	p0 =	slt.u32 s5, $0x18;
	[tilespmem:s11+$0x1A950] =	vst v8;
	v6 =	vadd.f32 v6, v9;
	v61 =	vmul.f32 v54, v28;
	v5 =	vadd.f32 v58, v5  }
.Ltmp4:
0x5c4: {  	[tilespmem:s11+$0x1A9D0] =	vst v4;
	v3 =	vadd.f32 v59, v3;
	v63 =	vmul.f32 v56, v45;
	v62 =	vadd.f32 v60, v11;
	(pc) =	sbr.rel @p0 .LBB2_10-.Ltmp4, $4  }
0x5c5: {  	[tilespmem:s11+$0x1AA50] =	vst v6;
	v5 =	vadd.f32 v61, v5  }
0x5c6: {  	[tilespmem:s11+$0x1AAD0] =	vst v3;
	v3 =	vadd.f32 v63, v62  }
0x5c7: {  	s31 =	sadd.s32 $0x8, s5;
	[tilespmem:s11+$0x1AB50] =	vst v5  }
0x5c8: {  	s5 =	smov.u32 s31;
	[tilespmem:s11+$0x1ABD0] =	vst v3  }
.LBB2_11:
0x5c9: {  	v3 =	vmov s4  }
0x5ca: {  	v3 =	vand.u32 $0xFFFFFFF8, v3  }
0x5cb: {  	v3 =	vbroadcast v3, $0x0;
	_ =	sdelay $0x2  }
0x5cc: {  	s11 =	sshll.u32 s4, $0x7  }
0x5cd: {  	v7 =	vld [tilespmem:s11+$0x12800]  }
0x5ce: {  	v8 =	vld [tilespmem:s11+$0x13800]  }
0x5cf: {  	v4 =	vld.idx.msk [tilespmem:v3+s9+$0x0], $0xffff  }
0x5d0: {  	v5 =	vld.idx.msk [tilespmem:v3+s10+$0x0], $0xffff  }
0x5d1: {  	v9 =	vld [tilespmem:s11+$0x14800]  }
0x5d2: {  	v6 =	vld.idx.msk [tilespmem:v3+s14+$0x0], $0xffff  }
0x5d3: {  	v10 =	vld [tilespmem:s11+$0x15800]  }
0x5d4: {  	v3 =	vld.idx.msk [tilespmem:v3+s15+$0x0], $0xffff  }
0x5d5: {  	v7 =	vmul.f32 v7, v4;
	v8 =	vmul.f32 v8, v5;
	_ =	sdelay $0x1  }
0x5d6: {  	v25 =	vmul.f32 v9, v6;
	v7 =	vadd.f32 v8, v7;
	_ =	sdelay $0x1  }
0x5d7: {  	s2 =	sshrl.u32 s4, $0x3;
	v26 =	vmul.f32 v10, v3;
	v7 =	vadd.f32 v25, v7  }
0x5d8: {  	s2 =	smul.u32 $0x3000, s2  }
0x5d9: {  	v7 =	vadd.f32 v26, v7  }
0x5da: {  	s5 =	sshra.s32 s2, $0x2  }
0x5db: {  	[tilespmem:s5+$0x1A860] =	vst v7  }
0x5dc: {  	v7 =	vld [tilespmem:s11+$0x12810]  }
0x5dd: {  	v27 =	vld [tilespmem:s11+$0x13810];
	_ =	sdelay $0x1  }
0x5de: {  	v28 =	vld [tilespmem:s11+$0x14810];
	_ =	sdelay $0x1  }
0x5df: {  	v29 =	vld [tilespmem:s11+$0x15810]  }
0x5e0: {  	v7 =	vmul.f32 v7, v4;
	v8 =	vmul.f32 v27, v5;
	_ =	sdelay $0x1  }
0x5e1: {  	s13 =	sor.u32 $0x1, s4;
	v30 =	vmul.f32 v28, v6;
	v7 =	vadd.f32 v8, v7  }
0x5e2: {  	v32 =	vmov s13  }
0x5e3: {  	s13 =	sshll.u32 s13, $0x7;
	v33 =	vand.u32 $0xFFFFFFF9, v32;
	v31 =	vmul.f32 v29, v3;
	v7 =	vadd.f32 v30, v7  }
0x5e4: {  	v14 =	vld [tilespmem:s13+$0x12800];
	v11 =	vbroadcast v33, $0x0  }
0x5e5: {  	v15 =	vld [tilespmem:s13+$0x13800];
	v7 =	vadd.f32 v31, v7  }
0x5e6: {  	v17 =	vld [tilespmem:s13+$0x14800]  }
0x5e7: {  	v36 =	vld [tilespmem:s13+$0x15800];
	[tilespmem:s5+$0x1A870] =	vst v7  }
0x5e8: {  	v7 =	vld [tilespmem:s11+$0x12820]  }
0x5e9: {  	v34 =	vld [tilespmem:s11+$0x13820]  }
0x5ea: {  	v9 =	vld.idx.msk [tilespmem:v11+s9+$0x0], $0xffff  }
0x5eb: {  	v10 =	vld.idx.msk [tilespmem:v11+s10+$0x0], $0xffff  }
0x5ec: {  	s16 =	sor.u32 $0x2, s4;
	v12 =	vld [tilespmem:s11+$0x14820]  }
0x5ed: {  	v42 =	vmov s16;
	v8 =	vld.idx.msk [tilespmem:v11+s14+$0x0], $0xffff  }
0x5ee: {  	s16 =	sshll.u32 s16, $0x7;
	v44 =	vand.u32 $0xFFFFFFFA, v42;
	v13 =	vld [tilespmem:s11+$0x15820];
	v7 =	vmul.f32 v7, v4;
	v16 =	vmul.f32 v34, v5  }
0x5ef: {  	s17 =	sor.u32 $0x3, s4;
	v47 =	vld [tilespmem:s16+$0x12800];
	v18 =	vbroadcast v44, $0x0  }
0x5f0: {  	s2 =	sshll.u32 s17, $0x7;
	v14 =	vmul.f32 v14, v9;
	v15 =	vmul.f32 v15, v10;
	v16 =	vadd.f32 v16, v7;
	v7 =	vld.idx.msk [tilespmem:v11+s15+$0x0], $0xffff  }
0x5f1: {  	v49 =	vld [tilespmem:s2+$0x12800];
	v12 =	vmul.f32 v12, v6  }
0x5f2: {  	v50 =	vld [tilespmem:s2+$0x13800];
	v37 =	vadd.f32 v15, v14  }
0x5f3: {  	v25 =	vld [tilespmem:s16+$0x13800];
	v38 =	vmul.f32 v17, v8;
	v35 =	vmul.f32 v13, v3;
	v12 =	vadd.f32 v12, v16  }
0x5f4: {  	v26 =	vld [tilespmem:s16+$0x14800]  }
0x5f5: {  	v14 =	vld.idx.msk [tilespmem:v18+s10+$0x0], $0xffff;
	v39 =	vadd.f32 v38, v37;
	v11 =	vadd.f32 v35, v12;
	v40 =	vmul.f32 v36, v7  }
0x5f6: {  	v28 =	vld [tilespmem:s16+$0x15800]  }
0x5f7: {  	v13 =	vld.idx.msk [tilespmem:v18+s9+$0x0], $0xffff;
	[tilespmem:s5+$0x1AC00] =	vst v11;
	v11 =	vadd.f32 v40, v39  }
0x5f8: {  	v41 =	vld [tilespmem:s11+$0x12830]  }
0x5f9: {  	v43 =	vld [tilespmem:s11+$0x13830];
	[tilespmem:s5+$0x1A8E0] =	vst v11  }
0x5fa: {  	v46 =	vmov s17;
	v20 =	vld [tilespmem:s13+$0x12810]  }
0x5fb: {  	v11 =	vand.u32 $0xFFFFFFFB, v46;
	v21 =	vld [tilespmem:s13+$0x13810]  }
0x5fc: {  	v45 =	vld [tilespmem:s11+$0x14830];
	v24 =	vbroadcast v11, $0x0  }
0x5fd: {  	v22 =	vld [tilespmem:s13+$0x14810]  }
0x5fe: {  	v19 =	vld [tilespmem:s11+$0x15830]  }
0x5ff: {  	v23 =	vld [tilespmem:s13+$0x15810];
	v27 =	vmul.f32 v41, v4;
	v16 =	vmul.f32 v43, v5  }
0x600: {  	v12 =	vld.idx.msk [tilespmem:v18+s14+$0x0], $0xffff;
	v20 =	vmul.f32 v20, v9;
	v21 =	vmul.f32 v21, v10  }
0x601: {  	v11 =	vld.idx.msk [tilespmem:v18+s15+$0x0], $0xffff;
	v17 =	vmul.f32 v45, v6;
	v27 =	vadd.f32 v16, v27  }
0x602: {  	v48 =	vmul.f32 v22, v8;
	v15 =	vld.idx.msk [tilespmem:v24+s9+$0x0], $0xffff;
	v20 =	vadd.f32 v21, v20  }
0x603: {  	v25 =	vmul.f32 v25, v14;
	v19 =	vmul.f32 v19, v3;
	v16 =	vld.idx.msk [tilespmem:v24+s10+$0x0], $0xffff;
	v17 =	vadd.f32 v17, v27  }
0x604: {  	v29 =	vld [tilespmem:s2+$0x14800];
	v51 =	vmul.f32 v47, v13;
	v23 =	vmul.f32 v23, v7;
	v20 =	vadd.f32 v48, v20  }
0x605: {  	v18 =	vld.idx.msk [tilespmem:v24+s14+$0x0], $0xffff;
	v19 =	vadd.f32 v19, v17  }
0x606: {  	v54 =	vld [tilespmem:s2+$0x15800];
	v52 =	vmul.f32 v26, v12;
	v21 =	vadd.f32 v25, v51;
	v20 =	vadd.f32 v23, v20  }
0x607: {  	v53 =	vmul.f32 v28, v11;
	v17 =	vld.idx.msk [tilespmem:v24+s15+$0x0], $0xffff;
	[tilespmem:s5+$0x1AC10] =	vst v19  }
0x608: {  	v55 =	vadd.f32 v52, v21;
	v25 =	vld [tilespmem:s11+$0x12840];
	v56 =	vmul.f32 v49, v15;
	v57 =	vmul.f32 v50, v16;
	[tilespmem:s5+$0x1A8F0] =	vst v20  }
0x609: {  	v58 =	vld [tilespmem:s13+$0x12820]  }
0x60a: {  	v19 =	vadd.f32 v53, v55;
	v61 =	vmul.f32 v29, v18;
	v60 =	vadd.f32 v57, v56;
	v59 =	vld [tilespmem:s13+$0x13820]  }
0x60b: {  	v62 =	vld [tilespmem:s13+$0x14820]  }
0x60c: {  	[tilespmem:s5+$0x1A960] =	vst v19;
	v33 =	vmul.f32 v54, v17;
	v63 =	vld [tilespmem:s13+$0x15820];
	v32 =	vadd.f32 v61, v60  }
0x60d: {  	v34 =	vld [tilespmem:s16+$0x12810]  }
0x60e: {  	v35 =	vld [tilespmem:s16+$0x13810];
	v19 =	vadd.f32 v33, v32  }
0x60f: {  	v38 =	vld [tilespmem:s16+$0x14810];
	v36 =	vmul.f32 v58, v9;
	v37 =	vmul.f32 v59, v10  }
0x610: {  	v39 =	vld [tilespmem:s16+$0x15810];
	[tilespmem:s5+$0x1A9E0] =	vst v19  }
0x611: {  	v41 =	vmul.f32 v62, v8;
	v42 =	vld [tilespmem:s2+$0x12810];
	v40 =	vadd.f32 v37, v36  }
0x612: {  	v43 =	vmul.f32 v63, v7;
	v44 =	vld [tilespmem:s2+$0x13810]  }
0x613: {  	v45 =	vld [tilespmem:s11+$0x13840];
	v46 =	vmul.f32 v34, v13;
	v47 =	vmul.f32 v35, v14;
	v19 =	vadd.f32 v41, v40  }
0x614: {  	v48 =	vld [tilespmem:s2+$0x14810]  }
0x615: {  	v30 =	vld [tilespmem:s11+$0x14840];
	v49 =	vmul.f32 v38, v12;
	v20 =	vadd.f32 v47, v46;
	v19 =	vadd.f32 v43, v19  }
0x616: {  	v50 =	vmul.f32 v39, v11;
	v51 =	vld [tilespmem:s2+$0x15810]  }
0x617: {  	v52 =	vld [tilespmem:s11+$0x15840];
	v53 =	vadd.f32 v49, v20;
	v54 =	vmul.f32 v42, v15;
	v55 =	vmul.f32 v44, v16;
	[tilespmem:s5+$0x1AC80] =	vst v19  }
0x618: {  	v56 =	vld [tilespmem:s13+$0x12830]  }
0x619: {  	v58 =	vmul.f32 v48, v18;
	v19 =	vadd.f32 v50, v53;
	v20 =	vadd.f32 v55, v54;
	v57 =	vld [tilespmem:s13+$0x13830]  }
0x61a: {  	v25 =	vmul.f32 v25, v4;
	v59 =	vld [tilespmem:s13+$0x14830]  }
0x61b: {  	v32 =	vmul.f32 v45, v5;
	v62 =	vmul.f32 v51, v17;
	v60 =	vld [tilespmem:s13+$0x15830];
	[tilespmem:s5+$0x1A970] =	vst v19;
	v61 =	vadd.f32 v58, v20  }
0x61c: {  	v63 =	vld [tilespmem:s16+$0x12820]  }
0x61d: {  	v25 =	vadd.f32 v32, v25;
	v35 =	vmul.f32 v30, v6;
	v33 =	vld [tilespmem:s16+$0x13820];
	v19 =	vadd.f32 v62, v61  }
0x61e: {  	v34 =	vld [tilespmem:s16+$0x14820]  }
0x61f: {  	s17 =	sor.u32 $0x4, s4;
	v37 =	vmul.f32 v52, v3;
	v25 =	vadd.f32 v35, v25;
	v36 =	vld [tilespmem:s16+$0x15820];
	[tilespmem:s5+$0x1A9F0] =	vst v19  }
0x620: {  	v50 =	vmov s17;
	v38 =	vld [tilespmem:s2+$0x12820]  }
0x621: {  	v52 =	vand.u32 $0xFFFFFFFC, v50;
	v19 =	vadd.f32 v37, v25;
	v40 =	vld [tilespmem:s2+$0x13820]  }
0x622: {  	v54 =	vbroadcast v52, $0x0;
	v31 =	vld [tilespmem:s2+$0x14820]  }
0x623: {  	v22 =	vmul.f32 v56, v9;
	v39 =	vmul.f32 v57, v10;
	v44 =	vld [tilespmem:s2+$0x15820];
	[tilespmem:s5+$0x1AC20] =	vst v19  }
0x624: {  	v21 =	vmul.f32 v63, v13;
	v29 =	vmul.f32 v33, v14;
	v24 =	vld [tilespmem:s11+$0x12850]  }
0x625: {  	v23 =	vmul.f32 v59, v8;
	v22 =	vadd.f32 v39, v22;
	v26 =	vld [tilespmem:s11+$0x13850]  }
0x626: {  	v20 =	vmul.f32 v34, v12;
	v25 =	vld [tilespmem:s11+$0x14850];
	v21 =	vadd.f32 v29, v21  }
0x627: {  	v42 =	vmul.f32 v60, v7;
	v43 =	vmul.f32 v36, v11;
	v41 =	vadd.f32 v23, v22;
	v23 =	vld [tilespmem:s11+$0x15850]  }
0x628: {  	s11 =	sshll.u32 s17, $0x7;
	v22 =	vld.idx.msk [tilespmem:v54+s14+$0x0], $0xffff;
	v20 =	vadd.f32 v20, v21;
	v45 =	vmul.f32 v38, v15;
	v27 =	vmul.f32 v40, v16  }
0x629: {  	v35 =	vld [tilespmem:s11+$0x12800];
	v19 =	vadd.f32 v42, v41  }
0x62a: {  	v36 =	vld [tilespmem:s11+$0x13800];
	v46 =	vmul.f32 v31, v18;
	v20 =	vadd.f32 v43, v20;
	v21 =	vadd.f32 v27, v45  }
0x62b: {  	v37 =	vld [tilespmem:s11+$0x14800];
	[tilespmem:s5+$0x1AC90] =	vst v19  }
0x62c: {  	v48 =	vmul.f32 v44, v17;
	v27 =	vld [tilespmem:s13+$0x12840];
	[tilespmem:s5+$0x1AD00] =	vst v20;
	v47 =	vadd.f32 v46, v21  }
0x62d: {  	v49 =	vld [tilespmem:s16+$0x12830]  }
0x62e: {  	v51 =	vld [tilespmem:s16+$0x13830];
	v19 =	vadd.f32 v48, v47  }
0x62f: {  	v53 =	vld [tilespmem:s16+$0x14830]  }
0x630: {  	v55 =	vld [tilespmem:s16+$0x15830];
	[tilespmem:s5+$0x1AD80] =	vst v19  }
0x631: {  	v56 =	vld [tilespmem:s2+$0x12830]  }
0x632: {  	v32 =	vld [tilespmem:s2+$0x13830]  }
0x633: {  	v61 =	vld [tilespmem:s13+$0x13840];
	v21 =	vmul.f32 v49, v13;
	v28 =	vmul.f32 v51, v14  }
0x634: {  	v33 =	vld [tilespmem:s2+$0x14830]  }
0x635: {  	v40 =	vld [tilespmem:s13+$0x14840];
	v57 =	vmul.f32 v53, v12;
	v21 =	vadd.f32 v28, v21  }
0x636: {  	v34 =	vld [tilespmem:s2+$0x15830];
	v30 =	vmul.f32 v55, v11  }
0x637: {  	v41 =	vld [tilespmem:s13+$0x15840];
	v31 =	vmul.f32 v56, v15;
	v32 =	vmul.f32 v32, v16;
	v28 =	vadd.f32 v57, v21  }
0x638: {  	v20 =	vld.idx.msk [tilespmem:v54+s9+$0x0], $0xffff  }
0x639: {  	v19 =	vld.idx.msk [tilespmem:v54+s10+$0x0], $0xffff;
	v59 =	vmul.f32 v33, v18;
	v58 =	vadd.f32 v32, v31;
	v28 =	vadd.f32 v30, v28  }
0x63a: {  	v27 =	vmul.f32 v27, v9;
	v21 =	vld.idx.msk [tilespmem:v54+s15+$0x0], $0xffff  }
0x63b: {  	v60 =	vld [tilespmem:s11+$0x15800];
	v42 =	vmul.f32 v34, v17;
	v33 =	vmul.f32 v61, v10;
	v29 =	vadd.f32 v59, v58;
	[tilespmem:s5+$0x1AD10] =	vst v28  }
0x63c: {  	v44 =	vld [tilespmem:s16+$0x12840]  }
0x63d: {  	v52 =	vmul.f32 v40, v8;
	v27 =	vadd.f32 v33, v27;
	v45 =	vld [tilespmem:s16+$0x13840];
	v28 =	vadd.f32 v42, v29  }
0x63e: {  	v62 =	vmul.f32 v35, v20;
	v63 =	vmul.f32 v36, v19;
	v48 =	vld [tilespmem:s16+$0x14840]  }
0x63f: {  	v54 =	vmul.f32 v41, v7;
	v27 =	vadd.f32 v52, v27;
	v49 =	vld [tilespmem:s16+$0x15840];
	[tilespmem:s5+$0x1AD90] =	vst v28  }
0x640: {  	v43 =	vmul.f32 v37, v22;
	v30 =	vadd.f32 v63, v62;
	v51 =	vld [tilespmem:s2+$0x12840]  }
0x641: {  	v27 =	vadd.f32 v54, v27;
	v53 =	vld [tilespmem:s2+$0x13840]  }
0x642: {  	v46 =	vadd.f32 v43, v30;
	v47 =	vmul.f32 v60, v21;
	v59 =	vld [tilespmem:s2+$0x14840]  }
0x643: {  	[tilespmem:s5+$0x1ACA0] =	vst v27;
	v63 =	vld [tilespmem:s2+$0x15840]  }
0x644: {  	v50 =	vadd.f32 v47, v46;
	v42 =	vld [tilespmem:s13+$0x12850]  }
0x645: {  	v38 =	vld [tilespmem:s13+$0x14850]  }
0x646: {  	[tilespmem:s5+$0x1AA60] =	vst v50;
	v30 =	vld [tilespmem:s13+$0x15850];
	v56 =	vmul.f32 v44, v13;
	v57 =	vmul.f32 v45, v14  }
0x647: {  	v55 =	vld [tilespmem:s11+$0x12810]  }
0x648: {  	v58 =	vld [tilespmem:s11+$0x13810];
	v61 =	vmul.f32 v48, v12;
	v60 =	vadd.f32 v57, v56  }
0x649: {  	v62 =	vld [tilespmem:s11+$0x14810]  }
0x64a: {  	s18 =	sor.u32 $0x5, s4;
	v34 =	vmul.f32 v49, v11;
	v44 =	vld [tilespmem:s13+$0x13850];
	v48 =	vadd.f32 v61, v60  }
0x64b: {  	s13 =	sshll.u32 s18, $0x7;
	v49 =	vmul.f32 v51, v15;
	v50 =	vmul.f32 v53, v16;
	v51 =	vld [tilespmem:s11+$0x15810]  }
0x64c: {  	v27 =	vadd.f32 v34, v48;
	v48 =	vld [tilespmem:s13+$0x12800]  }
0x64d: {  	v28 =	vadd.f32 v50, v49;
	v49 =	vld [tilespmem:s13+$0x13800]  }
0x64e: {  	v50 =	vld [tilespmem:s13+$0x14800];
	[tilespmem:s5+$0x1AD20] =	vst v27  }
0x64f: {  	v39 =	vld [tilespmem:s16+$0x12850]  }
0x650: {  	v52 =	vmul.f32 v55, v20;
	v53 =	vmul.f32 v58, v19;
	v40 =	vld [tilespmem:s16+$0x13850]  }
0x651: {  	v54 =	vmul.f32 v59, v18;
	v37 =	vld [tilespmem:s16+$0x14850]  }
0x652: {  	s31 =	sor.u32 $0x6, s4;
	v32 =	vmul.f32 v62, v22;
	v31 =	vadd.f32 v53, v52;
	v33 =	vld [tilespmem:s16+$0x15850]  }
0x653: {  	v56 =	vmul.f32 v63, v17;
	v55 =	vadd.f32 v54, v28;
	v58 =	vmul.f32 v51, v21;
	v51 =	vld [tilespmem:s13+$0x15800];
	s16 =	sshll.u32 s31, $0x7  }
0x654: {  	v57 =	vadd.f32 v32, v31;
	v53 =	vld [tilespmem:s16+$0x12800]  }
0x655: {  	v59 =	vmov s18;
	v27 =	vadd.f32 v56, v55;
	v54 =	vld [tilespmem:s16+$0x13800]  }
0x656: {  	v28 =	vand.u32 $0xFFFFFFFD, v59;
	v55 =	vld [tilespmem:s16+$0x14800];
	v29 =	vadd.f32 v58, v57  }
0x657: {  	v60 =	vbroadcast v28, $0x0;
	v56 =	vld [tilespmem:s16+$0x15800];
	[tilespmem:s5+$0x1ADA0] =	vst v27  }
0x658: {  	v47 =	vld [tilespmem:s2+$0x12850];
	[tilespmem:s5+$0x1AA70] =	vst v29  }
0x659: {  	v61 =	vmov s31;
	v41 =	vld [tilespmem:s11+$0x12820]  }
0x65a: {  	v28 =	vand.u32 $0xFFFFFFFE, v61;
	v43 =	vld [tilespmem:s11+$0x13820]  }
0x65b: {  	v28 =	vbroadcast v28, $0x0;
	v45 =	vld [tilespmem:s11+$0x14820]  }
0x65c: {  	v46 =	vld [tilespmem:s11+$0x15820]  }
0x65d: {  	v32 =	vld.idx.msk [tilespmem:v60+s9+$0x0], $0xffff  }
0x65e: {  	v34 =	vld.idx.msk [tilespmem:v60+s10+$0x0], $0xffff  }
0x65f: {  	s18 =	sor.u32 $0x7, s4;
	v31 =	vld.idx.msk [tilespmem:v60+s14+$0x0], $0xffff  }
0x660: {  	v52 =	vmov s18;
	v27 =	vld.idx.msk [tilespmem:v60+s15+$0x0], $0xffff  }
0x661: {  	v35 =	vld.idx.msk [tilespmem:v28+s9+$0x0], $0xffff  }
0x662: {  	v36 =	vld.idx.msk [tilespmem:v28+s10+$0x0], $0xffff  }
0x663: {  	v29 =	vld.idx.msk [tilespmem:v28+s14+$0x0], $0xffff  }
0x664: {  	v28 =	vld.idx.msk [tilespmem:v28+s15+$0x0], $0xffff  }
0x665: {  	v57 =	vmul.f32 v41, v20;
	v58 =	vmul.f32 v43, v19;
	v41 =	vld.idx.msk [tilespmem:v52+s9+$0x0], $0xffff  }
0x666: {  	s18 =	sshll.u32 s18, $0x7;
	v43 =	vld.idx.msk [tilespmem:v52+s10+$0x0], $0xffff;
	v48 =	vmul.f32 v48, v32;
	v49 =	vmul.f32 v49, v34  }
0x667: {  	v45 =	vmul.f32 v45, v22;
	v62 =	vmul.f32 v50, v31;
	v50 =	vld [tilespmem:s18+$0x13800];
	v57 =	vadd.f32 v58, v57  }
0x668: {  	v63 =	vmul.f32 v46, v21;
	v58 =	vld [tilespmem:s18+$0x12800];
	v48 =	vadd.f32 v49, v48  }
0x669: {  	v46 =	vld.idx.msk [tilespmem:v52+s14+$0x0], $0xffff;
	v60 =	vmul.f32 v53, v35;
	v61 =	vmul.f32 v54, v36;
	v45 =	vadd.f32 v45, v57  }
0x66a: {  	v51 =	vmul.f32 v51, v27;
	v48 =	vadd.f32 v62, v48;
	v62 =	vld [tilespmem:s18+$0x14800]  }
0x66b: {  	v49 =	vadd.f32 v61, v60;
	v61 =	vld [tilespmem:s18+$0x15800];
	v57 =	vadd.f32 v63, v45  }
0x66c: {  	v60 =	vmul.f32 v55, v29;
	v45 =	vld.idx.msk [tilespmem:v52+s15+$0x0], $0xffff;
	v51 =	vadd.f32 v51, v48  }
0x66d: {  	v50 =	vmul.f32 v50, v43;
	v48 =	vld [tilespmem:s2+$0x13850];
	v63 =	vmul.f32 v58, v41;
	[tilespmem:s5+$0x1AE00] =	vst v57  }
0x66e: {  	v49 =	vadd.f32 v60, v49;
	v58 =	vmul.f32 v56, v28;
	v57 =	vld [tilespmem:s11+$0x12830];
	[tilespmem:s5+$0x1AAE0] =	vst v51  }
0x66f: {  	v50 =	vadd.f32 v50, v63;
	v59 =	vld [tilespmem:s13+$0x12810];
	v54 =	vmul.f32 v62, v46  }
0x670: {  	v49 =	vadd.f32 v58, v49;
	v62 =	vld [tilespmem:s13+$0x13810]  }
0x671: {  	v63 =	vld [tilespmem:s13+$0x14810];
	v53 =	vmul.f32 v61, v45;
	v50 =	vadd.f32 v54, v50  }
0x672: {  	v60 =	vld [tilespmem:s13+$0x15810];
	[tilespmem:s5+$0x1AB60] =	vst v49  }
0x673: {  	v49 =	vld [tilespmem:s16+$0x12810];
	v50 =	vadd.f32 v53, v50  }
0x674: {  	v61 =	vld [tilespmem:s16+$0x13810]  }
0x675: {  	v52 =	vmul.f32 v59, v32;
	v55 =	vmul.f32 v62, v34;
	v62 =	vld [tilespmem:s16+$0x14810];
	[tilespmem:s5+$0x1ABE0] =	vst v50  }
0x676: {  	v50 =	vld [tilespmem:s18+$0x12810]  }
0x677: {  	v51 =	vmul.f32 v63, v31;
	v52 =	vadd.f32 v55, v52;
	v63 =	vld [tilespmem:s18+$0x13810]  }
0x678: {  	v58 =	vld [tilespmem:s16+$0x15810];
	v54 =	vmul.f32 v60, v27  }
0x679: {  	v49 =	vmul.f32 v49, v35;
	v60 =	vmul.f32 v61, v36;
	v53 =	vld [tilespmem:s18+$0x14810];
	v51 =	vadd.f32 v51, v52  }
0x67a: {  	v56 =	vld [tilespmem:s11+$0x14830]  }
0x67b: {  	v49 =	vadd.f32 v60, v49;
	v52 =	vmul.f32 v62, v29;
	v51 =	vadd.f32 v54, v51;
	v54 =	vld [tilespmem:s18+$0x15810]  }
0x67c: {  	v59 =	vld [tilespmem:s11+$0x13830];
	v50 =	vmul.f32 v50, v41;
	v55 =	vmul.f32 v63, v43  }
0x67d: {  	v61 =	vmul.f32 v58, v28;
	v60 =	vld [tilespmem:s11+$0x15830];
	v49 =	vadd.f32 v52, v49;
	[tilespmem:s5+$0x1AAF0] =	vst v51  }
0x67e: {  	v53 =	vmul.f32 v53, v46;
	v52 =	vld [tilespmem:s13+$0x12820];
	v50 =	vadd.f32 v55, v50  }
0x67f: {  	v55 =	vld [tilespmem:s13+$0x13820];
	v49 =	vadd.f32 v61, v49  }
0x680: {  	v51 =	vld [tilespmem:s13+$0x14820];
	v50 =	vadd.f32 v53, v50;
	v62 =	vmul.f32 v54, v45  }
0x681: {  	v54 =	vld [tilespmem:s13+$0x15820];
	[tilespmem:s5+$0x1AB70] =	vst v49  }
0x682: {  	v49 =	vld [tilespmem:s16+$0x12820];
	v50 =	vadd.f32 v62, v50  }
0x683: {  	v63 =	vmul.f32 v57, v20;
	v61 =	vmul.f32 v59, v19;
	v58 =	vld [tilespmem:s16+$0x13820]  }
0x684: {  	v59 =	vld [tilespmem:s16+$0x14820];
	v52 =	vmul.f32 v52, v32;
	v55 =	vmul.f32 v55, v34;
	[tilespmem:s5+$0x1ABF0] =	vst v50  }
0x685: {  	v62 =	vadd.f32 v61, v63;
	v63 =	vmul.f32 v56, v22;
	v56 =	vld [tilespmem:s18+$0x12820]  }
0x686: {  	v51 =	vmul.f32 v51, v31;
	v52 =	vadd.f32 v55, v52;
	v55 =	vld [tilespmem:s18+$0x13820]  }
0x687: {  	v57 =	vmul.f32 v60, v21;
	v60 =	vld [tilespmem:s16+$0x15820];
	v53 =	vadd.f32 v63, v62;
	v54 =	vmul.f32 v54, v27  }
0x688: {  	v49 =	vmul.f32 v49, v35;
	v61 =	vmul.f32 v58, v36;
	v58 =	vld [tilespmem:s18+$0x14820];
	v51 =	vadd.f32 v51, v52  }
0x689: {  	v50 =	vld [tilespmem:s2+$0x14850];
	v53 =	vadd.f32 v57, v53  }
0x68a: {  	v62 =	vmul.f32 v59, v29;
	v57 =	vld [tilespmem:s18+$0x15820];
	v52 =	vadd.f32 v61, v49;
	v51 =	vadd.f32 v54, v51  }
0x68b: {  	v49 =	vld [tilespmem:s2+$0x15850];
	[tilespmem:s5+$0x1AE10] =	vst v53;
	v63 =	vmul.f32 v56, v41;
	v55 =	vmul.f32 v55, v43  }
0x68c: {  	v61 =	vmul.f32 v60, v28;
	v56 =	vld [tilespmem:s11+$0x12840];
	[tilespmem:s5+$0x1AE80] =	vst v51;
	v51 =	vadd.f32 v62, v52  }
0x68d: {  	v62 =	vmul.f32 v58, v46;
	v54 =	vld [tilespmem:s13+$0x12830];
	v53 =	vadd.f32 v55, v63  }
0x68e: {  	v63 =	vld [tilespmem:s13+$0x13830];
	v51 =	vadd.f32 v61, v51  }
0x68f: {  	v60 =	vld [tilespmem:s13+$0x14830];
	v61 =	vmul.f32 v57, v45;
	v53 =	vadd.f32 v62, v53  }
0x690: {  	v62 =	vld [tilespmem:s13+$0x15830];
	[tilespmem:s5+$0x1AF00] =	vst v51  }
0x691: {  	v51 =	vld [tilespmem:s16+$0x12830];
	v53 =	vadd.f32 v61, v53  }
0x692: {  	v55 =	vld [tilespmem:s16+$0x13830]  }
0x693: {  	v59 =	vld [tilespmem:s16+$0x14830];
	v54 =	vmul.f32 v54, v32;
	v58 =	vmul.f32 v63, v34;
	[tilespmem:s5+$0x1AF80] =	vst v53  }
0x694: {  	v53 =	vld [tilespmem:s18+$0x12830]  }
0x695: {  	v52 =	vmul.f32 v60, v31;
	v54 =	vadd.f32 v58, v54;
	v58 =	vld [tilespmem:s18+$0x13830]  }
0x696: {  	v60 =	vld [tilespmem:s16+$0x15830];
	v57 =	vmul.f32 v62, v27  }
0x697: {  	v52 =	vadd.f32 v52, v54;
	v51 =	vmul.f32 v51, v35;
	v54 =	vmul.f32 v55, v36;
	v55 =	vld [tilespmem:s18+$0x14830]  }
0x698: {  	v61 =	vld [tilespmem:s11+$0x13840]  }
0x699: {  	v63 =	vmul.f32 v59, v29;
	v52 =	vadd.f32 v57, v52;
	v51 =	vadd.f32 v54, v51;
	v57 =	vld [tilespmem:s18+$0x15830]  }
0x69a: {  	v59 =	vld [tilespmem:s11+$0x14840];
	v53 =	vmul.f32 v53, v41;
	v58 =	vmul.f32 v58, v43  }
0x69b: {  	v62 =	vmul.f32 v60, v28;
	[tilespmem:s5+$0x1AE90] =	vst v52;
	v51 =	vadd.f32 v63, v51;
	v52 =	vld [tilespmem:s11+$0x15840]  }
0x69c: {  	v53 =	vadd.f32 v58, v53;
	v58 =	vld [tilespmem:s13+$0x12840];
	v55 =	vmul.f32 v55, v46  }
0x69d: {  	v56 =	vmul.f32 v56, v20;
	v54 =	vld [tilespmem:s13+$0x13840];
	v51 =	vadd.f32 v62, v51  }
0x69e: {  	v60 =	vmul.f32 v61, v19;
	v53 =	vadd.f32 v55, v53;
	v55 =	vld [tilespmem:s13+$0x14840];
	v57 =	vmul.f32 v57, v45  }
0x69f: {  	[tilespmem:s5+$0x1AF10] =	vst v51;
	v51 =	vld [tilespmem:s13+$0x15840]  }
0x6a0: {  	v56 =	vadd.f32 v60, v56;
	v59 =	vmul.f32 v59, v22;
	v60 =	vld [tilespmem:s16+$0x12840];
	v53 =	vadd.f32 v57, v53  }
0x6a1: {  	v57 =	vld [tilespmem:s16+$0x13840]  }
0x6a2: {  	v4 =	vmul.f32 v24, v4;
	v56 =	vadd.f32 v59, v56;
	v52 =	vmul.f32 v52, v21;
	v59 =	vld [tilespmem:s16+$0x14840];
	[tilespmem:s5+$0x1AF90] =	vst v53  }
0x6a3: {  	v63 =	vmul.f32 v58, v32;
	v54 =	vmul.f32 v54, v34;
	v58 =	vld [tilespmem:s18+$0x12840]  }
0x6a4: {  	v5 =	vmul.f32 v26, v5;
	v6 =	vmul.f32 v25, v6;
	v56 =	vadd.f32 v52, v56;
	v26 =	vld [tilespmem:s18+$0x13840]  }
0x6a5: {  	v3 =	vmul.f32 v23, v3;
	v53 =	vld [tilespmem:s16+$0x15840];
	v25 =	vadd.f32 v54, v63;
	v61 =	vmul.f32 v55, v31  }
0x6a6: {  	[tilespmem:s5+$0x1AE20] =	vst v56;
	v62 =	vmul.f32 v60, v35;
	v63 =	vmul.f32 v57, v36;
	v57 =	vld [tilespmem:s18+$0x14840]  }
0x6a7: {  	v4 =	vadd.f32 v5, v4;
	v51 =	vmul.f32 v51, v27;
	v25 =	vadd.f32 v61, v25;
	v52 =	vld [tilespmem:s11+$0x12850]  }
0x6a8: {  	v9 =	vmul.f32 v42, v9;
	v60 =	vmul.f32 v59, v29;
	v61 =	vld [tilespmem:s18+$0x15840];
	v5 =	vadd.f32 v63, v62  }
0x6a9: {  	v42 =	vld [tilespmem:s11+$0x14850];
	v25 =	vadd.f32 v51, v25;
	v62 =	vmul.f32 v58, v41;
	v26 =	vmul.f32 v26, v43  }
0x6aa: {  	v4 =	vadd.f32 v6, v4;
	v10 =	vmul.f32 v44, v10;
	v6 =	vld [tilespmem:s11+$0x15850];
	v53 =	vmul.f32 v53, v28  }
0x6ab: {  	v51 =	vld [tilespmem:s11+$0x13850];
	v5 =	vadd.f32 v60, v5;
	[tilespmem:s5+$0x1AEA0] =	vst v25;
	v63 =	vadd.f32 v26, v62;
	v54 =	vmul.f32 v57, v46  }
0x6ac: {  	v8 =	vmul.f32 v38, v8;
	v7 =	vmul.f32 v30, v7;
	v9 =	vadd.f32 v10, v9;
	v55 =	vld [tilespmem:s13+$0x12850]  }
0x6ad: {  	v57 =	vld [tilespmem:s13+$0x13850];
	v24 =	vmul.f32 v61, v45;
	v5 =	vadd.f32 v53, v5;
	v56 =	vadd.f32 v54, v63  }
0x6ae: {  	v59 =	vmul.f32 v40, v14;
	v58 =	vmul.f32 v39, v13;
	v60 =	vld [tilespmem:s13+$0x14850]  }
0x6af: {  	v8 =	vadd.f32 v8, v9;
	v12 =	vmul.f32 v37, v12;
	v61 =	vld [tilespmem:s13+$0x15850];
	[tilespmem:s5+$0x1AF20] =	vst v5;
	v62 =	vadd.f32 v24, v56  }
0x6b0: {  	v15 =	vmul.f32 v47, v15;
	v16 =	vmul.f32 v48, v16;
	v9 =	vadd.f32 v59, v58;
	v63 =	vld [tilespmem:s16+$0x12850]  }
0x6b1: {  	v3 =	vadd.f32 v3, v4;
	v30 =	vmul.f32 v50, v18;
	v44 =	vmul.f32 v49, v17;
	v37 =	vld [tilespmem:s16+$0x13850];
	[tilespmem:s5+$0x1AFA0] =	vst v62  }
0x6b2: {  	v39 =	vmul.f32 v33, v11;
	v47 =	vmul.f32 v52, v20;
	v38 =	vadd.f32 v12, v9;
	v40 =	vld [tilespmem:s18+$0x12850]  }
0x6b3: {  	v7 =	vadd.f32 v7, v8;
	v50 =	vmul.f32 v42, v22;
	v49 =	vmul.f32 v51, v19;
	v48 =	vld [tilespmem:s18+$0x13850]  }
0x6b4: {  	v6 =	vmul.f32 v6, v21;
	v24 =	vadd.f32 v16, v15;
	v8 =	vadd.f32 v39, v38;
	v51 =	vld [tilespmem:s16+$0x14850]  }
0x6b5: {  	v9 =	vadd.f32 v49, v47;
	v10 =	vmul.f32 v55, v32;
	v52 =	vmul.f32 v57, v34;
	v53 =	vld [tilespmem:s18+$0x14850]  }
0x6b6: {  	v54 =	vld [tilespmem:s16+$0x15850];
	v14 =	vmul.f32 v60, v31;
	v59 =	vmul.f32 v61, v27;
	v4 =	vadd.f32 v30, v24  }
0x6b7: {  	v9 =	vadd.f32 v50, v9;
	v56 =	vld [tilespmem:s18+$0x15850];
	v55 =	vmul.f32 v63, v35;
	v5 =	vmul.f32 v37, v36  }
0x6b8: {  	v10 =	vadd.f32 v52, v10;
	v11 =	vmul.f32 v40, v41;
	v57 =	vmul.f32 v48, v43  }
0x6b9: {  	[tilespmem:s5+$0x1AC30] =	vst v3;
	v4 =	vadd.f32 v44, v4;
	v58 =	vmul.f32 v51, v29;
	v5 =	vadd.f32 v5, v55  }
0x6ba: {  	[tilespmem:s5+$0x1ACB0] =	vst v7;
	v3 =	vadd.f32 v14, v10;
	v60 =	vmul.f32 v53, v46;
	v11 =	vadd.f32 v57, v11  }
0x6bb: {  	p0 =	slt.u32 s4, $0x18;
	[tilespmem:s5+$0x1AD30] =	vst v8;
	v6 =	vadd.f32 v6, v9;
	v61 =	vmul.f32 v54, v28;
	v5 =	vadd.f32 v58, v5  }
.Ltmp5:
0x6bc: {  	[tilespmem:s5+$0x1ADB0] =	vst v4;
	v3 =	vadd.f32 v59, v3;
	v63 =	vmul.f32 v56, v45;
	v62 =	vadd.f32 v60, v11;
	(pc) =	sbr.rel @p0 .LBB2_11-.Ltmp5, $4  }
0x6bd: {  	[tilespmem:s5+$0x1AE30] =	vst v6;
	v5 =	vadd.f32 v61, v5  }
0x6be: {  	[tilespmem:s5+$0x1AEB0] =	vst v3;
	v3 =	vadd.f32 v63, v62  }
0x6bf: {  	s31 =	sadd.s32 $0x8, s4;
	[tilespmem:s5+$0x1AF30] =	vst v5  }
0x6c0: {  	s4 =	smov.u32 s31;
	[tilespmem:s5+$0x1AFB0] =	vst v3;
	s5 =	simm.s32 $0x0  }
.LBB2_12:
0x6c1: {  	v3 =	vmov s5  }
0x6c2: {  	v3 =	vand.u32 $0xFFFFFFF8, v3  }
0x6c3: {  	v3 =	vbroadcast v3, $0x0;
	_ =	sdelay $0x2  }
0x6c4: {  	s11 =	sshll.u32 s5, $0x7  }
0x6c5: {  	v7 =	vld [tilespmem:s11+$0x16800]  }
0x6c6: {  	v8 =	vld [tilespmem:s11+$0x17800]  }
0x6c7: {  	v4 =	vld.idx.msk [tilespmem:v3+s30+$0x0], $0xffff  }
0x6c8: {  	v5 =	vld.idx.msk [tilespmem:v3+s3+$0x0], $0xffff  }
0x6c9: {  	v9 =	vld [tilespmem:s11+$0x18800]  }
0x6ca: {  	v6 =	vld.idx.msk [tilespmem:v3+s6+$0x0], $0xffff  }
0x6cb: {  	v10 =	vld [tilespmem:s11+$0x19800]  }
0x6cc: {  	v3 =	vld.idx.msk [tilespmem:v3+s8+$0x0], $0xffff  }
0x6cd: {  	v7 =	vmul.f32 v7, v4;
	v8 =	vmul.f32 v8, v5;
	_ =	sdelay $0x1  }
0x6ce: {  	v25 =	vmul.f32 v9, v6;
	v7 =	vadd.f32 v8, v7;
	_ =	sdelay $0x1  }
0x6cf: {  	s2 =	sshrl.u32 s5, $0x3;
	v26 =	vmul.f32 v10, v3;
	v7 =	vadd.f32 v25, v7  }
0x6d0: {  	s2 =	smul.u32 $0x3000, s2  }
0x6d1: {  	v7 =	vadd.f32 v26, v7  }
0x6d2: {  	s4 =	sshra.s32 s2, $0x2  }
0x6d3: {  	[tilespmem:s4+$0x1AC40] =	vst v7  }
0x6d4: {  	v7 =	vld [tilespmem:s11+$0x16810]  }
0x6d5: {  	v27 =	vld [tilespmem:s11+$0x17810];
	_ =	sdelay $0x1  }
0x6d6: {  	v28 =	vld [tilespmem:s11+$0x18810];
	_ =	sdelay $0x1  }
0x6d7: {  	v29 =	vld [tilespmem:s11+$0x19810]  }
0x6d8: {  	v7 =	vmul.f32 v7, v4;
	v8 =	vmul.f32 v27, v5;
	_ =	sdelay $0x1  }
0x6d9: {  	s13 =	sor.u32 $0x1, s5;
	v30 =	vmul.f32 v28, v6;
	v7 =	vadd.f32 v8, v7  }
0x6da: {  	v32 =	vmov s13  }
0x6db: {  	s13 =	sshll.u32 s13, $0x7;
	v33 =	vand.u32 $0xFFFFFFF9, v32;
	v31 =	vmul.f32 v29, v3;
	v7 =	vadd.f32 v30, v7  }
0x6dc: {  	v14 =	vld [tilespmem:s13+$0x16800];
	v11 =	vbroadcast v33, $0x0  }
0x6dd: {  	v15 =	vld [tilespmem:s13+$0x17800];
	v7 =	vadd.f32 v31, v7  }
0x6de: {  	v17 =	vld [tilespmem:s13+$0x18800]  }
0x6df: {  	v36 =	vld [tilespmem:s13+$0x19800];
	[tilespmem:s4+$0x1AC50] =	vst v7  }
0x6e0: {  	v7 =	vld [tilespmem:s11+$0x16820]  }
0x6e1: {  	v34 =	vld [tilespmem:s11+$0x17820]  }
0x6e2: {  	v9 =	vld.idx.msk [tilespmem:v11+s30+$0x0], $0xffff  }
0x6e3: {  	v10 =	vld.idx.msk [tilespmem:v11+s3+$0x0], $0xffff  }
0x6e4: {  	s16 =	sor.u32 $0x2, s5;
	v12 =	vld [tilespmem:s11+$0x18820]  }
0x6e5: {  	v42 =	vmov s16;
	v8 =	vld.idx.msk [tilespmem:v11+s6+$0x0], $0xffff  }
0x6e6: {  	s16 =	sshll.u32 s16, $0x7;
	v44 =	vand.u32 $0xFFFFFFFA, v42;
	v13 =	vld [tilespmem:s11+$0x19820];
	v7 =	vmul.f32 v7, v4;
	v16 =	vmul.f32 v34, v5  }
0x6e7: {  	s17 =	sor.u32 $0x3, s5;
	v47 =	vld [tilespmem:s16+$0x16800];
	v18 =	vbroadcast v44, $0x0  }
0x6e8: {  	s2 =	sshll.u32 s17, $0x7;
	v14 =	vmul.f32 v14, v9;
	v15 =	vmul.f32 v15, v10;
	v16 =	vadd.f32 v16, v7;
	v7 =	vld.idx.msk [tilespmem:v11+s8+$0x0], $0xffff  }
0x6e9: {  	v49 =	vld [tilespmem:s2+$0x16800];
	v12 =	vmul.f32 v12, v6  }
0x6ea: {  	v50 =	vld [tilespmem:s2+$0x17800];
	v37 =	vadd.f32 v15, v14  }
0x6eb: {  	v25 =	vld [tilespmem:s16+$0x17800];
	v38 =	vmul.f32 v17, v8;
	v35 =	vmul.f32 v13, v3;
	v12 =	vadd.f32 v12, v16  }
0x6ec: {  	v26 =	vld [tilespmem:s16+$0x18800]  }
0x6ed: {  	v14 =	vld.idx.msk [tilespmem:v18+s3+$0x0], $0xffff;
	v39 =	vadd.f32 v38, v37;
	v11 =	vadd.f32 v35, v12;
	v40 =	vmul.f32 v36, v7  }
0x6ee: {  	v28 =	vld [tilespmem:s16+$0x19800]  }
0x6ef: {  	v13 =	vld.idx.msk [tilespmem:v18+s30+$0x0], $0xffff;
	[tilespmem:s4+$0x1AC60] =	vst v11;
	v11 =	vadd.f32 v40, v39  }
0x6f0: {  	v41 =	vld [tilespmem:s11+$0x16830]  }
0x6f1: {  	v43 =	vld [tilespmem:s11+$0x17830];
	[tilespmem:s4+$0x1ACC0] =	vst v11  }
0x6f2: {  	v46 =	vmov s17;
	v20 =	vld [tilespmem:s13+$0x16810]  }
0x6f3: {  	v11 =	vand.u32 $0xFFFFFFFB, v46;
	v21 =	vld [tilespmem:s13+$0x17810]  }
0x6f4: {  	v45 =	vld [tilespmem:s11+$0x18830];
	v24 =	vbroadcast v11, $0x0  }
0x6f5: {  	v22 =	vld [tilespmem:s13+$0x18810]  }
0x6f6: {  	v19 =	vld [tilespmem:s11+$0x19830]  }
0x6f7: {  	v23 =	vld [tilespmem:s13+$0x19810];
	v27 =	vmul.f32 v41, v4;
	v16 =	vmul.f32 v43, v5  }
0x6f8: {  	v12 =	vld.idx.msk [tilespmem:v18+s6+$0x0], $0xffff;
	v20 =	vmul.f32 v20, v9;
	v21 =	vmul.f32 v21, v10  }
0x6f9: {  	v11 =	vld.idx.msk [tilespmem:v18+s8+$0x0], $0xffff;
	v17 =	vmul.f32 v45, v6;
	v27 =	vadd.f32 v16, v27  }
0x6fa: {  	v48 =	vmul.f32 v22, v8;
	v15 =	vld.idx.msk [tilespmem:v24+s30+$0x0], $0xffff;
	v20 =	vadd.f32 v21, v20  }
0x6fb: {  	v25 =	vmul.f32 v25, v14;
	v19 =	vmul.f32 v19, v3;
	v16 =	vld.idx.msk [tilespmem:v24+s3+$0x0], $0xffff;
	v17 =	vadd.f32 v17, v27  }
0x6fc: {  	v29 =	vld [tilespmem:s2+$0x18800];
	v51 =	vmul.f32 v47, v13;
	v23 =	vmul.f32 v23, v7;
	v20 =	vadd.f32 v48, v20  }
0x6fd: {  	v18 =	vld.idx.msk [tilespmem:v24+s6+$0x0], $0xffff;
	v19 =	vadd.f32 v19, v17  }
0x6fe: {  	v54 =	vld [tilespmem:s2+$0x19800];
	v52 =	vmul.f32 v26, v12;
	v21 =	vadd.f32 v25, v51;
	v20 =	vadd.f32 v23, v20  }
0x6ff: {  	v53 =	vmul.f32 v28, v11;
	v17 =	vld.idx.msk [tilespmem:v24+s8+$0x0], $0xffff;
	[tilespmem:s4+$0x1AC70] =	vst v19  }
0x700: {  	v55 =	vadd.f32 v52, v21;
	v25 =	vld [tilespmem:s11+$0x16840];
	v56 =	vmul.f32 v49, v15;
	v57 =	vmul.f32 v50, v16;
	[tilespmem:s4+$0x1ACD0] =	vst v20  }
0x701: {  	v58 =	vld [tilespmem:s13+$0x16820]  }
0x702: {  	v19 =	vadd.f32 v53, v55;
	v61 =	vmul.f32 v29, v18;
	v60 =	vadd.f32 v57, v56;
	v59 =	vld [tilespmem:s13+$0x17820]  }
0x703: {  	v62 =	vld [tilespmem:s13+$0x18820]  }
0x704: {  	[tilespmem:s4+$0x1AD40] =	vst v19;
	v33 =	vmul.f32 v54, v17;
	v63 =	vld [tilespmem:s13+$0x19820];
	v32 =	vadd.f32 v61, v60  }
0x705: {  	v34 =	vld [tilespmem:s16+$0x16810]  }
0x706: {  	v35 =	vld [tilespmem:s16+$0x17810];
	v19 =	vadd.f32 v33, v32  }
0x707: {  	v38 =	vld [tilespmem:s16+$0x18810];
	v36 =	vmul.f32 v58, v9;
	v37 =	vmul.f32 v59, v10  }
0x708: {  	v39 =	vld [tilespmem:s16+$0x19810];
	[tilespmem:s4+$0x1ADC0] =	vst v19  }
0x709: {  	v41 =	vmul.f32 v62, v8;
	v42 =	vld [tilespmem:s2+$0x16810];
	v40 =	vadd.f32 v37, v36  }
0x70a: {  	v43 =	vmul.f32 v63, v7;
	v44 =	vld [tilespmem:s2+$0x17810]  }
0x70b: {  	v45 =	vld [tilespmem:s11+$0x17840];
	v46 =	vmul.f32 v34, v13;
	v47 =	vmul.f32 v35, v14;
	v19 =	vadd.f32 v41, v40  }
0x70c: {  	v48 =	vld [tilespmem:s2+$0x18810]  }
0x70d: {  	v30 =	vld [tilespmem:s11+$0x18840];
	v49 =	vmul.f32 v38, v12;
	v20 =	vadd.f32 v47, v46;
	v19 =	vadd.f32 v43, v19  }
0x70e: {  	v50 =	vmul.f32 v39, v11;
	v51 =	vld [tilespmem:s2+$0x19810]  }
0x70f: {  	v52 =	vld [tilespmem:s11+$0x19840];
	v53 =	vadd.f32 v49, v20;
	v54 =	vmul.f32 v42, v15;
	v55 =	vmul.f32 v44, v16;
	[tilespmem:s4+$0x1ACE0] =	vst v19  }
0x710: {  	v56 =	vld [tilespmem:s13+$0x16830]  }
0x711: {  	v58 =	vmul.f32 v48, v18;
	v19 =	vadd.f32 v50, v53;
	v20 =	vadd.f32 v55, v54;
	v57 =	vld [tilespmem:s13+$0x17830]  }
0x712: {  	v25 =	vmul.f32 v25, v4;
	v59 =	vld [tilespmem:s13+$0x18830]  }
0x713: {  	v32 =	vmul.f32 v45, v5;
	v62 =	vmul.f32 v51, v17;
	v60 =	vld [tilespmem:s13+$0x19830];
	[tilespmem:s4+$0x1AD50] =	vst v19;
	v61 =	vadd.f32 v58, v20  }
0x714: {  	v63 =	vld [tilespmem:s16+$0x16820]  }
0x715: {  	v25 =	vadd.f32 v32, v25;
	v35 =	vmul.f32 v30, v6;
	v33 =	vld [tilespmem:s16+$0x17820];
	v19 =	vadd.f32 v62, v61  }
0x716: {  	v34 =	vld [tilespmem:s16+$0x18820]  }
0x717: {  	s17 =	sor.u32 $0x4, s5;
	v37 =	vmul.f32 v52, v3;
	v25 =	vadd.f32 v35, v25;
	v36 =	vld [tilespmem:s16+$0x19820];
	[tilespmem:s4+$0x1ADD0] =	vst v19  }
0x718: {  	v50 =	vmov s17;
	v38 =	vld [tilespmem:s2+$0x16820]  }
0x719: {  	v52 =	vand.u32 $0xFFFFFFFC, v50;
	v19 =	vadd.f32 v37, v25;
	v40 =	vld [tilespmem:s2+$0x17820]  }
0x71a: {  	v54 =	vbroadcast v52, $0x0;
	v31 =	vld [tilespmem:s2+$0x18820]  }
0x71b: {  	v22 =	vmul.f32 v56, v9;
	v39 =	vmul.f32 v57, v10;
	v44 =	vld [tilespmem:s2+$0x19820];
	[tilespmem:s4+$0x1B000] =	vst v19  }
0x71c: {  	v21 =	vmul.f32 v63, v13;
	v29 =	vmul.f32 v33, v14;
	v24 =	vld [tilespmem:s11+$0x16850]  }
0x71d: {  	v23 =	vmul.f32 v59, v8;
	v22 =	vadd.f32 v39, v22;
	v26 =	vld [tilespmem:s11+$0x17850]  }
0x71e: {  	v20 =	vmul.f32 v34, v12;
	v25 =	vld [tilespmem:s11+$0x18850];
	v21 =	vadd.f32 v29, v21  }
0x71f: {  	v42 =	vmul.f32 v60, v7;
	v43 =	vmul.f32 v36, v11;
	v41 =	vadd.f32 v23, v22;
	v23 =	vld [tilespmem:s11+$0x19850]  }
0x720: {  	s11 =	sshll.u32 s17, $0x7;
	v22 =	vld.idx.msk [tilespmem:v54+s6+$0x0], $0xffff;
	v20 =	vadd.f32 v20, v21;
	v45 =	vmul.f32 v38, v15;
	v27 =	vmul.f32 v40, v16  }
0x721: {  	v35 =	vld [tilespmem:s11+$0x16800];
	v19 =	vadd.f32 v42, v41  }
0x722: {  	v36 =	vld [tilespmem:s11+$0x17800];
	v46 =	vmul.f32 v31, v18;
	v20 =	vadd.f32 v43, v20;
	v21 =	vadd.f32 v27, v45  }
0x723: {  	v37 =	vld [tilespmem:s11+$0x18800];
	[tilespmem:s4+$0x1ACF0] =	vst v19  }
0x724: {  	v48 =	vmul.f32 v44, v17;
	v27 =	vld [tilespmem:s13+$0x16840];
	[tilespmem:s4+$0x1AD60] =	vst v20;
	v47 =	vadd.f32 v46, v21  }
0x725: {  	v49 =	vld [tilespmem:s16+$0x16830]  }
0x726: {  	v51 =	vld [tilespmem:s16+$0x17830];
	v19 =	vadd.f32 v48, v47  }
0x727: {  	v53 =	vld [tilespmem:s16+$0x18830]  }
0x728: {  	v55 =	vld [tilespmem:s16+$0x19830];
	[tilespmem:s4+$0x1ADE0] =	vst v19  }
0x729: {  	v56 =	vld [tilespmem:s2+$0x16830]  }
0x72a: {  	v32 =	vld [tilespmem:s2+$0x17830]  }
0x72b: {  	v61 =	vld [tilespmem:s13+$0x17840];
	v21 =	vmul.f32 v49, v13;
	v28 =	vmul.f32 v51, v14  }
0x72c: {  	v33 =	vld [tilespmem:s2+$0x18830]  }
0x72d: {  	v40 =	vld [tilespmem:s13+$0x18840];
	v57 =	vmul.f32 v53, v12;
	v21 =	vadd.f32 v28, v21  }
0x72e: {  	v34 =	vld [tilespmem:s2+$0x19830];
	v30 =	vmul.f32 v55, v11  }
0x72f: {  	v41 =	vld [tilespmem:s13+$0x19840];
	v31 =	vmul.f32 v56, v15;
	v32 =	vmul.f32 v32, v16;
	v28 =	vadd.f32 v57, v21  }
0x730: {  	v20 =	vld.idx.msk [tilespmem:v54+s30+$0x0], $0xffff  }
0x731: {  	v19 =	vld.idx.msk [tilespmem:v54+s3+$0x0], $0xffff;
	v59 =	vmul.f32 v33, v18;
	v58 =	vadd.f32 v32, v31;
	v28 =	vadd.f32 v30, v28  }
0x732: {  	v27 =	vmul.f32 v27, v9;
	v21 =	vld.idx.msk [tilespmem:v54+s8+$0x0], $0xffff  }
0x733: {  	v60 =	vld [tilespmem:s11+$0x19800];
	v42 =	vmul.f32 v34, v17;
	v33 =	vmul.f32 v61, v10;
	v29 =	vadd.f32 v59, v58;
	[tilespmem:s4+$0x1AD70] =	vst v28  }
0x734: {  	v44 =	vld [tilespmem:s16+$0x16840]  }
0x735: {  	v52 =	vmul.f32 v40, v8;
	v27 =	vadd.f32 v33, v27;
	v45 =	vld [tilespmem:s16+$0x17840];
	v28 =	vadd.f32 v42, v29  }
0x736: {  	v62 =	vmul.f32 v35, v20;
	v63 =	vmul.f32 v36, v19;
	v48 =	vld [tilespmem:s16+$0x18840]  }
0x737: {  	v54 =	vmul.f32 v41, v7;
	v27 =	vadd.f32 v52, v27;
	v49 =	vld [tilespmem:s16+$0x19840];
	[tilespmem:s4+$0x1ADF0] =	vst v28  }
0x738: {  	v43 =	vmul.f32 v37, v22;
	v30 =	vadd.f32 v63, v62;
	v51 =	vld [tilespmem:s2+$0x16840]  }
0x739: {  	v27 =	vadd.f32 v54, v27;
	v53 =	vld [tilespmem:s2+$0x17840]  }
0x73a: {  	v46 =	vadd.f32 v43, v30;
	v47 =	vmul.f32 v60, v21;
	v59 =	vld [tilespmem:s2+$0x18840]  }
0x73b: {  	[tilespmem:s4+$0x1B080] =	vst v27;
	v63 =	vld [tilespmem:s2+$0x19840]  }
0x73c: {  	v50 =	vadd.f32 v47, v46;
	v42 =	vld [tilespmem:s13+$0x16850]  }
0x73d: {  	v38 =	vld [tilespmem:s13+$0x18850]  }
0x73e: {  	[tilespmem:s4+$0x1AE40] =	vst v50;
	v30 =	vld [tilespmem:s13+$0x19850];
	v56 =	vmul.f32 v44, v13;
	v57 =	vmul.f32 v45, v14  }
0x73f: {  	v55 =	vld [tilespmem:s11+$0x16810]  }
0x740: {  	v58 =	vld [tilespmem:s11+$0x17810];
	v61 =	vmul.f32 v48, v12;
	v60 =	vadd.f32 v57, v56  }
0x741: {  	v62 =	vld [tilespmem:s11+$0x18810]  }
0x742: {  	s18 =	sor.u32 $0x5, s5;
	v34 =	vmul.f32 v49, v11;
	v44 =	vld [tilespmem:s13+$0x17850];
	v48 =	vadd.f32 v61, v60  }
0x743: {  	s13 =	sshll.u32 s18, $0x7;
	v49 =	vmul.f32 v51, v15;
	v50 =	vmul.f32 v53, v16;
	v51 =	vld [tilespmem:s11+$0x19810]  }
0x744: {  	v27 =	vadd.f32 v34, v48;
	v48 =	vld [tilespmem:s13+$0x16800]  }
0x745: {  	v28 =	vadd.f32 v50, v49;
	v49 =	vld [tilespmem:s13+$0x17800]  }
0x746: {  	v50 =	vld [tilespmem:s13+$0x18800];
	[tilespmem:s4+$0x1B100] =	vst v27  }
0x747: {  	v39 =	vld [tilespmem:s16+$0x16850]  }
0x748: {  	v52 =	vmul.f32 v55, v20;
	v53 =	vmul.f32 v58, v19;
	v40 =	vld [tilespmem:s16+$0x17850]  }
0x749: {  	v54 =	vmul.f32 v59, v18;
	v37 =	vld [tilespmem:s16+$0x18850]  }
0x74a: {  	s31 =	sor.u32 $0x6, s5;
	v32 =	vmul.f32 v62, v22;
	v31 =	vadd.f32 v53, v52;
	v33 =	vld [tilespmem:s16+$0x19850]  }
0x74b: {  	v56 =	vmul.f32 v63, v17;
	v55 =	vadd.f32 v54, v28;
	v58 =	vmul.f32 v51, v21;
	v51 =	vld [tilespmem:s13+$0x19800];
	s16 =	sshll.u32 s31, $0x7  }
0x74c: {  	v57 =	vadd.f32 v32, v31;
	v53 =	vld [tilespmem:s16+$0x16800]  }
0x74d: {  	v59 =	vmov s18;
	v27 =	vadd.f32 v56, v55;
	v54 =	vld [tilespmem:s16+$0x17800]  }
0x74e: {  	v28 =	vand.u32 $0xFFFFFFFD, v59;
	v55 =	vld [tilespmem:s16+$0x18800];
	v29 =	vadd.f32 v58, v57  }
0x74f: {  	v60 =	vbroadcast v28, $0x0;
	v56 =	vld [tilespmem:s16+$0x19800];
	[tilespmem:s4+$0x1B180] =	vst v27  }
0x750: {  	v47 =	vld [tilespmem:s2+$0x16850];
	[tilespmem:s4+$0x1AE50] =	vst v29  }
0x751: {  	v61 =	vmov s31;
	v41 =	vld [tilespmem:s11+$0x16820]  }
0x752: {  	v28 =	vand.u32 $0xFFFFFFFE, v61;
	v43 =	vld [tilespmem:s11+$0x17820]  }
0x753: {  	v28 =	vbroadcast v28, $0x0;
	v45 =	vld [tilespmem:s11+$0x18820]  }
0x754: {  	v46 =	vld [tilespmem:s11+$0x19820]  }
0x755: {  	v32 =	vld.idx.msk [tilespmem:v60+s30+$0x0], $0xffff  }
0x756: {  	v34 =	vld.idx.msk [tilespmem:v60+s3+$0x0], $0xffff  }
0x757: {  	s18 =	sor.u32 $0x7, s5;
	v31 =	vld.idx.msk [tilespmem:v60+s6+$0x0], $0xffff  }
0x758: {  	v52 =	vmov s18;
	v27 =	vld.idx.msk [tilespmem:v60+s8+$0x0], $0xffff  }
0x759: {  	v35 =	vld.idx.msk [tilespmem:v28+s30+$0x0], $0xffff  }
0x75a: {  	v36 =	vld.idx.msk [tilespmem:v28+s3+$0x0], $0xffff  }
0x75b: {  	v29 =	vld.idx.msk [tilespmem:v28+s6+$0x0], $0xffff  }
0x75c: {  	v28 =	vld.idx.msk [tilespmem:v28+s8+$0x0], $0xffff  }
0x75d: {  	v57 =	vmul.f32 v41, v20;
	v58 =	vmul.f32 v43, v19;
	v41 =	vld.idx.msk [tilespmem:v52+s30+$0x0], $0xffff  }
0x75e: {  	s18 =	sshll.u32 s18, $0x7;
	v43 =	vld.idx.msk [tilespmem:v52+s3+$0x0], $0xffff;
	v48 =	vmul.f32 v48, v32;
	v49 =	vmul.f32 v49, v34  }
0x75f: {  	v45 =	vmul.f32 v45, v22;
	v62 =	vmul.f32 v50, v31;
	v50 =	vld [tilespmem:s18+$0x17800];
	v57 =	vadd.f32 v58, v57  }
0x760: {  	v63 =	vmul.f32 v46, v21;
	v58 =	vld [tilespmem:s18+$0x16800];
	v48 =	vadd.f32 v49, v48  }
0x761: {  	v46 =	vld.idx.msk [tilespmem:v52+s6+$0x0], $0xffff;
	v60 =	vmul.f32 v53, v35;
	v61 =	vmul.f32 v54, v36;
	v45 =	vadd.f32 v45, v57  }
0x762: {  	v51 =	vmul.f32 v51, v27;
	v48 =	vadd.f32 v62, v48;
	v62 =	vld [tilespmem:s18+$0x18800]  }
0x763: {  	v49 =	vadd.f32 v61, v60;
	v61 =	vld [tilespmem:s18+$0x19800];
	v57 =	vadd.f32 v63, v45  }
0x764: {  	v60 =	vmul.f32 v55, v29;
	v45 =	vld.idx.msk [tilespmem:v52+s8+$0x0], $0xffff;
	v51 =	vadd.f32 v51, v48  }
0x765: {  	v50 =	vmul.f32 v50, v43;
	v48 =	vld [tilespmem:s2+$0x17850];
	v63 =	vmul.f32 v58, v41;
	[tilespmem:s4+$0x1AE60] =	vst v57  }
0x766: {  	v49 =	vadd.f32 v60, v49;
	v58 =	vmul.f32 v56, v28;
	v57 =	vld [tilespmem:s11+$0x16830];
	[tilespmem:s4+$0x1AEC0] =	vst v51  }
0x767: {  	v50 =	vadd.f32 v50, v63;
	v59 =	vld [tilespmem:s13+$0x16810];
	v54 =	vmul.f32 v62, v46  }
0x768: {  	v49 =	vadd.f32 v58, v49;
	v62 =	vld [tilespmem:s13+$0x17810]  }
0x769: {  	v63 =	vld [tilespmem:s13+$0x18810];
	v53 =	vmul.f32 v61, v45;
	v50 =	vadd.f32 v54, v50  }
0x76a: {  	v60 =	vld [tilespmem:s13+$0x19810];
	[tilespmem:s4+$0x1AF40] =	vst v49  }
0x76b: {  	v49 =	vld [tilespmem:s16+$0x16810];
	v50 =	vadd.f32 v53, v50  }
0x76c: {  	v61 =	vld [tilespmem:s16+$0x17810]  }
0x76d: {  	v52 =	vmul.f32 v59, v32;
	v55 =	vmul.f32 v62, v34;
	v62 =	vld [tilespmem:s16+$0x18810];
	[tilespmem:s4+$0x1AFC0] =	vst v50  }
0x76e: {  	v50 =	vld [tilespmem:s18+$0x16810]  }
0x76f: {  	v51 =	vmul.f32 v63, v31;
	v52 =	vadd.f32 v55, v52;
	v63 =	vld [tilespmem:s18+$0x17810]  }
0x770: {  	v58 =	vld [tilespmem:s16+$0x19810];
	v54 =	vmul.f32 v60, v27  }
0x771: {  	v49 =	vmul.f32 v49, v35;
	v60 =	vmul.f32 v61, v36;
	v53 =	vld [tilespmem:s18+$0x18810];
	v51 =	vadd.f32 v51, v52  }
0x772: {  	v56 =	vld [tilespmem:s11+$0x18830]  }
0x773: {  	v49 =	vadd.f32 v60, v49;
	v52 =	vmul.f32 v62, v29;
	v51 =	vadd.f32 v54, v51;
	v54 =	vld [tilespmem:s18+$0x19810]  }
0x774: {  	v59 =	vld [tilespmem:s11+$0x17830];
	v50 =	vmul.f32 v50, v41;
	v55 =	vmul.f32 v63, v43  }
0x775: {  	v61 =	vmul.f32 v58, v28;
	v60 =	vld [tilespmem:s11+$0x19830];
	v49 =	vadd.f32 v52, v49;
	[tilespmem:s4+$0x1AED0] =	vst v51  }
0x776: {  	v53 =	vmul.f32 v53, v46;
	v52 =	vld [tilespmem:s13+$0x16820];
	v50 =	vadd.f32 v55, v50  }
0x777: {  	v55 =	vld [tilespmem:s13+$0x17820];
	v49 =	vadd.f32 v61, v49  }
0x778: {  	v51 =	vld [tilespmem:s13+$0x18820];
	v50 =	vadd.f32 v53, v50;
	v62 =	vmul.f32 v54, v45  }
0x779: {  	v54 =	vld [tilespmem:s13+$0x19820];
	[tilespmem:s4+$0x1AF50] =	vst v49  }
0x77a: {  	v49 =	vld [tilespmem:s16+$0x16820];
	v50 =	vadd.f32 v62, v50  }
0x77b: {  	v63 =	vmul.f32 v57, v20;
	v61 =	vmul.f32 v59, v19;
	v58 =	vld [tilespmem:s16+$0x17820]  }
0x77c: {  	v59 =	vld [tilespmem:s16+$0x18820];
	v52 =	vmul.f32 v52, v32;
	v55 =	vmul.f32 v55, v34;
	[tilespmem:s4+$0x1AFD0] =	vst v50  }
0x77d: {  	v62 =	vadd.f32 v61, v63;
	v63 =	vmul.f32 v56, v22;
	v56 =	vld [tilespmem:s18+$0x16820]  }
0x77e: {  	v51 =	vmul.f32 v51, v31;
	v52 =	vadd.f32 v55, v52;
	v55 =	vld [tilespmem:s18+$0x17820]  }
0x77f: {  	v57 =	vmul.f32 v60, v21;
	v60 =	vld [tilespmem:s16+$0x19820];
	v53 =	vadd.f32 v63, v62;
	v54 =	vmul.f32 v54, v27  }
0x780: {  	v49 =	vmul.f32 v49, v35;
	v61 =	vmul.f32 v58, v36;
	v58 =	vld [tilespmem:s18+$0x18820];
	v51 =	vadd.f32 v51, v52  }
0x781: {  	v50 =	vld [tilespmem:s2+$0x18850];
	v53 =	vadd.f32 v57, v53  }
0x782: {  	v62 =	vmul.f32 v59, v29;
	v57 =	vld [tilespmem:s18+$0x19820];
	v52 =	vadd.f32 v61, v49;
	v51 =	vadd.f32 v54, v51  }
0x783: {  	v49 =	vld [tilespmem:s2+$0x19850];
	[tilespmem:s4+$0x1AE70] =	vst v53;
	v63 =	vmul.f32 v56, v41;
	v55 =	vmul.f32 v55, v43  }
0x784: {  	v61 =	vmul.f32 v60, v28;
	v56 =	vld [tilespmem:s11+$0x16840];
	[tilespmem:s4+$0x1AEE0] =	vst v51;
	v51 =	vadd.f32 v62, v52  }
0x785: {  	v62 =	vmul.f32 v58, v46;
	v54 =	vld [tilespmem:s13+$0x16830];
	v53 =	vadd.f32 v55, v63  }
0x786: {  	v63 =	vld [tilespmem:s13+$0x17830];
	v51 =	vadd.f32 v61, v51  }
0x787: {  	v60 =	vld [tilespmem:s13+$0x18830];
	v61 =	vmul.f32 v57, v45;
	v53 =	vadd.f32 v62, v53  }
0x788: {  	v62 =	vld [tilespmem:s13+$0x19830];
	[tilespmem:s4+$0x1AF60] =	vst v51  }
0x789: {  	v51 =	vld [tilespmem:s16+$0x16830];
	v53 =	vadd.f32 v61, v53  }
0x78a: {  	v55 =	vld [tilespmem:s16+$0x17830]  }
0x78b: {  	v59 =	vld [tilespmem:s16+$0x18830];
	v54 =	vmul.f32 v54, v32;
	v58 =	vmul.f32 v63, v34;
	[tilespmem:s4+$0x1AFE0] =	vst v53  }
0x78c: {  	v53 =	vld [tilespmem:s18+$0x16830]  }
0x78d: {  	v52 =	vmul.f32 v60, v31;
	v54 =	vadd.f32 v58, v54;
	v58 =	vld [tilespmem:s18+$0x17830]  }
0x78e: {  	v60 =	vld [tilespmem:s16+$0x19830];
	v57 =	vmul.f32 v62, v27  }
0x78f: {  	v52 =	vadd.f32 v52, v54;
	v51 =	vmul.f32 v51, v35;
	v54 =	vmul.f32 v55, v36;
	v55 =	vld [tilespmem:s18+$0x18830]  }
0x790: {  	v61 =	vld [tilespmem:s11+$0x17840]  }
0x791: {  	v63 =	vmul.f32 v59, v29;
	v52 =	vadd.f32 v57, v52;
	v51 =	vadd.f32 v54, v51;
	v57 =	vld [tilespmem:s18+$0x19830]  }
0x792: {  	v59 =	vld [tilespmem:s11+$0x18840];
	v53 =	vmul.f32 v53, v41;
	v58 =	vmul.f32 v58, v43  }
0x793: {  	v62 =	vmul.f32 v60, v28;
	[tilespmem:s4+$0x1AEF0] =	vst v52;
	v51 =	vadd.f32 v63, v51;
	v52 =	vld [tilespmem:s11+$0x19840]  }
0x794: {  	v53 =	vadd.f32 v58, v53;
	v58 =	vld [tilespmem:s13+$0x16840];
	v55 =	vmul.f32 v55, v46  }
0x795: {  	v56 =	vmul.f32 v56, v20;
	v54 =	vld [tilespmem:s13+$0x17840];
	v51 =	vadd.f32 v62, v51  }
0x796: {  	v60 =	vmul.f32 v61, v19;
	v53 =	vadd.f32 v55, v53;
	v55 =	vld [tilespmem:s13+$0x18840];
	v57 =	vmul.f32 v57, v45  }
0x797: {  	[tilespmem:s4+$0x1AF70] =	vst v51;
	v51 =	vld [tilespmem:s13+$0x19840]  }
0x798: {  	v56 =	vadd.f32 v60, v56;
	v59 =	vmul.f32 v59, v22;
	v60 =	vld [tilespmem:s16+$0x16840];
	v53 =	vadd.f32 v57, v53  }
0x799: {  	v57 =	vld [tilespmem:s16+$0x17840]  }
0x79a: {  	v4 =	vmul.f32 v24, v4;
	v56 =	vadd.f32 v59, v56;
	v52 =	vmul.f32 v52, v21;
	v59 =	vld [tilespmem:s16+$0x18840];
	[tilespmem:s4+$0x1AFF0] =	vst v53  }
0x79b: {  	v63 =	vmul.f32 v58, v32;
	v54 =	vmul.f32 v54, v34;
	v58 =	vld [tilespmem:s18+$0x16840]  }
0x79c: {  	v5 =	vmul.f32 v26, v5;
	v6 =	vmul.f32 v25, v6;
	v56 =	vadd.f32 v52, v56;
	v26 =	vld [tilespmem:s18+$0x17840]  }
0x79d: {  	v3 =	vmul.f32 v23, v3;
	v53 =	vld [tilespmem:s16+$0x19840];
	v25 =	vadd.f32 v54, v63;
	v61 =	vmul.f32 v55, v31  }
0x79e: {  	[tilespmem:s4+$0x1B200] =	vst v56;
	v62 =	vmul.f32 v60, v35;
	v63 =	vmul.f32 v57, v36;
	v57 =	vld [tilespmem:s18+$0x18840]  }
0x79f: {  	v4 =	vadd.f32 v5, v4;
	v51 =	vmul.f32 v51, v27;
	v25 =	vadd.f32 v61, v25;
	v52 =	vld [tilespmem:s11+$0x16850]  }
0x7a0: {  	v9 =	vmul.f32 v42, v9;
	v60 =	vmul.f32 v59, v29;
	v61 =	vld [tilespmem:s18+$0x19840];
	v5 =	vadd.f32 v63, v62  }
0x7a1: {  	v42 =	vld [tilespmem:s11+$0x18850];
	v25 =	vadd.f32 v51, v25;
	v62 =	vmul.f32 v58, v41;
	v26 =	vmul.f32 v26, v43  }
0x7a2: {  	v4 =	vadd.f32 v6, v4;
	v10 =	vmul.f32 v44, v10;
	v6 =	vld [tilespmem:s11+$0x19850];
	v53 =	vmul.f32 v53, v28  }
0x7a3: {  	v51 =	vld [tilespmem:s11+$0x17850];
	v5 =	vadd.f32 v60, v5;
	[tilespmem:s4+$0x1B280] =	vst v25;
	v63 =	vadd.f32 v26, v62;
	v54 =	vmul.f32 v57, v46  }
0x7a4: {  	v8 =	vmul.f32 v38, v8;
	v7 =	vmul.f32 v30, v7;
	v9 =	vadd.f32 v10, v9;
	v55 =	vld [tilespmem:s13+$0x16850]  }
0x7a5: {  	v57 =	vld [tilespmem:s13+$0x17850];
	v24 =	vmul.f32 v61, v45;
	v5 =	vadd.f32 v53, v5;
	v56 =	vadd.f32 v54, v63  }
0x7a6: {  	v59 =	vmul.f32 v40, v14;
	v58 =	vmul.f32 v39, v13;
	v60 =	vld [tilespmem:s13+$0x18850]  }
0x7a7: {  	v8 =	vadd.f32 v8, v9;
	v12 =	vmul.f32 v37, v12;
	v61 =	vld [tilespmem:s13+$0x19850];
	[tilespmem:s4+$0x1B300] =	vst v5;
	v62 =	vadd.f32 v24, v56  }
0x7a8: {  	v15 =	vmul.f32 v47, v15;
	v16 =	vmul.f32 v48, v16;
	v9 =	vadd.f32 v59, v58;
	v63 =	vld [tilespmem:s16+$0x16850]  }
0x7a9: {  	v3 =	vadd.f32 v3, v4;
	v30 =	vmul.f32 v50, v18;
	v44 =	vmul.f32 v49, v17;
	v37 =	vld [tilespmem:s16+$0x17850];
	[tilespmem:s4+$0x1B380] =	vst v62  }
0x7aa: {  	v39 =	vmul.f32 v33, v11;
	v47 =	vmul.f32 v52, v20;
	v38 =	vadd.f32 v12, v9;
	v40 =	vld [tilespmem:s18+$0x16850]  }
0x7ab: {  	v7 =	vadd.f32 v7, v8;
	v50 =	vmul.f32 v42, v22;
	v49 =	vmul.f32 v51, v19;
	v48 =	vld [tilespmem:s18+$0x17850]  }
0x7ac: {  	v6 =	vmul.f32 v6, v21;
	v24 =	vadd.f32 v16, v15;
	v8 =	vadd.f32 v39, v38;
	v51 =	vld [tilespmem:s16+$0x18850]  }
0x7ad: {  	v9 =	vadd.f32 v49, v47;
	v10 =	vmul.f32 v55, v32;
	v52 =	vmul.f32 v57, v34;
	v53 =	vld [tilespmem:s18+$0x18850]  }
0x7ae: {  	v54 =	vld [tilespmem:s16+$0x19850];
	v14 =	vmul.f32 v60, v31;
	v59 =	vmul.f32 v61, v27;
	v4 =	vadd.f32 v30, v24  }
0x7af: {  	v9 =	vadd.f32 v50, v9;
	v56 =	vld [tilespmem:s18+$0x19850];
	v55 =	vmul.f32 v63, v35;
	v5 =	vmul.f32 v37, v36  }
0x7b0: {  	v10 =	vadd.f32 v52, v10;
	v11 =	vmul.f32 v40, v41;
	v57 =	vmul.f32 v48, v43  }
0x7b1: {  	[tilespmem:s4+$0x1B010] =	vst v3;
	v4 =	vadd.f32 v44, v4;
	v58 =	vmul.f32 v51, v29;
	v5 =	vadd.f32 v5, v55  }
0x7b2: {  	[tilespmem:s4+$0x1B090] =	vst v7;
	v3 =	vadd.f32 v14, v10;
	v60 =	vmul.f32 v53, v46;
	v11 =	vadd.f32 v57, v11  }
0x7b3: {  	p0 =	slt.u32 s5, $0x18;
	[tilespmem:s4+$0x1B110] =	vst v8;
	v6 =	vadd.f32 v6, v9;
	v61 =	vmul.f32 v54, v28;
	v5 =	vadd.f32 v58, v5  }
.Ltmp6:
0x7b4: {  	[tilespmem:s4+$0x1B190] =	vst v4;
	v3 =	vadd.f32 v59, v3;
	v63 =	vmul.f32 v56, v45;
	v62 =	vadd.f32 v60, v11;
	(pc) =	sbr.rel @p0 .LBB2_12-.Ltmp6, $4  }
0x7b5: {  	[tilespmem:s4+$0x1B210] =	vst v6;
	v5 =	vadd.f32 v61, v5  }
0x7b6: {  	[tilespmem:s4+$0x1B290] =	vst v3;
	v3 =	vadd.f32 v63, v62  }
0x7b7: {  	s31 =	sadd.s32 $0x8, s5;
	[tilespmem:s4+$0x1B310] =	vst v5  }
0x7b8: {  	s5 =	smov.u32 s31;
	[tilespmem:s4+$0x1B390] =	vst v3  }
0x7b9: {  	s2 =	rddreg [dreg:$0x7]  }
0x7ba: {  	s4 =	rddreg [dreg:$0xc]  }
0x7bb: {  	s2 =	sor.u32 s2, s4  }
0x7bc: {  	s2 =	sshrl.u32 s2, $0x3  }
0x7bd: {  	s2 =	smul.u32 $0x180, s2  }
0x7be: {  	s17 =	rddreg [dreg:$0x5]  }
0x7bf: {  	s18 =	simm.s32 $0x0;
	s2 =	sadd.s32 s17, s2  }
0x7c0: {  	[hbm4b:s2+s18] =	stream.linear.scatter [tilespmem:s21], [sflag:$0x3], $0x3000, $0x38;
	[tilespmem:$0x1D800] =	vst v63  }
0x7c1: {  	s21 =	simm.s32 $0x3  }
0x7c2: {  	_ =	swait.ge [sflag:s21], $0x3000  }
0x7c3: {  	s31 =	rddreg [dreg:$0xb]  }
0x7c4: {  	s4 =	sadd.s32 $0x1, s31  }
0x7c5: {  	p0 =	sne.s32 s4, $0x20  }
.Ltmp7:
0x7c6: {  	_ = 	snop;
	(pc) =	sbr.rel @p0 .LBB2_2-.Ltmp7, $3  }
0x7c7: {  	_ =	sdelay $0x1  }
0x7c8: {  	[sflag:s21] =	ssyncset.done $0x0  }
0x7c9: {  	s17 =	simm.s32 $0x1C00;
	s18 =	simm.s32 $0x1D00;
	[sflag:s21] =	ssyncadd.s32 $0xFFFFD000  }
0x7ca: {  	s4 =	rddreg [dreg:$0xa]  }
0x7cb: {  	s2 =	rddreg [dreg:$0x9];
	s4 =	sadd.s32 $0x1, s4  }
0x7cc: {  	p0 =	sne.s32 s4, s2  }
.Ltmp8:
0x7cd: {  	_ = 	snop;
	(pc) =	sbr.rel @p0 .LBB2_1-.Ltmp8, $1  }
0x7ce: {  	_ =	sdelay $0x3  }
0x7cf: {  	_ =	sfence.sel $0x180000  }
0x7d0: {  	[bflag:$0x0] =	sbarrier.arrive $0xFFFF  }
0x7d1: {  	_ =	strace $0x90000047  }
0x7d2: {  	s0 =	stileid.u32;
	[bflag:$0x2] =	sbarrier.arrive $0xFFFF  }
0x7d3: {  	p0 =	sne.s32 s0, $0x0;
	s0 =	rddreg [dreg:$0x2]  }
0x7d4: {  	s0 =	sadd.s32 @!p0 $0x100000, s0  }
0x7d5: {  	[sflag:s0] =	ssyncadd.tile.s32 @!p0 $0x1;
	_ =	shalt  }
.Lfunc_end2:
_tile_overlayer_lowered:
.L_overlay_start_2:
0x7d6: {  	(tag) =	ssettag $0x2  }
0x7d7: {  	s0 =	rddreg [dreg:$0x0];
	s2 =	stileid.u32  }
0x7d8: {  	s1 =	rddreg [dreg:$0x1];
	p0 =	sne.s32 s2, $0x0  }
0x7d9: {  	s3 =	rddreg [dreg:$0x2];
	[bflag:$0x3] =	sbarrier.arrive $0xFFFF;
	s2 =	simm.s32 @!p0 $0x1C03  }
0x7da: {  	[timem:s3], [sflag:s2] =	dma.local @!p0 [hbm:s0], s1  }
0x7db: {  	s0 =	simm.s32 @!p0 $0x3  }
0x7dc: {  	_ =	swait.ge @!p0 [sflag:s0], s1  }
0x7dd: {  	s1 =	ssub.s32 @!p0 $0x0, s1;
	[sflag:s0] =	ssyncset.done @!p0 $0x0  }
0x7de: {  	[sflag:s0] =	ssyncadd.s32 @!p0 s1  }
0x7df: {  	[bflag:$0x3] =	sbarrier.arrive $0xFFFF  }
0x7e0: {  	_ =	shalt  }

</sc_bundles>
